<compile_context>
chip_gen: v7x
topology: tpu7x:2x2x1
jax: 0.10.2.dev20260603
libtpu: 0.0.44.dev20260713+nightly
codegen_flags: <defaults>
</compile_context>

<pallas_src>
import functools

import jax
import jax.numpy as jnp
from jax import lax
from jax.experimental import pallas as pl
from jax.experimental.pallas import tpu as pltpu
from jax.experimental.pallas import tpu_sc as plsc

F32 = jnp.float32

_HID = 128
_HEADS = 8
_HDIM = 16

_NC = 2
_NS = 16
_NW = _NC * _NS

_KB = 80


def _leaky(z):
    return jnp.where(z >= 0, z, 0.2 * z)


def _lnorm(v, g, b):
    mu = jnp.mean(v, axis=-1, keepdims=True)
    var = jnp.mean((v - mu) * (v - mu), axis=-1, keepdims=True)
    return (v - mu) * lax.rsqrt(var + 1e-5) * g + b


def _gelu(v):
    return 0.5 * v * (1.0 + lax.erf(v * 0.7071067811865476))



def _proj(x, WlT, bl2, WrT, br2):
    n = x.shape[0]
    bn = 1000
    grid = (n // bn,)

    def body(x_r, wl_r, bl_r, wr_r, br_r, xl_r, xr_r):
        xv = x_r[...]
        xl_r[...] = jnp.dot(xv, wl_r[...], preferred_element_type=F32) + bl_r[...]
        xr_r[...] = jnp.dot(xv, wr_r[...], preferred_element_type=F32) + br_r[...]

    full = pl.BlockSpec((_HID, _HID), lambda i: (0, 0))
    vec = pl.BlockSpec((1, _HID), lambda i: (0, 0))
    rows = pl.BlockSpec((bn, _HID), lambda i: (i, 0))
    return pl.pallas_call(
        body,
        grid=grid,
        in_specs=[rows, full, vec, full, vec],
        out_specs=[rows, rows],
        out_shape=[
            jax.ShapeDtypeStruct((n, _HID), F32),
            jax.ShapeDtypeStruct((n, _HID), F32),
        ],
    )(x, WlT, bl2, WrT, br2)



def _sc_gather(e, np_):
    epw = e // _NW
    kbg = 40
    npair = epw // (2 * kbg)
    rpt = np_ // _NS
    mesh = plsc.VectorSubcoreMesh(core_axis_name="c", subcore_axis_name="s")

    @functools.partial(
        pl.kernel,
        out_type=(
            jax.ShapeDtypeStruct((e, _HID), F32),
            jax.ShapeDtypeStruct((e, _HID), F32),
            jax.ShapeDtypeStruct((_NC, np_, _HID), F32),
        ),
        mesh=mesh,
        scratch_types=(
            pltpu.VMEM((kbg,), jnp.int32),
            pltpu.VMEM((kbg,), jnp.int32),
            pltpu.VMEM((kbg,), jnp.int32),
            pltpu.VMEM((kbg,), jnp.int32),
            pltpu.VMEM((kbg, _HID), F32),
            pltpu.VMEM((kbg, _HID), F32),
            pltpu.VMEM((kbg, _HID), F32),
            pltpu.VMEM((kbg, _HID), F32),
            pltpu.VMEM((kbg, _HID), F32),
            pltpu.VMEM((kbg, _HID), F32),
            pltpu.VMEM_SHARED((np_, _HID), F32),
        ) + (pltpu.SemaphoreType.DMA,) * 10,
    )
    def k(xl_hbm, xr_hbm, src_hbm, dst_hbm, ea_hbm,
          xlg_out, xrg_out, ls_out,
          sv0, sv1, dv0, dv1, xlr0, xlr1, xrr0, xrr1, ear0, ear1, ls_sh,
          si0, si1, se0, se1, sg0, sg1, sw0, sw1, sa0, sa1):
        c = lax.axis_index("c")
        s = lax.axis_index("s")
        wid = c * _NS + s
        bufs = [
            (sv0, dv0, xlr0, xrr0, ear0, si0, se0, sg0, sw0, sa0),
            (sv1, dv1, xlr1, xrr1, ear1, si1, se1, sg1, sw1, sa1),
        ]

        def zrow(i, _):
            for h in range(_HID // 16):
                ear0[i, pl.ds(h * 16, 16)] = jnp.zeros((16,), F32)
            return 0
        lax.fori_loop(0, kbg, zrow, 0)

        def zchunk(j, _):
            pltpu.sync_copy(ear0, ls_sh.at[pl.ds(s * rpt + j * kbg, kbg)])
            return 0
        lax.fori_loop(0, rpt // kbg, zchunk, 0)
        plsc.subcore_barrier()

        base0 = wid * epw

        def load(g, b):
            sv, dv, _xl, _xr, ear, si, se, _sg, _sw, _sa = bufs[b]
            base = base0 + g * kbg
            pltpu.async_copy(src_hbm.at[pl.ds(base, kbg)], sv, si)
            pltpu.async_copy(dst_hbm.at[pl.ds(base, kbg)], dv, si)
            pltpu.async_copy(ea_hbm.at[pl.ds(base, kbg)], ear, se)

        def wait_idx(b):
            sv, dv, _xl, _xr, _e, si, _se, _sg, _sw, _sa = bufs[b]
            pltpu.make_async_copy(src_hbm.at[pl.ds(0, kbg)], sv, si).wait()
            pltpu.make_async_copy(dst_hbm.at[pl.ds(0, kbg)], dv, si).wait()

        def gathers(b):
            sv, dv, xlr, xrr, _e, _si, _se, sg, _sw, _sa = bufs[b]
            pltpu.async_copy(xl_hbm.at[sv], xlr, sg)
            pltpu.async_copy(xr_hbm.at[dv], xrr, sg)

        def drain_gathers(b):
            sv, dv, xlr, xrr, _e, _si, _se, sg, _sw, _sa = bufs[b]
            pltpu.make_async_copy(xl_hbm.at[sv], xlr, sg).wait()
            pltpu.make_async_copy(xr_hbm.at[dv], xrr, sg).wait()

        def outs(g, b):
            _sv, _dv, xlr, xrr, _e, _si, _se, _sg, sw, _sa = bufs[b]
            base = base0 + g * kbg
            pltpu.async_copy(xlr, xlg_out.at[pl.ds(base, kbg)], sw)
            pltpu.async_copy(xrr, xrg_out.at[pl.ds(base, kbg)], sw)

        def drain_outs(b):
            _sv, _dv, xlr, xrr, _e, _si, _se, _sg, sw, _sa = bufs[b]
            pltpu.make_async_copy(xlr, xlg_out.at[pl.ds(base0, kbg)], sw).wait()
            pltpu.make_async_copy(xrr, xrg_out.at[pl.ds(base0, kbg)], sw).wait()

        def drain_ea(b):
            _sv, _dv, _xl, _xr, ear, _si, se, _sg, _sw, _sa = bufs[b]
            pltpu.make_async_copy(ea_hbm.at[pl.ds(0, kbg)], ear, se).wait()

        def scat(b):
            _sv, dv, _xl, _xr, ear, _si, _se, _sg, _sw, sa = bufs[b]
            pltpu.async_copy(ear, ls_sh.at[dv], sa, add=True)

        def drain_scat(b):
            _sv, dv, _xl, _xr, ear, _si, _se, _sg, _sw, sa = bufs[b]
            pltpu.make_async_copy(ear, ls_sh.at[dv], sa).wait()

        load(0, 0)
        load(1, 1)

        def pair(i, _):
            g0 = 2 * i

            @pl.when(i > 0)
            def _():
                drain_outs(0)
            wait_idx(0)
            gathers(0)

            @pl.when(i > 0)
            def _():
                drain_outs(1)
            wait_idx(1)
            gathers(1)

            drain_gathers(0)
            outs(g0, 0)
            drain_ea(0)
            scat(0)

            drain_gathers(1)
            outs(g0 + 1, 1)
            drain_ea(1)
            scat(1)

            @pl.when(i < npair - 1)
            def _():
                drain_scat(0)
                load(g0 + 2, 0)
                drain_scat(1)
                load(g0 + 3, 1)
            return 0
        lax.fori_loop(0, npair, pair, 0)
        drain_outs(0)
        drain_outs(1)
        drain_scat(0)
        drain_scat(1)
        plsc.subcore_barrier()

        def wchunk(j, _):
            off = s * rpt + j * _KB
            pltpu.sync_copy(ls_sh.at[pl.ds(off, _KB)],
                            ls_out.at[c, pl.ds(off, _KB)])
            return 0
        lax.fori_loop(0, rpt // _KB, wchunk, 0)

    return k



def _edge_math(ea, xlg, xrg, WeT, A, S):
    e = ea.shape[0]
    be = 4000
    grid = (e // be,)

    def body(ea_r, xlg_r, xrg_r, wet_r, a_r, s_r, ae_r, msg_r):
        xlv = xlg_r[...]
        ee = jnp.dot(ea_r[...], wet_r[...], preferred_element_type=F32)
        z = xlv + xrg_r[...] + ee
        l16 = jnp.dot(_leaky(z), a_r[...], preferred_element_type=F32)
        aev = jnp.exp(l16)
        ae_r[...] = aev
        msg_r[...] = xlv * jnp.dot(aev, s_r[...], preferred_element_type=F32)

    rows = pl.BlockSpec((be, _HID), lambda i: (i, 0))
    return pl.pallas_call(
        body,
        grid=grid,
        in_specs=[
            rows, rows, rows,
            pl.BlockSpec((_HID, _HID), lambda i: (0, 0)),
            pl.BlockSpec((_HID, 16), lambda i: (0, 0)),
            pl.BlockSpec((16, _HID), lambda i: (0, 0)),
        ],
        out_specs=[pl.BlockSpec((be, 16), lambda i: (i, 0)), rows],
        out_shape=[
            jax.ShapeDtypeStruct((e, 16), F32),
            jax.ShapeDtypeStruct((e, _HID), F32),
        ],
    )(ea, xlg, xrg, WeT, A, S)



def _sc_scatter(e, np_):
    epw = e // _NW
    kbs = 40
    nbuf = 5
    ngrp = epw // (nbuf * kbs)
    rpt = np_ // _NS
    mesh = plsc.VectorSubcoreMesh(core_axis_name="c", subcore_axis_name="s")

    @functools.partial(
        pl.kernel,
        out_type=jax.ShapeDtypeStruct((_NC, np_, _HID), F32),
        mesh=mesh,
        scratch_types=(pltpu.VMEM((kbs,), jnp.int32),) * nbuf
        + (pltpu.VMEM((kbs, _HID), F32),) * nbuf
        + (pltpu.VMEM_SHARED((np_, _HID), F32),)
        + (pltpu.SemaphoreType.DMA,) * (2 * nbuf),
    )
    def k(dst_hbm, msg_hbm, num_out, *scr):
        dvs = scr[0:nbuf]
        mrs = scr[nbuf:2 * nbuf]
        num_sh = scr[2 * nbuf]
        sls = scr[2 * nbuf + 1:3 * nbuf + 1]
        sas = scr[3 * nbuf + 1:4 * nbuf + 1]
        c = lax.axis_index("c")
        s = lax.axis_index("s")
        wid = c * _NS + s

        def zrow(i, _):
            for h in range(_HID // 16):
                mrs[0][i, pl.ds(h * 16, 16)] = jnp.zeros((16,), F32)
            return 0
        lax.fori_loop(0, kbs, zrow, 0)

        def zchunk(j, _):
            pltpu.sync_copy(mrs[0], num_sh.at[pl.ds(s * rpt + j * kbs, kbs)])
            return 0
        lax.fori_loop(0, rpt // kbs, zchunk, 0)
        plsc.subcore_barrier()

        base0 = wid * epw

        def load(g, b):
            base = base0 + g * kbs
            pltpu.async_copy(dst_hbm.at[pl.ds(base, kbs)], dvs[b], sls[b])
            pltpu.async_copy(msg_hbm.at[pl.ds(base, kbs)], mrs[b], sls[b])

        def wait_load(b):
            pltpu.make_async_copy(dst_hbm.at[pl.ds(0, kbs)], dvs[b], sls[b]).wait()
            pltpu.make_async_copy(msg_hbm.at[pl.ds(0, kbs)], mrs[b], sls[b]).wait()

        def scat(b):
            pltpu.async_copy(mrs[b], num_sh.at[dvs[b]], sas[b], add=True)

        def drain_scat(b):
            pltpu.make_async_copy(mrs[b], num_sh.at[dvs[b]], sas[b]).wait()

        for b in range(nbuf):
            load(b, b)

        def grp(i, _):
            g0 = nbuf * i
            for b in range(nbuf):
                wait_load(b)
                scat(b)

            @pl.when(i < ngrp - 1)
            def _():
                for b in range(nbuf):
                    drain_scat(b)
                    load(g0 + nbuf + b, b)
            return 0
        lax.fori_loop(0, ngrp, grp, 0)
        for b in range(nbuf):
            drain_scat(b)
        plsc.subcore_barrier()

        def wchunk(j, _):
            off = s * rpt + j * _KB
            pltpu.sync_copy(num_sh.at[pl.ds(off, _KB)],
                            num_out.at[c, pl.ds(off, _KB)])
            return 0
        lax.fori_loop(0, rpt // _KB, wchunk, 0)

    return k


def _sc_scatter_den(e, np_):
    epw = e // _NW
    kbs = 40
    nbuf = 5
    ngrp = epw // (nbuf * kbs)
    rpt = np_ // _NS
    mesh = plsc.VectorSubcoreMesh(core_axis_name="c", subcore_axis_name="s")

    @functools.partial(
        pl.kernel,
        out_type=jax.ShapeDtypeStruct((_NC, np_, _HID), F32),
        mesh=mesh,
        scratch_types=(pltpu.VMEM((kbs,), jnp.int32),) * nbuf
        + (pltpu.VMEM((kbs * 16,), F32),) * nbuf
        + (pltpu.VMEM((kbs, _HID), F32),) * nbuf
        + (pltpu.VMEM_SHARED((np_, _HID), F32),)
        + (pltpu.SemaphoreType.DMA,) * (2 * nbuf),
    )
    def k(dst_hbm, aef_hbm, den_out, *scr):
        dvs = scr[0:nbuf]
        abs_ = scr[nbuf:2 * nbuf]
        ars = scr[2 * nbuf:3 * nbuf]
        den_sh = scr[3 * nbuf]
        sls = scr[3 * nbuf + 1:4 * nbuf + 1]
        sas = scr[4 * nbuf + 1:5 * nbuf + 1]
        c = lax.axis_index("c")
        s = lax.axis_index("s")
        wid = c * _NS + s

        def zrow(i, _):
            for b in range(nbuf):
                for h in range(_HID // 16):
                    ars[b][i, pl.ds(h * 16, 16)] = jnp.zeros((16,), F32)
            return 0
        lax.fori_loop(0, kbs, zrow, 0)

        def zchunk(j, _):
            pltpu.sync_copy(ars[0], den_sh.at[pl.ds(s * rpt + j * kbs, kbs)])
            return 0
        lax.fori_loop(0, rpt // kbs, zchunk, 0)
        plsc.subcore_barrier()

        base0 = wid * epw

        def load(g, b):
            base = base0 + g * kbs
            pltpu.async_copy(dst_hbm.at[pl.ds(base, kbs)], dvs[b], sls[b])
            pltpu.async_copy(aef_hbm.at[pl.ds(base * 16, kbs * 16)], abs_[b],
                             sls[b])

        def wait_load(b):
            pltpu.make_async_copy(dst_hbm.at[pl.ds(0, kbs)], dvs[b], sls[b]).wait()
            pltpu.make_async_copy(aef_hbm.at[pl.ds(0, kbs * 16)], abs_[b],
                                  sls[b]).wait()

        def scat(b):
            pltpu.async_copy(ars[b], den_sh.at[dvs[b]], sas[b], add=True)

        def drain_scat(b):
            pltpu.make_async_copy(ars[b], den_sh.at[dvs[b]], sas[b]).wait()

        for b in range(nbuf):
            load(b, b)

        def grp(i, _):
            g0 = nbuf * i
            for b in range(nbuf):
                wait_load(b)
                for r in range(kbs):
                    ars[b][r, pl.ds(0, 16)] = abs_[b][pl.ds(r * 16, 16)]
                scat(b)

            @pl.when(i < ngrp - 1)
            def _():
                for b in range(nbuf):
                    drain_scat(b)
                    load(g0 + nbuf + b, b)
            return 0
        lax.fori_loop(0, ngrp, grp, 0)
        for b in range(nbuf):
            drain_scat(b)
        plsc.subcore_barrier()

        def wchunk(j, _):
            off = s * rpt + j * _KB
            pltpu.sync_copy(den_sh.at[pl.ds(off, _KB)],
                            den_out.at[c, pl.ds(off, _KB)])
            return 0
        lax.fori_loop(0, rpt // _KB, wchunk, 0)

    return k



def _finish(x, xl, xr, ls0, ls1, num0, num1, den0, den1,
            WeT, A, S, W1T, b1r, W2T, b2r, bor, g1r, be1r, g2r, be2r):
    n = x.shape[0]
    bn = 1000
    grid = (n // bn,)

    def body(x_r, xl_r, xr_r, ls0_r, ls1_r, num0_r, num1_r, den0_r, den1_r,
             wet_r, a_r, s_r, w1_r, b1_r, w2_r, b2_r, bo_r,
             g1_r, be1_r, g2_r, be2_r, out_r):
        xlv = xl_r[...]
        den16 = den0_r[...] + den1_r[...]
        deg = jnp.maximum(den16[:, 8:9], 1.0)
        la = (ls0_r[...] + ls1_r[...]) / deg
        lee = jnp.dot(la, wet_r[...], preferred_element_type=F32)
        z = xlv + xr_r[...] + lee
        a16 = jnp.exp(jnp.dot(_leaky(z), a_r[...], preferred_element_type=F32))
        den_e = jnp.dot(den16 + a16, s_r[...], preferred_element_type=F32)
        num_e = (num0_r[...] + num1_r[...]
                 + xlv * jnp.dot(a16, s_r[...], preferred_element_type=F32))
        attn = num_e / den_e + bo_r[...]
        h1 = _lnorm(x_r[...] + attn, g1_r[...], be1_r[...])
        p = jnp.dot(h1, w1_r[...], preferred_element_type=F32) + b1_r[...]
        f = jnp.dot(_gelu(p), w2_r[...], preferred_element_type=F32) + b2_r[...]
        out_r[...] = _lnorm(h1 + f, g2_r[...], be2_r[...])

    rows = pl.BlockSpec((bn, _HID), lambda i: (i, 0))
    rows16 = pl.BlockSpec((bn, 16), lambda i: (i, 0))
    full = pl.BlockSpec((_HID, _HID), lambda i: (0, 0))
    vec = pl.BlockSpec((1, _HID), lambda i: (0, 0))
    return pl.pallas_call(
        body,
        grid=grid,
        in_specs=[
            rows, rows, rows, rows, rows, rows, rows, rows16, rows16,
            full,
            pl.BlockSpec((_HID, 16), lambda i: (0, 0)),
            pl.BlockSpec((16, _HID), lambda i: (0, 0)),
            pl.BlockSpec((_HID, 4 * _HID), lambda i: (0, 0)),
            pl.BlockSpec((1, 4 * _HID), lambda i: (0, 0)),
            pl.BlockSpec((4 * _HID, _HID), lambda i: (0, 0)),
            vec, vec, vec, vec, vec, vec,
        ],
        out_specs=rows,
        out_shape=jax.ShapeDtypeStruct((n, _HID), F32),
    )(x, xl, xr, ls0, ls1, num0, num1, den0, den1,
      WeT, A, S, W1T, b1r, W2T, b2r, bor, g1r, be1r, g2r, be2r)



def kernel(x, edge_index, edge_attr, batch, Wl, bl, Wr, br, We, att,
           bias_out, W1, b1, W2, b2, g1, be1, g2, be2):
    n = x.shape[0]
    e = edge_index.shape[1]
    src = edge_index[0]
    dst = edge_index[1]

    np_ = -(-n // (_NS * _KB)) * (_NS * _KB)

    a8 = att.reshape(_HEADS, _HDIM)
    eye8 = jnp.eye(_HEADS, dtype=F32)
    amat = (a8[:, :, None] * eye8[:, None, :]).reshape(_HEADS * _HDIM, _HEADS)
    amat = jnp.pad(amat, ((0, 0), (0, 16 - _HEADS)))
    smat = jnp.pad(jnp.repeat(jnp.eye(_HEADS, dtype=F32), _HDIM, axis=1),
                   ((0, 16 - _HEADS), (0, 0)))

    xl, xr = _proj(x, Wl.T, bl.reshape(1, -1), Wr.T, br.reshape(1, -1))
    xlg, xrg, lsp = _sc_gather(e, np_)(xl, xr, src, dst, edge_attr)
    ae, msg = _edge_math(edge_attr, xlg, xrg, We.T, amat, smat)
    nump = _sc_scatter(e, np_)(dst, msg)
    denp = _sc_scatter_den(e, np_)(dst, ae.reshape(e * 16))
    return _finish(
        x, xl, xr, lsp[0, :n], lsp[1, :n], nump[0, :n], nump[1, :n],
        denp[0, :n, :16], denp[1, :n, :16],
        We.T, amat, smat, W1.T, b1.reshape(1, -1), W2.T, b2.reshape(1, -1),
        bias_out.reshape(1, -1), g1.reshape(1, -1), be1.reshape(1, -1),
        g2.reshape(1, -1), be2.reshape(1, -1))

# --- scband reference (transcript-rebuilt; emitter-appended) ---
"""Pipeline reference for scband-graph-transformer-block-5677946765952 (READ-ONLY COPY).

The authoritative reference and input builder live on the scoring server;
editing this copy changes nothing except your own understanding.
"""

import jax, jax.numpy as jnp
import numpy as np

HID = 128
HEADS = 8
HDIM = 16
N = 10000
E = 320000

def _ln(x, g, b):
    mu = jnp.mean(x, axis=-1, keepdims=True)
    var = jnp.var(x, axis=-1, keepdims=True)
    return (x - mu) / jnp.sqrt(var + 1e-5) * g + b

def _fwd(x, edge_attr, Wl, bl, Wr, br, We, att, bias_out, W1, b1, W2, b2, g1, be1, g2, be2, edge_index):
    n = x.shape[0]
    src = edge_index[0]
    dst = edge_index[1]
    # PyG GATv2Conv default: add self loops, self-loop edge_attr = fill_value 'mean'
    deg = jax.ops.segment_sum(jnp.ones(src.shape[0], dtype=x.dtype), dst, num_segments=n)
    loop_attr = jax.ops.segment_sum(edge_attr, dst, num_segments=n) / jnp.maximum(deg, 1.0)[:, None]
    loops = jnp.arange(n, dtype=src.dtype)
    src_f = jnp.concatenate([src, loops])
    dst_f = jnp.concatenate([dst, loops])
    ea = jnp.concatenate([edge_attr, loop_attr], axis=0)
    xl = (x @ Wl.T + bl).reshape(n, HEADS, HDIM)
    xr = (x @ Wr.T + br).reshape(n, HEADS, HDIM)
    ee = (ea @ We.T).reshape(-1, HEADS, HDIM)
    m = xl[src_f] + xr[dst_f] + ee
    m = jax.nn.leaky_relu(m, 0.2)
    alpha = jnp.sum(m * att, axis=-1)
    amax = jax.ops.segment_max(alpha, dst_f, num_segments=n)
    alpha = jnp.exp(alpha - amax[dst_f])
    denom = jax.ops.segment_sum(alpha, dst_f, num_segments=n)
    alpha = alpha / (denom[dst_f] + 1e-16)
    msg = xl[src_f] * alpha[:, :, None]
    attn_out = jax.ops.segment_sum(msg, dst_f, num_segments=n).reshape(n, HEADS * HDIM) + bias_out
    h = _ln(x + attn_out, g1, be1)
    f = jax.nn.gelu(h @ W1.T + b1, approximate=False) @ W2.T + b2
    return _ln(h + f, g2, be2)

def setup_inputs(seed: int = 0):
    key = jax.random.key(seed)
    ks = jax.random.split(key, 16)
    x = jax.random.normal(ks[0], (N, HID), dtype=jnp.float32)
    edge_index = jax.random.randint(ks[1], (2, E), 0, N, dtype=jnp.int32)
    edge_attr = jax.random.normal(ks[2], (E, HID), dtype=jnp.float32)
    batch = jnp.sort(jax.random.randint(ks[3], (N,), 0, 16, dtype=jnp.int32))
    s = 1.0 / np.sqrt(HID)
    Wl = jax.random.normal(ks[4], (HID, HID), dtype=jnp.float32) * s
    bl = jnp.zeros((HID,), dtype=jnp.float32)
    Wr = jax.random.normal(ks[5], (HID, HID), dtype=jnp.float32) * s
    br = jnp.zeros((HID,), dtype=jnp.float32)
    We = jax.random.normal(ks[6], (HID, HID), dtype=jnp.float32) * s
    att = jax.random.normal(ks[7], (1, HEADS, HDIM), dtype=jnp.float32) * s
    bias_out = jnp.zeros((HID,), dtype=jnp.float32)
    W1 = jax.random.normal(ks[8], (4 * HID, HID), dtype=jnp.float32) * s
    b1 = jnp.zeros((4 * HID,), dtype=jnp.float32)
    W2 = jax.random.normal(ks[9], (HID, 4 * HID), dtype=jnp.float32) * (1.0 / np.sqrt(4 * HID))
    b2 = jnp.zeros((HID,), dtype=jnp.float32)
    g1 = jnp.ones((HID,), dtype=jnp.float32)
    be1 = jnp.zeros((HID,), dtype=jnp.float32)
    g2 = jnp.ones((HID,), dtype=jnp.float32)
    be2 = jnp.zeros((HID,), dtype=jnp.float32)
    return {"x": x, "edge_index": edge_index, "edge_attr": edge_attr, "batch": batch, "Wl": Wl, "bl": bl, "Wr": Wr, "br": br, "We": We, "att": att, "bias_out": bias_out, "W1": W1, "b1": b1, "W2": W2, "b2": b2, "g1": g1, "be1": be1, "g2": g2, "be2": be2}

def reference(x, edge_index, edge_attr, batch, Wl, bl, Wr, br, We, att, bias_out, W1, b1, W2, b2, g1, be1, g2, be2):
    # batch vector is accepted but unused by the torch module's forward
    return _fwd(x, edge_attr, Wl, bl, Wr, br, We, att, bias_out, W1, b1, W2, b2, g1, be1, g2, be2, edge_index)

if __name__ == "__main__":
    import jax
    _d = setup_inputs()
    print(jax.jit(kernel)(*tuple(_d.values())))

</pallas_src>

<mosaic_0001>
#map = affine_map<(d0, d1) -> (0)>
#map1 = affine_map<(d0, d1) -> (0, 0, 0)>
module attributes {stable_mosaic.version = 14 : i64} {
  func.func @k(%arg0: i32, %arg1: i32, %arg2: memref<320000xi32, #tpu.memory_space<hbm>>, %arg3: memref<5120000xf32, #tpu.memory_space<hbm>>, %arg4: memref<2x10240x128xf32, #tpu.memory_space<hbm>>, %arg5: memref<40xi32, #tpu.memory_space<vmem>>, %arg6: memref<40xi32, #tpu.memory_space<vmem>>, %arg7: memref<40xi32, #tpu.memory_space<vmem>>, %arg8: memref<40xi32, #tpu.memory_space<vmem>>, %arg9: memref<40xi32, #tpu.memory_space<vmem>>, %arg10: memref<640xf32, #tpu.memory_space<vmem>>, %arg11: memref<640xf32, #tpu.memory_space<vmem>>, %arg12: memref<640xf32, #tpu.memory_space<vmem>>, %arg13: memref<640xf32, #tpu.memory_space<vmem>>, %arg14: memref<640xf32, #tpu.memory_space<vmem>>, %arg15: memref<40x128xf32, #tpu.memory_space<vmem>>, %arg16: memref<40x128xf32, #tpu.memory_space<vmem>>, %arg17: memref<40x128xf32, #tpu.memory_space<vmem>>, %arg18: memref<40x128xf32, #tpu.memory_space<vmem>>, %arg19: memref<40x128xf32, #tpu.memory_space<vmem>>, %arg20: memref<10240x128xf32, #tpu.memory_space<vmem_shared>>, %arg21: memref<!tpu.dma_semaphore, #tpu.memory_space<semaphore_mem>>, %arg22: memref<!tpu.dma_semaphore, #tpu.memory_space<semaphore_mem>>, %arg23: memref<!tpu.dma_semaphore, #tpu.memory_space<semaphore_mem>>, %arg24: memref<!tpu.dma_semaphore, #tpu.memory_space<semaphore_mem>>, %arg25: memref<!tpu.dma_semaphore, #tpu.memory_space<semaphore_mem>>, %arg26: memref<!tpu.dma_semaphore, #tpu.memory_space<semaphore_mem>>, %arg27: memref<!tpu.dma_semaphore, #tpu.memory_space<semaphore_mem>>, %arg28: memref<!tpu.dma_semaphore, #tpu.memory_space<semaphore_mem>>, %arg29: memref<!tpu.dma_semaphore, #tpu.memory_space<semaphore_mem>>, %arg30: memref<!tpu.dma_semaphore, #tpu.memory_space<semaphore_mem>>) attributes {dimension_semantics = [#tpu.dimension_semantics<core_parallel>, #tpu.dimension_semantics<subcore_parallel>], iteration_bounds = array<i64: 2, 16>, scalar_prefetch = 0 : i64, scratch_operands = 26 : i64, tpu.core_type = #tpu.core_type<sc_vector_subcore>, window_params = [{transform_indices = #map}, {transform_indices = #map}, {transform_indices = #map1}]} {
    %mul3A = arith.constant 16 : i32
    %mul3A_0 = arith.muli %arg0, %mul3A : i32
    %add3A = arith.addi %mul3A_0, %arg1 : i32
    %scan3A = arith.constant 0 : i32
    %scan3A_1 = arith.constant 0 : i32
    %scan3A_2 = arith.constant 40 : i32
    %scan3A_3 = arith.addi %scan3A_1, %scan3A_2 : i32
    %scan3A_4 = arith.constant 1 : i32
    %scan3A_5 = scf.for %scan3A_84 = %scan3A_1 to %scan3A_3 step %scan3A_4 iter_args(%scan3A_85 = %scan3A) -> (i32)  : i32 {
      %broadcast_in_dim3A = arith.constant 0.000000e+00 : f32
      %broadcast_in_dim3A_86 = vector.broadcast %broadcast_in_dim3A : f32 to vector<16xf32>
      %swap3A = arith.index_cast %scan3A_84 : i32 to index
      %swap3A_87 = arith.constant 0 : index
      %swap3A_88 = tpu.vector_load %arg15[%swap3A, %swap3A_87] {strides = array<i32>} : memref<40x128xf32, #tpu.memory_space<vmem>>, vector<1x16xf32>,
      %swap3A_89 = vector.shape_cast %swap3A_88 : vector<1x16xf32> to vector<16xf32>
      %swap3A_90 = vector.shape_cast %broadcast_in_dim3A_86 : vector<16xf32> to vector<1x16xf32>
      tpu.vector_store %arg15[%swap3A, %swap3A_87], %swap3A_90 {strides = array<i32>} : memref<40x128xf32, #tpu.memory_space<vmem>>, vector<1x16xf32>,
      %broadcast_in_dim3A_91 = arith.constant 0.000000e+00 : f32
      %broadcast_in_dim3A_92 = vector.broadcast %broadcast_in_dim3A_91 : f32 to vector<16xf32>
      %swap3A_93 = arith.index_cast %scan3A_84 : i32 to index
      %swap3A_94 = arith.constant 16 : index
      %swap3A_95 = tpu.vector_load %arg15[%swap3A_93, %swap3A_94] {strides = array<i32>} : memref<40x128xf32, #tpu.memory_space<vmem>>, vector<1x16xf32>,
      %swap3A_96 = vector.shape_cast %swap3A_95 : vector<1x16xf32> to vector<16xf32>
      %swap3A_97 = vector.shape_cast %broadcast_in_dim3A_92 : vector<16xf32> to vector<1x16xf32>
      tpu.vector_store %arg15[%swap3A_93, %swap3A_94], %swap3A_97 {strides = array<i32>} : memref<40x128xf32, #tpu.memory_space<vmem>>, vector<1x16xf32>,
      %broadcast_in_dim3A_98 = arith.constant 0.000000e+00 : f32
      %broadcast_in_dim3A_99 = vector.broadcast %broadcast_in_dim3A_98 : f32 to vector<16xf32>
      %swap3A_100 = arith.index_cast %scan3A_84 : i32 to index
      %swap3A_101 = arith.constant 32 : index
      %swap3A_102 = tpu.vector_load %arg15[%swap3A_100, %swap3A_101] {strides = array<i32>} : memref<40x128xf32, #tpu.memory_space<vmem>>, vector<1x16xf32>,
      %swap3A_103 = vector.shape_cast %swap3A_102 : vector<1x16xf32> to vector<16xf32>
      %swap3A_104 = vector.shape_cast %broadcast_in_dim3A_99 : vector<16xf32> to vector<1x16xf32>
      tpu.vector_store %arg15[%swap3A_100, %swap3A_101], %swap3A_104 {strides = array<i32>} : memref<40x128xf32, #tpu.memory_space<vmem>>, vector<1x16xf32>,
      %broadcast_in_dim3A_105 = arith.constant 0.000000e+00 : f32
      %broadcast_in_dim3A_106 = vector.broadcast %broadcast_in_dim3A_105 : f32 to vector<16xf32>
      %swap3A_107 = arith.index_cast %scan3A_84 : i32 to index
      %swap3A_108 = arith.constant 48 : index
      %swap3A_109 = tpu.vector_load %arg15[%swap3A_107, %swap3A_108] {strides = array<i32>} : memref<40x128xf32, #tpu.memory_space<vmem>>, vector<1x16xf32>,
      %swap3A_110 = vector.shape_cast %swap3A_109 : vector<1x16xf32> to vector<16xf32>
      %swap3A_111 = vector.shape_cast %broadcast_in_dim3A_106 : vector<16xf32> to vector<1x16xf32>
      tpu.vector_store %arg15[%swap3A_107, %swap3A_108], %swap3A_111 {strides = array<i32>} : memref<40x128xf32, #tpu.memory_space<vmem>>, vector<1x16xf32>,
      %broadcast_in_dim3A_112 = arith.constant 0.000000e+00 : f32
      %broadcast_in_dim3A_113 = vector.broadcast %broadcast_in_dim3A_112 : f32 to vector<16xf32>
      %swap3A_114 = arith.index_cast %scan3A_84 : i32 to index
      %swap3A_115 = arith.constant 64 : index
      %swap3A_116 = tpu.vector_load %arg15[%swap3A_114, %swap3A_115] {strides = array<i32>} : memref<40x128xf32, #tpu.memory_space<vmem>>, vector<1x16xf32>,
      %swap3A_117 = vector.shape_cast %swap3A_116 : vector<1x16xf32> to vector<16xf32>
      %swap3A_118 = vector.shape_cast %broadcast_in_dim3A_113 : vector<16xf32> to vector<1x16xf32>
      tpu.vector_store %arg15[%swap3A_114, %swap3A_115], %swap3A_118 {strides = array<i32>} : memref<40x128xf32, #tpu.memory_space<vmem>>, vector<1x16xf32>,
      %broadcast_in_dim3A_119 = arith.constant 0.000000e+00 : f32
      %broadcast_in_dim3A_120 = vector.broadcast %broadcast_in_dim3A_119 : f32 to vector<16xf32>
      %swap3A_121 = arith.index_cast %scan3A_84 : i32 to index
      %swap3A_122 = arith.constant 80 : index
      %swap3A_123 = tpu.vector_load %arg15[%swap3A_121, %swap3A_122] {strides = array<i32>} : memref<40x128xf32, #tpu.memory_space<vmem>>, vector<1x16xf32>,
      %swap3A_124 = vector.shape_cast %swap3A_123 : vector<1x16xf32> to vector<16xf32>
      %swap3A_125 = vector.shape_cast %broadcast_in_dim3A_120 : vector<16xf32> to vector<1x16xf32>
      tpu.vector_store %arg15[%swap3A_121, %swap3A_122], %swap3A_125 {strides = array<i32>} : memref<40x128xf32, #tpu.memory_space<vmem>>, vector<1x16xf32>,
      %broadcast_in_dim3A_126 = arith.constant 0.000000e+00 : f32
      %broadcast_in_dim3A_127 = vector.broadcast %broadcast_in_dim3A_126 : f32 to vector<16xf32>
      %swap3A_128 = arith.index_cast %scan3A_84 : i32 to index
      %swap3A_129 = arith.constant 96 : index
      %swap3A_130 = tpu.vector_load %arg15[%swap3A_128, %swap3A_129] {strides = array<i32>} : memref<40x128xf32, #tpu.memory_space<vmem>>, vector<1x16xf32>,
      %swap3A_131 = vector.shape_cast %swap3A_130 : vector<1x16xf32> to vector<16xf32>
      %swap3A_132 = vector.shape_cast %broadcast_in_dim3A_127 : vector<16xf32> to vector<1x16xf32>
      tpu.vector_store %arg15[%swap3A_128, %swap3A_129], %swap3A_132 {strides = array<i32>} : memref<40x128xf32, #tpu.memory_space<vmem>>, vector<1x16xf32>,
      %broadcast_in_dim3A_133 = arith.constant 0.000000e+00 : f32
      %broadcast_in_dim3A_134 = vector.broadcast %broadcast_in_dim3A_133 : f32 to vector<16xf32>
      %swap3A_135 = arith.index_cast %scan3A_84 : i32 to index
      %swap3A_136 = arith.constant 112 : index
      %swap3A_137 = tpu.vector_load %arg15[%swap3A_135, %swap3A_136] {strides = array<i32>} : memref<40x128xf32, #tpu.memory_space<vmem>>, vector<1x16xf32>,
      %swap3A_138 = vector.shape_cast %swap3A_137 : vector<1x16xf32> to vector<16xf32>
      %swap3A_139 = vector.shape_cast %broadcast_in_dim3A_134 : vector<16xf32> to vector<1x16xf32>
      tpu.vector_store %arg15[%swap3A_135, %swap3A_136], %swap3A_139 {strides = array<i32>} : memref<40x128xf32, #tpu.memory_space<vmem>>, vector<1x16xf32>,
      %broadcast_in_dim3A_140 = arith.constant 0.000000e+00 : f32
      %broadcast_in_dim3A_141 = vector.broadcast %broadcast_in_dim3A_140 : f32 to vector<16xf32>
      %swap3A_142 = arith.index_cast %scan3A_84 : i32 to index
      %swap3A_143 = arith.constant 0 : index
      %swap3A_144 = tpu.vector_load %arg16[%swap3A_142, %swap3A_143] {strides = array<i32>} : memref<40x128xf32, #tpu.memory_space<vmem>>, vector<1x16xf32>,
      %swap3A_145 = vector.shape_cast %swap3A_144 : vector<1x16xf32> to vector<16xf32>
      %swap3A_146 = vector.shape_cast %broadcast_in_dim3A_141 : vector<16xf32> to vector<1x16xf32>
      tpu.vector_store %arg16[%swap3A_142, %swap3A_143], %swap3A_146 {strides = array<i32>} : memref<40x128xf32, #tpu.memory_space<vmem>>, vector<1x16xf32>,
      %broadcast_in_dim3A_147 = arith.constant 0.000000e+00 : f32
      %broadcast_in_dim3A_148 = vector.broadcast %broadcast_in_dim3A_147 : f32 to vector<16xf32>
      %swap3A_149 = arith.index_cast %scan3A_84 : i32 to index
      %swap3A_150 = arith.constant 16 : index
      %swap3A_151 = tpu.vector_load %arg16[%swap3A_149, %swap3A_150] {strides = array<i32>} : memref<40x128xf32, #tpu.memory_space<vmem>>, vector<1x16xf32>,
      %swap3A_152 = vector.shape_cast %swap3A_151 : vector<1x16xf32> to vector<16xf32>
      %swap3A_153 = vector.shape_cast %broadcast_in_dim3A_148 : vector<16xf32> to vector<1x16xf32>
      tpu.vector_store %arg16[%swap3A_149, %swap3A_150], %swap3A_153 {strides = array<i32>} : memref<40x128xf32, #tpu.memory_space<vmem>>, vector<1x16xf32>,
      %broadcast_in_dim3A_154 = arith.constant 0.000000e+00 : f32
      %broadcast_in_dim3A_155 = vector.broadcast %broadcast_in_dim3A_154 : f32 to vector<16xf32>
      %swap3A_156 = arith.index_cast %scan3A_84 : i32 to index
      %swap3A_157 = arith.constant 32 : index
      %swap3A_158 = tpu.vector_load %arg16[%swap3A_156, %swap3A_157] {strides = array<i32>} : memref<40x128xf32, #tpu.memory_space<vmem>>, vector<1x16xf32>,
      %swap3A_159 = vector.shape_cast %swap3A_158 : vector<1x16xf32> to vector<16xf32>
      %swap3A_160 = vector.shape_cast %broadcast_in_dim3A_155 : vector<16xf32> to vector<1x16xf32>
      tpu.vector_store %arg16[%swap3A_156, %swap3A_157], %swap3A_160 {strides = array<i32>} : memref<40x128xf32, #tpu.memory_space<vmem>>, vector<1x16xf32>,
      %broadcast_in_dim3A_161 = arith.constant 0.000000e+00 : f32
      %broadcast_in_dim3A_162 = vector.broadcast %broadcast_in_dim3A_161 : f32 to vector<16xf32>
      %swap3A_163 = arith.index_cast %scan3A_84 : i32 to index
      %swap3A_164 = arith.constant 48 : index
      %swap3A_165 = tpu.vector_load %arg16[%swap3A_163, %swap3A_164] {strides = array<i32>} : memref<40x128xf32, #tpu.memory_space<vmem>>, vector<1x16xf32>,
      %swap3A_166 = vector.shape_cast %swap3A_165 : vector<1x16xf32> to vector<16xf32>
      %swap3A_167 = vector.shape_cast %broadcast_in_dim3A_162 : vector<16xf32> to vector<1x16xf32>
      tpu.vector_store %arg16[%swap3A_163, %swap3A_164], %swap3A_167 {strides = array<i32>} : memref<40x128xf32, #tpu.memory_space<vmem>>, vector<1x16xf32>,
      %broadcast_in_dim3A_168 = arith.constant 0.000000e+00 : f32
      %broadcast_in_dim3A_169 = vector.broadcast %broadcast_in_dim3A_168 : f32 to vector<16xf32>
      %swap3A_170 = arith.index_cast %scan3A_84 : i32 to index
      %swap3A_171 = arith.constant 64 : index
      %swap3A_172 = tpu.vector_load %arg16[%swap3A_170, %swap3A_171] {strides = array<i32>} : memref<40x128xf32, #tpu.memory_space<vmem>>, vector<1x16xf32>,
      %swap3A_173 = vector.shape_cast %swap3A_172 : vector<1x16xf32> to vector<16xf32>
      %swap3A_174 = vector.shape_cast %broadcast_in_dim3A_169 : vector<16xf32> to vector<1x16xf32>
      tpu.vector_store %arg16[%swap3A_170, %swap3A_171], %swap3A_174 {strides = array<i32>} : memref<40x128xf32, #tpu.memory_space<vmem>>, vector<1x16xf32>,
      %broadcast_in_dim3A_175 = arith.constant 0.000000e+00 : f32
      %broadcast_in_dim3A_176 = vector.broadcast %broadcast_in_dim3A_175 : f32 to vector<16xf32>
      %swap3A_177 = arith.index_cast %scan3A_84 : i32 to index
      %swap3A_178 = arith.constant 80 : index
      %swap3A_179 = tpu.vector_load %arg16[%swap3A_177, %swap3A_178] {strides = array<i32>} : memref<40x128xf32, #tpu.memory_space<vmem>>, vector<1x16xf32>,
      %swap3A_180 = vector.shape_cast %swap3A_179 : vector<1x16xf32> to vector<16xf32>
      %swap3A_181 = vector.shape_cast %broadcast_in_dim3A_176 : vector<16xf32> to vector<1x16xf32>
      tpu.vector_store %arg16[%swap3A_177, %swap3A_178], %swap3A_181 {strides = array<i32>} : memref<40x128xf32, #tpu.memory_space<vmem>>, vector<1x16xf32>,
      %broadcast_in_dim3A_182 = arith.constant 0.000000e+00 : f32
      %broadcast_in_dim3A_183 = vector.broadcast %broadcast_in_dim3A_182 : f32 to vector<16xf32>
      %swap3A_184 = arith.index_cast %scan3A_84 : i32 to index
      %swap3A_185 = arith.constant 96 : index
      %swap3A_186 = tpu.vector_load %arg16[%swap3A_184, %swap3A_185] {strides = array<i32>} : memref<40x128xf32, #tpu.memory_space<vmem>>, vector<1x16xf32>,
      %swap3A_187 = vector.shape_cast %swap3A_186 : vector<1x16xf32> to vector<16xf32>
      %swap3A_188 = vector.shape_cast %broadcast_in_dim3A_183 : vector<16xf32> to vector<1x16xf32>
      tpu.vector_store %arg16[%swap3A_184, %swap3A_185], %swap3A_188 {strides = array<i32>} : memref<40x128xf32, #tpu.memory_space<vmem>>, vector<1x16xf32>,
      %broadcast_in_dim3A_189 = arith.constant 0.000000e+00 : f32
      %broadcast_in_dim3A_190 = vector.broadcast %broadcast_in_dim3A_189 : f32 to vector<16xf32>
      %swap3A_191 = arith.index_cast %scan3A_84 : i32 to index
      %swap3A_192 = arith.constant 112 : index
      %swap3A_193 = tpu.vector_load %arg16[%swap3A_191, %swap3A_192] {strides = array<i32>} : memref<40x128xf32, #tpu.memory_space<vmem>>, vector<1x16xf32>,
      %swap3A_194 = vector.shape_cast %swap3A_193 : vector<1x16xf32> to vector<16xf32>
      %swap3A_195 = vector.shape_cast %broadcast_in_dim3A_190 : vector<16xf32> to vector<1x16xf32>
      tpu.vector_store %arg16[%swap3A_191, %swap3A_192], %swap3A_195 {strides = array<i32>} : memref<40x128xf32, #tpu.memory_space<vmem>>, vector<1x16xf32>,
      %broadcast_in_dim3A_196 = arith.constant 0.000000e+00 : f32
      %broadcast_in_dim3A_197 = vector.broadcast %broadcast_in_dim3A_196 : f32 to vector<16xf32>
      %swap3A_198 = arith.index_cast %scan3A_84 : i32 to index
      %swap3A_199 = arith.constant 0 : index
      %swap3A_200 = tpu.vector_load %arg17[%swap3A_198, %swap3A_199] {strides = array<i32>} : memref<40x128xf32, #tpu.memory_space<vmem>>, vector<1x16xf32>,
      %swap3A_201 = vector.shape_cast %swap3A_200 : vector<1x16xf32> to vector<16xf32>
      %swap3A_202 = vector.shape_cast %broadcast_in_dim3A_197 : vector<16xf32> to vector<1x16xf32>
      tpu.vector_store %arg17[%swap3A_198, %swap3A_199], %swap3A_202 {strides = array<i32>} : memref<40x128xf32, #tpu.memory_space<vmem>>, vector<1x16xf32>,
      %broadcast_in_dim3A_203 = arith.constant 0.000000e+00 : f32
      %broadcast_in_dim3A_204 = vector.broadcast %broadcast_in_dim3A_203 : f32 to vector<16xf32>
      %swap3A_205 = arith.index_cast %scan3A_84 : i32 to index
      %swap3A_206 = arith.constant 16 : index
      %swap3A_207 = tpu.vector_load %arg17[%swap3A_205, %swap3A_206] {strides = array<i32>} : memref<40x128xf32, #tpu.memory_space<vmem>>, vector<1x16xf32>,
      %swap3A_208 = vector.shape_cast %swap3A_207 : vector<1x16xf32> to vector<16xf32>
      %swap3A_209 = vector.shape_cast %broadcast_in_dim3A_204 : vector<16xf32> to vector<1x16xf32>
      tpu.vector_store %arg17[%swap3A_205, %swap3A_206], %swap3A_209 {strides = array<i32>} : memref<40x128xf32, #tpu.memory_space<vmem>>, vector<1x16xf32>,
      %broadcast_in_dim3A_210 = arith.constant 0.000000e+00 : f32
      %broadcast_in_dim3A_211 = vector.broadcast %broadcast_in_dim3A_210 : f32 to vector<16xf32>
      %swap3A_212 = arith.index_cast %scan3A_84 : i32 to index
      %swap3A_213 = arith.constant 32 : index
      %swap3A_214 = tpu.vector_load %arg17[%swap3A_212, %swap3A_213] {strides = array<i32>} : memref<40x128xf32, #tpu.memory_space<vmem>>, vector<1x16xf32>,
      %swap3A_215 = vector.shape_cast %swap3A_214 : vector<1x16xf32> to vector<16xf32>
      %swap3A_216 = vector.shape_cast %broadcast_in_dim3A_211 : vector<16xf32> to vector<1x16xf32>
      tpu.vector_store %arg17[%swap3A_212, %swap3A_213], %swap3A_216 {strides = array<i32>} : memref<40x128xf32, #tpu.memory_space<vmem>>, vector<1x16xf32>,
      %broadcast_in_dim3A_217 = arith.constant 0.000000e+00 : f32
      %broadcast_in_dim3A_218 = vector.broadcast %broadcast_in_dim3A_217 : f32 to vector<16xf32>
      %swap3A_219 = arith.index_cast %scan3A_84 : i32 to index
      %swap3A_220 = arith.constant 48 : index
      %swap3A_221 = tpu.vector_load %arg17[%swap3A_219, %swap3A_220] {strides = array<i32>} : memref<40x128xf32, #tpu.memory_space<vmem>>, vector<1x16xf32>,
      %swap3A_222 = vector.shape_cast %swap3A_221 : vector<1x16xf32> to vector<16xf32>
      %swap3A_223 = vector.shape_cast %broadcast_in_dim3A_218 : vector<16xf32> to vector<1x16xf32>
      tpu.vector_store %arg17[%swap3A_219, %swap3A_220], %swap3A_223 {strides = array<i32>} : memref<40x128xf32, #tpu.memory_space<vmem>>, vector<1x16xf32>,
      %broadcast_in_dim3A_224 = arith.constant 0.000000e+00 : f32
      %broadcast_in_dim3A_225 = vector.broadcast %broadcast_in_dim3A_224 : f32 to vector<16xf32>
      %swap3A_226 = arith.index_cast %scan3A_84 : i32 to index
      %swap3A_227 = arith.constant 64 : index
      %swap3A_228 = tpu.vector_load %arg17[%swap3A_226, %swap3A_227] {strides = array<i32>} : memref<40x128xf32, #tpu.memory_space<vmem>>, vector<1x16xf32>,
      %swap3A_229 = vector.shape_cast %swap3A_228 : vector<1x16xf32> to vector<16xf32>
      %swap3A_230 = vector.shape_cast %broadcast_in_dim3A_225 : vector<16xf32> to vector<1x16xf32>
      tpu.vector_store %arg17[%swap3A_226, %swap3A_227], %swap3A_230 {strides = array<i32>} : memref<40x128xf32, #tpu.memory_space<vmem>>, vector<1x16xf32>,
      %broadcast_in_dim3A_231 = arith.constant 0.000000e+00 : f32
      %broadcast_in_dim3A_232 = vector.broadcast %broadcast_in_dim3A_231 : f32 to vector<16xf32>
      %swap3A_233 = arith.index_cast %scan3A_84 : i32 to index
      %swap3A_234 = arith.constant 80 : index
      %swap3A_235 = tpu.vector_load %arg17[%swap3A_233, %swap3A_234] {strides = array<i32>} : memref<40x128xf32, #tpu.memory_space<vmem>>, vector<1x16xf32>,
      %swap3A_236 = vector.shape_cast %swap3A_235 : vector<1x16xf32> to vector<16xf32>
      %swap3A_237 = vector.shape_cast %broadcast_in_dim3A_232 : vector<16xf32> to vector<1x16xf32>
      tpu.vector_store %arg17[%swap3A_233, %swap3A_234], %swap3A_237 {strides = array<i32>} : memref<40x128xf32, #tpu.memory_space<vmem>>, vector<1x16xf32>,
      %broadcast_in_dim3A_238 = arith.constant 0.000000e+00 : f32
      %broadcast_in_dim3A_239 = vector.broadcast %broadcast_in_dim3A_238 : f32 to vector<16xf32>
      %swap3A_240 = arith.index_cast %scan3A_84 : i32 to index
      %swap3A_241 = arith.constant 96 : index
      %swap3A_242 = tpu.vector_load %arg17[%swap3A_240, %swap3A_241] {strides = array<i32>} : memref<40x128xf32, #tpu.memory_space<vmem>>, vector<1x16xf32>,
      %swap3A_243 = vector.shape_cast %swap3A_242 : vector<1x16xf32> to vector<16xf32>
      %swap3A_244 = vector.shape_cast %broadcast_in_dim3A_239 : vector<16xf32> to vector<1x16xf32>
      tpu.vector_store %arg17[%swap3A_240, %swap3A_241], %swap3A_244 {strides = array<i32>} : memref<40x128xf32, #tpu.memory_space<vmem>>, vector<1x16xf32>,
      %broadcast_in_dim3A_245 = arith.constant 0.000000e+00 : f32
      %broadcast_in_dim3A_246 = vector.broadcast %broadcast_in_dim3A_245 : f32 to vector<16xf32>
      %swap3A_247 = arith.index_cast %scan3A_84 : i32 to index
      %swap3A_248 = arith.constant 112 : index
      %swap3A_249 = tpu.vector_load %arg17[%swap3A_247, %swap3A_248] {strides = array<i32>} : memref<40x128xf32, #tpu.memory_space<vmem>>, vector<1x16xf32>,
      %swap3A_250 = vector.shape_cast %swap3A_249 : vector<1x16xf32> to vector<16xf32>
      %swap3A_251 = vector.shape_cast %broadcast_in_dim3A_246 : vector<16xf32> to vector<1x16xf32>
      tpu.vector_store %arg17[%swap3A_247, %swap3A_248], %swap3A_251 {strides = array<i32>} : memref<40x128xf32, #tpu.memory_space<vmem>>, vector<1x16xf32>,
      %broadcast_in_dim3A_252 = arith.constant 0.000000e+00 : f32
      %broadcast_in_dim3A_253 = vector.broadcast %broadcast_in_dim3A_252 : f32 to vector<16xf32>
      %swap3A_254 = arith.index_cast %scan3A_84 : i32 to index
      %swap3A_255 = arith.constant 0 : index
      %swap3A_256 = tpu.vector_load %arg18[%swap3A_254, %swap3A_255] {strides = array<i32>} : memref<40x128xf32, #tpu.memory_space<vmem>>, vector<1x16xf32>,
      %swap3A_257 = vector.shape_cast %swap3A_256 : vector<1x16xf32> to vector<16xf32>
      %swap3A_258 = vector.shape_cast %broadcast_in_dim3A_253 : vector<16xf32> to vector<1x16xf32>
      tpu.vector_store %arg18[%swap3A_254, %swap3A_255], %swap3A_258 {strides = array<i32>} : memref<40x128xf32, #tpu.memory_space<vmem>>, vector<1x16xf32>,
      %broadcast_in_dim3A_259 = arith.constant 0.000000e+00 : f32
      %broadcast_in_dim3A_260 = vector.broadcast %broadcast_in_dim3A_259 : f32 to vector<16xf32>
      %swap3A_261 = arith.index_cast %scan3A_84 : i32 to index
      %swap3A_262 = arith.constant 16 : index
      %swap3A_263 = tpu.vector_load %arg18[%swap3A_261, %swap3A_262] {strides = array<i32>} : memref<40x128xf32, #tpu.memory_space<vmem>>, vector<1x16xf32>,
      %swap3A_264 = vector.shape_cast %swap3A_263 : vector<1x16xf32> to vector<16xf32>
      %swap3A_265 = vector.shape_cast %broadcast_in_dim3A_260 : vector<16xf32> to vector<1x16xf32>
      tpu.vector_store %arg18[%swap3A_261, %swap3A_262], %swap3A_265 {strides = array<i32>} : memref<40x128xf32, #tpu.memory_space<vmem>>, vector<1x16xf32>,
      %broadcast_in_dim3A_266 = arith.constant 0.000000e+00 : f32
      %broadcast_in_dim3A_267 = vector.broadcast %broadcast_in_dim3A_266 : f32 to vector<16xf32>
      %swap3A_268 = arith.index_cast %scan3A_84 : i32 to index
      %swap3A_269 = arith.constant 32 : index
      %swap3A_270 = tpu.vector_load %arg18[%swap3A_268, %swap3A_269] {strides = array<i32>} : memref<40x128xf32, #tpu.memory_space<vmem>>, vector<1x16xf32>,
      %swap3A_271 = vector.shape_cast %swap3A_270 : vector<1x16xf32> to vector<16xf32>
      %swap3A_272 = vector.shape_cast %broadcast_in_dim3A_267 : vector<16xf32> to vector<1x16xf32>
      tpu.vector_store %arg18[%swap3A_268, %swap3A_269], %swap3A_272 {strides = array<i32>} : memref<40x128xf32, #tpu.memory_space<vmem>>, vector<1x16xf32>,
      %broadcast_in_dim3A_273 = arith.constant 0.000000e+00 : f32
      %broadcast_in_dim3A_274 = vector.broadcast %broadcast_in_dim3A_273 : f32 to vector<16xf32>
      %swap3A_275 = arith.index_cast %scan3A_84 : i32 to index
      %swap3A_276 = arith.constant 48 : index
      %swap3A_277 = tpu.vector_load %arg18[%swap3A_275, %swap3A_276] {strides = array<i32>} : memref<40x128xf32, #tpu.memory_space<vmem>>, vector<1x16xf32>,
      %swap3A_278 = vector.shape_cast %swap3A_277 : vector<1x16xf32> to vector<16xf32>
      %swap3A_279 = vector.shape_cast %broadcast_in_dim3A_274 : vector<16xf32> to vector<1x16xf32>
      tpu.vector_store %arg18[%swap3A_275, %swap3A_276], %swap3A_279 {strides = array<i32>} : memref<40x128xf32, #tpu.memory_space<vmem>>, vector<1x16xf32>,
      %broadcast_in_dim3A_280 = arith.constant 0.000000e+00 : f32
      %broadcast_in_dim3A_281 = vector.broadcast %broadcast_in_dim3A_280 : f32 to vector<16xf32>
      %swap3A_282 = arith.index_cast %scan3A_84 : i32 to index
      %swap3A_283 = arith.constant 64 : index
      %swap3A_284 = tpu.vector_load %arg18[%swap3A_282, %swap3A_283] {strides = array<i32>} : memref<40x128xf32, #tpu.memory_space<vmem>>, vector<1x16xf32>,
      %swap3A_285 = vector.shape_cast %swap3A_284 : vector<1x16xf32> to vector<16xf32>
      %swap3A_286 = vector.shape_cast %broadcast_in_dim3A_281 : vector<16xf32> to vector<1x16xf32>
      tpu.vector_store %arg18[%swap3A_282, %swap3A_283], %swap3A_286 {strides = array<i32>} : memref<40x128xf32, #tpu.memory_space<vmem>>, vector<1x16xf32>,
      %broadcast_in_dim3A_287 = arith.constant 0.000000e+00 : f32
      %broadcast_in_dim3A_288 = vector.broadcast %broadcast_in_dim3A_287 : f32 to vector<16xf32>
      %swap3A_289 = arith.index_cast %scan3A_84 : i32 to index
      %swap3A_290 = arith.constant 80 : index
      %swap3A_291 = tpu.vector_load %arg18[%swap3A_289, %swap3A_290] {strides = array<i32>} : memref<40x128xf32, #tpu.memory_space<vmem>>, vector<1x16xf32>,
      %swap3A_292 = vector.shape_cast %swap3A_291 : vector<1x16xf32> to vector<16xf32>
      %swap3A_293 = vector.shape_cast %broadcast_in_dim3A_288 : vector<16xf32> to vector<1x16xf32>
      tpu.vector_store %arg18[%swap3A_289, %swap3A_290], %swap3A_293 {strides = array<i32>} : memref<40x128xf32, #tpu.memory_space<vmem>>, vector<1x16xf32>,
      %broadcast_in_dim3A_294 = arith.constant 0.000000e+00 : f32
      %broadcast_in_dim3A_295 = vector.broadcast %broadcast_in_dim3A_294 : f32 to vector<16xf32>
      %swap3A_296 = arith.index_cast %scan3A_84 : i32 to index
      %swap3A_297 = arith.constant 96 : index
      %swap3A_298 = tpu.vector_load %arg18[%swap3A_296, %swap3A_297] {strides = array<i32>} : memref<40x128xf32, #tpu.memory_space<vmem>>, vector<1x16xf32>,
      %swap3A_299 = vector.shape_cast %swap3A_298 : vector<1x16xf32> to vector<16xf32>
      %swap3A_300 = vector.shape_cast %broadcast_in_dim3A_295 : vector<16xf32> to vector<1x16xf32>
      tpu.vector_store %arg18[%swap3A_296, %swap3A_297], %swap3A_300 {strides = array<i32>} : memref<40x128xf32, #tpu.memory_space<vmem>>, vector<1x16xf32>,
      %broadcast_in_dim3A_301 = arith.constant 0.000000e+00 : f32
      %broadcast_in_dim3A_302 = vector.broadcast %broadcast_in_dim3A_301 : f32 to vector<16xf32>
      %swap3A_303 = arith.index_cast %scan3A_84 : i32 to index
      %swap3A_304 = arith.constant 112 : index
      %swap3A_305 = tpu.vector_load %arg18[%swap3A_303, %swap3A_304] {strides = array<i32>} : memref<40x128xf32, #tpu.memory_space<vmem>>, vector<1x16xf32>,
      %swap3A_306 = vector.shape_cast %swap3A_305 : vector<1x16xf32> to vector<16xf32>
      %swap3A_307 = vector.shape_cast %broadcast_in_dim3A_302 : vector<16xf32> to vector<1x16xf32>
      tpu.vector_store %arg18[%swap3A_303, %swap3A_304], %swap3A_307 {strides = array<i32>} : memref<40x128xf32, #tpu.memory_space<vmem>>, vector<1x16xf32>,
      %broadcast_in_dim3A_308 = arith.constant 0.000000e+00 : f32
      %broadcast_in_dim3A_309 = vector.broadcast %broadcast_in_dim3A_308 : f32 to vector<16xf32>
      %swap3A_310 = arith.index_cast %scan3A_84 : i32 to index
      %swap3A_311 = arith.constant 0 : index
      %swap3A_312 = tpu.vector_load %arg19[%swap3A_310, %swap3A_311] {strides = array<i32>} : memref<40x128xf32, #tpu.memory_space<vmem>>, vector<1x16xf32>,
      %swap3A_313 = vector.shape_cast %swap3A_312 : vector<1x16xf32> to vector<16xf32>
      %swap3A_314 = vector.shape_cast %broadcast_in_dim3A_309 : vector<16xf32> to vector<1x16xf32>
      tpu.vector_store %arg19[%swap3A_310, %swap3A_311], %swap3A_314 {strides = array<i32>} : memref<40x128xf32, #tpu.memory_space<vmem>>, vector<1x16xf32>,
      %broadcast_in_dim3A_315 = arith.constant 0.000000e+00 : f32
      %broadcast_in_dim3A_316 = vector.broadcast %broadcast_in_dim3A_315 : f32 to vector<16xf32>
      %swap3A_317 = arith.index_cast %scan3A_84 : i32 to index
      %swap3A_318 = arith.constant 16 : index
      %swap3A_319 = tpu.vector_load %arg19[%swap3A_317, %swap3A_318] {strides = array<i32>} : memref<40x128xf32, #tpu.memory_space<vmem>>, vector<1x16xf32>,
      %swap3A_320 = vector.shape_cast %swap3A_319 : vector<1x16xf32> to vector<16xf32>
      %swap3A_321 = vector.shape_cast %broadcast_in_dim3A_316 : vector<16xf32> to vector<1x16xf32>
      tpu.vector_store %arg19[%swap3A_317, %swap3A_318], %swap3A_321 {strides = array<i32>} : memref<40x128xf32, #tpu.memory_space<vmem>>, vector<1x16xf32>,
      %broadcast_in_dim3A_322 = arith.constant 0.000000e+00 : f32
      %broadcast_in_dim3A_323 = vector.broadcast %broadcast_in_dim3A_322 : f32 to vector<16xf32>
      %swap3A_324 = arith.index_cast %scan3A_84 : i32 to index
      %swap3A_325 = arith.constant 32 : index
      %swap3A_326 = tpu.vector_load %arg19[%swap3A_324, %swap3A_325] {strides = array<i32>} : memref<40x128xf32, #tpu.memory_space<vmem>>, vector<1x16xf32>,
      %swap3A_327 = vector.shape_cast %swap3A_326 : vector<1x16xf32> to vector<16xf32>
      %swap3A_328 = vector.shape_cast %broadcast_in_dim3A_323 : vector<16xf32> to vector<1x16xf32>
      tpu.vector_store %arg19[%swap3A_324, %swap3A_325], %swap3A_328 {strides = array<i32>} : memref<40x128xf32, #tpu.memory_space<vmem>>, vector<1x16xf32>,
      %broadcast_in_dim3A_329 = arith.constant 0.000000e+00 : f32
      %broadcast_in_dim3A_330 = vector.broadcast %broadcast_in_dim3A_329 : f32 to vector<16xf32>
      %swap3A_331 = arith.index_cast %scan3A_84 : i32 to index
      %swap3A_332 = arith.constant 48 : index
      %swap3A_333 = tpu.vector_load %arg19[%swap3A_331, %swap3A_332] {strides = array<i32>} : memref<40x128xf32, #tpu.memory_space<vmem>>, vector<1x16xf32>,
      %swap3A_334 = vector.shape_cast %swap3A_333 : vector<1x16xf32> to vector<16xf32>
      %swap3A_335 = vector.shape_cast %broadcast_in_dim3A_330 : vector<16xf32> to vector<1x16xf32>
      tpu.vector_store %arg19[%swap3A_331, %swap3A_332], %swap3A_335 {strides = array<i32>} : memref<40x128xf32, #tpu.memory_space<vmem>>, vector<1x16xf32>,
      %broadcast_in_dim3A_336 = arith.constant 0.000000e+00 : f32
      %broadcast_in_dim3A_337 = vector.broadcast %broadcast_in_dim3A_336 : f32 to vector<16xf32>
      %swap3A_338 = arith.index_cast %scan3A_84 : i32 to index
      %swap3A_339 = arith.constant 64 : index
      %swap3A_340 = tpu.vector_load %arg19[%swap3A_338, %swap3A_339] {strides = array<i32>} : memref<40x128xf32, #tpu.memory_space<vmem>>, vector<1x16xf32>,
      %swap3A_341 = vector.shape_cast %swap3A_340 : vector<1x16xf32> to vector<16xf32>
      %swap3A_342 = vector.shape_cast %broadcast_in_dim3A_337 : vector<16xf32> to vector<1x16xf32>
      tpu.vector_store %arg19[%swap3A_338, %swap3A_339], %swap3A_342 {strides = array<i32>} : memref<40x128xf32, #tpu.memory_space<vmem>>, vector<1x16xf32>,
      %broadcast_in_dim3A_343 = arith.constant 0.000000e+00 : f32
      %broadcast_in_dim3A_344 = vector.broadcast %broadcast_in_dim3A_343 : f32 to vector<16xf32>
      %swap3A_345 = arith.index_cast %scan3A_84 : i32 to index
      %swap3A_346 = arith.constant 80 : index
      %swap3A_347 = tpu.vector_load %arg19[%swap3A_345, %swap3A_346] {strides = array<i32>} : memref<40x128xf32, #tpu.memory_space<vmem>>, vector<1x16xf32>,
      %swap3A_348 = vector.shape_cast %swap3A_347 : vector<1x16xf32> to vector<16xf32>
      %swap3A_349 = vector.shape_cast %broadcast_in_dim3A_344 : vector<16xf32> to vector<1x16xf32>
      tpu.vector_store %arg19[%swap3A_345, %swap3A_346], %swap3A_349 {strides = array<i32>} : memref<40x128xf32, #tpu.memory_space<vmem>>, vector<1x16xf32>,
      %broadcast_in_dim3A_350 = arith.constant 0.000000e+00 : f32
      %broadcast_in_dim3A_351 = vector.broadcast %broadcast_in_dim3A_350 : f32 to vector<16xf32>
      %swap3A_352 = arith.index_cast %scan3A_84 : i32 to index
      %swap3A_353 = arith.constant 96 : index
      %swap3A_354 = tpu.vector_load %arg19[%swap3A_352, %swap3A_353] {strides = array<i32>} : memref<40x128xf32, #tpu.memory_space<vmem>>, vector<1x16xf32>,
      %swap3A_355 = vector.shape_cast %swap3A_354 : vector<1x16xf32> to vector<16xf32>
      %swap3A_356 = vector.shape_cast %broadcast_in_dim3A_351 : vector<16xf32> to vector<1x16xf32>
      tpu.vector_store %arg19[%swap3A_352, %swap3A_353], %swap3A_356 {strides = array<i32>} : memref<40x128xf32, #tpu.memory_space<vmem>>, vector<1x16xf32>,
      %broadcast_in_dim3A_357 = arith.constant 0.000000e+00 : f32
      %broadcast_in_dim3A_358 = vector.broadcast %broadcast_in_dim3A_357 : f32 to vector<16xf32>
      %swap3A_359 = arith.index_cast %scan3A_84 : i32 to index
      %swap3A_360 = arith.constant 112 : index
      %swap3A_361 = tpu.vector_load %arg19[%swap3A_359, %swap3A_360] {strides = array<i32>} : memref<40x128xf32, #tpu.memory_space<vmem>>, vector<1x16xf32>,
      %swap3A_362 = vector.shape_cast %swap3A_361 : vector<1x16xf32> to vector<16xf32>
      %swap3A_363 = vector.shape_cast %broadcast_in_dim3A_358 : vector<16xf32> to vector<1x16xf32>
      tpu.vector_store %arg19[%swap3A_359, %swap3A_360], %swap3A_363 {strides = array<i32>} : memref<40x128xf32, #tpu.memory_space<vmem>>, vector<1x16xf32>,
      %scan3A_364 = arith.constant 0 : i32
      scf.yield %scan3A_364 : i32
    }
    %scan3A_6 = arith.constant 40 : i32
    %scan3A_7 = arith.constant 0 : i32
    %scan3A_8 = arith.constant 0 : i32
    %scan3A_9 = arith.constant 16 : i32
    %scan3A_10 = arith.addi %scan3A_8, %scan3A_9 : i32
    %scan3A_11 = arith.constant 1 : i32
    %scan3A_12 = scf.for %scan3A_84 = %scan3A_8 to %scan3A_10 step %scan3A_11 iter_args(%scan3A_85 = %scan3A_7) -> (i32)  : i32 {
      %mul3A_86 = arith.constant 640 : i32
      %mul3A_87 = arith.muli %arg1, %mul3A_86 : i32
      %mul3A_88 = arith.constant 40 : i32
      %mul3A_89 = arith.muli %scan3A_84, %mul3A_88 : i32
      %add3A_90 = arith.addi %mul3A_87, %mul3A_89 : i32
      "tpu.region"() ({
        %run_scoped3A = tpu.sem_alloc : memref<!tpu.dma_semaphore, #tpu.memory_space<semaphore_mem>>
        %dma_start3A_92 = arith.constant 0 : i32
        %dma_start3A_93 = tpu.memref_slice %arg20[%add3A_90, %dma_start3A_92] : memref<10240x128xf32, #tpu.memory_space<vmem_shared>> -> memref<40x128xf32, #tpu.memory_space<vmem_shared>>
        %dma_start3A_94 = arith.constant 0 : i32
        %dma_start3A_95 = tpu.memref_slice %arg20[%add3A_90, %dma_start3A_94] : memref<10240x128xf32, #tpu.memory_space<vmem_shared>> -> memref<40x128xf32, #tpu.memory_space<vmem_shared>>
        tpu.enqueue_dma source(%arg15 : memref<40x128xf32, #tpu.memory_space<vmem>>) target(%dma_start3A_95 : memref<40x128xf32, #tpu.memory_space<vmem_shared>>) target_semaphore(%run_scoped3A : memref<!tpu.dma_semaphore, #tpu.memory_space<semaphore_mem>>)
        %dma_wait3A_96 = arith.constant 0 : i32
        %dma_wait3A_97 = tpu.memref_slice %arg20[%add3A_90, %dma_wait3A_96] : memref<10240x128xf32, #tpu.memory_space<vmem_shared>> -> memref<40x128xf32, #tpu.memory_space<vmem_shared>>
        %dma_wait3A_98 = arith.constant 0 : i32
        %dma_wait3A_99 = tpu.memref_slice %arg20[%add3A_90, %dma_wait3A_98] : memref<10240x128xf32, #tpu.memory_space<vmem_shared>> -> memref<40x128xf32, #tpu.memory_space<vmem_shared>>
        tpu.wait_dma2 semaphore(%run_scoped3A : memref<!tpu.dma_semaphore, #tpu.memory_space<semaphore_mem>>) src(%arg15 : memref<40x128xf32, #tpu.memory_space<vmem>>) dst(%dma_wait3A_99 : memref<40x128xf32, #tpu.memory_space<vmem_shared>>)
        tpu.yield
      }) : () -> ()
      %scan3A_91 = arith.constant 0 : i32
      scf.yield %scan3A_91 : i32
    }
    %scan3A_13 = arith.constant 16 : i32
    %barrier3A = arith.constant 0 : index
    tpu.barrier barrier_id(%barrier3A)
    %mul3A_14 = arith.constant 10000 : i32
    %mul3A_15 = arith.muli %add3A, %mul3A_14 : i32
    %add3A_16 = arith.constant 0 : i32
    %add3A_17 = arith.addi %mul3A_15, %add3A_16 : i32
    %dma_start3A = tpu.memref_slice %arg2[%add3A_17] : memref<320000xi32, #tpu.memory_space<hbm>> -> memref<40xi32, #tpu.memory_space<hbm>>
    %dma_start3A_18 = tpu.memref_slice %arg2[%add3A_17] : memref<320000xi32, #tpu.memory_space<hbm>> -> memref<40xi32, #tpu.memory_space<hbm>>
    tpu.enqueue_dma source(%dma_start3A_18 : memref<40xi32, #tpu.memory_space<hbm>>) target(%arg5 : memref<40xi32, #tpu.memory_space<vmem>>) target_semaphore(%arg21 : memref<!tpu.dma_semaphore, #tpu.memory_space<semaphore_mem>>)
    %mul3A_19 = arith.constant 16 : i32
    %mul3A_20 = arith.muli %add3A_17, %mul3A_19 : i32
    %dma_start3A_21 = tpu.memref_slice %arg3[%mul3A_20] : memref<5120000xf32, #tpu.memory_space<hbm>> -> memref<640xf32, #tpu.memory_space<hbm>>
    %dma_start3A_22 = tpu.memref_slice %arg3[%mul3A_20] : memref<5120000xf32, #tpu.memory_space<hbm>> -> memref<640xf32, #tpu.memory_space<hbm>>
    tpu.enqueue_dma source(%dma_start3A_22 : memref<640xf32, #tpu.memory_space<hbm>>) target(%arg10 : memref<640xf32, #tpu.memory_space<vmem>>) target_semaphore(%arg21 : memref<!tpu.dma_semaphore, #tpu.memory_space<semaphore_mem>>)
    %add3A_23 = arith.constant 40 : i32
    %add3A_24 = arith.addi %mul3A_15, %add3A_23 : i32
    %dma_start3A_25 = tpu.memref_slice %arg2[%add3A_24] : memref<320000xi32, #tpu.memory_space<hbm>> -> memref<40xi32, #tpu.memory_space<hbm>>
    %dma_start3A_26 = tpu.memref_slice %arg2[%add3A_24] : memref<320000xi32, #tpu.memory_space<hbm>> -> memref<40xi32, #tpu.memory_space<hbm>>
    tpu.enqueue_dma source(%dma_start3A_26 : memref<40xi32, #tpu.memory_space<hbm>>) target(%arg6 : memref<40xi32, #tpu.memory_space<vmem>>) target_semaphore(%arg22 : memref<!tpu.dma_semaphore, #tpu.memory_space<semaphore_mem>>)
    %mul3A_27 = arith.constant 16 : i32
    %mul3A_28 = arith.muli %add3A_24, %mul3A_27 : i32
    %dma_start3A_29 = tpu.memref_slice %arg3[%mul3A_28] : memref<5120000xf32, #tpu.memory_space<hbm>> -> memref<640xf32, #tpu.memory_space<hbm>>
    %dma_start3A_30 = tpu.memref_slice %arg3[%mul3A_28] : memref<5120000xf32, #tpu.memory_space<hbm>> -> memref<640xf32, #tpu.memory_space<hbm>>
    tpu.enqueue_dma source(%dma_start3A_30 : memref<640xf32, #tpu.memory_space<hbm>>) target(%arg11 : memref<640xf32, #tpu.memory_space<vmem>>) target_semaphore(%arg22 : memref<!tpu.dma_semaphore, #tpu.memory_space<semaphore_mem>>)
    %add3A_31 = arith.constant 80 : i32
    %add3A_32 = arith.addi %mul3A_15, %add3A_31 : i32
    %dma_start3A_33 = tpu.memref_slice %arg2[%add3A_32] : memref<320000xi32, #tpu.memory_space<hbm>> -> memref<40xi32, #tpu.memory_space<hbm>>
    %dma_start3A_34 = tpu.memref_slice %arg2[%add3A_32] : memref<320000xi32, #tpu.memory_space<hbm>> -> memref<40xi32, #tpu.memory_space<hbm>>
    tpu.enqueue_dma source(%dma_start3A_34 : memref<40xi32, #tpu.memory_space<hbm>>) target(%arg7 : memref<40xi32, #tpu.memory_space<vmem>>) target_semaphore(%arg23 : memref<!tpu.dma_semaphore, #tpu.memory_space<semaphore_mem>>)
    %mul3A_35 = arith.constant 16 : i32
    %mul3A_36 = arith.muli %add3A_32, %mul3A_35 : i32
    %dma_start3A_37 = tpu.memref_slice %arg3[%mul3A_36] : memref<5120000xf32, #tpu.memory_space<hbm>> -> memref<640xf32, #tpu.memory_space<hbm>>
    %dma_start3A_38 = tpu.memref_slice %arg3[%mul3A_36] : memref<5120000xf32, #tpu.memory_space<hbm>> -> memref<640xf32, #tpu.memory_space<hbm>>
    tpu.enqueue_dma source(%dma_start3A_38 : memref<640xf32, #tpu.memory_space<hbm>>) target(%arg12 : memref<640xf32, #tpu.memory_space<vmem>>) target_semaphore(%arg23 : memref<!tpu.dma_semaphore, #tpu.memory_space<semaphore_mem>>)
    %add3A_39 = arith.constant 120 : i32
    %add3A_40 = arith.addi %mul3A_15, %add3A_39 : i32
    %dma_start3A_41 = tpu.memref_slice %arg2[%add3A_40] : memref<320000xi32, #tpu.memory_space<hbm>> -> memref<40xi32, #tpu.memory_space<hbm>>
    %dma_start3A_42 = tpu.memref_slice %arg2[%add3A_40] : memref<320000xi32, #tpu.memory_space<hbm>> -> memref<40xi32, #tpu.memory_space<hbm>>
    tpu.enqueue_dma source(%dma_start3A_42 : memref<40xi32, #tpu.memory_space<hbm>>) target(%arg8 : memref<40xi32, #tpu.memory_space<vmem>>) target_semaphore(%arg24 : memref<!tpu.dma_semaphore, #tpu.memory_space<semaphore_mem>>)
    %mul3A_43 = arith.constant 16 : i32
    %mul3A_44 = arith.muli %add3A_40, %mul3A_43 : i32
    %dma_start3A_45 = tpu.memref_slice %arg3[%mul3A_44] : memref<5120000xf32, #tpu.memory_space<hbm>> -> memref<640xf32, #tpu.memory_space<hbm>>
    %dma_start3A_46 = tpu.memref_slice %arg3[%mul3A_44] : memref<5120000xf32, #tpu.memory_space<hbm>> -> memref<640xf32, #tpu.memory_space<hbm>>
    tpu.enqueue_dma source(%dma_start3A_46 : memref<640xf32, #tpu.memory_space<hbm>>) target(%arg13 : memref<640xf32, #tpu.memory_space<vmem>>) target_semaphore(%arg24 : memref<!tpu.dma_semaphore, #tpu.memory_space<semaphore_mem>>)
    %add3A_47 = arith.constant 160 : i32
    %add3A_48 = arith.addi %mul3A_15, %add3A_47 : i32
    %dma_start3A_49 = tpu.memref_slice %arg2[%add3A_48] : memref<320000xi32, #tpu.memory_space<hbm>> -> memref<40xi32, #tpu.memory_space<hbm>>
    %dma_start3A_50 = tpu.memref_slice %arg2[%add3A_48] : memref<320000xi32, #tpu.memory_space<hbm>> -> memref<40xi32, #tpu.memory_space<hbm>>
    tpu.enqueue_dma source(%dma_start3A_50 : memref<40xi32, #tpu.memory_space<hbm>>) target(%arg9 : memref<40xi32, #tpu.memory_space<vmem>>) target_semaphore(%arg25 : memref<!tpu.dma_semaphore, #tpu.memory_space<semaphore_mem>>)
    %mul3A_51 = arith.constant 16 : i32
    %mul3A_52 = arith.muli %add3A_48, %mul3A_51 : i32
    %dma_start3A_53 = tpu.memref_slice %arg3[%mul3A_52] : memref<5120000xf32, #tpu.memory_space<hbm>> -> memref<640xf32, #tpu.memory_space<hbm>>
    %dma_start3A_54 = tpu.memref_slice %arg3[%mul3A_52] : memref<5120000xf32, #tpu.memory_space<hbm>> -> memref<640xf32, #tpu.memory_space<hbm>>
    tpu.enqueue_dma source(%dma_start3A_54 : memref<640xf32, #tpu.memory_space<hbm>>) target(%arg14 : memref<640xf32, #tpu.memory_space<vmem>>) target_semaphore(%arg25 : memref<!tpu.dma_semaphore, #tpu.memory_space<semaphore_mem>>)
    %scan3A_55 = arith.constant 0 : i32
    %scan3A_56 = arith.constant 0 : i32
    %scan3A_57 = arith.constant 50 : i32
    %scan3A_58 = arith.addi %scan3A_56, %scan3A_57 : i32
    %scan3A_59 = arith.constant 1 : i32
    %scan3A_60 = scf.for %scan3A_84 = %scan3A_56 to %scan3A_58 step %scan3A_59 iter_args(%scan3A_85 = %scan3A_55) -> (i32)  : i32 {
      %mul3A_86 = arith.constant 5 : i32
      %mul3A_87 = arith.muli %mul3A_86, %scan3A_84 : i32
      %dma_wait3A_88 = arith.constant 0 : i32
      %dma_wait3A_89 = tpu.memref_slice %arg2[%dma_wait3A_88] : memref<320000xi32, #tpu.memory_space<hbm>> -> memref<40xi32, #tpu.memory_space<hbm>>
      %dma_wait3A_90 = arith.constant 0 : i32
      %dma_wait3A_91 = tpu.memref_slice %arg2[%dma_wait3A_90] : memref<320000xi32, #tpu.memory_space<hbm>> -> memref<40xi32, #tpu.memory_space<hbm>>
      tpu.wait_dma2 semaphore(%arg21 : memref<!tpu.dma_semaphore, #tpu.memory_space<semaphore_mem>>) src(%dma_wait3A_91 : memref<40xi32, #tpu.memory_space<hbm>>) dst(%arg5 : memref<40xi32, #tpu.memory_space<vmem>>)
      %dma_wait3A_92 = arith.constant 0 : i32
      %dma_wait3A_93 = tpu.memref_slice %arg3[%dma_wait3A_92] : memref<5120000xf32, #tpu.memory_space<hbm>> -> memref<640xf32, #tpu.memory_space<hbm>>
      %dma_wait3A_94 = arith.constant 0 : i32
      %dma_wait3A_95 = tpu.memref_slice %arg3[%dma_wait3A_94] : memref<5120000xf32, #tpu.memory_space<hbm>> -> memref<640xf32, #tpu.memory_space<hbm>>
      tpu.wait_dma2 semaphore(%arg21 : memref<!tpu.dma_semaphore, #tpu.memory_space<semaphore_mem>>) src(%dma_wait3A_95 : memref<640xf32, #tpu.memory_space<hbm>>) dst(%arg10 : memref<640xf32, #tpu.memory_space<vmem>>)
      %get3A = arith.constant 0 : index
      %get3A_96 = tpu.vector_load %arg10[%get3A] {strides = array<i32>} : memref<640xf32, #tpu.memory_space<vmem>>, vector<16xf32>,
      %get3A_97 = vector.shape_cast %get3A_96 : vector<16xf32> to vector<16xf32>
      %swap3A = arith.constant 0 : i32
      %swap3A_98 = arith.index_cast %swap3A : i32 to index
      %swap3A_99 = arith.constant 0 : index
      %swap3A_100 = tpu.vector_load %arg15[%swap3A_98, %swap3A_99] {strides = array<i32>} : memref<40x128xf32, #tpu.memory_space<vmem>>, vector<1x16xf32>,
      %swap3A_101 = vector.shape_cast %swap3A_100 : vector<1x16xf32> to vector<16xf32>
      %swap3A_102 = vector.shape_cast %get3A_97 : vector<16xf32> to vector<1x16xf32>
      tpu.vector_store %arg15[%swap3A_98, %swap3A_99], %swap3A_102 {strides = array<i32>} : memref<40x128xf32, #tpu.memory_space<vmem>>, vector<1x16xf32>,
      %get3A_103 = arith.constant 16 : index
      %get3A_104 = tpu.vector_load %arg10[%get3A_103] {strides = array<i32>} : memref<640xf32, #tpu.memory_space<vmem>>, vector<16xf32>,
      %get3A_105 = vector.shape_cast %get3A_104 : vector<16xf32> to vector<16xf32>
      %swap3A_106 = arith.constant 1 : i32
      %swap3A_107 = arith.index_cast %swap3A_106 : i32 to index
      %swap3A_108 = arith.constant 0 : index
      %swap3A_109 = tpu.vector_load %arg15[%swap3A_107, %swap3A_108] {strides = array<i32>} : memref<40x128xf32, #tpu.memory_space<vmem>>, vector<1x16xf32>,
      %swap3A_110 = vector.shape_cast %swap3A_109 : vector<1x16xf32> to vector<16xf32>
      %swap3A_111 = vector.shape_cast %get3A_105 : vector<16xf32> to vector<1x16xf32>
      tpu.vector_store %arg15[%swap3A_107, %swap3A_108], %swap3A_111 {strides = array<i32>} : memref<40x128xf32, #tpu.memory_space<vmem>>, vector<1x16xf32>,
      %get3A_112 = arith.constant 32 : index
      %get3A_113 = tpu.vector_load %arg10[%get3A_112] {strides = array<i32>} : memref<640xf32, #tpu.memory_space<vmem>>, vector<16xf32>,
      %get3A_114 = vector.shape_cast %get3A_113 : vector<16xf32> to vector<16xf32>
      %swap3A_115 = arith.constant 2 : i32
      %swap3A_116 = arith.index_cast %swap3A_115 : i32 to index
      %swap3A_117 = arith.constant 0 : index
      %swap3A_118 = tpu.vector_load %arg15[%swap3A_116, %swap3A_117] {strides = array<i32>} : memref<40x128xf32, #tpu.memory_space<vmem>>, vector<1x16xf32>,
      %swap3A_119 = vector.shape_cast %swap3A_118 : vector<1x16xf32> to vector<16xf32>
      %swap3A_120 = vector.shape_cast %get3A_114 : vector<16xf32> to vector<1x16xf32>
      tpu.vector_store %arg15[%swap3A_116, %swap3A_117], %swap3A_120 {strides = array<i32>} : memref<40x128xf32, #tpu.memory_space<vmem>>, vector<1x16xf32>,
      %get3A_121 = arith.constant 48 : index
      %get3A_122 = tpu.vector_load %arg10[%get3A_121] {strides = array<i32>} : memref<640xf32, #tpu.memory_space<vmem>>, vector<16xf32>,
      %get3A_123 = vector.shape_cast %get3A_122 : vector<16xf32> to vector<16xf32>
      %swap3A_124 = arith.constant 3 : i32
      %swap3A_125 = arith.index_cast %swap3A_124 : i32 to index
      %swap3A_126 = arith.constant 0 : index
      %swap3A_127 = tpu.vector_load %arg15[%swap3A_125, %swap3A_126] {strides = array<i32>} : memref<40x128xf32, #tpu.memory_space<vmem>>, vector<1x16xf32>,
      %swap3A_128 = vector.shape_cast %swap3A_127 : vector<1x16xf32> to vector<16xf32>
      %swap3A_129 = vector.shape_cast %get3A_123 : vector<16xf32> to vector<1x16xf32>
      tpu.vector_store %arg15[%swap3A_125, %swap3A_126], %swap3A_129 {strides = array<i32>} : memref<40x128xf32, #tpu.memory_space<vmem>>, vector<1x16xf32>,
      %get3A_130 = arith.constant 64 : index
      %get3A_131 = tpu.vector_load %arg10[%get3A_130] {strides = array<i32>} : memref<640xf32, #tpu.memory_space<vmem>>, vector<16xf32>,
      %get3A_132 = vector.shape_cast %get3A_131 : vector<16xf32> to vector<16xf32>
      %swap3A_133 = arith.constant 4 : i32
      %swap3A_134 = arith.index_cast %swap3A_133 : i32 to index
      %swap3A_135 = arith.constant 0 : index
      %swap3A_136 = tpu.vector_load %arg15[%swap3A_134, %swap3A_135] {strides = array<i32>} : memref<40x128xf32, #tpu.memory_space<vmem>>, vector<1x16xf32>,
      %swap3A_137 = vector.shape_cast %swap3A_136 : vector<1x16xf32> to vector<16xf32>
      %swap3A_138 = vector.shape_cast %get3A_132 : vector<16xf32> to vector<1x16xf32>
      tpu.vector_store %arg15[%swap3A_134, %swap3A_135], %swap3A_138 {strides = array<i32>} : memref<40x128xf32, #tpu.memory_space<vmem>>, vector<1x16xf32>,
      %get3A_139 = arith.constant 80 : index
      %get3A_140 = tpu.vector_load %arg10[%get3A_139] {strides = array<i32>} : memref<640xf32, #tpu.memory_space<vmem>>, vector<16xf32>,
      %get3A_141 = vector.shape_cast %get3A_140 : vector<16xf32> to vector<16xf32>
      %swap3A_142 = arith.constant 5 : i32
      %swap3A_143 = arith.index_cast %swap3A_142 : i32 to index
      %swap3A_144 = arith.constant 0 : index
      %swap3A_145 = tpu.vector_load %arg15[%swap3A_143, %swap3A_144] {strides = array<i32>} : memref<40x128xf32, #tpu.memory_space<vmem>>, vector<1x16xf32>,
      %swap3A_146 = vector.shape_cast %swap3A_145 : vector<1x16xf32> to vector<16xf32>
      %swap3A_147 = vector.shape_cast %get3A_141 : vector<16xf32> to vector<1x16xf32>
      tpu.vector_store %arg15[%swap3A_143, %swap3A_144], %swap3A_147 {strides = array<i32>} : memref<40x128xf32, #tpu.memory_space<vmem>>, vector<1x16xf32>,
      %get3A_148 = arith.constant 96 : index
      %get3A_149 = tpu.vector_load %arg10[%get3A_148] {strides = array<i32>} : memref<640xf32, #tpu.memory_space<vmem>>, vector<16xf32>,
      %get3A_150 = vector.shape_cast %get3A_149 : vector<16xf32> to vector<16xf32>
      %swap3A_151 = arith.constant 6 : i32
      %swap3A_152 = arith.index_cast %swap3A_151 : i32 to index
      %swap3A_153 = arith.constant 0 : index
      %swap3A_154 = tpu.vector_load %arg15[%swap3A_152, %swap3A_153] {strides = array<i32>} : memref<40x128xf32, #tpu.memory_space<vmem>>, vector<1x16xf32>,
      %swap3A_155 = vector.shape_cast %swap3A_154 : vector<1x16xf32> to vector<16xf32>
      %swap3A_156 = vector.shape_cast %get3A_150 : vector<16xf32> to vector<1x16xf32>
      tpu.vector_store %arg15[%swap3A_152, %swap3A_153], %swap3A_156 {strides = array<i32>} : memref<40x128xf32, #tpu.memory_space<vmem>>, vector<1x16xf32>,
      %get3A_157 = arith.constant 112 : index
      %get3A_158 = tpu.vector_load %arg10[%get3A_157] {strides = array<i32>} : memref<640xf32, #tpu.memory_space<vmem>>, vector<16xf32>,
      %get3A_159 = vector.shape_cast %get3A_158 : vector<16xf32> to vector<16xf32>
      %swap3A_160 = arith.constant 7 : i32
      %swap3A_161 = arith.index_cast %swap3A_160 : i32 to index
      %swap3A_162 = arith.constant 0 : index
      %swap3A_163 = tpu.vector_load %arg15[%swap3A_161, %swap3A_162] {strides = array<i32>} : memref<40x128xf32, #tpu.memory_space<vmem>>, vector<1x16xf32>,
      %swap3A_164 = vector.shape_cast %swap3A_163 : vector<1x16xf32> to vector<16xf32>
      %swap3A_165 = vector.shape_cast %get3A_159 : vector<16xf32> to vector<1x16xf32>
      tpu.vector_store %arg15[%swap3A_161, %swap3A_162], %swap3A_165 {strides = array<i32>} : memref<40x128xf32, #tpu.memory_space<vmem>>, vector<1x16xf32>,
      %get3A_166 = arith.constant 128 : index
      %get3A_167 = tpu.vector_load %arg10[%get3A_166] {strides = array<i32>} : memref<640xf32, #tpu.memory_space<vmem>>, vector<16xf32>,
      %get3A_168 = vector.shape_cast %get3A_167 : vector<16xf32> to vector<16xf32>
      %swap3A_169 = arith.constant 8 : i32
      %swap3A_170 = arith.index_cast %swap3A_169 : i32 to index
      %swap3A_171 = arith.constant 0 : index
      %swap3A_172 = tpu.vector_load %arg15[%swap3A_170, %swap3A_171] {strides = array<i32>} : memref<40x128xf32, #tpu.memory_space<vmem>>, vector<1x16xf32>,
      %swap3A_173 = vector.shape_cast %swap3A_172 : vector<1x16xf32> to vector<16xf32>
      %swap3A_174 = vector.shape_cast %get3A_168 : vector<16xf32> to vector<1x16xf32>
      tpu.vector_store %arg15[%swap3A_170, %swap3A_171], %swap3A_174 {strides = array<i32>} : memref<40x128xf32, #tpu.memory_space<vmem>>, vector<1x16xf32>,
      %get3A_175 = arith.constant 144 : index
      %get3A_176 = tpu.vector_load %arg10[%get3A_175] {strides = array<i32>} : memref<640xf32, #tpu.memory_space<vmem>>, vector<16xf32>,
      %get3A_177 = vector.shape_cast %get3A_176 : vector<16xf32> to vector<16xf32>
      %swap3A_178 = arith.constant 9 : i32
      %swap3A_179 = arith.index_cast %swap3A_178 : i32 to index
      %swap3A_180 = arith.constant 0 : index
      %swap3A_181 = tpu.vector_load %arg15[%swap3A_179, %swap3A_180] {strides = array<i32>} : memref<40x128xf32, #tpu.memory_space<vmem>>, vector<1x16xf32>,
      %swap3A_182 = vector.shape_cast %swap3A_181 : vector<1x16xf32> to vector<16xf32>
      %swap3A_183 = vector.shape_cast %get3A_177 : vector<16xf32> to vector<1x16xf32>
      tpu.vector_store %arg15[%swap3A_179, %swap3A_180], %swap3A_183 {strides = array<i32>} : memref<40x128xf32, #tpu.memory_space<vmem>>, vector<1x16xf32>,
      %get3A_184 = arith.constant 160 : index
      %get3A_185 = tpu.vector_load %arg10[%get3A_184] {strides = array<i32>} : memref<640xf32, #tpu.memory_space<vmem>>, vector<16xf32>,
      %get3A_186 = vector.shape_cast %get3A_185 : vector<16xf32> to vector<16xf32>
      %swap3A_187 = arith.constant 10 : i32
      %swap3A_188 = arith.index_cast %swap3A_187 : i32 to index
      %swap3A_189 = arith.constant 0 : index
      %swap3A_190 = tpu.vector_load %arg15[%swap3A_188, %swap3A_189] {strides = array<i32>} : memref<40x128xf32, #tpu.memory_space<vmem>>, vector<1x16xf32>,
      %swap3A_191 = vector.shape_cast %swap3A_190 : vector<1x16xf32> to vector<16xf32>
      %swap3A_192 = vector.shape_cast %get3A_186 : vector<16xf32> to vector<1x16xf32>
      tpu.vector_store %arg15[%swap3A_188, %swap3A_189], %swap3A_192 {strides = array<i32>} : memref<40x128xf32, #tpu.memory_space<vmem>>, vector<1x16xf32>,
      %get3A_193 = arith.constant 176 : index
      %get3A_194 = tpu.vector_load %arg10[%get3A_193] {strides = array<i32>} : memref<640xf32, #tpu.memory_space<vmem>>, vector<16xf32>,
      %get3A_195 = vector.shape_cast %get3A_194 : vector<16xf32> to vector<16xf32>
      %swap3A_196 = arith.constant 11 : i32
      %swap3A_197 = arith.index_cast %swap3A_196 : i32 to index
      %swap3A_198 = arith.constant 0 : index
      %swap3A_199 = tpu.vector_load %arg15[%swap3A_197, %swap3A_198] {strides = array<i32>} : memref<40x128xf32, #tpu.memory_space<vmem>>, vector<1x16xf32>,
      %swap3A_200 = vector.shape_cast %swap3A_199 : vector<1x16xf32> to vector<16xf32>
      %swap3A_201 = vector.shape_cast %get3A_195 : vector<16xf32> to vector<1x16xf32>
      tpu.vector_store %arg15[%swap3A_197, %swap3A_198], %swap3A_201 {strides = array<i32>} : memref<40x128xf32, #tpu.memory_space<vmem>>, vector<1x16xf32>,
      %get3A_202 = arith.constant 192 : index
      %get3A_203 = tpu.vector_load %arg10[%get3A_202] {strides = array<i32>} : memref<640xf32, #tpu.memory_space<vmem>>, vector<16xf32>,
      %get3A_204 = vector.shape_cast %get3A_203 : vector<16xf32> to vector<16xf32>
      %swap3A_205 = arith.constant 12 : i32
      %swap3A_206 = arith.index_cast %swap3A_205 : i32 to index
      %swap3A_207 = arith.constant 0 : index
      %swap3A_208 = tpu.vector_load %arg15[%swap3A_206, %swap3A_207] {strides = array<i32>} : memref<40x128xf32, #tpu.memory_space<vmem>>, vector<1x16xf32>,
      %swap3A_209 = vector.shape_cast %swap3A_208 : vector<1x16xf32> to vector<16xf32>
      %swap3A_210 = vector.shape_cast %get3A_204 : vector<16xf32> to vector<1x16xf32>
      tpu.vector_store %arg15[%swap3A_206, %swap3A_207], %swap3A_210 {strides = array<i32>} : memref<40x128xf32, #tpu.memory_space<vmem>>, vector<1x16xf32>,
      %get3A_211 = arith.constant 208 : index
      %get3A_212 = tpu.vector_load %arg10[%get3A_211] {strides = array<i32>} : memref<640xf32, #tpu.memory_space<vmem>>, vector<16xf32>,
      %get3A_213 = vector.shape_cast %get3A_212 : vector<16xf32> to vector<16xf32>
      %swap3A_214 = arith.constant 13 : i32
      %swap3A_215 = arith.index_cast %swap3A_214 : i32 to index
      %swap3A_216 = arith.constant 0 : index
      %swap3A_217 = tpu.vector_load %arg15[%swap3A_215, %swap3A_216] {strides = array<i32>} : memref<40x128xf32, #tpu.memory_space<vmem>>, vector<1x16xf32>,
      %swap3A_218 = vector.shape_cast %swap3A_217 : vector<1x16xf32> to vector<16xf32>
      %swap3A_219 = vector.shape_cast %get3A_213 : vector<16xf32> to vector<1x16xf32>
      tpu.vector_store %arg15[%swap3A_215, %swap3A_216], %swap3A_219 {strides = array<i32>} : memref<40x128xf32, #tpu.memory_space<vmem>>, vector<1x16xf32>,
      %get3A_220 = arith.constant 224 : index
      %get3A_221 = tpu.vector_load %arg10[%get3A_220] {strides = array<i32>} : memref<640xf32, #tpu.memory_space<vmem>>, vector<16xf32>,
      %get3A_222 = vector.shape_cast %get3A_221 : vector<16xf32> to vector<16xf32>
      %swap3A_223 = arith.constant 14 : i32
      %swap3A_224 = arith.index_cast %swap3A_223 : i32 to index
      %swap3A_225 = arith.constant 0 : index
      %swap3A_226 = tpu.vector_load %arg15[%swap3A_224, %swap3A_225] {strides = array<i32>} : memref<40x128xf32, #tpu.memory_space<vmem>>, vector<1x16xf32>,
      %swap3A_227 = vector.shape_cast %swap3A_226 : vector<1x16xf32> to vector<16xf32>
      %swap3A_228 = vector.shape_cast %get3A_222 : vector<16xf32> to vector<1x16xf32>
      tpu.vector_store %arg15[%swap3A_224, %swap3A_225], %swap3A_228 {strides = array<i32>} : memref<40x128xf32, #tpu.memory_space<vmem>>, vector<1x16xf32>,
      %get3A_229 = arith.constant 240 : index
      %get3A_230 = tpu.vector_load %arg10[%get3A_229] {strides = array<i32>} : memref<640xf32, #tpu.memory_space<vmem>>, vector<16xf32>,
      %get3A_231 = vector.shape_cast %get3A_230 : vector<16xf32> to vector<16xf32>
      %swap3A_232 = arith.constant 15 : i32
      %swap3A_233 = arith.index_cast %swap3A_232 : i32 to index
      %swap3A_234 = arith.constant 0 : index
      %swap3A_235 = tpu.vector_load %arg15[%swap3A_233, %swap3A_234] {strides = array<i32>} : memref<40x128xf32, #tpu.memory_space<vmem>>, vector<1x16xf32>,
      %swap3A_236 = vector.shape_cast %swap3A_235 : vector<1x16xf32> to vector<16xf32>
      %swap3A_237 = vector.shape_cast %get3A_231 : vector<16xf32> to vector<1x16xf32>
      tpu.vector_store %arg15[%swap3A_233, %swap3A_234], %swap3A_237 {strides = array<i32>} : memref<40x128xf32, #tpu.memory_space<vmem>>, vector<1x16xf32>,
      %get3A_238 = arith.constant 256 : index
      %get3A_239 = tpu.vector_load %arg10[%get3A_238] {strides = array<i32>} : memref<640xf32, #tpu.memory_space<vmem>>, vector<16xf32>,
      %get3A_240 = vector.shape_cast %get3A_239 : vector<16xf32> to vector<16xf32>
      %swap3A_241 = arith.constant 16 : i32
      %swap3A_242 = arith.index_cast %swap3A_241 : i32 to index
      %swap3A_243 = arith.constant 0 : index
      %swap3A_244 = tpu.vector_load %arg15[%swap3A_242, %swap3A_243] {strides = array<i32>} : memref<40x128xf32, #tpu.memory_space<vmem>>, vector<1x16xf32>,
      %swap3A_245 = vector.shape_cast %swap3A_244 : vector<1x16xf32> to vector<16xf32>
      %swap3A_246 = vector.shape_cast %get3A_240 : vector<16xf32> to vector<1x16xf32>
      tpu.vector_store %arg15[%swap3A_242, %swap3A_243], %swap3A_246 {strides = array<i32>} : memref<40x128xf32, #tpu.memory_space<vmem>>, vector<1x16xf32>,
      %get3A_247 = arith.constant 272 : index
      %get3A_248 = tpu.vector_load %arg10[%get3A_247] {strides = array<i32>} : memref<640xf32, #tpu.memory_space<vmem>>, vector<16xf32>,
      %get3A_249 = vector.shape_cast %get3A_248 : vector<16xf32> to vector<16xf32>
      %swap3A_250 = arith.constant 17 : i32
      %swap3A_251 = arith.index_cast %swap3A_250 : i32 to index
      %swap3A_252 = arith.constant 0 : index
      %swap3A_253 = tpu.vector_load %arg15[%swap3A_251, %swap3A_252] {strides = array<i32>} : memref<40x128xf32, #tpu.memory_space<vmem>>, vector<1x16xf32>,
      %swap3A_254 = vector.shape_cast %swap3A_253 : vector<1x16xf32> to vector<16xf32>
      %swap3A_255 = vector.shape_cast %get3A_249 : vector<16xf32> to vector<1x16xf32>
      tpu.vector_store %arg15[%swap3A_251, %swap3A_252], %swap3A_255 {strides = array<i32>} : memref<40x128xf32, #tpu.memory_space<vmem>>, vector<1x16xf32>,
      %get3A_256 = arith.constant 288 : index
      %get3A_257 = tpu.vector_load %arg10[%get3A_256] {strides = array<i32>} : memref<640xf32, #tpu.memory_space<vmem>>, vector<16xf32>,
      %get3A_258 = vector.shape_cast %get3A_257 : vector<16xf32> to vector<16xf32>
      %swap3A_259 = arith.constant 18 : i32
      %swap3A_260 = arith.index_cast %swap3A_259 : i32 to index
      %swap3A_261 = arith.constant 0 : index
      %swap3A_262 = tpu.vector_load %arg15[%swap3A_260, %swap3A_261] {strides = array<i32>} : memref<40x128xf32, #tpu.memory_space<vmem>>, vector<1x16xf32>,
      %swap3A_263 = vector.shape_cast %swap3A_262 : vector<1x16xf32> to vector<16xf32>
      %swap3A_264 = vector.shape_cast %get3A_258 : vector<16xf32> to vector<1x16xf32>
      tpu.vector_store %arg15[%swap3A_260, %swap3A_261], %swap3A_264 {strides = array<i32>} : memref<40x128xf32, #tpu.memory_space<vmem>>, vector<1x16xf32>,
      %get3A_265 = arith.constant 304 : index
      %get3A_266 = tpu.vector_load %arg10[%get3A_265] {strides = array<i32>} : memref<640xf32, #tpu.memory_space<vmem>>, vector<16xf32>,
      %get3A_267 = vector.shape_cast %get3A_266 : vector<16xf32> to vector<16xf32>
      %swap3A_268 = arith.constant 19 : i32
      %swap3A_269 = arith.index_cast %swap3A_268 : i32 to index
      %swap3A_270 = arith.constant 0 : index
      %swap3A_271 = tpu.vector_load %arg15[%swap3A_269, %swap3A_270] {strides = array<i32>} : memref<40x128xf32, #tpu.memory_space<vmem>>, vector<1x16xf32>,
      %swap3A_272 = vector.shape_cast %swap3A_271 : vector<1x16xf32> to vector<16xf32>
      %swap3A_273 = vector.shape_cast %get3A_267 : vector<16xf32> to vector<1x16xf32>
      tpu.vector_store %arg15[%swap3A_269, %swap3A_270], %swap3A_273 {strides = array<i32>} : memref<40x128xf32, #tpu.memory_space<vmem>>, vector<1x16xf32>,
      %get3A_274 = arith.constant 320 : index
      %get3A_275 = tpu.vector_load %arg10[%get3A_274] {strides = array<i32>} : memref<640xf32, #tpu.memory_space<vmem>>, vector<16xf32>,
      %get3A_276 = vector.shape_cast %get3A_275 : vector<16xf32> to vector<16xf32>
      %swap3A_277 = arith.constant 20 : i32
      %swap3A_278 = arith.index_cast %swap3A_277 : i32 to index
      %swap3A_279 = arith.constant 0 : index
      %swap3A_280 = tpu.vector_load %arg15[%swap3A_278, %swap3A_279] {strides = array<i32>} : memref<40x128xf32, #tpu.memory_space<vmem>>, vector<1x16xf32>,
      %swap3A_281 = vector.shape_cast %swap3A_280 : vector<1x16xf32> to vector<16xf32>
      %swap3A_282 = vector.shape_cast %get3A_276 : vector<16xf32> to vector<1x16xf32>
      tpu.vector_store %arg15[%swap3A_278, %swap3A_279], %swap3A_282 {strides = array<i32>} : memref<40x128xf32, #tpu.memory_space<vmem>>, vector<1x16xf32>,
      %get3A_283 = arith.constant 336 : index
      %get3A_284 = tpu.vector_load %arg10[%get3A_283] {strides = array<i32>} : memref<640xf32, #tpu.memory_space<vmem>>, vector<16xf32>,
      %get3A_285 = vector.shape_cast %get3A_284 : vector<16xf32> to vector<16xf32>
      %swap3A_286 = arith.constant 21 : i32
      %swap3A_287 = arith.index_cast %swap3A_286 : i32 to index
      %swap3A_288 = arith.constant 0 : index
      %swap3A_289 = tpu.vector_load %arg15[%swap3A_287, %swap3A_288] {strides = array<i32>} : memref<40x128xf32, #tpu.memory_space<vmem>>, vector<1x16xf32>,
      %swap3A_290 = vector.shape_cast %swap3A_289 : vector<1x16xf32> to vector<16xf32>
      %swap3A_291 = vector.shape_cast %get3A_285 : vector<16xf32> to vector<1x16xf32>
      tpu.vector_store %arg15[%swap3A_287, %swap3A_288], %swap3A_291 {strides = array<i32>} : memref<40x128xf32, #tpu.memory_space<vmem>>, vector<1x16xf32>,
      %get3A_292 = arith.constant 352 : index
      %get3A_293 = tpu.vector_load %arg10[%get3A_292] {strides = array<i32>} : memref<640xf32, #tpu.memory_space<vmem>>, vector<16xf32>,
      %get3A_294 = vector.shape_cast %get3A_293 : vector<16xf32> to vector<16xf32>
      %swap3A_295 = arith.constant 22 : i32
      %swap3A_296 = arith.index_cast %swap3A_295 : i32 to index
      %swap3A_297 = arith.constant 0 : index
      %swap3A_298 = tpu.vector_load %arg15[%swap3A_296, %swap3A_297] {strides = array<i32>} : memref<40x128xf32, #tpu.memory_space<vmem>>, vector<1x16xf32>,
      %swap3A_299 = vector.shape_cast %swap3A_298 : vector<1x16xf32> to vector<16xf32>
      %swap3A_300 = vector.shape_cast %get3A_294 : vector<16xf32> to vector<1x16xf32>
      tpu.vector_store %arg15[%swap3A_296, %swap3A_297], %swap3A_300 {strides = array<i32>} : memref<40x128xf32, #tpu.memory_space<vmem>>, vector<1x16xf32>,
      %get3A_301 = arith.constant 368 : index
      %get3A_302 = tpu.vector_load %arg10[%get3A_301] {strides = array<i32>} : memref<640xf32, #tpu.memory_space<vmem>>, vector<16xf32>,
      %get3A_303 = vector.shape_cast %get3A_302 : vector<16xf32> to vector<16xf32>
      %swap3A_304 = arith.constant 23 : i32
      %swap3A_305 = arith.index_cast %swap3A_304 : i32 to index
      %swap3A_306 = arith.constant 0 : index
      %swap3A_307 = tpu.vector_load %arg15[%swap3A_305, %swap3A_306] {strides = array<i32>} : memref<40x128xf32, #tpu.memory_space<vmem>>, vector<1x16xf32>,
      %swap3A_308 = vector.shape_cast %swap3A_307 : vector<1x16xf32> to vector<16xf32>
      %swap3A_309 = vector.shape_cast %get3A_303 : vector<16xf32> to vector<1x16xf32>
      tpu.vector_store %arg15[%swap3A_305, %swap3A_306], %swap3A_309 {strides = array<i32>} : memref<40x128xf32, #tpu.memory_space<vmem>>, vector<1x16xf32>,
      %get3A_310 = arith.constant 384 : index
      %get3A_311 = tpu.vector_load %arg10[%get3A_310] {strides = array<i32>} : memref<640xf32, #tpu.memory_space<vmem>>, vector<16xf32>,
      %get3A_312 = vector.shape_cast %get3A_311 : vector<16xf32> to vector<16xf32>
      %swap3A_313 = arith.constant 24 : i32
      %swap3A_314 = arith.index_cast %swap3A_313 : i32 to index
      %swap3A_315 = arith.constant 0 : index
      %swap3A_316 = tpu.vector_load %arg15[%swap3A_314, %swap3A_315] {strides = array<i32>} : memref<40x128xf32, #tpu.memory_space<vmem>>, vector<1x16xf32>,
      %swap3A_317 = vector.shape_cast %swap3A_316 : vector<1x16xf32> to vector<16xf32>
      %swap3A_318 = vector.shape_cast %get3A_312 : vector<16xf32> to vector<1x16xf32>
      tpu.vector_store %arg15[%swap3A_314, %swap3A_315], %swap3A_318 {strides = array<i32>} : memref<40x128xf32, #tpu.memory_space<vmem>>, vector<1x16xf32>,
      %get3A_319 = arith.constant 400 : index
      %get3A_320 = tpu.vector_load %arg10[%get3A_319] {strides = array<i32>} : memref<640xf32, #tpu.memory_space<vmem>>, vector<16xf32>,
      %get3A_321 = vector.shape_cast %get3A_320 : vector<16xf32> to vector<16xf32>
      %swap3A_322 = arith.constant 25 : i32
      %swap3A_323 = arith.index_cast %swap3A_322 : i32 to index
      %swap3A_324 = arith.constant 0 : index
      %swap3A_325 = tpu.vector_load %arg15[%swap3A_323, %swap3A_324] {strides = array<i32>} : memref<40x128xf32, #tpu.memory_space<vmem>>, vector<1x16xf32>,
      %swap3A_326 = vector.shape_cast %swap3A_325 : vector<1x16xf32> to vector<16xf32>
      %swap3A_327 = vector.shape_cast %get3A_321 : vector<16xf32> to vector<1x16xf32>
      tpu.vector_store %arg15[%swap3A_323, %swap3A_324], %swap3A_327 {strides = array<i32>} : memref<40x128xf32, #tpu.memory_space<vmem>>, vector<1x16xf32>,
      %get3A_328 = arith.constant 416 : index
      %get3A_329 = tpu.vector_load %arg10[%get3A_328] {strides = array<i32>} : memref<640xf32, #tpu.memory_space<vmem>>, vector<16xf32>,
      %get3A_330 = vector.shape_cast %get3A_329 : vector<16xf32> to vector<16xf32>
      %swap3A_331 = arith.constant 26 : i32
      %swap3A_332 = arith.index_cast %swap3A_331 : i32 to index
      %swap3A_333 = arith.constant 0 : index
      %swap3A_334 = tpu.vector_load %arg15[%swap3A_332, %swap3A_333] {strides = array<i32>} : memref<40x128xf32, #tpu.memory_space<vmem>>, vector<1x16xf32>,
      %swap3A_335 = vector.shape_cast %swap3A_334 : vector<1x16xf32> to vector<16xf32>
      %swap3A_336 = vector.shape_cast %get3A_330 : vector<16xf32> to vector<1x16xf32>
      tpu.vector_store %arg15[%swap3A_332, %swap3A_333], %swap3A_336 {strides = array<i32>} : memref<40x128xf32, #tpu.memory_space<vmem>>, vector<1x16xf32>,
      %get3A_337 = arith.constant 432 : index
      %get3A_338 = tpu.vector_load %arg10[%get3A_337] {strides = array<i32>} : memref<640xf32, #tpu.memory_space<vmem>>, vector<16xf32>,
      %get3A_339 = vector.shape_cast %get3A_338 : vector<16xf32> to vector<16xf32>
      %swap3A_340 = arith.constant 27 : i32
      %swap3A_341 = arith.index_cast %swap3A_340 : i32 to index
      %swap3A_342 = arith.constant 0 : index
      %swap3A_343 = tpu.vector_load %arg15[%swap3A_341, %swap3A_342] {strides = array<i32>} : memref<40x128xf32, #tpu.memory_space<vmem>>, vector<1x16xf32>,
      %swap3A_344 = vector.shape_cast %swap3A_343 : vector<1x16xf32> to vector<16xf32>
      %swap3A_345 = vector.shape_cast %get3A_339 : vector<16xf32> to vector<1x16xf32>
      tpu.vector_store %arg15[%swap3A_341, %swap3A_342], %swap3A_345 {strides = array<i32>} : memref<40x128xf32, #tpu.memory_space<vmem>>, vector<1x16xf32>,
      %get3A_346 = arith.constant 448 : index
      %get3A_347 = tpu.vector_load %arg10[%get3A_346] {strides = array<i32>} : memref<640xf32, #tpu.memory_space<vmem>>, vector<16xf32>,
      %get3A_348 = vector.shape_cast %get3A_347 : vector<16xf32> to vector<16xf32>
      %swap3A_349 = arith.constant 28 : i32
      %swap3A_350 = arith.index_cast %swap3A_349 : i32 to index
      %swap3A_351 = arith.constant 0 : index
      %swap3A_352 = tpu.vector_load %arg15[%swap3A_350, %swap3A_351] {strides = array<i32>} : memref<40x128xf32, #tpu.memory_space<vmem>>, vector<1x16xf32>,
      %swap3A_353 = vector.shape_cast %swap3A_352 : vector<1x16xf32> to vector<16xf32>
      %swap3A_354 = vector.shape_cast %get3A_348 : vector<16xf32> to vector<1x16xf32>
      tpu.vector_store %arg15[%swap3A_350, %swap3A_351], %swap3A_354 {strides = array<i32>} : memref<40x128xf32, #tpu.memory_space<vmem>>, vector<1x16xf32>,
      %get3A_355 = arith.constant 464 : index
      %get3A_356 = tpu.vector_load %arg10[%get3A_355] {strides = array<i32>} : memref<640xf32, #tpu.memory_space<vmem>>, vector<16xf32>,
      %get3A_357 = vector.shape_cast %get3A_356 : vector<16xf32> to vector<16xf32>
      %swap3A_358 = arith.constant 29 : i32
      %swap3A_359 = arith.index_cast %swap3A_358 : i32 to index
      %swap3A_360 = arith.constant 0 : index
      %swap3A_361 = tpu.vector_load %arg15[%swap3A_359, %swap3A_360] {strides = array<i32>} : memref<40x128xf32, #tpu.memory_space<vmem>>, vector<1x16xf32>,
      %swap3A_362 = vector.shape_cast %swap3A_361 : vector<1x16xf32> to vector<16xf32>
      %swap3A_363 = vector.shape_cast %get3A_357 : vector<16xf32> to vector<1x16xf32>
      tpu.vector_store %arg15[%swap3A_359, %swap3A_360], %swap3A_363 {strides = array<i32>} : memref<40x128xf32, #tpu.memory_space<vmem>>, vector<1x16xf32>,
      %get3A_364 = arith.constant 480 : index
      %get3A_365 = tpu.vector_load %arg10[%get3A_364] {strides = array<i32>} : memref<640xf32, #tpu.memory_space<vmem>>, vector<16xf32>,
      %get3A_366 = vector.shape_cast %get3A_365 : vector<16xf32> to vector<16xf32>
      %swap3A_367 = arith.constant 30 : i32
      %swap3A_368 = arith.index_cast %swap3A_367 : i32 to index
      %swap3A_369 = arith.constant 0 : index
      %swap3A_370 = tpu.vector_load %arg15[%swap3A_368, %swap3A_369] {strides = array<i32>} : memref<40x128xf32, #tpu.memory_space<vmem>>, vector<1x16xf32>,
      %swap3A_371 = vector.shape_cast %swap3A_370 : vector<1x16xf32> to vector<16xf32>
      %swap3A_372 = vector.shape_cast %get3A_366 : vector<16xf32> to vector<1x16xf32>
      tpu.vector_store %arg15[%swap3A_368, %swap3A_369], %swap3A_372 {strides = array<i32>} : memref<40x128xf32, #tpu.memory_space<vmem>>, vector<1x16xf32>,
      %get3A_373 = arith.constant 496 : index
      %get3A_374 = tpu.vector_load %arg10[%get3A_373] {strides = array<i32>} : memref<640xf32, #tpu.memory_space<vmem>>, vector<16xf32>,
      %get3A_375 = vector.shape_cast %get3A_374 : vector<16xf32> to vector<16xf32>
      %swap3A_376 = arith.constant 31 : i32
      %swap3A_377 = arith.index_cast %swap3A_376 : i32 to index
      %swap3A_378 = arith.constant 0 : index
      %swap3A_379 = tpu.vector_load %arg15[%swap3A_377, %swap3A_378] {strides = array<i32>} : memref<40x128xf32, #tpu.memory_space<vmem>>, vector<1x16xf32>,
      %swap3A_380 = vector.shape_cast %swap3A_379 : vector<1x16xf32> to vector<16xf32>
      %swap3A_381 = vector.shape_cast %get3A_375 : vector<16xf32> to vector<1x16xf32>
      tpu.vector_store %arg15[%swap3A_377, %swap3A_378], %swap3A_381 {strides = array<i32>} : memref<40x128xf32, #tpu.memory_space<vmem>>, vector<1x16xf32>,
      %get3A_382 = arith.constant 512 : index
      %get3A_383 = tpu.vector_load %arg10[%get3A_382] {strides = array<i32>} : memref<640xf32, #tpu.memory_space<vmem>>, vector<16xf32>,
      %get3A_384 = vector.shape_cast %get3A_383 : vector<16xf32> to vector<16xf32>
      %swap3A_385 = arith.constant 32 : i32
      %swap3A_386 = arith.index_cast %swap3A_385 : i32 to index
      %swap3A_387 = arith.constant 0 : index
      %swap3A_388 = tpu.vector_load %arg15[%swap3A_386, %swap3A_387] {strides = array<i32>} : memref<40x128xf32, #tpu.memory_space<vmem>>, vector<1x16xf32>,
      %swap3A_389 = vector.shape_cast %swap3A_388 : vector<1x16xf32> to vector<16xf32>
      %swap3A_390 = vector.shape_cast %get3A_384 : vector<16xf32> to vector<1x16xf32>
      tpu.vector_store %arg15[%swap3A_386, %swap3A_387], %swap3A_390 {strides = array<i32>} : memref<40x128xf32, #tpu.memory_space<vmem>>, vector<1x16xf32>,
      %get3A_391 = arith.constant 528 : index
      %get3A_392 = tpu.vector_load %arg10[%get3A_391] {strides = array<i32>} : memref<640xf32, #tpu.memory_space<vmem>>, vector<16xf32>,
      %get3A_393 = vector.shape_cast %get3A_392 : vector<16xf32> to vector<16xf32>
      %swap3A_394 = arith.constant 33 : i32
      %swap3A_395 = arith.index_cast %swap3A_394 : i32 to index
      %swap3A_396 = arith.constant 0 : index
      %swap3A_397 = tpu.vector_load %arg15[%swap3A_395, %swap3A_396] {strides = array<i32>} : memref<40x128xf32, #tpu.memory_space<vmem>>, vector<1x16xf32>,
      %swap3A_398 = vector.shape_cast %swap3A_397 : vector<1x16xf32> to vector<16xf32>
      %swap3A_399 = vector.shape_cast %get3A_393 : vector<16xf32> to vector<1x16xf32>
      tpu.vector_store %arg15[%swap3A_395, %swap3A_396], %swap3A_399 {strides = array<i32>} : memref<40x128xf32, #tpu.memory_space<vmem>>, vector<1x16xf32>,
      %get3A_400 = arith.constant 544 : index
      %get3A_401 = tpu.vector_load %arg10[%get3A_400] {strides = array<i32>} : memref<640xf32, #tpu.memory_space<vmem>>, vector<16xf32>,
      %get3A_402 = vector.shape_cast %get3A_401 : vector<16xf32> to vector<16xf32>
      %swap3A_403 = arith.constant 34 : i32
      %swap3A_404 = arith.index_cast %swap3A_403 : i32 to index
      %swap3A_405 = arith.constant 0 : index
      %swap3A_406 = tpu.vector_load %arg15[%swap3A_404, %swap3A_405] {strides = array<i32>} : memref<40x128xf32, #tpu.memory_space<vmem>>, vector<1x16xf32>,
      %swap3A_407 = vector.shape_cast %swap3A_406 : vector<1x16xf32> to vector<16xf32>
      %swap3A_408 = vector.shape_cast %get3A_402 : vector<16xf32> to vector<1x16xf32>
      tpu.vector_store %arg15[%swap3A_404, %swap3A_405], %swap3A_408 {strides = array<i32>} : memref<40x128xf32, #tpu.memory_space<vmem>>, vector<1x16xf32>,
      %get3A_409 = arith.constant 560 : index
      %get3A_410 = tpu.vector_load %arg10[%get3A_409] {strides = array<i32>} : memref<640xf32, #tpu.memory_space<vmem>>, vector<16xf32>,
      %get3A_411 = vector.shape_cast %get3A_410 : vector<16xf32> to vector<16xf32>
      %swap3A_412 = arith.constant 35 : i32
      %swap3A_413 = arith.index_cast %swap3A_412 : i32 to index
      %swap3A_414 = arith.constant 0 : index
      %swap3A_415 = tpu.vector_load %arg15[%swap3A_413, %swap3A_414] {strides = array<i32>} : memref<40x128xf32, #tpu.memory_space<vmem>>, vector<1x16xf32>,
      %swap3A_416 = vector.shape_cast %swap3A_415 : vector<1x16xf32> to vector<16xf32>
      %swap3A_417 = vector.shape_cast %get3A_411 : vector<16xf32> to vector<1x16xf32>
      tpu.vector_store %arg15[%swap3A_413, %swap3A_414], %swap3A_417 {strides = array<i32>} : memref<40x128xf32, #tpu.memory_space<vmem>>, vector<1x16xf32>,
      %get3A_418 = arith.constant 576 : index
      %get3A_419 = tpu.vector_load %arg10[%get3A_418] {strides = array<i32>} : memref<640xf32, #tpu.memory_space<vmem>>, vector<16xf32>,
      %get3A_420 = vector.shape_cast %get3A_419 : vector<16xf32> to vector<16xf32>
      %swap3A_421 = arith.constant 36 : i32
      %swap3A_422 = arith.index_cast %swap3A_421 : i32 to index
      %swap3A_423 = arith.constant 0 : index
      %swap3A_424 = tpu.vector_load %arg15[%swap3A_422, %swap3A_423] {strides = array<i32>} : memref<40x128xf32, #tpu.memory_space<vmem>>, vector<1x16xf32>,
      %swap3A_425 = vector.shape_cast %swap3A_424 : vector<1x16xf32> to vector<16xf32>
      %swap3A_426 = vector.shape_cast %get3A_420 : vector<16xf32> to vector<1x16xf32>
      tpu.vector_store %arg15[%swap3A_422, %swap3A_423], %swap3A_426 {strides = array<i32>} : memref<40x128xf32, #tpu.memory_space<vmem>>, vector<1x16xf32>,
      %get3A_427 = arith.constant 592 : index
      %get3A_428 = tpu.vector_load %arg10[%get3A_427] {strides = array<i32>} : memref<640xf32, #tpu.memory_space<vmem>>, vector<16xf32>,
      %get3A_429 = vector.shape_cast %get3A_428 : vector<16xf32> to vector<16xf32>
      %swap3A_430 = arith.constant 37 : i32
      %swap3A_431 = arith.index_cast %swap3A_430 : i32 to index
      %swap3A_432 = arith.constant 0 : index
      %swap3A_433 = tpu.vector_load %arg15[%swap3A_431, %swap3A_432] {strides = array<i32>} : memref<40x128xf32, #tpu.memory_space<vmem>>, vector<1x16xf32>,
      %swap3A_434 = vector.shape_cast %swap3A_433 : vector<1x16xf32> to vector<16xf32>
      %swap3A_435 = vector.shape_cast %get3A_429 : vector<16xf32> to vector<1x16xf32>
      tpu.vector_store %arg15[%swap3A_431, %swap3A_432], %swap3A_435 {strides = array<i32>} : memref<40x128xf32, #tpu.memory_space<vmem>>, vector<1x16xf32>,
      %get3A_436 = arith.constant 608 : index
      %get3A_437 = tpu.vector_load %arg10[%get3A_436] {strides = array<i32>} : memref<640xf32, #tpu.memory_space<vmem>>, vector<16xf32>,
      %get3A_438 = vector.shape_cast %get3A_437 : vector<16xf32> to vector<16xf32>
      %swap3A_439 = arith.constant 38 : i32
      %swap3A_440 = arith.index_cast %swap3A_439 : i32 to index
      %swap3A_441 = arith.constant 0 : index
      %swap3A_442 = tpu.vector_load %arg15[%swap3A_440, %swap3A_441] {strides = array<i32>} : memref<40x128xf32, #tpu.memory_space<vmem>>, vector<1x16xf32>,
      %swap3A_443 = vector.shape_cast %swap3A_442 : vector<1x16xf32> to vector<16xf32>
      %swap3A_444 = vector.shape_cast %get3A_438 : vector<16xf32> to vector<1x16xf32>
      tpu.vector_store %arg15[%swap3A_440, %swap3A_441], %swap3A_444 {strides = array<i32>} : memref<40x128xf32, #tpu.memory_space<vmem>>, vector<1x16xf32>,
      %get3A_445 = arith.constant 624 : index
      %get3A_446 = tpu.vector_load %arg10[%get3A_445] {strides = array<i32>} : memref<640xf32, #tpu.memory_space<vmem>>, vector<16xf32>,
      %get3A_447 = vector.shape_cast %get3A_446 : vector<16xf32> to vector<16xf32>
      %swap3A_448 = arith.constant 39 : i32
      %swap3A_449 = arith.index_cast %swap3A_448 : i32 to index
      %swap3A_450 = arith.constant 0 : index
      %swap3A_451 = tpu.vector_load %arg15[%swap3A_449, %swap3A_450] {strides = array<i32>} : memref<40x128xf32, #tpu.memory_space<vmem>>, vector<1x16xf32>,
      %swap3A_452 = vector.shape_cast %swap3A_451 : vector<1x16xf32> to vector<16xf32>
      %swap3A_453 = vector.shape_cast %get3A_447 : vector<16xf32> to vector<1x16xf32>
      tpu.vector_store %arg15[%swap3A_449, %swap3A_450], %swap3A_453 {strides = array<i32>} : memref<40x128xf32, #tpu.memory_space<vmem>>, vector<1x16xf32>,
      %dma_start3A_454 = arith.constant 0 : i32
      %dma_start3A_455 = arith.constant 0 : i32
      %dma_start3A_456 = tpu.memref_slice %arg20[%dma_start3A_454, %dma_start3A_455] : memref<10240x128xf32, #tpu.memory_space<vmem_shared>> -> memref<10240x128xf32, #tpu.memory_space<vmem_shared>>
      tpu.enqueue_indirect_dma source(%arg15 : memref<40x128xf32, #tpu.memory_space<vmem>>) target(%dma_start3A_456 : memref<10240x128xf32, #tpu.memory_space<vmem_shared>>) offsets(%arg5 : memref<40xi32, #tpu.memory_space<vmem>>) semaphore(%arg26 : memref<!tpu.dma_semaphore, #tpu.memory_space<semaphore_mem>>) {add = true}
      %dma_wait3A_457 = arith.constant 0 : i32
      %dma_wait3A_458 = tpu.memref_slice %arg2[%dma_wait3A_457] : memref<320000xi32, #tpu.memory_space<hbm>> -> memref<40xi32, #tpu.memory_space<hbm>>
      %dma_wait3A_459 = arith.constant 0 : i32
      %dma_wait3A_460 = tpu.memref_slice %arg2[%dma_wait3A_459] : memref<320000xi32, #tpu.memory_space<hbm>> -> memref<40xi32, #tpu.memory_space<hbm>>
      tpu.wait_dma2 semaphore(%arg22 : memref<!tpu.dma_semaphore, #tpu.memory_space<semaphore_mem>>) src(%dma_wait3A_460 : memref<40xi32, #tpu.memory_space<hbm>>) dst(%arg6 : memref<40xi32, #tpu.memory_space<vmem>>)
      %dma_wait3A_461 = arith.constant 0 : i32
      %dma_wait3A_462 = tpu.memref_slice %arg3[%dma_wait3A_461] : memref<5120000xf32, #tpu.memory_space<hbm>> -> memref<640xf32, #tpu.memory_space<hbm>>
      %dma_wait3A_463 = arith.constant 0 : i32
      %dma_wait3A_464 = tpu.memref_slice %arg3[%dma_wait3A_463] : memref<5120000xf32, #tpu.memory_space<hbm>> -> memref<640xf32, #tpu.memory_space<hbm>>
      tpu.wait_dma2 semaphore(%arg22 : memref<!tpu.dma_semaphore, #tpu.memory_space<semaphore_mem>>) src(%dma_wait3A_464 : memref<640xf32, #tpu.memory_space<hbm>>) dst(%arg11 : memref<640xf32, #tpu.memory_space<vmem>>)
      %get3A_465 = arith.constant 0 : index
      %get3A_466 = tpu.vector_load %arg11[%get3A_465] {strides = array<i32>} : memref<640xf32, #tpu.memory_space<vmem>>, vector<16xf32>,
      %get3A_467 = vector.shape_cast %get3A_466 : vector<16xf32> to vector<16xf32>
      %swap3A_468 = arith.constant 0 : i32
      %swap3A_469 = arith.index_cast %swap3A_468 : i32 to index
      %swap3A_470 = arith.constant 0 : index
      %swap3A_471 = tpu.vector_load %arg16[%swap3A_469, %swap3A_470] {strides = array<i32>} : memref<40x128xf32, #tpu.memory_space<vmem>>, vector<1x16xf32>,
      %swap3A_472 = vector.shape_cast %swap3A_471 : vector<1x16xf32> to vector<16xf32>
      %swap3A_473 = vector.shape_cast %get3A_467 : vector<16xf32> to vector<1x16xf32>
      tpu.vector_store %arg16[%swap3A_469, %swap3A_470], %swap3A_473 {strides = array<i32>} : memref<40x128xf32, #tpu.memory_space<vmem>>, vector<1x16xf32>,
      %get3A_474 = arith.constant 16 : index
      %get3A_475 = tpu.vector_load %arg11[%get3A_474] {strides = array<i32>} : memref<640xf32, #tpu.memory_space<vmem>>, vector<16xf32>,
      %get3A_476 = vector.shape_cast %get3A_475 : vector<16xf32> to vector<16xf32>
      %swap3A_477 = arith.constant 1 : i32
      %swap3A_478 = arith.index_cast %swap3A_477 : i32 to index
      %swap3A_479 = arith.constant 0 : index
      %swap3A_480 = tpu.vector_load %arg16[%swap3A_478, %swap3A_479] {strides = array<i32>} : memref<40x128xf32, #tpu.memory_space<vmem>>, vector<1x16xf32>,
      %swap3A_481 = vector.shape_cast %swap3A_480 : vector<1x16xf32> to vector<16xf32>
      %swap3A_482 = vector.shape_cast %get3A_476 : vector<16xf32> to vector<1x16xf32>
      tpu.vector_store %arg16[%swap3A_478, %swap3A_479], %swap3A_482 {strides = array<i32>} : memref<40x128xf32, #tpu.memory_space<vmem>>, vector<1x16xf32>,
      %get3A_483 = arith.constant 32 : index
      %get3A_484 = tpu.vector_load %arg11[%get3A_483] {strides = array<i32>} : memref<640xf32, #tpu.memory_space<vmem>>, vector<16xf32>,
      %get3A_485 = vector.shape_cast %get3A_484 : vector<16xf32> to vector<16xf32>
      %swap3A_486 = arith.constant 2 : i32
      %swap3A_487 = arith.index_cast %swap3A_486 : i32 to index
      %swap3A_488 = arith.constant 0 : index
      %swap3A_489 = tpu.vector_load %arg16[%swap3A_487, %swap3A_488] {strides = array<i32>} : memref<40x128xf32, #tpu.memory_space<vmem>>, vector<1x16xf32>,
      %swap3A_490 = vector.shape_cast %swap3A_489 : vector<1x16xf32> to vector<16xf32>
      %swap3A_491 = vector.shape_cast %get3A_485 : vector<16xf32> to vector<1x16xf32>
      tpu.vector_store %arg16[%swap3A_487, %swap3A_488], %swap3A_491 {strides = array<i32>} : memref<40x128xf32, #tpu.memory_space<vmem>>, vector<1x16xf32>,
      %get3A_492 = arith.constant 48 : index
      %get3A_493 = tpu.vector_load %arg11[%get3A_492] {strides = array<i32>} : memref<640xf32, #tpu.memory_space<vmem>>, vector<16xf32>,
      %get3A_494 = vector.shape_cast %get3A_493 : vector<16xf32> to vector<16xf32>
      %swap3A_495 = arith.constant 3 : i32
      %swap3A_496 = arith.index_cast %swap3A_495 : i32 to index
      %swap3A_497 = arith.constant 0 : index
      %swap3A_498 = tpu.vector_load %arg16[%swap3A_496, %swap3A_497] {strides = array<i32>} : memref<40x128xf32, #tpu.memory_space<vmem>>, vector<1x16xf32>,
      %swap3A_499 = vector.shape_cast %swap3A_498 : vector<1x16xf32> to vector<16xf32>
      %swap3A_500 = vector.shape_cast %get3A_494 : vector<16xf32> to vector<1x16xf32>
      tpu.vector_store %arg16[%swap3A_496, %swap3A_497], %swap3A_500 {strides = array<i32>} : memref<40x128xf32, #tpu.memory_space<vmem>>, vector<1x16xf32>,
      %get3A_501 = arith.constant 64 : index
      %get3A_502 = tpu.vector_load %arg11[%get3A_501] {strides = array<i32>} : memref<640xf32, #tpu.memory_space<vmem>>, vector<16xf32>,
      %get3A_503 = vector.shape_cast %get3A_502 : vector<16xf32> to vector<16xf32>
      %swap3A_504 = arith.constant 4 : i32
      %swap3A_505 = arith.index_cast %swap3A_504 : i32 to index
      %swap3A_506 = arith.constant 0 : index
      %swap3A_507 = tpu.vector_load %arg16[%swap3A_505, %swap3A_506] {strides = array<i32>} : memref<40x128xf32, #tpu.memory_space<vmem>>, vector<1x16xf32>,
      %swap3A_508 = vector.shape_cast %swap3A_507 : vector<1x16xf32> to vector<16xf32>
      %swap3A_509 = vector.shape_cast %get3A_503 : vector<16xf32> to vector<1x16xf32>
      tpu.vector_store %arg16[%swap3A_505, %swap3A_506], %swap3A_509 {strides = array<i32>} : memref<40x128xf32, #tpu.memory_space<vmem>>, vector<1x16xf32>,
      %get3A_510 = arith.constant 80 : index
      %get3A_511 = tpu.vector_load %arg11[%get3A_510] {strides = array<i32>} : memref<640xf32, #tpu.memory_space<vmem>>, vector<16xf32>,
      %get3A_512 = vector.shape_cast %get3A_511 : vector<16xf32> to vector<16xf32>
      %swap3A_513 = arith.constant 5 : i32
      %swap3A_514 = arith.index_cast %swap3A_513 : i32 to index
      %swap3A_515 = arith.constant 0 : index
      %swap3A_516 = tpu.vector_load %arg16[%swap3A_514, %swap3A_515] {strides = array<i32>} : memref<40x128xf32, #tpu.memory_space<vmem>>, vector<1x16xf32>,
      %swap3A_517 = vector.shape_cast %swap3A_516 : vector<1x16xf32> to vector<16xf32>
      %swap3A_518 = vector.shape_cast %get3A_512 : vector<16xf32> to vector<1x16xf32>
      tpu.vector_store %arg16[%swap3A_514, %swap3A_515], %swap3A_518 {strides = array<i32>} : memref<40x128xf32, #tpu.memory_space<vmem>>, vector<1x16xf32>,
      %get3A_519 = arith.constant 96 : index
      %get3A_520 = tpu.vector_load %arg11[%get3A_519] {strides = array<i32>} : memref<640xf32, #tpu.memory_space<vmem>>, vector<16xf32>,
      %get3A_521 = vector.shape_cast %get3A_520 : vector<16xf32> to vector<16xf32>
      %swap3A_522 = arith.constant 6 : i32
      %swap3A_523 = arith.index_cast %swap3A_522 : i32 to index
      %swap3A_524 = arith.constant 0 : index
      %swap3A_525 = tpu.vector_load %arg16[%swap3A_523, %swap3A_524] {strides = array<i32>} : memref<40x128xf32, #tpu.memory_space<vmem>>, vector<1x16xf32>,
      %swap3A_526 = vector.shape_cast %swap3A_525 : vector<1x16xf32> to vector<16xf32>
      %swap3A_527 = vector.shape_cast %get3A_521 : vector<16xf32> to vector<1x16xf32>
      tpu.vector_store %arg16[%swap3A_523, %swap3A_524], %swap3A_527 {strides = array<i32>} : memref<40x128xf32, #tpu.memory_space<vmem>>, vector<1x16xf32>,
      %get3A_528 = arith.constant 112 : index
      %get3A_529 = tpu.vector_load %arg11[%get3A_528] {strides = array<i32>} : memref<640xf32, #tpu.memory_space<vmem>>, vector<16xf32>,
      %get3A_530 = vector.shape_cast %get3A_529 : vector<16xf32> to vector<16xf32>
      %swap3A_531 = arith.constant 7 : i32
      %swap3A_532 = arith.index_cast %swap3A_531 : i32 to index
      %swap3A_533 = arith.constant 0 : index
      %swap3A_534 = tpu.vector_load %arg16[%swap3A_532, %swap3A_533] {strides = array<i32>} : memref<40x128xf32, #tpu.memory_space<vmem>>, vector<1x16xf32>,
      %swap3A_535 = vector.shape_cast %swap3A_534 : vector<1x16xf32> to vector<16xf32>
      %swap3A_536 = vector.shape_cast %get3A_530 : vector<16xf32> to vector<1x16xf32>
      tpu.vector_store %arg16[%swap3A_532, %swap3A_533], %swap3A_536 {strides = array<i32>} : memref<40x128xf32, #tpu.memory_space<vmem>>, vector<1x16xf32>,
      %get3A_537 = arith.constant 128 : index
      %get3A_538 = tpu.vector_load %arg11[%get3A_537] {strides = array<i32>} : memref<640xf32, #tpu.memory_space<vmem>>, vector<16xf32>,
      %get3A_539 = vector.shape_cast %get3A_538 : vector<16xf32> to vector<16xf32>
      %swap3A_540 = arith.constant 8 : i32
      %swap3A_541 = arith.index_cast %swap3A_540 : i32 to index
      %swap3A_542 = arith.constant 0 : index
      %swap3A_543 = tpu.vector_load %arg16[%swap3A_541, %swap3A_542] {strides = array<i32>} : memref<40x128xf32, #tpu.memory_space<vmem>>, vector<1x16xf32>,
      %swap3A_544 = vector.shape_cast %swap3A_543 : vector<1x16xf32> to vector<16xf32>
      %swap3A_545 = vector.shape_cast %get3A_539 : vector<16xf32> to vector<1x16xf32>
      tpu.vector_store %arg16[%swap3A_541, %swap3A_542], %swap3A_545 {strides = array<i32>} : memref<40x128xf32, #tpu.memory_space<vmem>>, vector<1x16xf32>,
      %get3A_546 = arith.constant 144 : index
      %get3A_547 = tpu.vector_load %arg11[%get3A_546] {strides = array<i32>} : memref<640xf32, #tpu.memory_space<vmem>>, vector<16xf32>,
      %get3A_548 = vector.shape_cast %get3A_547 : vector<16xf32> to vector<16xf32>
      %swap3A_549 = arith.constant 9 : i32
      %swap3A_550 = arith.index_cast %swap3A_549 : i32 to index
      %swap3A_551 = arith.constant 0 : index
      %swap3A_552 = tpu.vector_load %arg16[%swap3A_550, %swap3A_551] {strides = array<i32>} : memref<40x128xf32, #tpu.memory_space<vmem>>, vector<1x16xf32>,
      %swap3A_553 = vector.shape_cast %swap3A_552 : vector<1x16xf32> to vector<16xf32>
      %swap3A_554 = vector.shape_cast %get3A_548 : vector<16xf32> to vector<1x16xf32>
      tpu.vector_store %arg16[%swap3A_550, %swap3A_551], %swap3A_554 {strides = array<i32>} : memref<40x128xf32, #tpu.memory_space<vmem>>, vector<1x16xf32>,
      %get3A_555 = arith.constant 160 : index
      %get3A_556 = tpu.vector_load %arg11[%get3A_555] {strides = array<i32>} : memref<640xf32, #tpu.memory_space<vmem>>, vector<16xf32>,
      %get3A_557 = vector.shape_cast %get3A_556 : vector<16xf32> to vector<16xf32>
      %swap3A_558 = arith.constant 10 : i32
      %swap3A_559 = arith.index_cast %swap3A_558 : i32 to index
      %swap3A_560 = arith.constant 0 : index
      %swap3A_561 = tpu.vector_load %arg16[%swap3A_559, %swap3A_560] {strides = array<i32>} : memref<40x128xf32, #tpu.memory_space<vmem>>, vector<1x16xf32>,
      %swap3A_562 = vector.shape_cast %swap3A_561 : vector<1x16xf32> to vector<16xf32>
      %swap3A_563 = vector.shape_cast %get3A_557 : vector<16xf32> to vector<1x16xf32>
      tpu.vector_store %arg16[%swap3A_559, %swap3A_560], %swap3A_563 {strides = array<i32>} : memref<40x128xf32, #tpu.memory_space<vmem>>, vector<1x16xf32>,
      %get3A_564 = arith.constant 176 : index
      %get3A_565 = tpu.vector_load %arg11[%get3A_564] {strides = array<i32>} : memref<640xf32, #tpu.memory_space<vmem>>, vector<16xf32>,
      %get3A_566 = vector.shape_cast %get3A_565 : vector<16xf32> to vector<16xf32>
      %swap3A_567 = arith.constant 11 : i32
      %swap3A_568 = arith.index_cast %swap3A_567 : i32 to index
      %swap3A_569 = arith.constant 0 : index
      %swap3A_570 = tpu.vector_load %arg16[%swap3A_568, %swap3A_569] {strides = array<i32>} : memref<40x128xf32, #tpu.memory_space<vmem>>, vector<1x16xf32>,
      %swap3A_571 = vector.shape_cast %swap3A_570 : vector<1x16xf32> to vector<16xf32>
      %swap3A_572 = vector.shape_cast %get3A_566 : vector<16xf32> to vector<1x16xf32>
      tpu.vector_store %arg16[%swap3A_568, %swap3A_569], %swap3A_572 {strides = array<i32>} : memref<40x128xf32, #tpu.memory_space<vmem>>, vector<1x16xf32>,
      %get3A_573 = arith.constant 192 : index
      %get3A_574 = tpu.vector_load %arg11[%get3A_573] {strides = array<i32>} : memref<640xf32, #tpu.memory_space<vmem>>, vector<16xf32>,
      %get3A_575 = vector.shape_cast %get3A_574 : vector<16xf32> to vector<16xf32>
      %swap3A_576 = arith.constant 12 : i32
      %swap3A_577 = arith.index_cast %swap3A_576 : i32 to index
      %swap3A_578 = arith.constant 0 : index
      %swap3A_579 = tpu.vector_load %arg16[%swap3A_577, %swap3A_578] {strides = array<i32>} : memref<40x128xf32, #tpu.memory_space<vmem>>, vector<1x16xf32>,
      %swap3A_580 = vector.shape_cast %swap3A_579 : vector<1x16xf32> to vector<16xf32>
      %swap3A_581 = vector.shape_cast %get3A_575 : vector<16xf32> to vector<1x16xf32>
      tpu.vector_store %arg16[%swap3A_577, %swap3A_578], %swap3A_581 {strides = array<i32>} : memref<40x128xf32, #tpu.memory_space<vmem>>, vector<1x16xf32>,
      %get3A_582 = arith.constant 208 : index
      %get3A_583 = tpu.vector_load %arg11[%get3A_582] {strides = array<i32>} : memref<640xf32, #tpu.memory_space<vmem>>, vector<16xf32>,
      %get3A_584 = vector.shape_cast %get3A_583 : vector<16xf32> to vector<16xf32>
      %swap3A_585 = arith.constant 13 : i32
      %swap3A_586 = arith.index_cast %swap3A_585 : i32 to index
      %swap3A_587 = arith.constant 0 : index
      %swap3A_588 = tpu.vector_load %arg16[%swap3A_586, %swap3A_587] {strides = array<i32>} : memref<40x128xf32, #tpu.memory_space<vmem>>, vector<1x16xf32>,
      %swap3A_589 = vector.shape_cast %swap3A_588 : vector<1x16xf32> to vector<16xf32>
      %swap3A_590 = vector.shape_cast %get3A_584 : vector<16xf32> to vector<1x16xf32>
      tpu.vector_store %arg16[%swap3A_586, %swap3A_587], %swap3A_590 {strides = array<i32>} : memref<40x128xf32, #tpu.memory_space<vmem>>, vector<1x16xf32>,
      %get3A_591 = arith.constant 224 : index
      %get3A_592 = tpu.vector_load %arg11[%get3A_591] {strides = array<i32>} : memref<640xf32, #tpu.memory_space<vmem>>, vector<16xf32>,
      %get3A_593 = vector.shape_cast %get3A_592 : vector<16xf32> to vector<16xf32>
      %swap3A_594 = arith.constant 14 : i32
      %swap3A_595 = arith.index_cast %swap3A_594 : i32 to index
      %swap3A_596 = arith.constant 0 : index
      %swap3A_597 = tpu.vector_load %arg16[%swap3A_595, %swap3A_596] {strides = array<i32>} : memref<40x128xf32, #tpu.memory_space<vmem>>, vector<1x16xf32>,
      %swap3A_598 = vector.shape_cast %swap3A_597 : vector<1x16xf32> to vector<16xf32>
      %swap3A_599 = vector.shape_cast %get3A_593 : vector<16xf32> to vector<1x16xf32>
      tpu.vector_store %arg16[%swap3A_595, %swap3A_596], %swap3A_599 {strides = array<i32>} : memref<40x128xf32, #tpu.memory_space<vmem>>, vector<1x16xf32>,
      %get3A_600 = arith.constant 240 : index
      %get3A_601 = tpu.vector_load %arg11[%get3A_600] {strides = array<i32>} : memref<640xf32, #tpu.memory_space<vmem>>, vector<16xf32>,
      %get3A_602 = vector.shape_cast %get3A_601 : vector<16xf32> to vector<16xf32>
      %swap3A_603 = arith.constant 15 : i32
      %swap3A_604 = arith.index_cast %swap3A_603 : i32 to index
      %swap3A_605 = arith.constant 0 : index
      %swap3A_606 = tpu.vector_load %arg16[%swap3A_604, %swap3A_605] {strides = array<i32>} : memref<40x128xf32, #tpu.memory_space<vmem>>, vector<1x16xf32>,
      %swap3A_607 = vector.shape_cast %swap3A_606 : vector<1x16xf32> to vector<16xf32>
      %swap3A_608 = vector.shape_cast %get3A_602 : vector<16xf32> to vector<1x16xf32>
      tpu.vector_store %arg16[%swap3A_604, %swap3A_605], %swap3A_608 {strides = array<i32>} : memref<40x128xf32, #tpu.memory_space<vmem>>, vector<1x16xf32>,
      %get3A_609 = arith.constant 256 : index
      %get3A_610 = tpu.vector_load %arg11[%get3A_609] {strides = array<i32>} : memref<640xf32, #tpu.memory_space<vmem>>, vector<16xf32>,
      %get3A_611 = vector.shape_cast %get3A_610 : vector<16xf32> to vector<16xf32>
      %swap3A_612 = arith.constant 16 : i32
      %swap3A_613 = arith.index_cast %swap3A_612 : i32 to index
      %swap3A_614 = arith.constant 0 : index
      %swap3A_615 = tpu.vector_load %arg16[%swap3A_613, %swap3A_614] {strides = array<i32>} : memref<40x128xf32, #tpu.memory_space<vmem>>, vector<1x16xf32>,
      %swap3A_616 = vector.shape_cast %swap3A_615 : vector<1x16xf32> to vector<16xf32>
      %swap3A_617 = vector.shape_cast %get3A_611 : vector<16xf32> to vector<1x16xf32>
      tpu.vector_store %arg16[%swap3A_613, %swap3A_614], %swap3A_617 {strides = array<i32>} : memref<40x128xf32, #tpu.memory_space<vmem>>, vector<1x16xf32>,
      %get3A_618 = arith.constant 272 : index
      %get3A_619 = tpu.vector_load %arg11[%get3A_618] {strides = array<i32>} : memref<640xf32, #tpu.memory_space<vmem>>, vector<16xf32>,
      %get3A_620 = vector.shape_cast %get3A_619 : vector<16xf32> to vector<16xf32>
      %swap3A_621 = arith.constant 17 : i32
      %swap3A_622 = arith.index_cast %swap3A_621 : i32 to index
      %swap3A_623 = arith.constant 0 : index
      %swap3A_624 = tpu.vector_load %arg16[%swap3A_622, %swap3A_623] {strides = array<i32>} : memref<40x128xf32, #tpu.memory_space<vmem>>, vector<1x16xf32>,
      %swap3A_625 = vector.shape_cast %swap3A_624 : vector<1x16xf32> to vector<16xf32>
      %swap3A_626 = vector.shape_cast %get3A_620 : vector<16xf32> to vector<1x16xf32>
      tpu.vector_store %arg16[%swap3A_622, %swap3A_623], %swap3A_626 {strides = array<i32>} : memref<40x128xf32, #tpu.memory_space<vmem>>, vector<1x16xf32>,
      %get3A_627 = arith.constant 288 : index
      %get3A_628 = tpu.vector_load %arg11[%get3A_627] {strides = array<i32>} : memref<640xf32, #tpu.memory_space<vmem>>, vector<16xf32>,
      %get3A_629 = vector.shape_cast %get3A_628 : vector<16xf32> to vector<16xf32>
      %swap3A_630 = arith.constant 18 : i32
      %swap3A_631 = arith.index_cast %swap3A_630 : i32 to index
      %swap3A_632 = arith.constant 0 : index
      %swap3A_633 = tpu.vector_load %arg16[%swap3A_631, %swap3A_632] {strides = array<i32>} : memref<40x128xf32, #tpu.memory_space<vmem>>, vector<1x16xf32>,
      %swap3A_634 = vector.shape_cast %swap3A_633 : vector<1x16xf32> to vector<16xf32>
      %swap3A_635 = vector.shape_cast %get3A_629 : vector<16xf32> to vector<1x16xf32>
      tpu.vector_store %arg16[%swap3A_631, %swap3A_632], %swap3A_635 {strides = array<i32>} : memref<40x128xf32, #tpu.memory_space<vmem>>, vector<1x16xf32>,
      %get3A_636 = arith.constant 304 : index
      %get3A_637 = tpu.vector_load %arg11[%get3A_636] {strides = array<i32>} : memref<640xf32, #tpu.memory_space<vmem>>, vector<16xf32>,
      %get3A_638 = vector.shape_cast %get3A_637 : vector<16xf32> to vector<16xf32>
      %swap3A_639 = arith.constant 19 : i32
      %swap3A_640 = arith.index_cast %swap3A_639 : i32 to index
      %swap3A_641 = arith.constant 0 : index
      %swap3A_642 = tpu.vector_load %arg16[%swap3A_640, %swap3A_641] {strides = array<i32>} : memref<40x128xf32, #tpu.memory_space<vmem>>, vector<1x16xf32>,
      %swap3A_643 = vector.shape_cast %swap3A_642 : vector<1x16xf32> to vector<16xf32>
      %swap3A_644 = vector.shape_cast %get3A_638 : vector<16xf32> to vector<1x16xf32>
      tpu.vector_store %arg16[%swap3A_640, %swap3A_641], %swap3A_644 {strides = array<i32>} : memref<40x128xf32, #tpu.memory_space<vmem>>, vector<1x16xf32>,
      %get3A_645 = arith.constant 320 : index
      %get3A_646 = tpu.vector_load %arg11[%get3A_645] {strides = array<i32>} : memref<640xf32, #tpu.memory_space<vmem>>, vector<16xf32>,
      %get3A_647 = vector.shape_cast %get3A_646 : vector<16xf32> to vector<16xf32>
      %swap3A_648 = arith.constant 20 : i32
      %swap3A_649 = arith.index_cast %swap3A_648 : i32 to index
      %swap3A_650 = arith.constant 0 : index
      %swap3A_651 = tpu.vector_load %arg16[%swap3A_649, %swap3A_650] {strides = array<i32>} : memref<40x128xf32, #tpu.memory_space<vmem>>, vector<1x16xf32>,
      %swap3A_652 = vector.shape_cast %swap3A_651 : vector<1x16xf32> to vector<16xf32>
      %swap3A_653 = vector.shape_cast %get3A_647 : vector<16xf32> to vector<1x16xf32>
      tpu.vector_store %arg16[%swap3A_649, %swap3A_650], %swap3A_653 {strides = array<i32>} : memref<40x128xf32, #tpu.memory_space<vmem>>, vector<1x16xf32>,
      %get3A_654 = arith.constant 336 : index
      %get3A_655 = tpu.vector_load %arg11[%get3A_654] {strides = array<i32>} : memref<640xf32, #tpu.memory_space<vmem>>, vector<16xf32>,
      %get3A_656 = vector.shape_cast %get3A_655 : vector<16xf32> to vector<16xf32>
      %swap3A_657 = arith.constant 21 : i32
      %swap3A_658 = arith.index_cast %swap3A_657 : i32 to index
      %swap3A_659 = arith.constant 0 : index
      %swap3A_660 = tpu.vector_load %arg16[%swap3A_658, %swap3A_659] {strides = array<i32>} : memref<40x128xf32, #tpu.memory_space<vmem>>, vector<1x16xf32>,
      %swap3A_661 = vector.shape_cast %swap3A_660 : vector<1x16xf32> to vector<16xf32>
      %swap3A_662 = vector.shape_cast %get3A_656 : vector<16xf32> to vector<1x16xf32>
      tpu.vector_store %arg16[%swap3A_658, %swap3A_659], %swap3A_662 {strides = array<i32>} : memref<40x128xf32, #tpu.memory_space<vmem>>, vector<1x16xf32>,
      %get3A_663 = arith.constant 352 : index
      %get3A_664 = tpu.vector_load %arg11[%get3A_663] {strides = array<i32>} : memref<640xf32, #tpu.memory_space<vmem>>, vector<16xf32>,
      %get3A_665 = vector.shape_cast %get3A_664 : vector<16xf32> to vector<16xf32>
      %swap3A_666 = arith.constant 22 : i32
      %swap3A_667 = arith.index_cast %swap3A_666 : i32 to index
      %swap3A_668 = arith.constant 0 : index
      %swap3A_669 = tpu.vector_load %arg16[%swap3A_667, %swap3A_668] {strides = array<i32>} : memref<40x128xf32, #tpu.memory_space<vmem>>, vector<1x16xf32>,
      %swap3A_670 = vector.shape_cast %swap3A_669 : vector<1x16xf32> to vector<16xf32>
      %swap3A_671 = vector.shape_cast %get3A_665 : vector<16xf32> to vector<1x16xf32>
      tpu.vector_store %arg16[%swap3A_667, %swap3A_668], %swap3A_671 {strides = array<i32>} : memref<40x128xf32, #tpu.memory_space<vmem>>, vector<1x16xf32>,
      %get3A_672 = arith.constant 368 : index
      %get3A_673 = tpu.vector_load %arg11[%get3A_672] {strides = array<i32>} : memref<640xf32, #tpu.memory_space<vmem>>, vector<16xf32>,
      %get3A_674 = vector.shape_cast %get3A_673 : vector<16xf32> to vector<16xf32>
      %swap3A_675 = arith.constant 23 : i32
      %swap3A_676 = arith.index_cast %swap3A_675 : i32 to index
      %swap3A_677 = arith.constant 0 : index
      %swap3A_678 = tpu.vector_load %arg16[%swap3A_676, %swap3A_677] {strides = array<i32>} : memref<40x128xf32, #tpu.memory_space<vmem>>, vector<1x16xf32>,
      %swap3A_679 = vector.shape_cast %swap3A_678 : vector<1x16xf32> to vector<16xf32>
      %swap3A_680 = vector.shape_cast %get3A_674 : vector<16xf32> to vector<1x16xf32>
      tpu.vector_store %arg16[%swap3A_676, %swap3A_677], %swap3A_680 {strides = array<i32>} : memref<40x128xf32, #tpu.memory_space<vmem>>, vector<1x16xf32>,
      %get3A_681 = arith.constant 384 : index
      %get3A_682 = tpu.vector_load %arg11[%get3A_681] {strides = array<i32>} : memref<640xf32, #tpu.memory_space<vmem>>, vector<16xf32>,
      %get3A_683 = vector.shape_cast %get3A_682 : vector<16xf32> to vector<16xf32>
      %swap3A_684 = arith.constant 24 : i32
      %swap3A_685 = arith.index_cast %swap3A_684 : i32 to index
      %swap3A_686 = arith.constant 0 : index
      %swap3A_687 = tpu.vector_load %arg16[%swap3A_685, %swap3A_686] {strides = array<i32>} : memref<40x128xf32, #tpu.memory_space<vmem>>, vector<1x16xf32>,
      %swap3A_688 = vector.shape_cast %swap3A_687 : vector<1x16xf32> to vector<16xf32>
      %swap3A_689 = vector.shape_cast %get3A_683 : vector<16xf32> to vector<1x16xf32>
      tpu.vector_store %arg16[%swap3A_685, %swap3A_686], %swap3A_689 {strides = array<i32>} : memref<40x128xf32, #tpu.memory_space<vmem>>, vector<1x16xf32>,
      %get3A_690 = arith.constant 400 : index
      %get3A_691 = tpu.vector_load %arg11[%get3A_690] {strides = array<i32>} : memref<640xf32, #tpu.memory_space<vmem>>, vector<16xf32>,
      %get3A_692 = vector.shape_cast %get3A_691 : vector<16xf32> to vector<16xf32>
      %swap3A_693 = arith.constant 25 : i32
      %swap3A_694 = arith.index_cast %swap3A_693 : i32 to index
      %swap3A_695 = arith.constant 0 : index
      %swap3A_696 = tpu.vector_load %arg16[%swap3A_694, %swap3A_695] {strides = array<i32>} : memref<40x128xf32, #tpu.memory_space<vmem>>, vector<1x16xf32>,
      %swap3A_697 = vector.shape_cast %swap3A_696 : vector<1x16xf32> to vector<16xf32>
      %swap3A_698 = vector.shape_cast %get3A_692 : vector<16xf32> to vector<1x16xf32>
      tpu.vector_store %arg16[%swap3A_694, %swap3A_695], %swap3A_698 {strides = array<i32>} : memref<40x128xf32, #tpu.memory_space<vmem>>, vector<1x16xf32>,
      %get3A_699 = arith.constant 416 : index
      %get3A_700 = tpu.vector_load %arg11[%get3A_699] {strides = array<i32>} : memref<640xf32, #tpu.memory_space<vmem>>, vector<16xf32>,
      %get3A_701 = vector.shape_cast %get3A_700 : vector<16xf32> to vector<16xf32>
      %swap3A_702 = arith.constant 26 : i32
      %swap3A_703 = arith.index_cast %swap3A_702 : i32 to index
      %swap3A_704 = arith.constant 0 : index
      %swap3A_705 = tpu.vector_load %arg16[%swap3A_703, %swap3A_704] {strides = array<i32>} : memref<40x128xf32, #tpu.memory_space<vmem>>, vector<1x16xf32>,
      %swap3A_706 = vector.shape_cast %swap3A_705 : vector<1x16xf32> to vector<16xf32>
      %swap3A_707 = vector.shape_cast %get3A_701 : vector<16xf32> to vector<1x16xf32>
      tpu.vector_store %arg16[%swap3A_703, %swap3A_704], %swap3A_707 {strides = array<i32>} : memref<40x128xf32, #tpu.memory_space<vmem>>, vector<1x16xf32>,
      %get3A_708 = arith.constant 432 : index
      %get3A_709 = tpu.vector_load %arg11[%get3A_708] {strides = array<i32>} : memref<640xf32, #tpu.memory_space<vmem>>, vector<16xf32>,
      %get3A_710 = vector.shape_cast %get3A_709 : vector<16xf32> to vector<16xf32>
      %swap3A_711 = arith.constant 27 : i32
      %swap3A_712 = arith.index_cast %swap3A_711 : i32 to index
      %swap3A_713 = arith.constant 0 : index
      %swap3A_714 = tpu.vector_load %arg16[%swap3A_712, %swap3A_713] {strides = array<i32>} : memref<40x128xf32, #tpu.memory_space<vmem>>, vector<1x16xf32>,
      %swap3A_715 = vector.shape_cast %swap3A_714 : vector<1x16xf32> to vector<16xf32>
      %swap3A_716 = vector.shape_cast %get3A_710 : vector<16xf32> to vector<1x16xf32>
      tpu.vector_store %arg16[%swap3A_712, %swap3A_713], %swap3A_716 {strides = array<i32>} : memref<40x128xf32, #tpu.memory_space<vmem>>, vector<1x16xf32>,
      %get3A_717 = arith.constant 448 : index
      %get3A_718 = tpu.vector_load %arg11[%get3A_717] {strides = array<i32>} : memref<640xf32, #tpu.memory_space<vmem>>, vector<16xf32>,
      %get3A_719 = vector.shape_cast %get3A_718 : vector<16xf32> to vector<16xf32>
      %swap3A_720 = arith.constant 28 : i32
      %swap3A_721 = arith.index_cast %swap3A_720 : i32 to index
      %swap3A_722 = arith.constant 0 : index
      %swap3A_723 = tpu.vector_load %arg16[%swap3A_721, %swap3A_722] {strides = array<i32>} : memref<40x128xf32, #tpu.memory_space<vmem>>, vector<1x16xf32>,
      %swap3A_724 = vector.shape_cast %swap3A_723 : vector<1x16xf32> to vector<16xf32>
      %swap3A_725 = vector.shape_cast %get3A_719 : vector<16xf32> to vector<1x16xf32>
      tpu.vector_store %arg16[%swap3A_721, %swap3A_722], %swap3A_725 {strides = array<i32>} : memref<40x128xf32, #tpu.memory_space<vmem>>, vector<1x16xf32>,
      %get3A_726 = arith.constant 464 : index
      %get3A_727 = tpu.vector_load %arg11[%get3A_726] {strides = array<i32>} : memref<640xf32, #tpu.memory_space<vmem>>, vector<16xf32>,
      %get3A_728 = vector.shape_cast %get3A_727 : vector<16xf32> to vector<16xf32>
      %swap3A_729 = arith.constant 29 : i32
      %swap3A_730 = arith.index_cast %swap3A_729 : i32 to index
      %swap3A_731 = arith.constant 0 : index
      %swap3A_732 = tpu.vector_load %arg16[%swap3A_730, %swap3A_731] {strides = array<i32>} : memref<40x128xf32, #tpu.memory_space<vmem>>, vector<1x16xf32>,
      %swap3A_733 = vector.shape_cast %swap3A_732 : vector<1x16xf32> to vector<16xf32>
      %swap3A_734 = vector.shape_cast %get3A_728 : vector<16xf32> to vector<1x16xf32>
      tpu.vector_store %arg16[%swap3A_730, %swap3A_731], %swap3A_734 {strides = array<i32>} : memref<40x128xf32, #tpu.memory_space<vmem>>, vector<1x16xf32>,
      %get3A_735 = arith.constant 480 : index
      %get3A_736 = tpu.vector_load %arg11[%get3A_735] {strides = array<i32>} : memref<640xf32, #tpu.memory_space<vmem>>, vector<16xf32>,
      %get3A_737 = vector.shape_cast %get3A_736 : vector<16xf32> to vector<16xf32>
      %swap3A_738 = arith.constant 30 : i32
      %swap3A_739 = arith.index_cast %swap3A_738 : i32 to index
      %swap3A_740 = arith.constant 0 : index
      %swap3A_741 = tpu.vector_load %arg16[%swap3A_739, %swap3A_740] {strides = array<i32>} : memref<40x128xf32, #tpu.memory_space<vmem>>, vector<1x16xf32>,
      %swap3A_742 = vector.shape_cast %swap3A_741 : vector<1x16xf32> to vector<16xf32>
      %swap3A_743 = vector.shape_cast %get3A_737 : vector<16xf32> to vector<1x16xf32>
      tpu.vector_store %arg16[%swap3A_739, %swap3A_740], %swap3A_743 {strides = array<i32>} : memref<40x128xf32, #tpu.memory_space<vmem>>, vector<1x16xf32>,
      %get3A_744 = arith.constant 496 : index
      %get3A_745 = tpu.vector_load %arg11[%get3A_744] {strides = array<i32>} : memref<640xf32, #tpu.memory_space<vmem>>, vector<16xf32>,
      %get3A_746 = vector.shape_cast %get3A_745 : vector<16xf32> to vector<16xf32>
      %swap3A_747 = arith.constant 31 : i32
      %swap3A_748 = arith.index_cast %swap3A_747 : i32 to index
      %swap3A_749 = arith.constant 0 : index
      %swap3A_750 = tpu.vector_load %arg16[%swap3A_748, %swap3A_749] {strides = array<i32>} : memref<40x128xf32, #tpu.memory_space<vmem>>, vector<1x16xf32>,
      %swap3A_751 = vector.shape_cast %swap3A_750 : vector<1x16xf32> to vector<16xf32>
      %swap3A_752 = vector.shape_cast %get3A_746 : vector<16xf32> to vector<1x16xf32>
      tpu.vector_store %arg16[%swap3A_748, %swap3A_749], %swap3A_752 {strides = array<i32>} : memref<40x128xf32, #tpu.memory_space<vmem>>, vector<1x16xf32>,
      %get3A_753 = arith.constant 512 : index
      %get3A_754 = tpu.vector_load %arg11[%get3A_753] {strides = array<i32>} : memref<640xf32, #tpu.memory_space<vmem>>, vector<16xf32>,
      %get3A_755 = vector.shape_cast %get3A_754 : vector<16xf32> to vector<16xf32>
      %swap3A_756 = arith.constant 32 : i32
      %swap3A_757 = arith.index_cast %swap3A_756 : i32 to index
      %swap3A_758 = arith.constant 0 : index
      %swap3A_759 = tpu.vector_load %arg16[%swap3A_757, %swap3A_758] {strides = array<i32>} : memref<40x128xf32, #tpu.memory_space<vmem>>, vector<1x16xf32>,
      %swap3A_760 = vector.shape_cast %swap3A_759 : vector<1x16xf32> to vector<16xf32>
      %swap3A_761 = vector.shape_cast %get3A_755 : vector<16xf32> to vector<1x16xf32>
      tpu.vector_store %arg16[%swap3A_757, %swap3A_758], %swap3A_761 {strides = array<i32>} : memref<40x128xf32, #tpu.memory_space<vmem>>, vector<1x16xf32>,
      %get3A_762 = arith.constant 528 : index
      %get3A_763 = tpu.vector_load %arg11[%get3A_762] {strides = array<i32>} : memref<640xf32, #tpu.memory_space<vmem>>, vector<16xf32>,
      %get3A_764 = vector.shape_cast %get3A_763 : vector<16xf32> to vector<16xf32>
      %swap3A_765 = arith.constant 33 : i32
      %swap3A_766 = arith.index_cast %swap3A_765 : i32 to index
      %swap3A_767 = arith.constant 0 : index
      %swap3A_768 = tpu.vector_load %arg16[%swap3A_766, %swap3A_767] {strides = array<i32>} : memref<40x128xf32, #tpu.memory_space<vmem>>, vector<1x16xf32>,
      %swap3A_769 = vector.shape_cast %swap3A_768 : vector<1x16xf32> to vector<16xf32>
      %swap3A_770 = vector.shape_cast %get3A_764 : vector<16xf32> to vector<1x16xf32>
      tpu.vector_store %arg16[%swap3A_766, %swap3A_767], %swap3A_770 {strides = array<i32>} : memref<40x128xf32, #tpu.memory_space<vmem>>, vector<1x16xf32>,
      %get3A_771 = arith.constant 544 : index
      %get3A_772 = tpu.vector_load %arg11[%get3A_771] {strides = array<i32>} : memref<640xf32, #tpu.memory_space<vmem>>, vector<16xf32>,
      %get3A_773 = vector.shape_cast %get3A_772 : vector<16xf32> to vector<16xf32>
      %swap3A_774 = arith.constant 34 : i32
      %swap3A_775 = arith.index_cast %swap3A_774 : i32 to index
      %swap3A_776 = arith.constant 0 : index
      %swap3A_777 = tpu.vector_load %arg16[%swap3A_775, %swap3A_776] {strides = array<i32>} : memref<40x128xf32, #tpu.memory_space<vmem>>, vector<1x16xf32>,
      %swap3A_778 = vector.shape_cast %swap3A_777 : vector<1x16xf32> to vector<16xf32>
      %swap3A_779 = vector.shape_cast %get3A_773 : vector<16xf32> to vector<1x16xf32>
      tpu.vector_store %arg16[%swap3A_775, %swap3A_776], %swap3A_779 {strides = array<i32>} : memref<40x128xf32, #tpu.memory_space<vmem>>, vector<1x16xf32>,
      %get3A_780 = arith.constant 560 : index
      %get3A_781 = tpu.vector_load %arg11[%get3A_780] {strides = array<i32>} : memref<640xf32, #tpu.memory_space<vmem>>, vector<16xf32>,
      %get3A_782 = vector.shape_cast %get3A_781 : vector<16xf32> to vector<16xf32>
      %swap3A_783 = arith.constant 35 : i32
      %swap3A_784 = arith.index_cast %swap3A_783 : i32 to index
      %swap3A_785 = arith.constant 0 : index
      %swap3A_786 = tpu.vector_load %arg16[%swap3A_784, %swap3A_785] {strides = array<i32>} : memref<40x128xf32, #tpu.memory_space<vmem>>, vector<1x16xf32>,
      %swap3A_787 = vector.shape_cast %swap3A_786 : vector<1x16xf32> to vector<16xf32>
      %swap3A_788 = vector.shape_cast %get3A_782 : vector<16xf32> to vector<1x16xf32>
      tpu.vector_store %arg16[%swap3A_784, %swap3A_785], %swap3A_788 {strides = array<i32>} : memref<40x128xf32, #tpu.memory_space<vmem>>, vector<1x16xf32>,
      %get3A_789 = arith.constant 576 : index
      %get3A_790 = tpu.vector_load %arg11[%get3A_789] {strides = array<i32>} : memref<640xf32, #tpu.memory_space<vmem>>, vector<16xf32>,
      %get3A_791 = vector.shape_cast %get3A_790 : vector<16xf32> to vector<16xf32>
      %swap3A_792 = arith.constant 36 : i32
      %swap3A_793 = arith.index_cast %swap3A_792 : i32 to index
      %swap3A_794 = arith.constant 0 : index
      %swap3A_795 = tpu.vector_load %arg16[%swap3A_793, %swap3A_794] {strides = array<i32>} : memref<40x128xf32, #tpu.memory_space<vmem>>, vector<1x16xf32>,
      %swap3A_796 = vector.shape_cast %swap3A_795 : vector<1x16xf32> to vector<16xf32>
      %swap3A_797 = vector.shape_cast %get3A_791 : vector<16xf32> to vector<1x16xf32>
      tpu.vector_store %arg16[%swap3A_793, %swap3A_794], %swap3A_797 {strides = array<i32>} : memref<40x128xf32, #tpu.memory_space<vmem>>, vector<1x16xf32>,
      %get3A_798 = arith.constant 592 : index
      %get3A_799 = tpu.vector_load %arg11[%get3A_798] {strides = array<i32>} : memref<640xf32, #tpu.memory_space<vmem>>, vector<16xf32>,
      %get3A_800 = vector.shape_cast %get3A_799 : vector<16xf32> to vector<16xf32>
      %swap3A_801 = arith.constant 37 : i32
      %swap3A_802 = arith.index_cast %swap3A_801 : i32 to index
      %swap3A_803 = arith.constant 0 : index
      %swap3A_804 = tpu.vector_load %arg16[%swap3A_802, %swap3A_803] {strides = array<i32>} : memref<40x128xf32, #tpu.memory_space<vmem>>, vector<1x16xf32>,
      %swap3A_805 = vector.shape_cast %swap3A_804 : vector<1x16xf32> to vector<16xf32>
      %swap3A_806 = vector.shape_cast %get3A_800 : vector<16xf32> to vector<1x16xf32>
      tpu.vector_store %arg16[%swap3A_802, %swap3A_803], %swap3A_806 {strides = array<i32>} : memref<40x128xf32, #tpu.memory_space<vmem>>, vector<1x16xf32>,
      %get3A_807 = arith.constant 608 : index
      %get3A_808 = tpu.vector_load %arg11[%get3A_807] {strides = array<i32>} : memref<640xf32, #tpu.memory_space<vmem>>, vector<16xf32>,
      %get3A_809 = vector.shape_cast %get3A_808 : vector<16xf32> to vector<16xf32>
      %swap3A_810 = arith.constant 38 : i32
      %swap3A_811 = arith.index_cast %swap3A_810 : i32 to index
      %swap3A_812 = arith.constant 0 : index
      %swap3A_813 = tpu.vector_load %arg16[%swap3A_811, %swap3A_812] {strides = array<i32>} : memref<40x128xf32, #tpu.memory_space<vmem>>, vector<1x16xf32>,
      %swap3A_814 = vector.shape_cast %swap3A_813 : vector<1x16xf32> to vector<16xf32>
      %swap3A_815 = vector.shape_cast %get3A_809 : vector<16xf32> to vector<1x16xf32>
      tpu.vector_store %arg16[%swap3A_811, %swap3A_812], %swap3A_815 {strides = array<i32>} : memref<40x128xf32, #tpu.memory_space<vmem>>, vector<1x16xf32>,
      %get3A_816 = arith.constant 624 : index
      %get3A_817 = tpu.vector_load %arg11[%get3A_816] {strides = array<i32>} : memref<640xf32, #tpu.memory_space<vmem>>, vector<16xf32>,
      %get3A_818 = vector.shape_cast %get3A_817 : vector<16xf32> to vector<16xf32>
      %swap3A_819 = arith.constant 39 : i32
      %swap3A_820 = arith.index_cast %swap3A_819 : i32 to index
      %swap3A_821 = arith.constant 0 : index
      %swap3A_822 = tpu.vector_load %arg16[%swap3A_820, %swap3A_821] {strides = array<i32>} : memref<40x128xf32, #tpu.memory_space<vmem>>, vector<1x16xf32>,
      %swap3A_823 = vector.shape_cast %swap3A_822 : vector<1x16xf32> to vector<16xf32>
      %swap3A_824 = vector.shape_cast %get3A_818 : vector<16xf32> to vector<1x16xf32>
      tpu.vector_store %arg16[%swap3A_820, %swap3A_821], %swap3A_824 {strides = array<i32>} : memref<40x128xf32, #tpu.memory_space<vmem>>, vector<1x16xf32>,
      %dma_start3A_825 = arith.constant 0 : i32
      %dma_start3A_826 = arith.constant 0 : i32
      %dma_start3A_827 = tpu.memref_slice %arg20[%dma_start3A_825, %dma_start3A_826] : memref<10240x128xf32, #tpu.memory_space<vmem_shared>> -> memref<10240x128xf32, #tpu.memory_space<vmem_shared>>
      tpu.enqueue_indirect_dma source(%arg16 : memref<40x128xf32, #tpu.memory_space<vmem>>) target(%dma_start3A_827 : memref<10240x128xf32, #tpu.memory_space<vmem_shared>>) offsets(%arg6 : memref<40xi32, #tpu.memory_space<vmem>>) semaphore(%arg27 : memref<!tpu.dma_semaphore, #tpu.memory_space<semaphore_mem>>) {add = true}
      %dma_wait3A_828 = arith.constant 0 : i32
      %dma_wait3A_829 = tpu.memref_slice %arg2[%dma_wait3A_828] : memref<320000xi32, #tpu.memory_space<hbm>> -> memref<40xi32, #tpu.memory_space<hbm>>
      %dma_wait3A_830 = arith.constant 0 : i32
      %dma_wait3A_831 = tpu.memref_slice %arg2[%dma_wait3A_830] : memref<320000xi32, #tpu.memory_space<hbm>> -> memref<40xi32, #tpu.memory_space<hbm>>
      tpu.wait_dma2 semaphore(%arg23 : memref<!tpu.dma_semaphore, #tpu.memory_space<semaphore_mem>>) src(%dma_wait3A_831 : memref<40xi32, #tpu.memory_space<hbm>>) dst(%arg7 : memref<40xi32, #tpu.memory_space<vmem>>)
      %dma_wait3A_832 = arith.constant 0 : i32
      %dma_wait3A_833 = tpu.memref_slice %arg3[%dma_wait3A_832] : memref<5120000xf32, #tpu.memory_space<hbm>> -> memref<640xf32, #tpu.memory_space<hbm>>
      %dma_wait3A_834 = arith.constant 0 : i32
      %dma_wait3A_835 = tpu.memref_slice %arg3[%dma_wait3A_834] : memref<5120000xf32, #tpu.memory_space<hbm>> -> memref<640xf32, #tpu.memory_space<hbm>>
      tpu.wait_dma2 semaphore(%arg23 : memref<!tpu.dma_semaphore, #tpu.memory_space<semaphore_mem>>) src(%dma_wait3A_835 : memref<640xf32, #tpu.memory_space<hbm>>) dst(%arg12 : memref<640xf32, #tpu.memory_space<vmem>>)
      %get3A_836 = arith.constant 0 : index
      %get3A_837 = tpu.vector_load %arg12[%get3A_836] {strides = array<i32>} : memref<640xf32, #tpu.memory_space<vmem>>, vector<16xf32>,
      %get3A_838 = vector.shape_cast %get3A_837 : vector<16xf32> to vector<16xf32>
      %swap3A_839 = arith.constant 0 : i32
      %swap3A_840 = arith.index_cast %swap3A_839 : i32 to index
      %swap3A_841 = arith.constant 0 : index
      %swap3A_842 = tpu.vector_load %arg17[%swap3A_840, %swap3A_841] {strides = array<i32>} : memref<40x128xf32, #tpu.memory_space<vmem>>, vector<1x16xf32>,
      %swap3A_843 = vector.shape_cast %swap3A_842 : vector<1x16xf32> to vector<16xf32>
      %swap3A_844 = vector.shape_cast %get3A_838 : vector<16xf32> to vector<1x16xf32>
      tpu.vector_store %arg17[%swap3A_840, %swap3A_841], %swap3A_844 {strides = array<i32>} : memref<40x128xf32, #tpu.memory_space<vmem>>, vector<1x16xf32>,
      %get3A_845 = arith.constant 16 : index
      %get3A_846 = tpu.vector_load %arg12[%get3A_845] {strides = array<i32>} : memref<640xf32, #tpu.memory_space<vmem>>, vector<16xf32>,
      %get3A_847 = vector.shape_cast %get3A_846 : vector<16xf32> to vector<16xf32>
      %swap3A_848 = arith.constant 1 : i32
      %swap3A_849 = arith.index_cast %swap3A_848 : i32 to index
      %swap3A_850 = arith.constant 0 : index
      %swap3A_851 = tpu.vector_load %arg17[%swap3A_849, %swap3A_850] {strides = array<i32>} : memref<40x128xf32, #tpu.memory_space<vmem>>, vector<1x16xf32>,
      %swap3A_852 = vector.shape_cast %swap3A_851 : vector<1x16xf32> to vector<16xf32>
      %swap3A_853 = vector.shape_cast %get3A_847 : vector<16xf32> to vector<1x16xf32>
      tpu.vector_store %arg17[%swap3A_849, %swap3A_850], %swap3A_853 {strides = array<i32>} : memref<40x128xf32, #tpu.memory_space<vmem>>, vector<1x16xf32>,
      %get3A_854 = arith.constant 32 : index
      %get3A_855 = tpu.vector_load %arg12[%get3A_854] {strides = array<i32>} : memref<640xf32, #tpu.memory_space<vmem>>, vector<16xf32>,
      %get3A_856 = vector.shape_cast %get3A_855 : vector<16xf32> to vector<16xf32>
      %swap3A_857 = arith.constant 2 : i32
      %swap3A_858 = arith.index_cast %swap3A_857 : i32 to index
      %swap3A_859 = arith.constant 0 : index
      %swap3A_860 = tpu.vector_load %arg17[%swap3A_858, %swap3A_859] {strides = array<i32>} : memref<40x128xf32, #tpu.memory_space<vmem>>, vector<1x16xf32>,
      %swap3A_861 = vector.shape_cast %swap3A_860 : vector<1x16xf32> to vector<16xf32>
      %swap3A_862 = vector.shape_cast %get3A_856 : vector<16xf32> to vector<1x16xf32>
      tpu.vector_store %arg17[%swap3A_858, %swap3A_859], %swap3A_862 {strides = array<i32>} : memref<40x128xf32, #tpu.memory_space<vmem>>, vector<1x16xf32>,
      %get3A_863 = arith.constant 48 : index
      %get3A_864 = tpu.vector_load %arg12[%get3A_863] {strides = array<i32>} : memref<640xf32, #tpu.memory_space<vmem>>, vector<16xf32>,
      %get3A_865 = vector.shape_cast %get3A_864 : vector<16xf32> to vector<16xf32>
      %swap3A_866 = arith.constant 3 : i32
      %swap3A_867 = arith.index_cast %swap3A_866 : i32 to index
      %swap3A_868 = arith.constant 0 : index
      %swap3A_869 = tpu.vector_load %arg17[%swap3A_867, %swap3A_868] {strides = array<i32>} : memref<40x128xf32, #tpu.memory_space<vmem>>, vector<1x16xf32>,
      %swap3A_870 = vector.shape_cast %swap3A_869 : vector<1x16xf32> to vector<16xf32>
      %swap3A_871 = vector.shape_cast %get3A_865 : vector<16xf32> to vector<1x16xf32>
      tpu.vector_store %arg17[%swap3A_867, %swap3A_868], %swap3A_871 {strides = array<i32>} : memref<40x128xf32, #tpu.memory_space<vmem>>, vector<1x16xf32>,
      %get3A_872 = arith.constant 64 : index
      %get3A_873 = tpu.vector_load %arg12[%get3A_872] {strides = array<i32>} : memref<640xf32, #tpu.memory_space<vmem>>, vector<16xf32>,
      %get3A_874 = vector.shape_cast %get3A_873 : vector<16xf32> to vector<16xf32>
      %swap3A_875 = arith.constant 4 : i32
      %swap3A_876 = arith.index_cast %swap3A_875 : i32 to index
      %swap3A_877 = arith.constant 0 : index
      %swap3A_878 = tpu.vector_load %arg17[%swap3A_876, %swap3A_877] {strides = array<i32>} : memref<40x128xf32, #tpu.memory_space<vmem>>, vector<1x16xf32>,
      %swap3A_879 = vector.shape_cast %swap3A_878 : vector<1x16xf32> to vector<16xf32>
      %swap3A_880 = vector.shape_cast %get3A_874 : vector<16xf32> to vector<1x16xf32>
      tpu.vector_store %arg17[%swap3A_876, %swap3A_877], %swap3A_880 {strides = array<i32>} : memref<40x128xf32, #tpu.memory_space<vmem>>, vector<1x16xf32>,
      %get3A_881 = arith.constant 80 : index
      %get3A_882 = tpu.vector_load %arg12[%get3A_881] {strides = array<i32>} : memref<640xf32, #tpu.memory_space<vmem>>, vector<16xf32>,
      %get3A_883 = vector.shape_cast %get3A_882 : vector<16xf32> to vector<16xf32>
      %swap3A_884 = arith.constant 5 : i32
      %swap3A_885 = arith.index_cast %swap3A_884 : i32 to index
      %swap3A_886 = arith.constant 0 : index
      %swap3A_887 = tpu.vector_load %arg17[%swap3A_885, %swap3A_886] {strides = array<i32>} : memref<40x128xf32, #tpu.memory_space<vmem>>, vector<1x16xf32>,
      %swap3A_888 = vector.shape_cast %swap3A_887 : vector<1x16xf32> to vector<16xf32>
      %swap3A_889 = vector.shape_cast %get3A_883 : vector<16xf32> to vector<1x16xf32>
      tpu.vector_store %arg17[%swap3A_885, %swap3A_886], %swap3A_889 {strides = array<i32>} : memref<40x128xf32, #tpu.memory_space<vmem>>, vector<1x16xf32>,
      %get3A_890 = arith.constant 96 : index
      %get3A_891 = tpu.vector_load %arg12[%get3A_890] {strides = array<i32>} : memref<640xf32, #tpu.memory_space<vmem>>, vector<16xf32>,
      %get3A_892 = vector.shape_cast %get3A_891 : vector<16xf32> to vector<16xf32>
      %swap3A_893 = arith.constant 6 : i32
      %swap3A_894 = arith.index_cast %swap3A_893 : i32 to index
      %swap3A_895 = arith.constant 0 : index
      %swap3A_896 = tpu.vector_load %arg17[%swap3A_894, %swap3A_895] {strides = array<i32>} : memref<40x128xf32, #tpu.memory_space<vmem>>, vector<1x16xf32>,
      %swap3A_897 = vector.shape_cast %swap3A_896 : vector<1x16xf32> to vector<16xf32>
      %swap3A_898 = vector.shape_cast %get3A_892 : vector<16xf32> to vector<1x16xf32>
      tpu.vector_store %arg17[%swap3A_894, %swap3A_895], %swap3A_898 {strides = array<i32>} : memref<40x128xf32, #tpu.memory_space<vmem>>, vector<1x16xf32>,
      %get3A_899 = arith.constant 112 : index
      %get3A_900 = tpu.vector_load %arg12[%get3A_899] {strides = array<i32>} : memref<640xf32, #tpu.memory_space<vmem>>, vector<16xf32>,
      %get3A_901 = vector.shape_cast %get3A_900 : vector<16xf32> to vector<16xf32>
      %swap3A_902 = arith.constant 7 : i32
      %swap3A_903 = arith.index_cast %swap3A_902 : i32 to index
      %swap3A_904 = arith.constant 0 : index
      %swap3A_905 = tpu.vector_load %arg17[%swap3A_903, %swap3A_904] {strides = array<i32>} : memref<40x128xf32, #tpu.memory_space<vmem>>, vector<1x16xf32>,
      %swap3A_906 = vector.shape_cast %swap3A_905 : vector<1x16xf32> to vector<16xf32>
      %swap3A_907 = vector.shape_cast %get3A_901 : vector<16xf32> to vector<1x16xf32>
      tpu.vector_store %arg17[%swap3A_903, %swap3A_904], %swap3A_907 {strides = array<i32>} : memref<40x128xf32, #tpu.memory_space<vmem>>, vector<1x16xf32>,
      %get3A_908 = arith.constant 128 : index
      %get3A_909 = tpu.vector_load %arg12[%get3A_908] {strides = array<i32>} : memref<640xf32, #tpu.memory_space<vmem>>, vector<16xf32>,
      %get3A_910 = vector.shape_cast %get3A_909 : vector<16xf32> to vector<16xf32>
      %swap3A_911 = arith.constant 8 : i32
      %swap3A_912 = arith.index_cast %swap3A_911 : i32 to index
      %swap3A_913 = arith.constant 0 : index
      %swap3A_914 = tpu.vector_load %arg17[%swap3A_912, %swap3A_913] {strides = array<i32>} : memref<40x128xf32, #tpu.memory_space<vmem>>, vector<1x16xf32>,
      %swap3A_915 = vector.shape_cast %swap3A_914 : vector<1x16xf32> to vector<16xf32>
      %swap3A_916 = vector.shape_cast %get3A_910 : vector<16xf32> to vector<1x16xf32>
      tpu.vector_store %arg17[%swap3A_912, %swap3A_913], %swap3A_916 {strides = array<i32>} : memref<40x128xf32, #tpu.memory_space<vmem>>, vector<1x16xf32>,
      %get3A_917 = arith.constant 144 : index
      %get3A_918 = tpu.vector_load %arg12[%get3A_917] {strides = array<i32>} : memref<640xf32, #tpu.memory_space<vmem>>, vector<16xf32>,
      %get3A_919 = vector.shape_cast %get3A_918 : vector<16xf32> to vector<16xf32>
      %swap3A_920 = arith.constant 9 : i32
      %swap3A_921 = arith.index_cast %swap3A_920 : i32 to index
      %swap3A_922 = arith.constant 0 : index
      %swap3A_923 = tpu.vector_load %arg17[%swap3A_921, %swap3A_922] {strides = array<i32>} : memref<40x128xf32, #tpu.memory_space<vmem>>, vector<1x16xf32>,
      %swap3A_924 = vector.shape_cast %swap3A_923 : vector<1x16xf32> to vector<16xf32>
      %swap3A_925 = vector.shape_cast %get3A_919 : vector<16xf32> to vector<1x16xf32>
      tpu.vector_store %arg17[%swap3A_921, %swap3A_922], %swap3A_925 {strides = array<i32>} : memref<40x128xf32, #tpu.memory_space<vmem>>, vector<1x16xf32>,
      %get3A_926 = arith.constant 160 : index
      %get3A_927 = tpu.vector_load %arg12[%get3A_926] {strides = array<i32>} : memref<640xf32, #tpu.memory_space<vmem>>, vector<16xf32>,
      %get3A_928 = vector.shape_cast %get3A_927 : vector<16xf32> to vector<16xf32>
      %swap3A_929 = arith.constant 10 : i32
      %swap3A_930 = arith.index_cast %swap3A_929 : i32 to index
      %swap3A_931 = arith.constant 0 : index
      %swap3A_932 = tpu.vector_load %arg17[%swap3A_930, %swap3A_931] {strides = array<i32>} : memref<40x128xf32, #tpu.memory_space<vmem>>, vector<1x16xf32>,
      %swap3A_933 = vector.shape_cast %swap3A_932 : vector<1x16xf32> to vector<16xf32>
      %swap3A_934 = vector.shape_cast %get3A_928 : vector<16xf32> to vector<1x16xf32>
      tpu.vector_store %arg17[%swap3A_930, %swap3A_931], %swap3A_934 {strides = array<i32>} : memref<40x128xf32, #tpu.memory_space<vmem>>, vector<1x16xf32>,
      %get3A_935 = arith.constant 176 : index
      %get3A_936 = tpu.vector_load %arg12[%get3A_935] {strides = array<i32>} : memref<640xf32, #tpu.memory_space<vmem>>, vector<16xf32>,
      %get3A_937 = vector.shape_cast %get3A_936 : vector<16xf32> to vector<16xf32>
      %swap3A_938 = arith.constant 11 : i32
      %swap3A_939 = arith.index_cast %swap3A_938 : i32 to index
      %swap3A_940 = arith.constant 0 : index
      %swap3A_941 = tpu.vector_load %arg17[%swap3A_939, %swap3A_940] {strides = array<i32>} : memref<40x128xf32, #tpu.memory_space<vmem>>, vector<1x16xf32>,
      %swap3A_942 = vector.shape_cast %swap3A_941 : vector<1x16xf32> to vector<16xf32>
      %swap3A_943 = vector.shape_cast %get3A_937 : vector<16xf32> to vector<1x16xf32>
      tpu.vector_store %arg17[%swap3A_939, %swap3A_940], %swap3A_943 {strides = array<i32>} : memref<40x128xf32, #tpu.memory_space<vmem>>, vector<1x16xf32>,
      %get3A_944 = arith.constant 192 : index
      %get3A_945 = tpu.vector_load %arg12[%get3A_944] {strides = array<i32>} : memref<640xf32, #tpu.memory_space<vmem>>, vector<16xf32>,
      %get3A_946 = vector.shape_cast %get3A_945 : vector<16xf32> to vector<16xf32>
      %swap3A_947 = arith.constant 12 : i32
      %swap3A_948 = arith.index_cast %swap3A_947 : i32 to index
      %swap3A_949 = arith.constant 0 : index
      %swap3A_950 = tpu.vector_load %arg17[%swap3A_948, %swap3A_949] {strides = array<i32>} : memref<40x128xf32, #tpu.memory_space<vmem>>, vector<1x16xf32>,
      %swap3A_951 = vector.shape_cast %swap3A_950 : vector<1x16xf32> to vector<16xf32>
      %swap3A_952 = vector.shape_cast %get3A_946 : vector<16xf32> to vector<1x16xf32>
      tpu.vector_store %arg17[%swap3A_948, %swap3A_949], %swap3A_952 {strides = array<i32>} : memref<40x128xf32, #tpu.memory_space<vmem>>, vector<1x16xf32>,
      %get3A_953 = arith.constant 208 : index
      %get3A_954 = tpu.vector_load %arg12[%get3A_953] {strides = array<i32>} : memref<640xf32, #tpu.memory_space<vmem>>, vector<16xf32>,
      %get3A_955 = vector.shape_cast %get3A_954 : vector<16xf32> to vector<16xf32>
      %swap3A_956 = arith.constant 13 : i32
      %swap3A_957 = arith.index_cast %swap3A_956 : i32 to index
      %swap3A_958 = arith.constant 0 : index
      %swap3A_959 = tpu.vector_load %arg17[%swap3A_957, %swap3A_958] {strides = array<i32>} : memref<40x128xf32, #tpu.memory_space<vmem>>, vector<1x16xf32>,
      %swap3A_960 = vector.shape_cast %swap3A_959 : vector<1x16xf32> to vector<16xf32>
      %swap3A_961 = vector.shape_cast %get3A_955 : vector<16xf32> to vector<1x16xf32>
      tpu.vector_store %arg17[%swap3A_957, %swap3A_958], %swap3A_961 {strides = array<i32>} : memref<40x128xf32, #tpu.memory_space<vmem>>, vector<1x16xf32>,
      %get3A_962 = arith.constant 224 : index
      %get3A_963 = tpu.vector_load %arg12[%get3A_962] {strides = array<i32>} : memref<640xf32, #tpu.memory_space<vmem>>, vector<16xf32>,
      %get3A_964 = vector.shape_cast %get3A_963 : vector<16xf32> to vector<16xf32>
      %swap3A_965 = arith.constant 14 : i32
      %swap3A_966 = arith.index_cast %swap3A_965 : i32 to index
      %swap3A_967 = arith.constant 0 : index
      %swap3A_968 = tpu.vector_load %arg17[%swap3A_966, %swap3A_967] {strides = array<i32>} : memref<40x128xf32, #tpu.memory_space<vmem>>, vector<1x16xf32>,
      %swap3A_969 = vector.shape_cast %swap3A_968 : vector<1x16xf32> to vector<16xf32>
      %swap3A_970 = vector.shape_cast %get3A_964 : vector<16xf32> to vector<1x16xf32>
      tpu.vector_store %arg17[%swap3A_966, %swap3A_967], %swap3A_970 {strides = array<i32>} : memref<40x128xf32, #tpu.memory_space<vmem>>, vector<1x16xf32>,
      %get3A_971 = arith.constant 240 : index
      %get3A_972 = tpu.vector_load %arg12[%get3A_971] {strides = array<i32>} : memref<640xf32, #tpu.memory_space<vmem>>, vector<16xf32>,
      %get3A_973 = vector.shape_cast %get3A_972 : vector<16xf32> to vector<16xf32>
      %swap3A_974 = arith.constant 15 : i32
      %swap3A_975 = arith.index_cast %swap3A_974 : i32 to index
      %swap3A_976 = arith.constant 0 : index
      %swap3A_977 = tpu.vector_load %arg17[%swap3A_975, %swap3A_976] {strides = array<i32>} : memref<40x128xf32, #tpu.memory_space<vmem>>, vector<1x16xf32>,
      %swap3A_978 = vector.shape_cast %swap3A_977 : vector<1x16xf32> to vector<16xf32>
      %swap3A_979 = vector.shape_cast %get3A_973 : vector<16xf32> to vector<1x16xf32>
      tpu.vector_store %arg17[%swap3A_975, %swap3A_976], %swap3A_979 {strides = array<i32>} : memref<40x128xf32, #tpu.memory_space<vmem>>, vector<1x16xf32>,
      %get3A_980 = arith.constant 256 : index
      %get3A_981 = tpu.vector_load %arg12[%get3A_980] {strides = array<i32>} : memref<640xf32, #tpu.memory_space<vmem>>, vector<16xf32>,
      %get3A_982 = vector.shape_cast %get3A_981 : vector<16xf32> to vector<16xf32>
      %swap3A_983 = arith.constant 16 : i32
      %swap3A_984 = arith.index_cast %swap3A_983 : i32 to index
      %swap3A_985 = arith.constant 0 : index
      %swap3A_986 = tpu.vector_load %arg17[%swap3A_984, %swap3A_985] {strides = array<i32>} : memref<40x128xf32, #tpu.memory_space<vmem>>, vector<1x16xf32>,
      %swap3A_987 = vector.shape_cast %swap3A_986 : vector<1x16xf32> to vector<16xf32>
      %swap3A_988 = vector.shape_cast %get3A_982 : vector<16xf32> to vector<1x16xf32>
      tpu.vector_store %arg17[%swap3A_984, %swap3A_985], %swap3A_988 {strides = array<i32>} : memref<40x128xf32, #tpu.memory_space<vmem>>, vector<1x16xf32>,
      %get3A_989 = arith.constant 272 : index
      %get3A_990 = tpu.vector_load %arg12[%get3A_989] {strides = array<i32>} : memref<640xf32, #tpu.memory_space<vmem>>, vector<16xf32>,
      %get3A_991 = vector.shape_cast %get3A_990 : vector<16xf32> to vector<16xf32>
      %swap3A_992 = arith.constant 17 : i32
      %swap3A_993 = arith.index_cast %swap3A_992 : i32 to index
      %swap3A_994 = arith.constant 0 : index
      %swap3A_995 = tpu.vector_load %arg17[%swap3A_993, %swap3A_994] {strides = array<i32>} : memref<40x128xf32, #tpu.memory_space<vmem>>, vector<1x16xf32>,
      %swap3A_996 = vector.shape_cast %swap3A_995 : vector<1x16xf32> to vector<16xf32>
      %swap3A_997 = vector.shape_cast %get3A_991 : vector<16xf32> to vector<1x16xf32>
      tpu.vector_store %arg17[%swap3A_993, %swap3A_994], %swap3A_997 {strides = array<i32>} : memref<40x128xf32, #tpu.memory_space<vmem>>, vector<1x16xf32>,
      %get3A_998 = arith.constant 288 : index
      %get3A_999 = tpu.vector_load %arg12[%get3A_998] {strides = array<i32>} : memref<640xf32, #tpu.memory_space<vmem>>, vector<16xf32>,
      %get3A_1000 = vector.shape_cast %get3A_999 : vector<16xf32> to vector<16xf32>
      %swap3A_1001 = arith.constant 18 : i32
      %swap3A_1002 = arith.index_cast %swap3A_1001 : i32 to index
      %swap3A_1003 = arith.constant 0 : index
      %swap3A_1004 = tpu.vector_load %arg17[%swap3A_1002, %swap3A_1003] {strides = array<i32>} : memref<40x128xf32, #tpu.memory_space<vmem>>, vector<1x16xf32>,
      %swap3A_1005 = vector.shape_cast %swap3A_1004 : vector<1x16xf32> to vector<16xf32>
      %swap3A_1006 = vector.shape_cast %get3A_1000 : vector<16xf32> to vector<1x16xf32>
      tpu.vector_store %arg17[%swap3A_1002, %swap3A_1003], %swap3A_1006 {strides = array<i32>} : memref<40x128xf32, #tpu.memory_space<vmem>>, vector<1x16xf32>,
      %get3A_1007 = arith.constant 304 : index
      %get3A_1008 = tpu.vector_load %arg12[%get3A_1007] {strides = array<i32>} : memref<640xf32, #tpu.memory_space<vmem>>, vector<16xf32>,
      %get3A_1009 = vector.shape_cast %get3A_1008 : vector<16xf32> to vector<16xf32>
      %swap3A_1010 = arith.constant 19 : i32
      %swap3A_1011 = arith.index_cast %swap3A_1010 : i32 to index
      %swap3A_1012 = arith.constant 0 : index
      %swap3A_1013 = tpu.vector_load %arg17[%swap3A_1011, %swap3A_1012] {strides = array<i32>} : memref<40x128xf32, #tpu.memory_space<vmem>>, vector<1x16xf32>,
      %swap3A_1014 = vector.shape_cast %swap3A_1013 : vector<1x16xf32> to vector<16xf32>
      %swap3A_1015 = vector.shape_cast %get3A_1009 : vector<16xf32> to vector<1x16xf32>
      tpu.vector_store %arg17[%swap3A_1011, %swap3A_1012], %swap3A_1015 {strides = array<i32>} : memref<40x128xf32, #tpu.memory_space<vmem>>, vector<1x16xf32>,
      %get3A_1016 = arith.constant 320 : index
      %get3A_1017 = tpu.vector_load %arg12[%get3A_1016] {strides = array<i32>} : memref<640xf32, #tpu.memory_space<vmem>>, vector<16xf32>,
      %get3A_1018 = vector.shape_cast %get3A_1017 : vector<16xf32> to vector<16xf32>
      %swap3A_1019 = arith.constant 20 : i32
      %swap3A_1020 = arith.index_cast %swap3A_1019 : i32 to index
      %swap3A_1021 = arith.constant 0 : index
      %swap3A_1022 = tpu.vector_load %arg17[%swap3A_1020, %swap3A_1021] {strides = array<i32>} : memref<40x128xf32, #tpu.memory_space<vmem>>, vector<1x16xf32>,
      %swap3A_1023 = vector.shape_cast %swap3A_1022 : vector<1x16xf32> to vector<16xf32>
      %swap3A_1024 = vector.shape_cast %get3A_1018 : vector<16xf32> to vector<1x16xf32>
      tpu.vector_store %arg17[%swap3A_1020, %swap3A_1021], %swap3A_1024 {strides = array<i32>} : memref<40x128xf32, #tpu.memory_space<vmem>>, vector<1x16xf32>,
      %get3A_1025 = arith.constant 336 : index
      %get3A_1026 = tpu.vector_load %arg12[%get3A_1025] {strides = array<i32>} : memref<640xf32, #tpu.memory_space<vmem>>, vector<16xf32>,
      %get3A_1027 = vector.shape_cast %get3A_1026 : vector<16xf32> to vector<16xf32>
      %swap3A_1028 = arith.constant 21 : i32
      %swap3A_1029 = arith.index_cast %swap3A_1028 : i32 to index
      %swap3A_1030 = arith.constant 0 : index
      %swap3A_1031 = tpu.vector_load %arg17[%swap3A_1029, %swap3A_1030] {strides = array<i32>} : memref<40x128xf32, #tpu.memory_space<vmem>>, vector<1x16xf32>,
      %swap3A_1032 = vector.shape_cast %swap3A_1031 : vector<1x16xf32> to vector<16xf32>
      %swap3A_1033 = vector.shape_cast %get3A_1027 : vector<16xf32> to vector<1x16xf32>
      tpu.vector_store %arg17[%swap3A_1029, %swap3A_1030], %swap3A_1033 {strides = array<i32>} : memref<40x128xf32, #tpu.memory_space<vmem>>, vector<1x16xf32>,
      %get3A_1034 = arith.constant 352 : index
      %get3A_1035 = tpu.vector_load %arg12[%get3A_1034] {strides = array<i32>} : memref<640xf32, #tpu.memory_space<vmem>>, vector<16xf32>,
      %get3A_1036 = vector.shape_cast %get3A_1035 : vector<16xf32> to vector<16xf32>
      %swap3A_1037 = arith.constant 22 : i32
      %swap3A_1038 = arith.index_cast %swap3A_1037 : i32 to index
      %swap3A_1039 = arith.constant 0 : index
      %swap3A_1040 = tpu.vector_load %arg17[%swap3A_1038, %swap3A_1039] {strides = array<i32>} : memref<40x128xf32, #tpu.memory_space<vmem>>, vector<1x16xf32>,
      %swap3A_1041 = vector.shape_cast %swap3A_1040 : vector<1x16xf32> to vector<16xf32>
      %swap3A_1042 = vector.shape_cast %get3A_1036 : vector<16xf32> to vector<1x16xf32>
      tpu.vector_store %arg17[%swap3A_1038, %swap3A_1039], %swap3A_1042 {strides = array<i32>} : memref<40x128xf32, #tpu.memory_space<vmem>>, vector<1x16xf32>,
      %get3A_1043 = arith.constant 368 : index
      %get3A_1044 = tpu.vector_load %arg12[%get3A_1043] {strides = array<i32>} : memref<640xf32, #tpu.memory_space<vmem>>, vector<16xf32>,
      %get3A_1045 = vector.shape_cast %get3A_1044 : vector<16xf32> to vector<16xf32>
      %swap3A_1046 = arith.constant 23 : i32
      %swap3A_1047 = arith.index_cast %swap3A_1046 : i32 to index
      %swap3A_1048 = arith.constant 0 : index
      %swap3A_1049 = tpu.vector_load %arg17[%swap3A_1047, %swap3A_1048] {strides = array<i32>} : memref<40x128xf32, #tpu.memory_space<vmem>>, vector<1x16xf32>,
      %swap3A_1050 = vector.shape_cast %swap3A_1049 : vector<1x16xf32> to vector<16xf32>
      %swap3A_1051 = vector.shape_cast %get3A_1045 : vector<16xf32> to vector<1x16xf32>
      tpu.vector_store %arg17[%swap3A_1047, %swap3A_1048], %swap3A_1051 {strides = array<i32>} : memref<40x128xf32, #tpu.memory_space<vmem>>, vector<1x16xf32>,
      %get3A_1052 = arith.constant 384 : index
      %get3A_1053 = tpu.vector_load %arg12[%get3A_1052] {strides = array<i32>} : memref<640xf32, #tpu.memory_space<vmem>>, vector<16xf32>,
      %get3A_1054 = vector.shape_cast %get3A_1053 : vector<16xf32> to vector<16xf32>
      %swap3A_1055 = arith.constant 24 : i32
      %swap3A_1056 = arith.index_cast %swap3A_1055 : i32 to index
      %swap3A_1057 = arith.constant 0 : index
      %swap3A_1058 = tpu.vector_load %arg17[%swap3A_1056, %swap3A_1057] {strides = array<i32>} : memref<40x128xf32, #tpu.memory_space<vmem>>, vector<1x16xf32>,
      %swap3A_1059 = vector.shape_cast %swap3A_1058 : vector<1x16xf32> to vector<16xf32>
      %swap3A_1060 = vector.shape_cast %get3A_1054 : vector<16xf32> to vector<1x16xf32>
      tpu.vector_store %arg17[%swap3A_1056, %swap3A_1057], %swap3A_1060 {strides = array<i32>} : memref<40x128xf32, #tpu.memory_space<vmem>>, vector<1x16xf32>,
      %get3A_1061 = arith.constant 400 : index
      %get3A_1062 = tpu.vector_load %arg12[%get3A_1061] {strides = array<i32>} : memref<640xf32, #tpu.memory_space<vmem>>, vector<16xf32>,
      %get3A_1063 = vector.shape_cast %get3A_1062 : vector<16xf32> to vector<16xf32>
      %swap3A_1064 = arith.constant 25 : i32
      %swap3A_1065 = arith.index_cast %swap3A_1064 : i32 to index
      %swap3A_1066 = arith.constant 0 : index
      %swap3A_1067 = tpu.vector_load %arg17[%swap3A_1065, %swap3A_1066] {strides = array<i32>} : memref<40x128xf32, #tpu.memory_space<vmem>>, vector<1x16xf32>,
      %swap3A_1068 = vector.shape_cast %swap3A_1067 : vector<1x16xf32> to vector<16xf32>
      %swap3A_1069 = vector.shape_cast %get3A_1063 : vector<16xf32> to vector<1x16xf32>
      tpu.vector_store %arg17[%swap3A_1065, %swap3A_1066], %swap3A_1069 {strides = array<i32>} : memref<40x128xf32, #tpu.memory_space<vmem>>, vector<1x16xf32>,
      %get3A_1070 = arith.constant 416 : index
      %get3A_1071 = tpu.vector_load %arg12[%get3A_1070] {strides = array<i32>} : memref<640xf32, #tpu.memory_space<vmem>>, vector<16xf32>,
      %get3A_1072 = vector.shape_cast %get3A_1071 : vector<16xf32> to vector<16xf32>
      %swap3A_1073 = arith.constant 26 : i32
      %swap3A_1074 = arith.index_cast %swap3A_1073 : i32 to index
      %swap3A_1075 = arith.constant 0 : index
      %swap3A_1076 = tpu.vector_load %arg17[%swap3A_1074, %swap3A_1075] {strides = array<i32>} : memref<40x128xf32, #tpu.memory_space<vmem>>, vector<1x16xf32>,
      %swap3A_1077 = vector.shape_cast %swap3A_1076 : vector<1x16xf32> to vector<16xf32>
      %swap3A_1078 = vector.shape_cast %get3A_1072 : vector<16xf32> to vector<1x16xf32>
      tpu.vector_store %arg17[%swap3A_1074, %swap3A_1075], %swap3A_1078 {strides = array<i32>} : memref<40x128xf32, #tpu.memory_space<vmem>>, vector<1x16xf32>,
      %get3A_1079 = arith.constant 432 : index
      %get3A_1080 = tpu.vector_load %arg12[%get3A_1079] {strides = array<i32>} : memref<640xf32, #tpu.memory_space<vmem>>, vector<16xf32>,
      %get3A_1081 = vector.shape_cast %get3A_1080 : vector<16xf32> to vector<16xf32>
      %swap3A_1082 = arith.constant 27 : i32
      %swap3A_1083 = arith.index_cast %swap3A_1082 : i32 to index
      %swap3A_1084 = arith.constant 0 : index
      %swap3A_1085 = tpu.vector_load %arg17[%swap3A_1083, %swap3A_1084] {strides = array<i32>} : memref<40x128xf32, #tpu.memory_space<vmem>>, vector<1x16xf32>,
      %swap3A_1086 = vector.shape_cast %swap3A_1085 : vector<1x16xf32> to vector<16xf32>
      %swap3A_1087 = vector.shape_cast %get3A_1081 : vector<16xf32> to vector<1x16xf32>
      tpu.vector_store %arg17[%swap3A_1083, %swap3A_1084], %swap3A_1087 {strides = array<i32>} : memref<40x128xf32, #tpu.memory_space<vmem>>, vector<1x16xf32>,
      %get3A_1088 = arith.constant 448 : index
      %get3A_1089 = tpu.vector_load %arg12[%get3A_1088] {strides = array<i32>} : memref<640xf32, #tpu.memory_space<vmem>>, vector<16xf32>,
      %get3A_1090 = vector.shape_cast %get3A_1089 : vector<16xf32> to vector<16xf32>
      %swap3A_1091 = arith.constant 28 : i32
      %swap3A_1092 = arith.index_cast %swap3A_1091 : i32 to index
      %swap3A_1093 = arith.constant 0 : index
      %swap3A_1094 = tpu.vector_load %arg17[%swap3A_1092, %swap3A_1093] {strides = array<i32>} : memref<40x128xf32, #tpu.memory_space<vmem>>, vector<1x16xf32>,
      %swap3A_1095 = vector.shape_cast %swap3A_1094 : vector<1x16xf32> to vector<16xf32>
      %swap3A_1096 = vector.shape_cast %get3A_1090 : vector<16xf32> to vector<1x16xf32>
      tpu.vector_store %arg17[%swap3A_1092, %swap3A_1093], %swap3A_1096 {strides = array<i32>} : memref<40x128xf32, #tpu.memory_space<vmem>>, vector<1x16xf32>,
      %get3A_1097 = arith.constant 464 : index
      %get3A_1098 = tpu.vector_load %arg12[%get3A_1097] {strides = array<i32>} : memref<640xf32, #tpu.memory_space<vmem>>, vector<16xf32>,
      %get3A_1099 = vector.shape_cast %get3A_1098 : vector<16xf32> to vector<16xf32>
      %swap3A_1100 = arith.constant 29 : i32
      %swap3A_1101 = arith.index_cast %swap3A_1100 : i32 to index
      %swap3A_1102 = arith.constant 0 : index
      %swap3A_1103 = tpu.vector_load %arg17[%swap3A_1101, %swap3A_1102] {strides = array<i32>} : memref<40x128xf32, #tpu.memory_space<vmem>>, vector<1x16xf32>,
      %swap3A_1104 = vector.shape_cast %swap3A_1103 : vector<1x16xf32> to vector<16xf32>
      %swap3A_1105 = vector.shape_cast %get3A_1099 : vector<16xf32> to vector<1x16xf32>
      tpu.vector_store %arg17[%swap3A_1101, %swap3A_1102], %swap3A_1105 {strides = array<i32>} : memref<40x128xf32, #tpu.memory_space<vmem>>, vector<1x16xf32>,
      %get3A_1106 = arith.constant 480 : index
      %get3A_1107 = tpu.vector_load %arg12[%get3A_1106] {strides = array<i32>} : memref<640xf32, #tpu.memory_space<vmem>>, vector<16xf32>,
      %get3A_1108 = vector.shape_cast %get3A_1107 : vector<16xf32> to vector<16xf32>
      %swap3A_1109 = arith.constant 30 : i32
      %swap3A_1110 = arith.index_cast %swap3A_1109 : i32 to index
      %swap3A_1111 = arith.constant 0 : index
      %swap3A_1112 = tpu.vector_load %arg17[%swap3A_1110, %swap3A_1111] {strides = array<i32>} : memref<40x128xf32, #tpu.memory_space<vmem>>, vector<1x16xf32>,
      %swap3A_1113 = vector.shape_cast %swap3A_1112 : vector<1x16xf32> to vector<16xf32>
      %swap3A_1114 = vector.shape_cast %get3A_1108 : vector<16xf32> to vector<1x16xf32>
      tpu.vector_store %arg17[%swap3A_1110, %swap3A_1111], %swap3A_1114 {strides = array<i32>} : memref<40x128xf32, #tpu.memory_space<vmem>>, vector<1x16xf32>,
      %get3A_1115 = arith.constant 496 : index
      %get3A_1116 = tpu.vector_load %arg12[%get3A_1115] {strides = array<i32>} : memref<640xf32, #tpu.memory_space<vmem>>, vector<16xf32>,
      %get3A_1117 = vector.shape_cast %get3A_1116 : vector<16xf32> to vector<16xf32>
      %swap3A_1118 = arith.constant 31 : i32
      %swap3A_1119 = arith.index_cast %swap3A_1118 : i32 to index
      %swap3A_1120 = arith.constant 0 : index
      %swap3A_1121 = tpu.vector_load %arg17[%swap3A_1119, %swap3A_1120] {strides = array<i32>} : memref<40x128xf32, #tpu.memory_space<vmem>>, vector<1x16xf32>,
      %swap3A_1122 = vector.shape_cast %swap3A_1121 : vector<1x16xf32> to vector<16xf32>
      %swap3A_1123 = vector.shape_cast %get3A_1117 : vector<16xf32> to vector<1x16xf32>
      tpu.vector_store %arg17[%swap3A_1119, %swap3A_1120], %swap3A_1123 {strides = array<i32>} : memref<40x128xf32, #tpu.memory_space<vmem>>, vector<1x16xf32>,
      %get3A_1124 = arith.constant 512 : index
      %get3A_1125 = tpu.vector_load %arg12[%get3A_1124] {strides = array<i32>} : memref<640xf32, #tpu.memory_space<vmem>>, vector<16xf32>,
      %get3A_1126 = vector.shape_cast %get3A_1125 : vector<16xf32> to vector<16xf32>
      %swap3A_1127 = arith.constant 32 : i32
      %swap3A_1128 = arith.index_cast %swap3A_1127 : i32 to index
      %swap3A_1129 = arith.constant 0 : index
      %swap3A_1130 = tpu.vector_load %arg17[%swap3A_1128, %swap3A_1129] {strides = array<i32>} : memref<40x128xf32, #tpu.memory_space<vmem>>, vector<1x16xf32>,
      %swap3A_1131 = vector.shape_cast %swap3A_1130 : vector<1x16xf32> to vector<16xf32>
      %swap3A_1132 = vector.shape_cast %get3A_1126 : vector<16xf32> to vector<1x16xf32>
      tpu.vector_store %arg17[%swap3A_1128, %swap3A_1129], %swap3A_1132 {strides = array<i32>} : memref<40x128xf32, #tpu.memory_space<vmem>>, vector<1x16xf32>,
      %get3A_1133 = arith.constant 528 : index
      %get3A_1134 = tpu.vector_load %arg12[%get3A_1133] {strides = array<i32>} : memref<640xf32, #tpu.memory_space<vmem>>, vector<16xf32>,
      %get3A_1135 = vector.shape_cast %get3A_1134 : vector<16xf32> to vector<16xf32>
      %swap3A_1136 = arith.constant 33 : i32
      %swap3A_1137 = arith.index_cast %swap3A_1136 : i32 to index
      %swap3A_1138 = arith.constant 0 : index
      %swap3A_1139 = tpu.vector_load %arg17[%swap3A_1137, %swap3A_1138] {strides = array<i32>} : memref<40x128xf32, #tpu.memory_space<vmem>>, vector<1x16xf32>,
      %swap3A_1140 = vector.shape_cast %swap3A_1139 : vector<1x16xf32> to vector<16xf32>
      %swap3A_1141 = vector.shape_cast %get3A_1135 : vector<16xf32> to vector<1x16xf32>
      tpu.vector_store %arg17[%swap3A_1137, %swap3A_1138], %swap3A_1141 {strides = array<i32>} : memref<40x128xf32, #tpu.memory_space<vmem>>, vector<1x16xf32>,
      %get3A_1142 = arith.constant 544 : index
      %get3A_1143 = tpu.vector_load %arg12[%get3A_1142] {strides = array<i32>} : memref<640xf32, #tpu.memory_space<vmem>>, vector<16xf32>,
      %get3A_1144 = vector.shape_cast %get3A_1143 : vector<16xf32> to vector<16xf32>
      %swap3A_1145 = arith.constant 34 : i32
      %swap3A_1146 = arith.index_cast %swap3A_1145 : i32 to index
      %swap3A_1147 = arith.constant 0 : index
      %swap3A_1148 = tpu.vector_load %arg17[%swap3A_1146, %swap3A_1147] {strides = array<i32>} : memref<40x128xf32, #tpu.memory_space<vmem>>, vector<1x16xf32>,
      %swap3A_1149 = vector.shape_cast %swap3A_1148 : vector<1x16xf32> to vector<16xf32>
      %swap3A_1150 = vector.shape_cast %get3A_1144 : vector<16xf32> to vector<1x16xf32>
      tpu.vector_store %arg17[%swap3A_1146, %swap3A_1147], %swap3A_1150 {strides = array<i32>} : memref<40x128xf32, #tpu.memory_space<vmem>>, vector<1x16xf32>,
      %get3A_1151 = arith.constant 560 : index
      %get3A_1152 = tpu.vector_load %arg12[%get3A_1151] {strides = array<i32>} : memref<640xf32, #tpu.memory_space<vmem>>, vector<16xf32>,
      %get3A_1153 = vector.shape_cast %get3A_1152 : vector<16xf32> to vector<16xf32>
      %swap3A_1154 = arith.constant 35 : i32
      %swap3A_1155 = arith.index_cast %swap3A_1154 : i32 to index
      %swap3A_1156 = arith.constant 0 : index
      %swap3A_1157 = tpu.vector_load %arg17[%swap3A_1155, %swap3A_1156] {strides = array<i32>} : memref<40x128xf32, #tpu.memory_space<vmem>>, vector<1x16xf32>,
      %swap3A_1158 = vector.shape_cast %swap3A_1157 : vector<1x16xf32> to vector<16xf32>
      %swap3A_1159 = vector.shape_cast %get3A_1153 : vector<16xf32> to vector<1x16xf32>
      tpu.vector_store %arg17[%swap3A_1155, %swap3A_1156], %swap3A_1159 {strides = array<i32>} : memref<40x128xf32, #tpu.memory_space<vmem>>, vector<1x16xf32>,
      %get3A_1160 = arith.constant 576 : index
      %get3A_1161 = tpu.vector_load %arg12[%get3A_1160] {strides = array<i32>} : memref<640xf32, #tpu.memory_space<vmem>>, vector<16xf32>,
      %get3A_1162 = vector.shape_cast %get3A_1161 : vector<16xf32> to vector<16xf32>
      %swap3A_1163 = arith.constant 36 : i32
      %swap3A_1164 = arith.index_cast %swap3A_1163 : i32 to index
      %swap3A_1165 = arith.constant 0 : index
      %swap3A_1166 = tpu.vector_load %arg17[%swap3A_1164, %swap3A_1165] {strides = array<i32>} : memref<40x128xf32, #tpu.memory_space<vmem>>, vector<1x16xf32>,
      %swap3A_1167 = vector.shape_cast %swap3A_1166 : vector<1x16xf32> to vector<16xf32>
      %swap3A_1168 = vector.shape_cast %get3A_1162 : vector<16xf32> to vector<1x16xf32>
      tpu.vector_store %arg17[%swap3A_1164, %swap3A_1165], %swap3A_1168 {strides = array<i32>} : memref<40x128xf32, #tpu.memory_space<vmem>>, vector<1x16xf32>,
      %get3A_1169 = arith.constant 592 : index
      %get3A_1170 = tpu.vector_load %arg12[%get3A_1169] {strides = array<i32>} : memref<640xf32, #tpu.memory_space<vmem>>, vector<16xf32>,
      %get3A_1171 = vector.shape_cast %get3A_1170 : vector<16xf32> to vector<16xf32>
      %swap3A_1172 = arith.constant 37 : i32
      %swap3A_1173 = arith.index_cast %swap3A_1172 : i32 to index
      %swap3A_1174 = arith.constant 0 : index
      %swap3A_1175 = tpu.vector_load %arg17[%swap3A_1173, %swap3A_1174] {strides = array<i32>} : memref<40x128xf32, #tpu.memory_space<vmem>>, vector<1x16xf32>,
      %swap3A_1176 = vector.shape_cast %swap3A_1175 : vector<1x16xf32> to vector<16xf32>
      %swap3A_1177 = vector.shape_cast %get3A_1171 : vector<16xf32> to vector<1x16xf32>
      tpu.vector_store %arg17[%swap3A_1173, %swap3A_1174], %swap3A_1177 {strides = array<i32>} : memref<40x128xf32, #tpu.memory_space<vmem>>, vector<1x16xf32>,
      %get3A_1178 = arith.constant 608 : index
      %get3A_1179 = tpu.vector_load %arg12[%get3A_1178] {strides = array<i32>} : memref<640xf32, #tpu.memory_space<vmem>>, vector<16xf32>,
      %get3A_1180 = vector.shape_cast %get3A_1179 : vector<16xf32> to vector<16xf32>
      %swap3A_1181 = arith.constant 38 : i32
      %swap3A_1182 = arith.index_cast %swap3A_1181 : i32 to index
      %swap3A_1183 = arith.constant 0 : index
      %swap3A_1184 = tpu.vector_load %arg17[%swap3A_1182, %swap3A_1183] {strides = array<i32>} : memref<40x128xf32, #tpu.memory_space<vmem>>, vector<1x16xf32>,
      %swap3A_1185 = vector.shape_cast %swap3A_1184 : vector<1x16xf32> to vector<16xf32>
      %swap3A_1186 = vector.shape_cast %get3A_1180 : vector<16xf32> to vector<1x16xf32>
      tpu.vector_store %arg17[%swap3A_1182, %swap3A_1183], %swap3A_1186 {strides = array<i32>} : memref<40x128xf32, #tpu.memory_space<vmem>>, vector<1x16xf32>,
      %get3A_1187 = arith.constant 624 : index
      %get3A_1188 = tpu.vector_load %arg12[%get3A_1187] {strides = array<i32>} : memref<640xf32, #tpu.memory_space<vmem>>, vector<16xf32>,
      %get3A_1189 = vector.shape_cast %get3A_1188 : vector<16xf32> to vector<16xf32>
      %swap3A_1190 = arith.constant 39 : i32
      %swap3A_1191 = arith.index_cast %swap3A_1190 : i32 to index
      %swap3A_1192 = arith.constant 0 : index
      %swap3A_1193 = tpu.vector_load %arg17[%swap3A_1191, %swap3A_1192] {strides = array<i32>} : memref<40x128xf32, #tpu.memory_space<vmem>>, vector<1x16xf32>,
      %swap3A_1194 = vector.shape_cast %swap3A_1193 : vector<1x16xf32> to vector<16xf32>
      %swap3A_1195 = vector.shape_cast %get3A_1189 : vector<16xf32> to vector<1x16xf32>
      tpu.vector_store %arg17[%swap3A_1191, %swap3A_1192], %swap3A_1195 {strides = array<i32>} : memref<40x128xf32, #tpu.memory_space<vmem>>, vector<1x16xf32>,
      %dma_start3A_1196 = arith.constant 0 : i32
      %dma_start3A_1197 = arith.constant 0 : i32
      %dma_start3A_1198 = tpu.memref_slice %arg20[%dma_start3A_1196, %dma_start3A_1197] : memref<10240x128xf32, #tpu.memory_space<vmem_shared>> -> memref<10240x128xf32, #tpu.memory_space<vmem_shared>>
      tpu.enqueue_indirect_dma source(%arg17 : memref<40x128xf32, #tpu.memory_space<vmem>>) target(%dma_start3A_1198 : memref<10240x128xf32, #tpu.memory_space<vmem_shared>>) offsets(%arg7 : memref<40xi32, #tpu.memory_space<vmem>>) semaphore(%arg28 : memref<!tpu.dma_semaphore, #tpu.memory_space<semaphore_mem>>) {add = true}
      %dma_wait3A_1199 = arith.constant 0 : i32
      %dma_wait3A_1200 = tpu.memref_slice %arg2[%dma_wait3A_1199] : memref<320000xi32, #tpu.memory_space<hbm>> -> memref<40xi32, #tpu.memory_space<hbm>>
      %dma_wait3A_1201 = arith.constant 0 : i32
      %dma_wait3A_1202 = tpu.memref_slice %arg2[%dma_wait3A_1201] : memref<320000xi32, #tpu.memory_space<hbm>> -> memref<40xi32, #tpu.memory_space<hbm>>
      tpu.wait_dma2 semaphore(%arg24 : memref<!tpu.dma_semaphore, #tpu.memory_space<semaphore_mem>>) src(%dma_wait3A_1202 : memref<40xi32, #tpu.memory_space<hbm>>) dst(%arg8 : memref<40xi32, #tpu.memory_space<vmem>>)
      %dma_wait3A_1203 = arith.constant 0 : i32
      %dma_wait3A_1204 = tpu.memref_slice %arg3[%dma_wait3A_1203] : memref<5120000xf32, #tpu.memory_space<hbm>> -> memref<640xf32, #tpu.memory_space<hbm>>
      %dma_wait3A_1205 = arith.constant 0 : i32
      %dma_wait3A_1206 = tpu.memref_slice %arg3[%dma_wait3A_1205] : memref<5120000xf32, #tpu.memory_space<hbm>> -> memref<640xf32, #tpu.memory_space<hbm>>
      tpu.wait_dma2 semaphore(%arg24 : memref<!tpu.dma_semaphore, #tpu.memory_space<semaphore_mem>>) src(%dma_wait3A_1206 : memref<640xf32, #tpu.memory_space<hbm>>) dst(%arg13 : memref<640xf32, #tpu.memory_space<vmem>>)
      %get3A_1207 = arith.constant 0 : index
      %get3A_1208 = tpu.vector_load %arg13[%get3A_1207] {strides = array<i32>} : memref<640xf32, #tpu.memory_space<vmem>>, vector<16xf32>,
      %get3A_1209 = vector.shape_cast %get3A_1208 : vector<16xf32> to vector<16xf32>
      %swap3A_1210 = arith.constant 0 : i32
      %swap3A_1211 = arith.index_cast %swap3A_1210 : i32 to index
      %swap3A_1212 = arith.constant 0 : index
      %swap3A_1213 = tpu.vector_load %arg18[%swap3A_1211, %swap3A_1212] {strides = array<i32>} : memref<40x128xf32, #tpu.memory_space<vmem>>, vector<1x16xf32>,
      %swap3A_1214 = vector.shape_cast %swap3A_1213 : vector<1x16xf32> to vector<16xf32>
      %swap3A_1215 = vector.shape_cast %get3A_1209 : vector<16xf32> to vector<1x16xf32>
      tpu.vector_store %arg18[%swap3A_1211, %swap3A_1212], %swap3A_1215 {strides = array<i32>} : memref<40x128xf32, #tpu.memory_space<vmem>>, vector<1x16xf32>,
      %get3A_1216 = arith.constant 16 : index
      %get3A_1217 = tpu.vector_load %arg13[%get3A_1216] {strides = array<i32>} : memref<640xf32, #tpu.memory_space<vmem>>, vector<16xf32>,
      %get3A_1218 = vector.shape_cast %get3A_1217 : vector<16xf32> to vector<16xf32>
      %swap3A_1219 = arith.constant 1 : i32
      %swap3A_1220 = arith.index_cast %swap3A_1219 : i32 to index
      %swap3A_1221 = arith.constant 0 : index
      %swap3A_1222 = tpu.vector_load %arg18[%swap3A_1220, %swap3A_1221] {strides = array<i32>} : memref<40x128xf32, #tpu.memory_space<vmem>>, vector<1x16xf32>,
      %swap3A_1223 = vector.shape_cast %swap3A_1222 : vector<1x16xf32> to vector<16xf32>
      %swap3A_1224 = vector.shape_cast %get3A_1218 : vector<16xf32> to vector<1x16xf32>
      tpu.vector_store %arg18[%swap3A_1220, %swap3A_1221], %swap3A_1224 {strides = array<i32>} : memref<40x128xf32, #tpu.memory_space<vmem>>, vector<1x16xf32>,
      %get3A_1225 = arith.constant 32 : index
      %get3A_1226 = tpu.vector_load %arg13[%get3A_1225] {strides = array<i32>} : memref<640xf32, #tpu.memory_space<vmem>>, vector<16xf32>,
      %get3A_1227 = vector.shape_cast %get3A_1226 : vector<16xf32> to vector<16xf32>
      %swap3A_1228 = arith.constant 2 : i32
      %swap3A_1229 = arith.index_cast %swap3A_1228 : i32 to index
      %swap3A_1230 = arith.constant 0 : index
      %swap3A_1231 = tpu.vector_load %arg18[%swap3A_1229, %swap3A_1230] {strides = array<i32>} : memref<40x128xf32, #tpu.memory_space<vmem>>, vector<1x16xf32>,
      %swap3A_1232 = vector.shape_cast %swap3A_1231 : vector<1x16xf32> to vector<16xf32>
      %swap3A_1233 = vector.shape_cast %get3A_1227 : vector<16xf32> to vector<1x16xf32>
      tpu.vector_store %arg18[%swap3A_1229, %swap3A_1230], %swap3A_1233 {strides = array<i32>} : memref<40x128xf32, #tpu.memory_space<vmem>>, vector<1x16xf32>,
      %get3A_1234 = arith.constant 48 : index
      %get3A_1235 = tpu.vector_load %arg13[%get3A_1234] {strides = array<i32>} : memref<640xf32, #tpu.memory_space<vmem>>, vector<16xf32>,
      %get3A_1236 = vector.shape_cast %get3A_1235 : vector<16xf32> to vector<16xf32>
      %swap3A_1237 = arith.constant 3 : i32
      %swap3A_1238 = arith.index_cast %swap3A_1237 : i32 to index
      %swap3A_1239 = arith.constant 0 : index
      %swap3A_1240 = tpu.vector_load %arg18[%swap3A_1238, %swap3A_1239] {strides = array<i32>} : memref<40x128xf32, #tpu.memory_space<vmem>>, vector<1x16xf32>,
      %swap3A_1241 = vector.shape_cast %swap3A_1240 : vector<1x16xf32> to vector<16xf32>
      %swap3A_1242 = vector.shape_cast %get3A_1236 : vector<16xf32> to vector<1x16xf32>
      tpu.vector_store %arg18[%swap3A_1238, %swap3A_1239], %swap3A_1242 {strides = array<i32>} : memref<40x128xf32, #tpu.memory_space<vmem>>, vector<1x16xf32>,
      %get3A_1243 = arith.constant 64 : index
      %get3A_1244 = tpu.vector_load %arg13[%get3A_1243] {strides = array<i32>} : memref<640xf32, #tpu.memory_space<vmem>>, vector<16xf32>,
      %get3A_1245 = vector.shape_cast %get3A_1244 : vector<16xf32> to vector<16xf32>
      %swap3A_1246 = arith.constant 4 : i32
      %swap3A_1247 = arith.index_cast %swap3A_1246 : i32 to index
      %swap3A_1248 = arith.constant 0 : index
      %swap3A_1249 = tpu.vector_load %arg18[%swap3A_1247, %swap3A_1248] {strides = array<i32>} : memref<40x128xf32, #tpu.memory_space<vmem>>, vector<1x16xf32>,
      %swap3A_1250 = vector.shape_cast %swap3A_1249 : vector<1x16xf32> to vector<16xf32>
      %swap3A_1251 = vector.shape_cast %get3A_1245 : vector<16xf32> to vector<1x16xf32>
      tpu.vector_store %arg18[%swap3A_1247, %swap3A_1248], %swap3A_1251 {strides = array<i32>} : memref<40x128xf32, #tpu.memory_space<vmem>>, vector<1x16xf32>,
      %get3A_1252 = arith.constant 80 : index
      %get3A_1253 = tpu.vector_load %arg13[%get3A_1252] {strides = array<i32>} : memref<640xf32, #tpu.memory_space<vmem>>, vector<16xf32>,
      %get3A_1254 = vector.shape_cast %get3A_1253 : vector<16xf32> to vector<16xf32>
      %swap3A_1255 = arith.constant 5 : i32
      %swap3A_1256 = arith.index_cast %swap3A_1255 : i32 to index
      %swap3A_1257 = arith.constant 0 : index
      %swap3A_1258 = tpu.vector_load %arg18[%swap3A_1256, %swap3A_1257] {strides = array<i32>} : memref<40x128xf32, #tpu.memory_space<vmem>>, vector<1x16xf32>,
      %swap3A_1259 = vector.shape_cast %swap3A_1258 : vector<1x16xf32> to vector<16xf32>
      %swap3A_1260 = vector.shape_cast %get3A_1254 : vector<16xf32> to vector<1x16xf32>
      tpu.vector_store %arg18[%swap3A_1256, %swap3A_1257], %swap3A_1260 {strides = array<i32>} : memref<40x128xf32, #tpu.memory_space<vmem>>, vector<1x16xf32>,
      %get3A_1261 = arith.constant 96 : index
      %get3A_1262 = tpu.vector_load %arg13[%get3A_1261] {strides = array<i32>} : memref<640xf32, #tpu.memory_space<vmem>>, vector<16xf32>,
      %get3A_1263 = vector.shape_cast %get3A_1262 : vector<16xf32> to vector<16xf32>
      %swap3A_1264 = arith.constant 6 : i32
      %swap3A_1265 = arith.index_cast %swap3A_1264 : i32 to index
      %swap3A_1266 = arith.constant 0 : index
      %swap3A_1267 = tpu.vector_load %arg18[%swap3A_1265, %swap3A_1266] {strides = array<i32>} : memref<40x128xf32, #tpu.memory_space<vmem>>, vector<1x16xf32>,
      %swap3A_1268 = vector.shape_cast %swap3A_1267 : vector<1x16xf32> to vector<16xf32>
      %swap3A_1269 = vector.shape_cast %get3A_1263 : vector<16xf32> to vector<1x16xf32>
      tpu.vector_store %arg18[%swap3A_1265, %swap3A_1266], %swap3A_1269 {strides = array<i32>} : memref<40x128xf32, #tpu.memory_space<vmem>>, vector<1x16xf32>,
      %get3A_1270 = arith.constant 112 : index
      %get3A_1271 = tpu.vector_load %arg13[%get3A_1270] {strides = array<i32>} : memref<640xf32, #tpu.memory_space<vmem>>, vector<16xf32>,
      %get3A_1272 = vector.shape_cast %get3A_1271 : vector<16xf32> to vector<16xf32>
      %swap3A_1273 = arith.constant 7 : i32
      %swap3A_1274 = arith.index_cast %swap3A_1273 : i32 to index
      %swap3A_1275 = arith.constant 0 : index
      %swap3A_1276 = tpu.vector_load %arg18[%swap3A_1274, %swap3A_1275] {strides = array<i32>} : memref<40x128xf32, #tpu.memory_space<vmem>>, vector<1x16xf32>,
      %swap3A_1277 = vector.shape_cast %swap3A_1276 : vector<1x16xf32> to vector<16xf32>
      %swap3A_1278 = vector.shape_cast %get3A_1272 : vector<16xf32> to vector<1x16xf32>
      tpu.vector_store %arg18[%swap3A_1274, %swap3A_1275], %swap3A_1278 {strides = array<i32>} : memref<40x128xf32, #tpu.memory_space<vmem>>, vector<1x16xf32>,
      %get3A_1279 = arith.constant 128 : index
      %get3A_1280 = tpu.vector_load %arg13[%get3A_1279] {strides = array<i32>} : memref<640xf32, #tpu.memory_space<vmem>>, vector<16xf32>,
      %get3A_1281 = vector.shape_cast %get3A_1280 : vector<16xf32> to vector<16xf32>
      %swap3A_1282 = arith.constant 8 : i32
      %swap3A_1283 = arith.index_cast %swap3A_1282 : i32 to index
      %swap3A_1284 = arith.constant 0 : index
      %swap3A_1285 = tpu.vector_load %arg18[%swap3A_1283, %swap3A_1284] {strides = array<i32>} : memref<40x128xf32, #tpu.memory_space<vmem>>, vector<1x16xf32>,
      %swap3A_1286 = vector.shape_cast %swap3A_1285 : vector<1x16xf32> to vector<16xf32>
      %swap3A_1287 = vector.shape_cast %get3A_1281 : vector<16xf32> to vector<1x16xf32>
      tpu.vector_store %arg18[%swap3A_1283, %swap3A_1284], %swap3A_1287 {strides = array<i32>} : memref<40x128xf32, #tpu.memory_space<vmem>>, vector<1x16xf32>,
      %get3A_1288 = arith.constant 144 : index
      %get3A_1289 = tpu.vector_load %arg13[%get3A_1288] {strides = array<i32>} : memref<640xf32, #tpu.memory_space<vmem>>, vector<16xf32>,
      %get3A_1290 = vector.shape_cast %get3A_1289 : vector<16xf32> to vector<16xf32>
      %swap3A_1291 = arith.constant 9 : i32
      %swap3A_1292 = arith.index_cast %swap3A_1291 : i32 to index
      %swap3A_1293 = arith.constant 0 : index
      %swap3A_1294 = tpu.vector_load %arg18[%swap3A_1292, %swap3A_1293] {strides = array<i32>} : memref<40x128xf32, #tpu.memory_space<vmem>>, vector<1x16xf32>,
      %swap3A_1295 = vector.shape_cast %swap3A_1294 : vector<1x16xf32> to vector<16xf32>
      %swap3A_1296 = vector.shape_cast %get3A_1290 : vector<16xf32> to vector<1x16xf32>
      tpu.vector_store %arg18[%swap3A_1292, %swap3A_1293], %swap3A_1296 {strides = array<i32>} : memref<40x128xf32, #tpu.memory_space<vmem>>, vector<1x16xf32>,
      %get3A_1297 = arith.constant 160 : index
      %get3A_1298 = tpu.vector_load %arg13[%get3A_1297] {strides = array<i32>} : memref<640xf32, #tpu.memory_space<vmem>>, vector<16xf32>,
      %get3A_1299 = vector.shape_cast %get3A_1298 : vector<16xf32> to vector<16xf32>
      %swap3A_1300 = arith.constant 10 : i32
      %swap3A_1301 = arith.index_cast %swap3A_1300 : i32 to index
      %swap3A_1302 = arith.constant 0 : index
      %swap3A_1303 = tpu.vector_load %arg18[%swap3A_1301, %swap3A_1302] {strides = array<i32>} : memref<40x128xf32, #tpu.memory_space<vmem>>, vector<1x16xf32>,
      %swap3A_1304 = vector.shape_cast %swap3A_1303 : vector<1x16xf32> to vector<16xf32>
      %swap3A_1305 = vector.shape_cast %get3A_1299 : vector<16xf32> to vector<1x16xf32>
      tpu.vector_store %arg18[%swap3A_1301, %swap3A_1302], %swap3A_1305 {strides = array<i32>} : memref<40x128xf32, #tpu.memory_space<vmem>>, vector<1x16xf32>,
      %get3A_1306 = arith.constant 176 : index
      %get3A_1307 = tpu.vector_load %arg13[%get3A_1306] {strides = array<i32>} : memref<640xf32, #tpu.memory_space<vmem>>, vector<16xf32>,
      %get3A_1308 = vector.shape_cast %get3A_1307 : vector<16xf32> to vector<16xf32>
      %swap3A_1309 = arith.constant 11 : i32
      %swap3A_1310 = arith.index_cast %swap3A_1309 : i32 to index
      %swap3A_1311 = arith.constant 0 : index
      %swap3A_1312 = tpu.vector_load %arg18[%swap3A_1310, %swap3A_1311] {strides = array<i32>} : memref<40x128xf32, #tpu.memory_space<vmem>>, vector<1x16xf32>,
      %swap3A_1313 = vector.shape_cast %swap3A_1312 : vector<1x16xf32> to vector<16xf32>
      %swap3A_1314 = vector.shape_cast %get3A_1308 : vector<16xf32> to vector<1x16xf32>
      tpu.vector_store %arg18[%swap3A_1310, %swap3A_1311], %swap3A_1314 {strides = array<i32>} : memref<40x128xf32, #tpu.memory_space<vmem>>, vector<1x16xf32>,
      %get3A_1315 = arith.constant 192 : index
      %get3A_1316 = tpu.vector_load %arg13[%get3A_1315] {strides = array<i32>} : memref<640xf32, #tpu.memory_space<vmem>>, vector<16xf32>,
      %get3A_1317 = vector.shape_cast %get3A_1316 : vector<16xf32> to vector<16xf32>
      %swap3A_1318 = arith.constant 12 : i32
      %swap3A_1319 = arith.index_cast %swap3A_1318 : i32 to index
      %swap3A_1320 = arith.constant 0 : index
      %swap3A_1321 = tpu.vector_load %arg18[%swap3A_1319, %swap3A_1320] {strides = array<i32>} : memref<40x128xf32, #tpu.memory_space<vmem>>, vector<1x16xf32>,
      %swap3A_1322 = vector.shape_cast %swap3A_1321 : vector<1x16xf32> to vector<16xf32>
      %swap3A_1323 = vector.shape_cast %get3A_1317 : vector<16xf32> to vector<1x16xf32>
      tpu.vector_store %arg18[%swap3A_1319, %swap3A_1320], %swap3A_1323 {strides = array<i32>} : memref<40x128xf32, #tpu.memory_space<vmem>>, vector<1x16xf32>,
      %get3A_1324 = arith.constant 208 : index
      %get3A_1325 = tpu.vector_load %arg13[%get3A_1324] {strides = array<i32>} : memref<640xf32, #tpu.memory_space<vmem>>, vector<16xf32>,
      %get3A_1326 = vector.shape_cast %get3A_1325 : vector<16xf32> to vector<16xf32>
      %swap3A_1327 = arith.constant 13 : i32
      %swap3A_1328 = arith.index_cast %swap3A_1327 : i32 to index
      %swap3A_1329 = arith.constant 0 : index
      %swap3A_1330 = tpu.vector_load %arg18[%swap3A_1328, %swap3A_1329] {strides = array<i32>} : memref<40x128xf32, #tpu.memory_space<vmem>>, vector<1x16xf32>,
      %swap3A_1331 = vector.shape_cast %swap3A_1330 : vector<1x16xf32> to vector<16xf32>
      %swap3A_1332 = vector.shape_cast %get3A_1326 : vector<16xf32> to vector<1x16xf32>
      tpu.vector_store %arg18[%swap3A_1328, %swap3A_1329], %swap3A_1332 {strides = array<i32>} : memref<40x128xf32, #tpu.memory_space<vmem>>, vector<1x16xf32>,
      %get3A_1333 = arith.constant 224 : index
      %get3A_1334 = tpu.vector_load %arg13[%get3A_1333] {strides = array<i32>} : memref<640xf32, #tpu.memory_space<vmem>>, vector<16xf32>,
      %get3A_1335 = vector.shape_cast %get3A_1334 : vector<16xf32> to vector<16xf32>
      %swap3A_1336 = arith.constant 14 : i32
      %swap3A_1337 = arith.index_cast %swap3A_1336 : i32 to index
      %swap3A_1338 = arith.constant 0 : index
      %swap3A_1339 = tpu.vector_load %arg18[%swap3A_1337, %swap3A_1338] {strides = array<i32>} : memref<40x128xf32, #tpu.memory_space<vmem>>, vector<1x16xf32>,
      %swap3A_1340 = vector.shape_cast %swap3A_1339 : vector<1x16xf32> to vector<16xf32>
      %swap3A_1341 = vector.shape_cast %get3A_1335 : vector<16xf32> to vector<1x16xf32>
      tpu.vector_store %arg18[%swap3A_1337, %swap3A_1338], %swap3A_1341 {strides = array<i32>} : memref<40x128xf32, #tpu.memory_space<vmem>>, vector<1x16xf32>,
      %get3A_1342 = arith.constant 240 : index
      %get3A_1343 = tpu.vector_load %arg13[%get3A_1342] {strides = array<i32>} : memref<640xf32, #tpu.memory_space<vmem>>, vector<16xf32>,
      %get3A_1344 = vector.shape_cast %get3A_1343 : vector<16xf32> to vector<16xf32>
      %swap3A_1345 = arith.constant 15 : i32
      %swap3A_1346 = arith.index_cast %swap3A_1345 : i32 to index
      %swap3A_1347 = arith.constant 0 : index
      %swap3A_1348 = tpu.vector_load %arg18[%swap3A_1346, %swap3A_1347] {strides = array<i32>} : memref<40x128xf32, #tpu.memory_space<vmem>>, vector<1x16xf32>,
      %swap3A_1349 = vector.shape_cast %swap3A_1348 : vector<1x16xf32> to vector<16xf32>
      %swap3A_1350 = vector.shape_cast %get3A_1344 : vector<16xf32> to vector<1x16xf32>
      tpu.vector_store %arg18[%swap3A_1346, %swap3A_1347], %swap3A_1350 {strides = array<i32>} : memref<40x128xf32, #tpu.memory_space<vmem>>, vector<1x16xf32>,
      %get3A_1351 = arith.constant 256 : index
      %get3A_1352 = tpu.vector_load %arg13[%get3A_1351] {strides = array<i32>} : memref<640xf32, #tpu.memory_space<vmem>>, vector<16xf32>,
      %get3A_1353 = vector.shape_cast %get3A_1352 : vector<16xf32> to vector<16xf32>
      %swap3A_1354 = arith.constant 16 : i32
      %swap3A_1355 = arith.index_cast %swap3A_1354 : i32 to index
      %swap3A_1356 = arith.constant 0 : index
      %swap3A_1357 = tpu.vector_load %arg18[%swap3A_1355, %swap3A_1356] {strides = array<i32>} : memref<40x128xf32, #tpu.memory_space<vmem>>, vector<1x16xf32>,
      %swap3A_1358 = vector.shape_cast %swap3A_1357 : vector<1x16xf32> to vector<16xf32>
      %swap3A_1359 = vector.shape_cast %get3A_1353 : vector<16xf32> to vector<1x16xf32>
      tpu.vector_store %arg18[%swap3A_1355, %swap3A_1356], %swap3A_1359 {strides = array<i32>} : memref<40x128xf32, #tpu.memory_space<vmem>>, vector<1x16xf32>,
      %get3A_1360 = arith.constant 272 : index
      %get3A_1361 = tpu.vector_load %arg13[%get3A_1360] {strides = array<i32>} : memref<640xf32, #tpu.memory_space<vmem>>, vector<16xf32>,
      %get3A_1362 = vector.shape_cast %get3A_1361 : vector<16xf32> to vector<16xf32>
      %swap3A_1363 = arith.constant 17 : i32
      %swap3A_1364 = arith.index_cast %swap3A_1363 : i32 to index
      %swap3A_1365 = arith.constant 0 : index
      %swap3A_1366 = tpu.vector_load %arg18[%swap3A_1364, %swap3A_1365] {strides = array<i32>} : memref<40x128xf32, #tpu.memory_space<vmem>>, vector<1x16xf32>,
      %swap3A_1367 = vector.shape_cast %swap3A_1366 : vector<1x16xf32> to vector<16xf32>
      %swap3A_1368 = vector.shape_cast %get3A_1362 : vector<16xf32> to vector<1x16xf32>
      tpu.vector_store %arg18[%swap3A_1364, %swap3A_1365], %swap3A_1368 {strides = array<i32>} : memref<40x128xf32, #tpu.memory_space<vmem>>, vector<1x16xf32>,
      %get3A_1369 = arith.constant 288 : index
      %get3A_1370 = tpu.vector_load %arg13[%get3A_1369] {strides = array<i32>} : memref<640xf32, #tpu.memory_space<vmem>>, vector<16xf32>,
      %get3A_1371 = vector.shape_cast %get3A_1370 : vector<16xf32> to vector<16xf32>
      %swap3A_1372 = arith.constant 18 : i32
      %swap3A_1373 = arith.index_cast %swap3A_1372 : i32 to index
      %swap3A_1374 = arith.constant 0 : index
      %swap3A_1375 = tpu.vector_load %arg18[%swap3A_1373, %swap3A_1374] {strides = array<i32>} : memref<40x128xf32, #tpu.memory_space<vmem>>, vector<1x16xf32>,
      %swap3A_1376 = vector.shape_cast %swap3A_1375 : vector<1x16xf32> to vector<16xf32>
      %swap3A_1377 = vector.shape_cast %get3A_1371 : vector<16xf32> to vector<1x16xf32>
      tpu.vector_store %arg18[%swap3A_1373, %swap3A_1374], %swap3A_1377 {strides = array<i32>} : memref<40x128xf32, #tpu.memory_space<vmem>>, vector<1x16xf32>,
      %get3A_1378 = arith.constant 304 : index
      %get3A_1379 = tpu.vector_load %arg13[%get3A_1378] {strides = array<i32>} : memref<640xf32, #tpu.memory_space<vmem>>, vector<16xf32>,
      %get3A_1380 = vector.shape_cast %get3A_1379 : vector<16xf32> to vector<16xf32>
      %swap3A_1381 = arith.constant 19 : i32
      %swap3A_1382 = arith.index_cast %swap3A_1381 : i32 to index
      %swap3A_1383 = arith.constant 0 : index
      %swap3A_1384 = tpu.vector_load %arg18[%swap3A_1382, %swap3A_1383] {strides = array<i32>} : memref<40x128xf32, #tpu.memory_space<vmem>>, vector<1x16xf32>,
      %swap3A_1385 = vector.shape_cast %swap3A_1384 : vector<1x16xf32> to vector<16xf32>
      %swap3A_1386 = vector.shape_cast %get3A_1380 : vector<16xf32> to vector<1x16xf32>
      tpu.vector_store %arg18[%swap3A_1382, %swap3A_1383], %swap3A_1386 {strides = array<i32>} : memref<40x128xf32, #tpu.memory_space<vmem>>, vector<1x16xf32>,
      %get3A_1387 = arith.constant 320 : index
      %get3A_1388 = tpu.vector_load %arg13[%get3A_1387] {strides = array<i32>} : memref<640xf32, #tpu.memory_space<vmem>>, vector<16xf32>,
      %get3A_1389 = vector.shape_cast %get3A_1388 : vector<16xf32> to vector<16xf32>
      %swap3A_1390 = arith.constant 20 : i32
      %swap3A_1391 = arith.index_cast %swap3A_1390 : i32 to index
      %swap3A_1392 = arith.constant 0 : index
      %swap3A_1393 = tpu.vector_load %arg18[%swap3A_1391, %swap3A_1392] {strides = array<i32>} : memref<40x128xf32, #tpu.memory_space<vmem>>, vector<1x16xf32>,
      %swap3A_1394 = vector.shape_cast %swap3A_1393 : vector<1x16xf32> to vector<16xf32>
      %swap3A_1395 = vector.shape_cast %get3A_1389 : vector<16xf32> to vector<1x16xf32>
      tpu.vector_store %arg18[%swap3A_1391, %swap3A_1392], %swap3A_1395 {strides = array<i32>} : memref<40x128xf32, #tpu.memory_space<vmem>>, vector<1x16xf32>,
      %get3A_1396 = arith.constant 336 : index
      %get3A_1397 = tpu.vector_load %arg13[%get3A_1396] {strides = array<i32>} : memref<640xf32, #tpu.memory_space<vmem>>, vector<16xf32>,
      %get3A_1398 = vector.shape_cast %get3A_1397 : vector<16xf32> to vector<16xf32>
      %swap3A_1399 = arith.constant 21 : i32
      %swap3A_1400 = arith.index_cast %swap3A_1399 : i32 to index
      %swap3A_1401 = arith.constant 0 : index
      %swap3A_1402 = tpu.vector_load %arg18[%swap3A_1400, %swap3A_1401] {strides = array<i32>} : memref<40x128xf32, #tpu.memory_space<vmem>>, vector<1x16xf32>,
      %swap3A_1403 = vector.shape_cast %swap3A_1402 : vector<1x16xf32> to vector<16xf32>
      %swap3A_1404 = vector.shape_cast %get3A_1398 : vector<16xf32> to vector<1x16xf32>
      tpu.vector_store %arg18[%swap3A_1400, %swap3A_1401], %swap3A_1404 {strides = array<i32>} : memref<40x128xf32, #tpu.memory_space<vmem>>, vector<1x16xf32>,
      %get3A_1405 = arith.constant 352 : index
      %get3A_1406 = tpu.vector_load %arg13[%get3A_1405] {strides = array<i32>} : memref<640xf32, #tpu.memory_space<vmem>>, vector<16xf32>,
      %get3A_1407 = vector.shape_cast %get3A_1406 : vector<16xf32> to vector<16xf32>
      %swap3A_1408 = arith.constant 22 : i32
      %swap3A_1409 = arith.index_cast %swap3A_1408 : i32 to index
      %swap3A_1410 = arith.constant 0 : index
      %swap3A_1411 = tpu.vector_load %arg18[%swap3A_1409, %swap3A_1410] {strides = array<i32>} : memref<40x128xf32, #tpu.memory_space<vmem>>, vector<1x16xf32>,
      %swap3A_1412 = vector.shape_cast %swap3A_1411 : vector<1x16xf32> to vector<16xf32>
      %swap3A_1413 = vector.shape_cast %get3A_1407 : vector<16xf32> to vector<1x16xf32>
      tpu.vector_store %arg18[%swap3A_1409, %swap3A_1410], %swap3A_1413 {strides = array<i32>} : memref<40x128xf32, #tpu.memory_space<vmem>>, vector<1x16xf32>,
      %get3A_1414 = arith.constant 368 : index
      %get3A_1415 = tpu.vector_load %arg13[%get3A_1414] {strides = array<i32>} : memref<640xf32, #tpu.memory_space<vmem>>, vector<16xf32>,
      %get3A_1416 = vector.shape_cast %get3A_1415 : vector<16xf32> to vector<16xf32>
      %swap3A_1417 = arith.constant 23 : i32
      %swap3A_1418 = arith.index_cast %swap3A_1417 : i32 to index
      %swap3A_1419 = arith.constant 0 : index
      %swap3A_1420 = tpu.vector_load %arg18[%swap3A_1418, %swap3A_1419] {strides = array<i32>} : memref<40x128xf32, #tpu.memory_space<vmem>>, vector<1x16xf32>,
      %swap3A_1421 = vector.shape_cast %swap3A_1420 : vector<1x16xf32> to vector<16xf32>
      %swap3A_1422 = vector.shape_cast %get3A_1416 : vector<16xf32> to vector<1x16xf32>
      tpu.vector_store %arg18[%swap3A_1418, %swap3A_1419], %swap3A_1422 {strides = array<i32>} : memref<40x128xf32, #tpu.memory_space<vmem>>, vector<1x16xf32>,
      %get3A_1423 = arith.constant 384 : index
      %get3A_1424 = tpu.vector_load %arg13[%get3A_1423] {strides = array<i32>} : memref<640xf32, #tpu.memory_space<vmem>>, vector<16xf32>,
      %get3A_1425 = vector.shape_cast %get3A_1424 : vector<16xf32> to vector<16xf32>
      %swap3A_1426 = arith.constant 24 : i32
      %swap3A_1427 = arith.index_cast %swap3A_1426 : i32 to index
      %swap3A_1428 = arith.constant 0 : index
      %swap3A_1429 = tpu.vector_load %arg18[%swap3A_1427, %swap3A_1428] {strides = array<i32>} : memref<40x128xf32, #tpu.memory_space<vmem>>, vector<1x16xf32>,
      %swap3A_1430 = vector.shape_cast %swap3A_1429 : vector<1x16xf32> to vector<16xf32>
      %swap3A_1431 = vector.shape_cast %get3A_1425 : vector<16xf32> to vector<1x16xf32>
      tpu.vector_store %arg18[%swap3A_1427, %swap3A_1428], %swap3A_1431 {strides = array<i32>} : memref<40x128xf32, #tpu.memory_space<vmem>>, vector<1x16xf32>,
      %get3A_1432 = arith.constant 400 : index
      %get3A_1433 = tpu.vector_load %arg13[%get3A_1432] {strides = array<i32>} : memref<640xf32, #tpu.memory_space<vmem>>, vector<16xf32>,
      %get3A_1434 = vector.shape_cast %get3A_1433 : vector<16xf32> to vector<16xf32>
      %swap3A_1435 = arith.constant 25 : i32
      %swap3A_1436 = arith.index_cast %swap3A_1435 : i32 to index
      %swap3A_1437 = arith.constant 0 : index
      %swap3A_1438 = tpu.vector_load %arg18[%swap3A_1436, %swap3A_1437] {strides = array<i32>} : memref<40x128xf32, #tpu.memory_space<vmem>>, vector<1x16xf32>,
      %swap3A_1439 = vector.shape_cast %swap3A_1438 : vector<1x16xf32> to vector<16xf32>
      %swap3A_1440 = vector.shape_cast %get3A_1434 : vector<16xf32> to vector<1x16xf32>
      tpu.vector_store %arg18[%swap3A_1436, %swap3A_1437], %swap3A_1440 {strides = array<i32>} : memref<40x128xf32, #tpu.memory_space<vmem>>, vector<1x16xf32>,
      %get3A_1441 = arith.constant 416 : index
      %get3A_1442 = tpu.vector_load %arg13[%get3A_1441] {strides = array<i32>} : memref<640xf32, #tpu.memory_space<vmem>>, vector<16xf32>,
      %get3A_1443 = vector.shape_cast %get3A_1442 : vector<16xf32> to vector<16xf32>
      %swap3A_1444 = arith.constant 26 : i32
      %swap3A_1445 = arith.index_cast %swap3A_1444 : i32 to index
      %swap3A_1446 = arith.constant 0 : index
      %swap3A_1447 = tpu.vector_load %arg18[%swap3A_1445, %swap3A_1446] {strides = array<i32>} : memref<40x128xf32, #tpu.memory_space<vmem>>, vector<1x16xf32>,
      %swap3A_1448 = vector.shape_cast %swap3A_1447 : vector<1x16xf32> to vector<16xf32>
      %swap3A_1449 = vector.shape_cast %get3A_1443 : vector<16xf32> to vector<1x16xf32>
      tpu.vector_store %arg18[%swap3A_1445, %swap3A_1446], %swap3A_1449 {strides = array<i32>} : memref<40x128xf32, #tpu.memory_space<vmem>>, vector<1x16xf32>,
      %get3A_1450 = arith.constant 432 : index
      %get3A_1451 = tpu.vector_load %arg13[%get3A_1450] {strides = array<i32>} : memref<640xf32, #tpu.memory_space<vmem>>, vector<16xf32>,
      %get3A_1452 = vector.shape_cast %get3A_1451 : vector<16xf32> to vector<16xf32>
      %swap3A_1453 = arith.constant 27 : i32
      %swap3A_1454 = arith.index_cast %swap3A_1453 : i32 to index
      %swap3A_1455 = arith.constant 0 : index
      %swap3A_1456 = tpu.vector_load %arg18[%swap3A_1454, %swap3A_1455] {strides = array<i32>} : memref<40x128xf32, #tpu.memory_space<vmem>>, vector<1x16xf32>,
      %swap3A_1457 = vector.shape_cast %swap3A_1456 : vector<1x16xf32> to vector<16xf32>
      %swap3A_1458 = vector.shape_cast %get3A_1452 : vector<16xf32> to vector<1x16xf32>
      tpu.vector_store %arg18[%swap3A_1454, %swap3A_1455], %swap3A_1458 {strides = array<i32>} : memref<40x128xf32, #tpu.memory_space<vmem>>, vector<1x16xf32>,
      %get3A_1459 = arith.constant 448 : index
      %get3A_1460 = tpu.vector_load %arg13[%get3A_1459] {strides = array<i32>} : memref<640xf32, #tpu.memory_space<vmem>>, vector<16xf32>,
      %get3A_1461 = vector.shape_cast %get3A_1460 : vector<16xf32> to vector<16xf32>
      %swap3A_1462 = arith.constant 28 : i32
      %swap3A_1463 = arith.index_cast %swap3A_1462 : i32 to index
      %swap3A_1464 = arith.constant 0 : index
      %swap3A_1465 = tpu.vector_load %arg18[%swap3A_1463, %swap3A_1464] {strides = array<i32>} : memref<40x128xf32, #tpu.memory_space<vmem>>, vector<1x16xf32>,
      %swap3A_1466 = vector.shape_cast %swap3A_1465 : vector<1x16xf32> to vector<16xf32>
      %swap3A_1467 = vector.shape_cast %get3A_1461 : vector<16xf32> to vector<1x16xf32>
      tpu.vector_store %arg18[%swap3A_1463, %swap3A_1464], %swap3A_1467 {strides = array<i32>} : memref<40x128xf32, #tpu.memory_space<vmem>>, vector<1x16xf32>,
      %get3A_1468 = arith.constant 464 : index
      %get3A_1469 = tpu.vector_load %arg13[%get3A_1468] {strides = array<i32>} : memref<640xf32, #tpu.memory_space<vmem>>, vector<16xf32>,
      %get3A_1470 = vector.shape_cast %get3A_1469 : vector<16xf32> to vector<16xf32>
      %swap3A_1471 = arith.constant 29 : i32
      %swap3A_1472 = arith.index_cast %swap3A_1471 : i32 to index
      %swap3A_1473 = arith.constant 0 : index
      %swap3A_1474 = tpu.vector_load %arg18[%swap3A_1472, %swap3A_1473] {strides = array<i32>} : memref<40x128xf32, #tpu.memory_space<vmem>>, vector<1x16xf32>,
      %swap3A_1475 = vector.shape_cast %swap3A_1474 : vector<1x16xf32> to vector<16xf32>
      %swap3A_1476 = vector.shape_cast %get3A_1470 : vector<16xf32> to vector<1x16xf32>
      tpu.vector_store %arg18[%swap3A_1472, %swap3A_1473], %swap3A_1476 {strides = array<i32>} : memref<40x128xf32, #tpu.memory_space<vmem>>, vector<1x16xf32>,
      %get3A_1477 = arith.constant 480 : index
      %get3A_1478 = tpu.vector_load %arg13[%get3A_1477] {strides = array<i32>} : memref<640xf32, #tpu.memory_space<vmem>>, vector<16xf32>,
      %get3A_1479 = vector.shape_cast %get3A_1478 : vector<16xf32> to vector<16xf32>
      %swap3A_1480 = arith.constant 30 : i32
      %swap3A_1481 = arith.index_cast %swap3A_1480 : i32 to index
      %swap3A_1482 = arith.constant 0 : index
      %swap3A_1483 = tpu.vector_load %arg18[%swap3A_1481, %swap3A_1482] {strides = array<i32>} : memref<40x128xf32, #tpu.memory_space<vmem>>, vector<1x16xf32>,
      %swap3A_1484 = vector.shape_cast %swap3A_1483 : vector<1x16xf32> to vector<16xf32>
      %swap3A_1485 = vector.shape_cast %get3A_1479 : vector<16xf32> to vector<1x16xf32>
      tpu.vector_store %arg18[%swap3A_1481, %swap3A_1482], %swap3A_1485 {strides = array<i32>} : memref<40x128xf32, #tpu.memory_space<vmem>>, vector<1x16xf32>,
      %get3A_1486 = arith.constant 496 : index
      %get3A_1487 = tpu.vector_load %arg13[%get3A_1486] {strides = array<i32>} : memref<640xf32, #tpu.memory_space<vmem>>, vector<16xf32>,
      %get3A_1488 = vector.shape_cast %get3A_1487 : vector<16xf32> to vector<16xf32>
      %swap3A_1489 = arith.constant 31 : i32
      %swap3A_1490 = arith.index_cast %swap3A_1489 : i32 to index
      %swap3A_1491 = arith.constant 0 : index
      %swap3A_1492 = tpu.vector_load %arg18[%swap3A_1490, %swap3A_1491] {strides = array<i32>} : memref<40x128xf32, #tpu.memory_space<vmem>>, vector<1x16xf32>,
      %swap3A_1493 = vector.shape_cast %swap3A_1492 : vector<1x16xf32> to vector<16xf32>
      %swap3A_1494 = vector.shape_cast %get3A_1488 : vector<16xf32> to vector<1x16xf32>
      tpu.vector_store %arg18[%swap3A_1490, %swap3A_1491], %swap3A_1494 {strides = array<i32>} : memref<40x128xf32, #tpu.memory_space<vmem>>, vector<1x16xf32>,
      %get3A_1495 = arith.constant 512 : index
      %get3A_1496 = tpu.vector_load %arg13[%get3A_1495] {strides = array<i32>} : memref<640xf32, #tpu.memory_space<vmem>>, vector<16xf32>,
      %get3A_1497 = vector.shape_cast %get3A_1496 : vector<16xf32> to vector<16xf32>
      %swap3A_1498 = arith.constant 32 : i32
      %swap3A_1499 = arith.index_cast %swap3A_1498 : i32 to index
      %swap3A_1500 = arith.constant 0 : index
      %swap3A_1501 = tpu.vector_load %arg18[%swap3A_1499, %swap3A_1500] {strides = array<i32>} : memref<40x128xf32, #tpu.memory_space<vmem>>, vector<1x16xf32>,
      %swap3A_1502 = vector.shape_cast %swap3A_1501 : vector<1x16xf32> to vector<16xf32>
      %swap3A_1503 = vector.shape_cast %get3A_1497 : vector<16xf32> to vector<1x16xf32>
      tpu.vector_store %arg18[%swap3A_1499, %swap3A_1500], %swap3A_1503 {strides = array<i32>} : memref<40x128xf32, #tpu.memory_space<vmem>>, vector<1x16xf32>,
      %get3A_1504 = arith.constant 528 : index
      %get3A_1505 = tpu.vector_load %arg13[%get3A_1504] {strides = array<i32>} : memref<640xf32, #tpu.memory_space<vmem>>, vector<16xf32>,
      %get3A_1506 = vector.shape_cast %get3A_1505 : vector<16xf32> to vector<16xf32>
      %swap3A_1507 = arith.constant 33 : i32
      %swap3A_1508 = arith.index_cast %swap3A_1507 : i32 to index
      %swap3A_1509 = arith.constant 0 : index
      %swap3A_1510 = tpu.vector_load %arg18[%swap3A_1508, %swap3A_1509] {strides = array<i32>} : memref<40x128xf32, #tpu.memory_space<vmem>>, vector<1x16xf32>,
      %swap3A_1511 = vector.shape_cast %swap3A_1510 : vector<1x16xf32> to vector<16xf32>
      %swap3A_1512 = vector.shape_cast %get3A_1506 : vector<16xf32> to vector<1x16xf32>
      tpu.vector_store %arg18[%swap3A_1508, %swap3A_1509], %swap3A_1512 {strides = array<i32>} : memref<40x128xf32, #tpu.memory_space<vmem>>, vector<1x16xf32>,
      %get3A_1513 = arith.constant 544 : index
      %get3A_1514 = tpu.vector_load %arg13[%get3A_1513] {strides = array<i32>} : memref<640xf32, #tpu.memory_space<vmem>>, vector<16xf32>,
      %get3A_1515 = vector.shape_cast %get3A_1514 : vector<16xf32> to vector<16xf32>
      %swap3A_1516 = arith.constant 34 : i32
      %swap3A_1517 = arith.index_cast %swap3A_1516 : i32 to index
      %swap3A_1518 = arith.constant 0 : index
      %swap3A_1519 = tpu.vector_load %arg18[%swap3A_1517, %swap3A_1518] {strides = array<i32>} : memref<40x128xf32, #tpu.memory_space<vmem>>, vector<1x16xf32>,
      %swap3A_1520 = vector.shape_cast %swap3A_1519 : vector<1x16xf32> to vector<16xf32>
      %swap3A_1521 = vector.shape_cast %get3A_1515 : vector<16xf32> to vector<1x16xf32>
      tpu.vector_store %arg18[%swap3A_1517, %swap3A_1518], %swap3A_1521 {strides = array<i32>} : memref<40x128xf32, #tpu.memory_space<vmem>>, vector<1x16xf32>,
      %get3A_1522 = arith.constant 560 : index
      %get3A_1523 = tpu.vector_load %arg13[%get3A_1522] {strides = array<i32>} : memref<640xf32, #tpu.memory_space<vmem>>, vector<16xf32>,
      %get3A_1524 = vector.shape_cast %get3A_1523 : vector<16xf32> to vector<16xf32>
      %swap3A_1525 = arith.constant 35 : i32
      %swap3A_1526 = arith.index_cast %swap3A_1525 : i32 to index
      %swap3A_1527 = arith.constant 0 : index
      %swap3A_1528 = tpu.vector_load %arg18[%swap3A_1526, %swap3A_1527] {strides = array<i32>} : memref<40x128xf32, #tpu.memory_space<vmem>>, vector<1x16xf32>,
      %swap3A_1529 = vector.shape_cast %swap3A_1528 : vector<1x16xf32> to vector<16xf32>
      %swap3A_1530 = vector.shape_cast %get3A_1524 : vector<16xf32> to vector<1x16xf32>
      tpu.vector_store %arg18[%swap3A_1526, %swap3A_1527], %swap3A_1530 {strides = array<i32>} : memref<40x128xf32, #tpu.memory_space<vmem>>, vector<1x16xf32>,
      %get3A_1531 = arith.constant 576 : index
      %get3A_1532 = tpu.vector_load %arg13[%get3A_1531] {strides = array<i32>} : memref<640xf32, #tpu.memory_space<vmem>>, vector<16xf32>,
      %get3A_1533 = vector.shape_cast %get3A_1532 : vector<16xf32> to vector<16xf32>
      %swap3A_1534 = arith.constant 36 : i32
      %swap3A_1535 = arith.index_cast %swap3A_1534 : i32 to index
      %swap3A_1536 = arith.constant 0 : index
      %swap3A_1537 = tpu.vector_load %arg18[%swap3A_1535, %swap3A_1536] {strides = array<i32>} : memref<40x128xf32, #tpu.memory_space<vmem>>, vector<1x16xf32>,
      %swap3A_1538 = vector.shape_cast %swap3A_1537 : vector<1x16xf32> to vector<16xf32>
      %swap3A_1539 = vector.shape_cast %get3A_1533 : vector<16xf32> to vector<1x16xf32>
      tpu.vector_store %arg18[%swap3A_1535, %swap3A_1536], %swap3A_1539 {strides = array<i32>} : memref<40x128xf32, #tpu.memory_space<vmem>>, vector<1x16xf32>,
      %get3A_1540 = arith.constant 592 : index
      %get3A_1541 = tpu.vector_load %arg13[%get3A_1540] {strides = array<i32>} : memref<640xf32, #tpu.memory_space<vmem>>, vector<16xf32>,
      %get3A_1542 = vector.shape_cast %get3A_1541 : vector<16xf32> to vector<16xf32>
      %swap3A_1543 = arith.constant 37 : i32
      %swap3A_1544 = arith.index_cast %swap3A_1543 : i32 to index
      %swap3A_1545 = arith.constant 0 : index
      %swap3A_1546 = tpu.vector_load %arg18[%swap3A_1544, %swap3A_1545] {strides = array<i32>} : memref<40x128xf32, #tpu.memory_space<vmem>>, vector<1x16xf32>,
      %swap3A_1547 = vector.shape_cast %swap3A_1546 : vector<1x16xf32> to vector<16xf32>
      %swap3A_1548 = vector.shape_cast %get3A_1542 : vector<16xf32> to vector<1x16xf32>
      tpu.vector_store %arg18[%swap3A_1544, %swap3A_1545], %swap3A_1548 {strides = array<i32>} : memref<40x128xf32, #tpu.memory_space<vmem>>, vector<1x16xf32>,
      %get3A_1549 = arith.constant 608 : index
      %get3A_1550 = tpu.vector_load %arg13[%get3A_1549] {strides = array<i32>} : memref<640xf32, #tpu.memory_space<vmem>>, vector<16xf32>,
      %get3A_1551 = vector.shape_cast %get3A_1550 : vector<16xf32> to vector<16xf32>
      %swap3A_1552 = arith.constant 38 : i32
      %swap3A_1553 = arith.index_cast %swap3A_1552 : i32 to index
      %swap3A_1554 = arith.constant 0 : index
      %swap3A_1555 = tpu.vector_load %arg18[%swap3A_1553, %swap3A_1554] {strides = array<i32>} : memref<40x128xf32, #tpu.memory_space<vmem>>, vector<1x16xf32>,
      %swap3A_1556 = vector.shape_cast %swap3A_1555 : vector<1x16xf32> to vector<16xf32>
      %swap3A_1557 = vector.shape_cast %get3A_1551 : vector<16xf32> to vector<1x16xf32>
      tpu.vector_store %arg18[%swap3A_1553, %swap3A_1554], %swap3A_1557 {strides = array<i32>} : memref<40x128xf32, #tpu.memory_space<vmem>>, vector<1x16xf32>,
      %get3A_1558 = arith.constant 624 : index
      %get3A_1559 = tpu.vector_load %arg13[%get3A_1558] {strides = array<i32>} : memref<640xf32, #tpu.memory_space<vmem>>, vector<16xf32>,
      %get3A_1560 = vector.shape_cast %get3A_1559 : vector<16xf32> to vector<16xf32>
      %swap3A_1561 = arith.constant 39 : i32
      %swap3A_1562 = arith.index_cast %swap3A_1561 : i32 to index
      %swap3A_1563 = arith.constant 0 : index
      %swap3A_1564 = tpu.vector_load %arg18[%swap3A_1562, %swap3A_1563] {strides = array<i32>} : memref<40x128xf32, #tpu.memory_space<vmem>>, vector<1x16xf32>,
      %swap3A_1565 = vector.shape_cast %swap3A_1564 : vector<1x16xf32> to vector<16xf32>
      %swap3A_1566 = vector.shape_cast %get3A_1560 : vector<16xf32> to vector<1x16xf32>
      tpu.vector_store %arg18[%swap3A_1562, %swap3A_1563], %swap3A_1566 {strides = array<i32>} : memref<40x128xf32, #tpu.memory_space<vmem>>, vector<1x16xf32>,
      %dma_start3A_1567 = arith.constant 0 : i32
      %dma_start3A_1568 = arith.constant 0 : i32
      %dma_start3A_1569 = tpu.memref_slice %arg20[%dma_start3A_1567, %dma_start3A_1568] : memref<10240x128xf32, #tpu.memory_space<vmem_shared>> -> memref<10240x128xf32, #tpu.memory_space<vmem_shared>>
      tpu.enqueue_indirect_dma source(%arg18 : memref<40x128xf32, #tpu.memory_space<vmem>>) target(%dma_start3A_1569 : memref<10240x128xf32, #tpu.memory_space<vmem_shared>>) offsets(%arg8 : memref<40xi32, #tpu.memory_space<vmem>>) semaphore(%arg29 : memref<!tpu.dma_semaphore, #tpu.memory_space<semaphore_mem>>) {add = true}
      %dma_wait3A_1570 = arith.constant 0 : i32
      %dma_wait3A_1571 = tpu.memref_slice %arg2[%dma_wait3A_1570] : memref<320000xi32, #tpu.memory_space<hbm>> -> memref<40xi32, #tpu.memory_space<hbm>>
      %dma_wait3A_1572 = arith.constant 0 : i32
      %dma_wait3A_1573 = tpu.memref_slice %arg2[%dma_wait3A_1572] : memref<320000xi32, #tpu.memory_space<hbm>> -> memref<40xi32, #tpu.memory_space<hbm>>
      tpu.wait_dma2 semaphore(%arg25 : memref<!tpu.dma_semaphore, #tpu.memory_space<semaphore_mem>>) src(%dma_wait3A_1573 : memref<40xi32, #tpu.memory_space<hbm>>) dst(%arg9 : memref<40xi32, #tpu.memory_space<vmem>>)
      %dma_wait3A_1574 = arith.constant 0 : i32
      %dma_wait3A_1575 = tpu.memref_slice %arg3[%dma_wait3A_1574] : memref<5120000xf32, #tpu.memory_space<hbm>> -> memref<640xf32, #tpu.memory_space<hbm>>
      %dma_wait3A_1576 = arith.constant 0 : i32
      %dma_wait3A_1577 = tpu.memref_slice %arg3[%dma_wait3A_1576] : memref<5120000xf32, #tpu.memory_space<hbm>> -> memref<640xf32, #tpu.memory_space<hbm>>
      tpu.wait_dma2 semaphore(%arg25 : memref<!tpu.dma_semaphore, #tpu.memory_space<semaphore_mem>>) src(%dma_wait3A_1577 : memref<640xf32, #tpu.memory_space<hbm>>) dst(%arg14 : memref<640xf32, #tpu.memory_space<vmem>>)
      %get3A_1578 = arith.constant 0 : index
      %get3A_1579 = tpu.vector_load %arg14[%get3A_1578] {strides = array<i32>} : memref<640xf32, #tpu.memory_space<vmem>>, vector<16xf32>,
      %get3A_1580 = vector.shape_cast %get3A_1579 : vector<16xf32> to vector<16xf32>
      %swap3A_1581 = arith.constant 0 : i32
      %swap3A_1582 = arith.index_cast %swap3A_1581 : i32 to index
      %swap3A_1583 = arith.constant 0 : index
      %swap3A_1584 = tpu.vector_load %arg19[%swap3A_1582, %swap3A_1583] {strides = array<i32>} : memref<40x128xf32, #tpu.memory_space<vmem>>, vector<1x16xf32>,
      %swap3A_1585 = vector.shape_cast %swap3A_1584 : vector<1x16xf32> to vector<16xf32>
      %swap3A_1586 = vector.shape_cast %get3A_1580 : vector<16xf32> to vector<1x16xf32>
      tpu.vector_store %arg19[%swap3A_1582, %swap3A_1583], %swap3A_1586 {strides = array<i32>} : memref<40x128xf32, #tpu.memory_space<vmem>>, vector<1x16xf32>,
      %get3A_1587 = arith.constant 16 : index
      %get3A_1588 = tpu.vector_load %arg14[%get3A_1587] {strides = array<i32>} : memref<640xf32, #tpu.memory_space<vmem>>, vector<16xf32>,
      %get3A_1589 = vector.shape_cast %get3A_1588 : vector<16xf32> to vector<16xf32>
      %swap3A_1590 = arith.constant 1 : i32
      %swap3A_1591 = arith.index_cast %swap3A_1590 : i32 to index
      %swap3A_1592 = arith.constant 0 : index
      %swap3A_1593 = tpu.vector_load %arg19[%swap3A_1591, %swap3A_1592] {strides = array<i32>} : memref<40x128xf32, #tpu.memory_space<vmem>>, vector<1x16xf32>,
      %swap3A_1594 = vector.shape_cast %swap3A_1593 : vector<1x16xf32> to vector<16xf32>
      %swap3A_1595 = vector.shape_cast %get3A_1589 : vector<16xf32> to vector<1x16xf32>
      tpu.vector_store %arg19[%swap3A_1591, %swap3A_1592], %swap3A_1595 {strides = array<i32>} : memref<40x128xf32, #tpu.memory_space<vmem>>, vector<1x16xf32>,
      %get3A_1596 = arith.constant 32 : index
      %get3A_1597 = tpu.vector_load %arg14[%get3A_1596] {strides = array<i32>} : memref<640xf32, #tpu.memory_space<vmem>>, vector<16xf32>,
      %get3A_1598 = vector.shape_cast %get3A_1597 : vector<16xf32> to vector<16xf32>
      %swap3A_1599 = arith.constant 2 : i32
      %swap3A_1600 = arith.index_cast %swap3A_1599 : i32 to index
      %swap3A_1601 = arith.constant 0 : index
      %swap3A_1602 = tpu.vector_load %arg19[%swap3A_1600, %swap3A_1601] {strides = array<i32>} : memref<40x128xf32, #tpu.memory_space<vmem>>, vector<1x16xf32>,
      %swap3A_1603 = vector.shape_cast %swap3A_1602 : vector<1x16xf32> to vector<16xf32>
      %swap3A_1604 = vector.shape_cast %get3A_1598 : vector<16xf32> to vector<1x16xf32>
      tpu.vector_store %arg19[%swap3A_1600, %swap3A_1601], %swap3A_1604 {strides = array<i32>} : memref<40x128xf32, #tpu.memory_space<vmem>>, vector<1x16xf32>,
      %get3A_1605 = arith.constant 48 : index
      %get3A_1606 = tpu.vector_load %arg14[%get3A_1605] {strides = array<i32>} : memref<640xf32, #tpu.memory_space<vmem>>, vector<16xf32>,
      %get3A_1607 = vector.shape_cast %get3A_1606 : vector<16xf32> to vector<16xf32>
      %swap3A_1608 = arith.constant 3 : i32
      %swap3A_1609 = arith.index_cast %swap3A_1608 : i32 to index
      %swap3A_1610 = arith.constant 0 : index
      %swap3A_1611 = tpu.vector_load %arg19[%swap3A_1609, %swap3A_1610] {strides = array<i32>} : memref<40x128xf32, #tpu.memory_space<vmem>>, vector<1x16xf32>,
      %swap3A_1612 = vector.shape_cast %swap3A_1611 : vector<1x16xf32> to vector<16xf32>
      %swap3A_1613 = vector.shape_cast %get3A_1607 : vector<16xf32> to vector<1x16xf32>
      tpu.vector_store %arg19[%swap3A_1609, %swap3A_1610], %swap3A_1613 {strides = array<i32>} : memref<40x128xf32, #tpu.memory_space<vmem>>, vector<1x16xf32>,
      %get3A_1614 = arith.constant 64 : index
      %get3A_1615 = tpu.vector_load %arg14[%get3A_1614] {strides = array<i32>} : memref<640xf32, #tpu.memory_space<vmem>>, vector<16xf32>,
      %get3A_1616 = vector.shape_cast %get3A_1615 : vector<16xf32> to vector<16xf32>
      %swap3A_1617 = arith.constant 4 : i32
      %swap3A_1618 = arith.index_cast %swap3A_1617 : i32 to index
      %swap3A_1619 = arith.constant 0 : index
      %swap3A_1620 = tpu.vector_load %arg19[%swap3A_1618, %swap3A_1619] {strides = array<i32>} : memref<40x128xf32, #tpu.memory_space<vmem>>, vector<1x16xf32>,
      %swap3A_1621 = vector.shape_cast %swap3A_1620 : vector<1x16xf32> to vector<16xf32>
      %swap3A_1622 = vector.shape_cast %get3A_1616 : vector<16xf32> to vector<1x16xf32>
      tpu.vector_store %arg19[%swap3A_1618, %swap3A_1619], %swap3A_1622 {strides = array<i32>} : memref<40x128xf32, #tpu.memory_space<vmem>>, vector<1x16xf32>,
      %get3A_1623 = arith.constant 80 : index
      %get3A_1624 = tpu.vector_load %arg14[%get3A_1623] {strides = array<i32>} : memref<640xf32, #tpu.memory_space<vmem>>, vector<16xf32>,
      %get3A_1625 = vector.shape_cast %get3A_1624 : vector<16xf32> to vector<16xf32>
      %swap3A_1626 = arith.constant 5 : i32
      %swap3A_1627 = arith.index_cast %swap3A_1626 : i32 to index
      %swap3A_1628 = arith.constant 0 : index
      %swap3A_1629 = tpu.vector_load %arg19[%swap3A_1627, %swap3A_1628] {strides = array<i32>} : memref<40x128xf32, #tpu.memory_space<vmem>>, vector<1x16xf32>,
      %swap3A_1630 = vector.shape_cast %swap3A_1629 : vector<1x16xf32> to vector<16xf32>
      %swap3A_1631 = vector.shape_cast %get3A_1625 : vector<16xf32> to vector<1x16xf32>
      tpu.vector_store %arg19[%swap3A_1627, %swap3A_1628], %swap3A_1631 {strides = array<i32>} : memref<40x128xf32, #tpu.memory_space<vmem>>, vector<1x16xf32>,
      %get3A_1632 = arith.constant 96 : index
      %get3A_1633 = tpu.vector_load %arg14[%get3A_1632] {strides = array<i32>} : memref<640xf32, #tpu.memory_space<vmem>>, vector<16xf32>,
      %get3A_1634 = vector.shape_cast %get3A_1633 : vector<16xf32> to vector<16xf32>
      %swap3A_1635 = arith.constant 6 : i32
      %swap3A_1636 = arith.index_cast %swap3A_1635 : i32 to index
      %swap3A_1637 = arith.constant 0 : index
      %swap3A_1638 = tpu.vector_load %arg19[%swap3A_1636, %swap3A_1637] {strides = array<i32>} : memref<40x128xf32, #tpu.memory_space<vmem>>, vector<1x16xf32>,
      %swap3A_1639 = vector.shape_cast %swap3A_1638 : vector<1x16xf32> to vector<16xf32>
      %swap3A_1640 = vector.shape_cast %get3A_1634 : vector<16xf32> to vector<1x16xf32>
      tpu.vector_store %arg19[%swap3A_1636, %swap3A_1637], %swap3A_1640 {strides = array<i32>} : memref<40x128xf32, #tpu.memory_space<vmem>>, vector<1x16xf32>,
      %get3A_1641 = arith.constant 112 : index
      %get3A_1642 = tpu.vector_load %arg14[%get3A_1641] {strides = array<i32>} : memref<640xf32, #tpu.memory_space<vmem>>, vector<16xf32>,
      %get3A_1643 = vector.shape_cast %get3A_1642 : vector<16xf32> to vector<16xf32>
      %swap3A_1644 = arith.constant 7 : i32
      %swap3A_1645 = arith.index_cast %swap3A_1644 : i32 to index
      %swap3A_1646 = arith.constant 0 : index
      %swap3A_1647 = tpu.vector_load %arg19[%swap3A_1645, %swap3A_1646] {strides = array<i32>} : memref<40x128xf32, #tpu.memory_space<vmem>>, vector<1x16xf32>,
      %swap3A_1648 = vector.shape_cast %swap3A_1647 : vector<1x16xf32> to vector<16xf32>
      %swap3A_1649 = vector.shape_cast %get3A_1643 : vector<16xf32> to vector<1x16xf32>
      tpu.vector_store %arg19[%swap3A_1645, %swap3A_1646], %swap3A_1649 {strides = array<i32>} : memref<40x128xf32, #tpu.memory_space<vmem>>, vector<1x16xf32>,
      %get3A_1650 = arith.constant 128 : index
      %get3A_1651 = tpu.vector_load %arg14[%get3A_1650] {strides = array<i32>} : memref<640xf32, #tpu.memory_space<vmem>>, vector<16xf32>,
      %get3A_1652 = vector.shape_cast %get3A_1651 : vector<16xf32> to vector<16xf32>
      %swap3A_1653 = arith.constant 8 : i32
      %swap3A_1654 = arith.index_cast %swap3A_1653 : i32 to index
      %swap3A_1655 = arith.constant 0 : index
      %swap3A_1656 = tpu.vector_load %arg19[%swap3A_1654, %swap3A_1655] {strides = array<i32>} : memref<40x128xf32, #tpu.memory_space<vmem>>, vector<1x16xf32>,
      %swap3A_1657 = vector.shape_cast %swap3A_1656 : vector<1x16xf32> to vector<16xf32>
      %swap3A_1658 = vector.shape_cast %get3A_1652 : vector<16xf32> to vector<1x16xf32>
      tpu.vector_store %arg19[%swap3A_1654, %swap3A_1655], %swap3A_1658 {strides = array<i32>} : memref<40x128xf32, #tpu.memory_space<vmem>>, vector<1x16xf32>,
      %get3A_1659 = arith.constant 144 : index
      %get3A_1660 = tpu.vector_load %arg14[%get3A_1659] {strides = array<i32>} : memref<640xf32, #tpu.memory_space<vmem>>, vector<16xf32>,
      %get3A_1661 = vector.shape_cast %get3A_1660 : vector<16xf32> to vector<16xf32>
      %swap3A_1662 = arith.constant 9 : i32
      %swap3A_1663 = arith.index_cast %swap3A_1662 : i32 to index
      %swap3A_1664 = arith.constant 0 : index
      %swap3A_1665 = tpu.vector_load %arg19[%swap3A_1663, %swap3A_1664] {strides = array<i32>} : memref<40x128xf32, #tpu.memory_space<vmem>>, vector<1x16xf32>,
      %swap3A_1666 = vector.shape_cast %swap3A_1665 : vector<1x16xf32> to vector<16xf32>
      %swap3A_1667 = vector.shape_cast %get3A_1661 : vector<16xf32> to vector<1x16xf32>
      tpu.vector_store %arg19[%swap3A_1663, %swap3A_1664], %swap3A_1667 {strides = array<i32>} : memref<40x128xf32, #tpu.memory_space<vmem>>, vector<1x16xf32>,
      %get3A_1668 = arith.constant 160 : index
      %get3A_1669 = tpu.vector_load %arg14[%get3A_1668] {strides = array<i32>} : memref<640xf32, #tpu.memory_space<vmem>>, vector<16xf32>,
      %get3A_1670 = vector.shape_cast %get3A_1669 : vector<16xf32> to vector<16xf32>
      %swap3A_1671 = arith.constant 10 : i32
      %swap3A_1672 = arith.index_cast %swap3A_1671 : i32 to index
      %swap3A_1673 = arith.constant 0 : index
      %swap3A_1674 = tpu.vector_load %arg19[%swap3A_1672, %swap3A_1673] {strides = array<i32>} : memref<40x128xf32, #tpu.memory_space<vmem>>, vector<1x16xf32>,
      %swap3A_1675 = vector.shape_cast %swap3A_1674 : vector<1x16xf32> to vector<16xf32>
      %swap3A_1676 = vector.shape_cast %get3A_1670 : vector<16xf32> to vector<1x16xf32>
      tpu.vector_store %arg19[%swap3A_1672, %swap3A_1673], %swap3A_1676 {strides = array<i32>} : memref<40x128xf32, #tpu.memory_space<vmem>>, vector<1x16xf32>,
      %get3A_1677 = arith.constant 176 : index
      %get3A_1678 = tpu.vector_load %arg14[%get3A_1677] {strides = array<i32>} : memref<640xf32, #tpu.memory_space<vmem>>, vector<16xf32>,
      %get3A_1679 = vector.shape_cast %get3A_1678 : vector<16xf32> to vector<16xf32>
      %swap3A_1680 = arith.constant 11 : i32
      %swap3A_1681 = arith.index_cast %swap3A_1680 : i32 to index
      %swap3A_1682 = arith.constant 0 : index
      %swap3A_1683 = tpu.vector_load %arg19[%swap3A_1681, %swap3A_1682] {strides = array<i32>} : memref<40x128xf32, #tpu.memory_space<vmem>>, vector<1x16xf32>,
      %swap3A_1684 = vector.shape_cast %swap3A_1683 : vector<1x16xf32> to vector<16xf32>
      %swap3A_1685 = vector.shape_cast %get3A_1679 : vector<16xf32> to vector<1x16xf32>
      tpu.vector_store %arg19[%swap3A_1681, %swap3A_1682], %swap3A_1685 {strides = array<i32>} : memref<40x128xf32, #tpu.memory_space<vmem>>, vector<1x16xf32>,
      %get3A_1686 = arith.constant 192 : index
      %get3A_1687 = tpu.vector_load %arg14[%get3A_1686] {strides = array<i32>} : memref<640xf32, #tpu.memory_space<vmem>>, vector<16xf32>,
      %get3A_1688 = vector.shape_cast %get3A_1687 : vector<16xf32> to vector<16xf32>
      %swap3A_1689 = arith.constant 12 : i32
      %swap3A_1690 = arith.index_cast %swap3A_1689 : i32 to index
      %swap3A_1691 = arith.constant 0 : index
      %swap3A_1692 = tpu.vector_load %arg19[%swap3A_1690, %swap3A_1691] {strides = array<i32>} : memref<40x128xf32, #tpu.memory_space<vmem>>, vector<1x16xf32>,
      %swap3A_1693 = vector.shape_cast %swap3A_1692 : vector<1x16xf32> to vector<16xf32>
      %swap3A_1694 = vector.shape_cast %get3A_1688 : vector<16xf32> to vector<1x16xf32>
      tpu.vector_store %arg19[%swap3A_1690, %swap3A_1691], %swap3A_1694 {strides = array<i32>} : memref<40x128xf32, #tpu.memory_space<vmem>>, vector<1x16xf32>,
      %get3A_1695 = arith.constant 208 : index
      %get3A_1696 = tpu.vector_load %arg14[%get3A_1695] {strides = array<i32>} : memref<640xf32, #tpu.memory_space<vmem>>, vector<16xf32>,
      %get3A_1697 = vector.shape_cast %get3A_1696 : vector<16xf32> to vector<16xf32>
      %swap3A_1698 = arith.constant 13 : i32
      %swap3A_1699 = arith.index_cast %swap3A_1698 : i32 to index
      %swap3A_1700 = arith.constant 0 : index
      %swap3A_1701 = tpu.vector_load %arg19[%swap3A_1699, %swap3A_1700] {strides = array<i32>} : memref<40x128xf32, #tpu.memory_space<vmem>>, vector<1x16xf32>,
      %swap3A_1702 = vector.shape_cast %swap3A_1701 : vector<1x16xf32> to vector<16xf32>
      %swap3A_1703 = vector.shape_cast %get3A_1697 : vector<16xf32> to vector<1x16xf32>
      tpu.vector_store %arg19[%swap3A_1699, %swap3A_1700], %swap3A_1703 {strides = array<i32>} : memref<40x128xf32, #tpu.memory_space<vmem>>, vector<1x16xf32>,
      %get3A_1704 = arith.constant 224 : index
      %get3A_1705 = tpu.vector_load %arg14[%get3A_1704] {strides = array<i32>} : memref<640xf32, #tpu.memory_space<vmem>>, vector<16xf32>,
      %get3A_1706 = vector.shape_cast %get3A_1705 : vector<16xf32> to vector<16xf32>
      %swap3A_1707 = arith.constant 14 : i32
      %swap3A_1708 = arith.index_cast %swap3A_1707 : i32 to index
      %swap3A_1709 = arith.constant 0 : index
      %swap3A_1710 = tpu.vector_load %arg19[%swap3A_1708, %swap3A_1709] {strides = array<i32>} : memref<40x128xf32, #tpu.memory_space<vmem>>, vector<1x16xf32>,
      %swap3A_1711 = vector.shape_cast %swap3A_1710 : vector<1x16xf32> to vector<16xf32>
      %swap3A_1712 = vector.shape_cast %get3A_1706 : vector<16xf32> to vector<1x16xf32>
      tpu.vector_store %arg19[%swap3A_1708, %swap3A_1709], %swap3A_1712 {strides = array<i32>} : memref<40x128xf32, #tpu.memory_space<vmem>>, vector<1x16xf32>,
      %get3A_1713 = arith.constant 240 : index
      %get3A_1714 = tpu.vector_load %arg14[%get3A_1713] {strides = array<i32>} : memref<640xf32, #tpu.memory_space<vmem>>, vector<16xf32>,
      %get3A_1715 = vector.shape_cast %get3A_1714 : vector<16xf32> to vector<16xf32>
      %swap3A_1716 = arith.constant 15 : i32
      %swap3A_1717 = arith.index_cast %swap3A_1716 : i32 to index
      %swap3A_1718 = arith.constant 0 : index
      %swap3A_1719 = tpu.vector_load %arg19[%swap3A_1717, %swap3A_1718] {strides = array<i32>} : memref<40x128xf32, #tpu.memory_space<vmem>>, vector<1x16xf32>,
      %swap3A_1720 = vector.shape_cast %swap3A_1719 : vector<1x16xf32> to vector<16xf32>
      %swap3A_1721 = vector.shape_cast %get3A_1715 : vector<16xf32> to vector<1x16xf32>
      tpu.vector_store %arg19[%swap3A_1717, %swap3A_1718], %swap3A_1721 {strides = array<i32>} : memref<40x128xf32, #tpu.memory_space<vmem>>, vector<1x16xf32>,
      %get3A_1722 = arith.constant 256 : index
      %get3A_1723 = tpu.vector_load %arg14[%get3A_1722] {strides = array<i32>} : memref<640xf32, #tpu.memory_space<vmem>>, vector<16xf32>,
      %get3A_1724 = vector.shape_cast %get3A_1723 : vector<16xf32> to vector<16xf32>
      %swap3A_1725 = arith.constant 16 : i32
      %swap3A_1726 = arith.index_cast %swap3A_1725 : i32 to index
      %swap3A_1727 = arith.constant 0 : index
      %swap3A_1728 = tpu.vector_load %arg19[%swap3A_1726, %swap3A_1727] {strides = array<i32>} : memref<40x128xf32, #tpu.memory_space<vmem>>, vector<1x16xf32>,
      %swap3A_1729 = vector.shape_cast %swap3A_1728 : vector<1x16xf32> to vector<16xf32>
      %swap3A_1730 = vector.shape_cast %get3A_1724 : vector<16xf32> to vector<1x16xf32>
      tpu.vector_store %arg19[%swap3A_1726, %swap3A_1727], %swap3A_1730 {strides = array<i32>} : memref<40x128xf32, #tpu.memory_space<vmem>>, vector<1x16xf32>,
      %get3A_1731 = arith.constant 272 : index
      %get3A_1732 = tpu.vector_load %arg14[%get3A_1731] {strides = array<i32>} : memref<640xf32, #tpu.memory_space<vmem>>, vector<16xf32>,
      %get3A_1733 = vector.shape_cast %get3A_1732 : vector<16xf32> to vector<16xf32>
      %swap3A_1734 = arith.constant 17 : i32
      %swap3A_1735 = arith.index_cast %swap3A_1734 : i32 to index
      %swap3A_1736 = arith.constant 0 : index
      %swap3A_1737 = tpu.vector_load %arg19[%swap3A_1735, %swap3A_1736] {strides = array<i32>} : memref<40x128xf32, #tpu.memory_space<vmem>>, vector<1x16xf32>,
      %swap3A_1738 = vector.shape_cast %swap3A_1737 : vector<1x16xf32> to vector<16xf32>
      %swap3A_1739 = vector.shape_cast %get3A_1733 : vector<16xf32> to vector<1x16xf32>
      tpu.vector_store %arg19[%swap3A_1735, %swap3A_1736], %swap3A_1739 {strides = array<i32>} : memref<40x128xf32, #tpu.memory_space<vmem>>, vector<1x16xf32>,
      %get3A_1740 = arith.constant 288 : index
      %get3A_1741 = tpu.vector_load %arg14[%get3A_1740] {strides = array<i32>} : memref<640xf32, #tpu.memory_space<vmem>>, vector<16xf32>,
      %get3A_1742 = vector.shape_cast %get3A_1741 : vector<16xf32> to vector<16xf32>
      %swap3A_1743 = arith.constant 18 : i32
      %swap3A_1744 = arith.index_cast %swap3A_1743 : i32 to index
      %swap3A_1745 = arith.constant 0 : index
      %swap3A_1746 = tpu.vector_load %arg19[%swap3A_1744, %swap3A_1745] {strides = array<i32>} : memref<40x128xf32, #tpu.memory_space<vmem>>, vector<1x16xf32>,
      %swap3A_1747 = vector.shape_cast %swap3A_1746 : vector<1x16xf32> to vector<16xf32>
      %swap3A_1748 = vector.shape_cast %get3A_1742 : vector<16xf32> to vector<1x16xf32>
      tpu.vector_store %arg19[%swap3A_1744, %swap3A_1745], %swap3A_1748 {strides = array<i32>} : memref<40x128xf32, #tpu.memory_space<vmem>>, vector<1x16xf32>,
      %get3A_1749 = arith.constant 304 : index
      %get3A_1750 = tpu.vector_load %arg14[%get3A_1749] {strides = array<i32>} : memref<640xf32, #tpu.memory_space<vmem>>, vector<16xf32>,
      %get3A_1751 = vector.shape_cast %get3A_1750 : vector<16xf32> to vector<16xf32>
      %swap3A_1752 = arith.constant 19 : i32
      %swap3A_1753 = arith.index_cast %swap3A_1752 : i32 to index
      %swap3A_1754 = arith.constant 0 : index
      %swap3A_1755 = tpu.vector_load %arg19[%swap3A_1753, %swap3A_1754] {strides = array<i32>} : memref<40x128xf32, #tpu.memory_space<vmem>>, vector<1x16xf32>,
      %swap3A_1756 = vector.shape_cast %swap3A_1755 : vector<1x16xf32> to vector<16xf32>
      %swap3A_1757 = vector.shape_cast %get3A_1751 : vector<16xf32> to vector<1x16xf32>
      tpu.vector_store %arg19[%swap3A_1753, %swap3A_1754], %swap3A_1757 {strides = array<i32>} : memref<40x128xf32, #tpu.memory_space<vmem>>, vector<1x16xf32>,
      %get3A_1758 = arith.constant 320 : index
      %get3A_1759 = tpu.vector_load %arg14[%get3A_1758] {strides = array<i32>} : memref<640xf32, #tpu.memory_space<vmem>>, vector<16xf32>,
      %get3A_1760 = vector.shape_cast %get3A_1759 : vector<16xf32> to vector<16xf32>
      %swap3A_1761 = arith.constant 20 : i32
      %swap3A_1762 = arith.index_cast %swap3A_1761 : i32 to index
      %swap3A_1763 = arith.constant 0 : index
      %swap3A_1764 = tpu.vector_load %arg19[%swap3A_1762, %swap3A_1763] {strides = array<i32>} : memref<40x128xf32, #tpu.memory_space<vmem>>, vector<1x16xf32>,
      %swap3A_1765 = vector.shape_cast %swap3A_1764 : vector<1x16xf32> to vector<16xf32>
      %swap3A_1766 = vector.shape_cast %get3A_1760 : vector<16xf32> to vector<1x16xf32>
      tpu.vector_store %arg19[%swap3A_1762, %swap3A_1763], %swap3A_1766 {strides = array<i32>} : memref<40x128xf32, #tpu.memory_space<vmem>>, vector<1x16xf32>,
      %get3A_1767 = arith.constant 336 : index
      %get3A_1768 = tpu.vector_load %arg14[%get3A_1767] {strides = array<i32>} : memref<640xf32, #tpu.memory_space<vmem>>, vector<16xf32>,
      %get3A_1769 = vector.shape_cast %get3A_1768 : vector<16xf32> to vector<16xf32>
      %swap3A_1770 = arith.constant 21 : i32
      %swap3A_1771 = arith.index_cast %swap3A_1770 : i32 to index
      %swap3A_1772 = arith.constant 0 : index
      %swap3A_1773 = tpu.vector_load %arg19[%swap3A_1771, %swap3A_1772] {strides = array<i32>} : memref<40x128xf32, #tpu.memory_space<vmem>>, vector<1x16xf32>,
      %swap3A_1774 = vector.shape_cast %swap3A_1773 : vector<1x16xf32> to vector<16xf32>
      %swap3A_1775 = vector.shape_cast %get3A_1769 : vector<16xf32> to vector<1x16xf32>
      tpu.vector_store %arg19[%swap3A_1771, %swap3A_1772], %swap3A_1775 {strides = array<i32>} : memref<40x128xf32, #tpu.memory_space<vmem>>, vector<1x16xf32>,
      %get3A_1776 = arith.constant 352 : index
      %get3A_1777 = tpu.vector_load %arg14[%get3A_1776] {strides = array<i32>} : memref<640xf32, #tpu.memory_space<vmem>>, vector<16xf32>,
      %get3A_1778 = vector.shape_cast %get3A_1777 : vector<16xf32> to vector<16xf32>
      %swap3A_1779 = arith.constant 22 : i32
      %swap3A_1780 = arith.index_cast %swap3A_1779 : i32 to index
      %swap3A_1781 = arith.constant 0 : index
      %swap3A_1782 = tpu.vector_load %arg19[%swap3A_1780, %swap3A_1781] {strides = array<i32>} : memref<40x128xf32, #tpu.memory_space<vmem>>, vector<1x16xf32>,
      %swap3A_1783 = vector.shape_cast %swap3A_1782 : vector<1x16xf32> to vector<16xf32>
      %swap3A_1784 = vector.shape_cast %get3A_1778 : vector<16xf32> to vector<1x16xf32>
      tpu.vector_store %arg19[%swap3A_1780, %swap3A_1781], %swap3A_1784 {strides = array<i32>} : memref<40x128xf32, #tpu.memory_space<vmem>>, vector<1x16xf32>,
      %get3A_1785 = arith.constant 368 : index
      %get3A_1786 = tpu.vector_load %arg14[%get3A_1785] {strides = array<i32>} : memref<640xf32, #tpu.memory_space<vmem>>, vector<16xf32>,
      %get3A_1787 = vector.shape_cast %get3A_1786 : vector<16xf32> to vector<16xf32>
      %swap3A_1788 = arith.constant 23 : i32
      %swap3A_1789 = arith.index_cast %swap3A_1788 : i32 to index
      %swap3A_1790 = arith.constant 0 : index
      %swap3A_1791 = tpu.vector_load %arg19[%swap3A_1789, %swap3A_1790] {strides = array<i32>} : memref<40x128xf32, #tpu.memory_space<vmem>>, vector<1x16xf32>,
      %swap3A_1792 = vector.shape_cast %swap3A_1791 : vector<1x16xf32> to vector<16xf32>
      %swap3A_1793 = vector.shape_cast %get3A_1787 : vector<16xf32> to vector<1x16xf32>
      tpu.vector_store %arg19[%swap3A_1789, %swap3A_1790], %swap3A_1793 {strides = array<i32>} : memref<40x128xf32, #tpu.memory_space<vmem>>, vector<1x16xf32>,
      %get3A_1794 = arith.constant 384 : index
      %get3A_1795 = tpu.vector_load %arg14[%get3A_1794] {strides = array<i32>} : memref<640xf32, #tpu.memory_space<vmem>>, vector<16xf32>,
      %get3A_1796 = vector.shape_cast %get3A_1795 : vector<16xf32> to vector<16xf32>
      %swap3A_1797 = arith.constant 24 : i32
      %swap3A_1798 = arith.index_cast %swap3A_1797 : i32 to index
      %swap3A_1799 = arith.constant 0 : index
      %swap3A_1800 = tpu.vector_load %arg19[%swap3A_1798, %swap3A_1799] {strides = array<i32>} : memref<40x128xf32, #tpu.memory_space<vmem>>, vector<1x16xf32>,
      %swap3A_1801 = vector.shape_cast %swap3A_1800 : vector<1x16xf32> to vector<16xf32>
      %swap3A_1802 = vector.shape_cast %get3A_1796 : vector<16xf32> to vector<1x16xf32>
      tpu.vector_store %arg19[%swap3A_1798, %swap3A_1799], %swap3A_1802 {strides = array<i32>} : memref<40x128xf32, #tpu.memory_space<vmem>>, vector<1x16xf32>,
      %get3A_1803 = arith.constant 400 : index
      %get3A_1804 = tpu.vector_load %arg14[%get3A_1803] {strides = array<i32>} : memref<640xf32, #tpu.memory_space<vmem>>, vector<16xf32>,
      %get3A_1805 = vector.shape_cast %get3A_1804 : vector<16xf32> to vector<16xf32>
      %swap3A_1806 = arith.constant 25 : i32
      %swap3A_1807 = arith.index_cast %swap3A_1806 : i32 to index
      %swap3A_1808 = arith.constant 0 : index
      %swap3A_1809 = tpu.vector_load %arg19[%swap3A_1807, %swap3A_1808] {strides = array<i32>} : memref<40x128xf32, #tpu.memory_space<vmem>>, vector<1x16xf32>,
      %swap3A_1810 = vector.shape_cast %swap3A_1809 : vector<1x16xf32> to vector<16xf32>
      %swap3A_1811 = vector.shape_cast %get3A_1805 : vector<16xf32> to vector<1x16xf32>
      tpu.vector_store %arg19[%swap3A_1807, %swap3A_1808], %swap3A_1811 {strides = array<i32>} : memref<40x128xf32, #tpu.memory_space<vmem>>, vector<1x16xf32>,
      %get3A_1812 = arith.constant 416 : index
      %get3A_1813 = tpu.vector_load %arg14[%get3A_1812] {strides = array<i32>} : memref<640xf32, #tpu.memory_space<vmem>>, vector<16xf32>,
      %get3A_1814 = vector.shape_cast %get3A_1813 : vector<16xf32> to vector<16xf32>
      %swap3A_1815 = arith.constant 26 : i32
      %swap3A_1816 = arith.index_cast %swap3A_1815 : i32 to index
      %swap3A_1817 = arith.constant 0 : index
      %swap3A_1818 = tpu.vector_load %arg19[%swap3A_1816, %swap3A_1817] {strides = array<i32>} : memref<40x128xf32, #tpu.memory_space<vmem>>, vector<1x16xf32>,
      %swap3A_1819 = vector.shape_cast %swap3A_1818 : vector<1x16xf32> to vector<16xf32>
      %swap3A_1820 = vector.shape_cast %get3A_1814 : vector<16xf32> to vector<1x16xf32>
      tpu.vector_store %arg19[%swap3A_1816, %swap3A_1817], %swap3A_1820 {strides = array<i32>} : memref<40x128xf32, #tpu.memory_space<vmem>>, vector<1x16xf32>,
      %get3A_1821 = arith.constant 432 : index
      %get3A_1822 = tpu.vector_load %arg14[%get3A_1821] {strides = array<i32>} : memref<640xf32, #tpu.memory_space<vmem>>, vector<16xf32>,
      %get3A_1823 = vector.shape_cast %get3A_1822 : vector<16xf32> to vector<16xf32>
      %swap3A_1824 = arith.constant 27 : i32
      %swap3A_1825 = arith.index_cast %swap3A_1824 : i32 to index
      %swap3A_1826 = arith.constant 0 : index
      %swap3A_1827 = tpu.vector_load %arg19[%swap3A_1825, %swap3A_1826] {strides = array<i32>} : memref<40x128xf32, #tpu.memory_space<vmem>>, vector<1x16xf32>,
      %swap3A_1828 = vector.shape_cast %swap3A_1827 : vector<1x16xf32> to vector<16xf32>
      %swap3A_1829 = vector.shape_cast %get3A_1823 : vector<16xf32> to vector<1x16xf32>
      tpu.vector_store %arg19[%swap3A_1825, %swap3A_1826], %swap3A_1829 {strides = array<i32>} : memref<40x128xf32, #tpu.memory_space<vmem>>, vector<1x16xf32>,
      %get3A_1830 = arith.constant 448 : index
      %get3A_1831 = tpu.vector_load %arg14[%get3A_1830] {strides = array<i32>} : memref<640xf32, #tpu.memory_space<vmem>>, vector<16xf32>,
      %get3A_1832 = vector.shape_cast %get3A_1831 : vector<16xf32> to vector<16xf32>
      %swap3A_1833 = arith.constant 28 : i32
      %swap3A_1834 = arith.index_cast %swap3A_1833 : i32 to index
      %swap3A_1835 = arith.constant 0 : index
      %swap3A_1836 = tpu.vector_load %arg19[%swap3A_1834, %swap3A_1835] {strides = array<i32>} : memref<40x128xf32, #tpu.memory_space<vmem>>, vector<1x16xf32>,
      %swap3A_1837 = vector.shape_cast %swap3A_1836 : vector<1x16xf32> to vector<16xf32>
      %swap3A_1838 = vector.shape_cast %get3A_1832 : vector<16xf32> to vector<1x16xf32>
      tpu.vector_store %arg19[%swap3A_1834, %swap3A_1835], %swap3A_1838 {strides = array<i32>} : memref<40x128xf32, #tpu.memory_space<vmem>>, vector<1x16xf32>,
      %get3A_1839 = arith.constant 464 : index
      %get3A_1840 = tpu.vector_load %arg14[%get3A_1839] {strides = array<i32>} : memref<640xf32, #tpu.memory_space<vmem>>, vector<16xf32>,
      %get3A_1841 = vector.shape_cast %get3A_1840 : vector<16xf32> to vector<16xf32>
      %swap3A_1842 = arith.constant 29 : i32
      %swap3A_1843 = arith.index_cast %swap3A_1842 : i32 to index
      %swap3A_1844 = arith.constant 0 : index
      %swap3A_1845 = tpu.vector_load %arg19[%swap3A_1843, %swap3A_1844] {strides = array<i32>} : memref<40x128xf32, #tpu.memory_space<vmem>>, vector<1x16xf32>,
      %swap3A_1846 = vector.shape_cast %swap3A_1845 : vector<1x16xf32> to vector<16xf32>
      %swap3A_1847 = vector.shape_cast %get3A_1841 : vector<16xf32> to vector<1x16xf32>
      tpu.vector_store %arg19[%swap3A_1843, %swap3A_1844], %swap3A_1847 {strides = array<i32>} : memref<40x128xf32, #tpu.memory_space<vmem>>, vector<1x16xf32>,
      %get3A_1848 = arith.constant 480 : index
      %get3A_1849 = tpu.vector_load %arg14[%get3A_1848] {strides = array<i32>} : memref<640xf32, #tpu.memory_space<vmem>>, vector<16xf32>,
      %get3A_1850 = vector.shape_cast %get3A_1849 : vector<16xf32> to vector<16xf32>
      %swap3A_1851 = arith.constant 30 : i32
      %swap3A_1852 = arith.index_cast %swap3A_1851 : i32 to index
      %swap3A_1853 = arith.constant 0 : index
      %swap3A_1854 = tpu.vector_load %arg19[%swap3A_1852, %swap3A_1853] {strides = array<i32>} : memref<40x128xf32, #tpu.memory_space<vmem>>, vector<1x16xf32>,
      %swap3A_1855 = vector.shape_cast %swap3A_1854 : vector<1x16xf32> to vector<16xf32>
      %swap3A_1856 = vector.shape_cast %get3A_1850 : vector<16xf32> to vector<1x16xf32>
      tpu.vector_store %arg19[%swap3A_1852, %swap3A_1853], %swap3A_1856 {strides = array<i32>} : memref<40x128xf32, #tpu.memory_space<vmem>>, vector<1x16xf32>,
      %get3A_1857 = arith.constant 496 : index
      %get3A_1858 = tpu.vector_load %arg14[%get3A_1857] {strides = array<i32>} : memref<640xf32, #tpu.memory_space<vmem>>, vector<16xf32>,
      %get3A_1859 = vector.shape_cast %get3A_1858 : vector<16xf32> to vector<16xf32>
      %swap3A_1860 = arith.constant 31 : i32
      %swap3A_1861 = arith.index_cast %swap3A_1860 : i32 to index
      %swap3A_1862 = arith.constant 0 : index
      %swap3A_1863 = tpu.vector_load %arg19[%swap3A_1861, %swap3A_1862] {strides = array<i32>} : memref<40x128xf32, #tpu.memory_space<vmem>>, vector<1x16xf32>,
      %swap3A_1864 = vector.shape_cast %swap3A_1863 : vector<1x16xf32> to vector<16xf32>
      %swap3A_1865 = vector.shape_cast %get3A_1859 : vector<16xf32> to vector<1x16xf32>
      tpu.vector_store %arg19[%swap3A_1861, %swap3A_1862], %swap3A_1865 {strides = array<i32>} : memref<40x128xf32, #tpu.memory_space<vmem>>, vector<1x16xf32>,
      %get3A_1866 = arith.constant 512 : index
      %get3A_1867 = tpu.vector_load %arg14[%get3A_1866] {strides = array<i32>} : memref<640xf32, #tpu.memory_space<vmem>>, vector<16xf32>,
      %get3A_1868 = vector.shape_cast %get3A_1867 : vector<16xf32> to vector<16xf32>
      %swap3A_1869 = arith.constant 32 : i32
      %swap3A_1870 = arith.index_cast %swap3A_1869 : i32 to index
      %swap3A_1871 = arith.constant 0 : index
      %swap3A_1872 = tpu.vector_load %arg19[%swap3A_1870, %swap3A_1871] {strides = array<i32>} : memref<40x128xf32, #tpu.memory_space<vmem>>, vector<1x16xf32>,
      %swap3A_1873 = vector.shape_cast %swap3A_1872 : vector<1x16xf32> to vector<16xf32>
      %swap3A_1874 = vector.shape_cast %get3A_1868 : vector<16xf32> to vector<1x16xf32>
      tpu.vector_store %arg19[%swap3A_1870, %swap3A_1871], %swap3A_1874 {strides = array<i32>} : memref<40x128xf32, #tpu.memory_space<vmem>>, vector<1x16xf32>,
      %get3A_1875 = arith.constant 528 : index
      %get3A_1876 = tpu.vector_load %arg14[%get3A_1875] {strides = array<i32>} : memref<640xf32, #tpu.memory_space<vmem>>, vector<16xf32>,
      %get3A_1877 = vector.shape_cast %get3A_1876 : vector<16xf32> to vector<16xf32>
      %swap3A_1878 = arith.constant 33 : i32
      %swap3A_1879 = arith.index_cast %swap3A_1878 : i32 to index
      %swap3A_1880 = arith.constant 0 : index
      %swap3A_1881 = tpu.vector_load %arg19[%swap3A_1879, %swap3A_1880] {strides = array<i32>} : memref<40x128xf32, #tpu.memory_space<vmem>>, vector<1x16xf32>,
      %swap3A_1882 = vector.shape_cast %swap3A_1881 : vector<1x16xf32> to vector<16xf32>
      %swap3A_1883 = vector.shape_cast %get3A_1877 : vector<16xf32> to vector<1x16xf32>
      tpu.vector_store %arg19[%swap3A_1879, %swap3A_1880], %swap3A_1883 {strides = array<i32>} : memref<40x128xf32, #tpu.memory_space<vmem>>, vector<1x16xf32>,
      %get3A_1884 = arith.constant 544 : index
      %get3A_1885 = tpu.vector_load %arg14[%get3A_1884] {strides = array<i32>} : memref<640xf32, #tpu.memory_space<vmem>>, vector<16xf32>,
      %get3A_1886 = vector.shape_cast %get3A_1885 : vector<16xf32> to vector<16xf32>
      %swap3A_1887 = arith.constant 34 : i32
      %swap3A_1888 = arith.index_cast %swap3A_1887 : i32 to index
      %swap3A_1889 = arith.constant 0 : index
      %swap3A_1890 = tpu.vector_load %arg19[%swap3A_1888, %swap3A_1889] {strides = array<i32>} : memref<40x128xf32, #tpu.memory_space<vmem>>, vector<1x16xf32>,
      %swap3A_1891 = vector.shape_cast %swap3A_1890 : vector<1x16xf32> to vector<16xf32>
      %swap3A_1892 = vector.shape_cast %get3A_1886 : vector<16xf32> to vector<1x16xf32>
      tpu.vector_store %arg19[%swap3A_1888, %swap3A_1889], %swap3A_1892 {strides = array<i32>} : memref<40x128xf32, #tpu.memory_space<vmem>>, vector<1x16xf32>,
      %get3A_1893 = arith.constant 560 : index
      %get3A_1894 = tpu.vector_load %arg14[%get3A_1893] {strides = array<i32>} : memref<640xf32, #tpu.memory_space<vmem>>, vector<16xf32>,
      %get3A_1895 = vector.shape_cast %get3A_1894 : vector<16xf32> to vector<16xf32>
      %swap3A_1896 = arith.constant 35 : i32
      %swap3A_1897 = arith.index_cast %swap3A_1896 : i32 to index
      %swap3A_1898 = arith.constant 0 : index
      %swap3A_1899 = tpu.vector_load %arg19[%swap3A_1897, %swap3A_1898] {strides = array<i32>} : memref<40x128xf32, #tpu.memory_space<vmem>>, vector<1x16xf32>,
      %swap3A_1900 = vector.shape_cast %swap3A_1899 : vector<1x16xf32> to vector<16xf32>
      %swap3A_1901 = vector.shape_cast %get3A_1895 : vector<16xf32> to vector<1x16xf32>
      tpu.vector_store %arg19[%swap3A_1897, %swap3A_1898], %swap3A_1901 {strides = array<i32>} : memref<40x128xf32, #tpu.memory_space<vmem>>, vector<1x16xf32>,
      %get3A_1902 = arith.constant 576 : index
      %get3A_1903 = tpu.vector_load %arg14[%get3A_1902] {strides = array<i32>} : memref<640xf32, #tpu.memory_space<vmem>>, vector<16xf32>,
      %get3A_1904 = vector.shape_cast %get3A_1903 : vector<16xf32> to vector<16xf32>
      %swap3A_1905 = arith.constant 36 : i32
      %swap3A_1906 = arith.index_cast %swap3A_1905 : i32 to index
      %swap3A_1907 = arith.constant 0 : index
      %swap3A_1908 = tpu.vector_load %arg19[%swap3A_1906, %swap3A_1907] {strides = array<i32>} : memref<40x128xf32, #tpu.memory_space<vmem>>, vector<1x16xf32>,
      %swap3A_1909 = vector.shape_cast %swap3A_1908 : vector<1x16xf32> to vector<16xf32>
      %swap3A_1910 = vector.shape_cast %get3A_1904 : vector<16xf32> to vector<1x16xf32>
      tpu.vector_store %arg19[%swap3A_1906, %swap3A_1907], %swap3A_1910 {strides = array<i32>} : memref<40x128xf32, #tpu.memory_space<vmem>>, vector<1x16xf32>,
      %get3A_1911 = arith.constant 592 : index
      %get3A_1912 = tpu.vector_load %arg14[%get3A_1911] {strides = array<i32>} : memref<640xf32, #tpu.memory_space<vmem>>, vector<16xf32>,
      %get3A_1913 = vector.shape_cast %get3A_1912 : vector<16xf32> to vector<16xf32>
      %swap3A_1914 = arith.constant 37 : i32
      %swap3A_1915 = arith.index_cast %swap3A_1914 : i32 to index
      %swap3A_1916 = arith.constant 0 : index
      %swap3A_1917 = tpu.vector_load %arg19[%swap3A_1915, %swap3A_1916] {strides = array<i32>} : memref<40x128xf32, #tpu.memory_space<vmem>>, vector<1x16xf32>,
      %swap3A_1918 = vector.shape_cast %swap3A_1917 : vector<1x16xf32> to vector<16xf32>
      %swap3A_1919 = vector.shape_cast %get3A_1913 : vector<16xf32> to vector<1x16xf32>
      tpu.vector_store %arg19[%swap3A_1915, %swap3A_1916], %swap3A_1919 {strides = array<i32>} : memref<40x128xf32, #tpu.memory_space<vmem>>, vector<1x16xf32>,
      %get3A_1920 = arith.constant 608 : index
      %get3A_1921 = tpu.vector_load %arg14[%get3A_1920] {strides = array<i32>} : memref<640xf32, #tpu.memory_space<vmem>>, vector<16xf32>,
      %get3A_1922 = vector.shape_cast %get3A_1921 : vector<16xf32> to vector<16xf32>
      %swap3A_1923 = arith.constant 38 : i32
      %swap3A_1924 = arith.index_cast %swap3A_1923 : i32 to index
      %swap3A_1925 = arith.constant 0 : index
      %swap3A_1926 = tpu.vector_load %arg19[%swap3A_1924, %swap3A_1925] {strides = array<i32>} : memref<40x128xf32, #tpu.memory_space<vmem>>, vector<1x16xf32>,
      %swap3A_1927 = vector.shape_cast %swap3A_1926 : vector<1x16xf32> to vector<16xf32>
      %swap3A_1928 = vector.shape_cast %get3A_1922 : vector<16xf32> to vector<1x16xf32>
      tpu.vector_store %arg19[%swap3A_1924, %swap3A_1925], %swap3A_1928 {strides = array<i32>} : memref<40x128xf32, #tpu.memory_space<vmem>>, vector<1x16xf32>,
      %get3A_1929 = arith.constant 624 : index
      %get3A_1930 = tpu.vector_load %arg14[%get3A_1929] {strides = array<i32>} : memref<640xf32, #tpu.memory_space<vmem>>, vector<16xf32>,
      %get3A_1931 = vector.shape_cast %get3A_1930 : vector<16xf32> to vector<16xf32>
      %swap3A_1932 = arith.constant 39 : i32
      %swap3A_1933 = arith.index_cast %swap3A_1932 : i32 to index
      %swap3A_1934 = arith.constant 0 : index
      %swap3A_1935 = tpu.vector_load %arg19[%swap3A_1933, %swap3A_1934] {strides = array<i32>} : memref<40x128xf32, #tpu.memory_space<vmem>>, vector<1x16xf32>,
      %swap3A_1936 = vector.shape_cast %swap3A_1935 : vector<1x16xf32> to vector<16xf32>
      %swap3A_1937 = vector.shape_cast %get3A_1931 : vector<16xf32> to vector<1x16xf32>
      tpu.vector_store %arg19[%swap3A_1933, %swap3A_1934], %swap3A_1937 {strides = array<i32>} : memref<40x128xf32, #tpu.memory_space<vmem>>, vector<1x16xf32>,
      %dma_start3A_1938 = arith.constant 0 : i32
      %dma_start3A_1939 = arith.constant 0 : i32
      %dma_start3A_1940 = tpu.memref_slice %arg20[%dma_start3A_1938, %dma_start3A_1939] : memref<10240x128xf32, #tpu.memory_space<vmem_shared>> -> memref<10240x128xf32, #tpu.memory_space<vmem_shared>>
      tpu.enqueue_indirect_dma source(%arg19 : memref<40x128xf32, #tpu.memory_space<vmem>>) target(%dma_start3A_1940 : memref<10240x128xf32, #tpu.memory_space<vmem_shared>>) offsets(%arg9 : memref<40xi32, #tpu.memory_space<vmem>>) semaphore(%arg30 : memref<!tpu.dma_semaphore, #tpu.memory_space<semaphore_mem>>) {add = true}
      %lt3A = arith.constant 49 : i32
      %lt3A_1941 = arith.cmpi slt, %scan3A_84, %lt3A : i32
      %convert_element_type3A = arith.extui %lt3A_1941 : i1 to i32
      %cond3A = arith.constant 0 : i32
      %cond3A_1942 = arith.cmpi ne, %convert_element_type3A, %cond3A : i32
      scf.if %cond3A_1942 {
        %dma_wait3A_1944 = arith.constant 0 : i32
        %dma_wait3A_1945 = arith.constant 0 : i32
        %dma_wait3A_1946 = tpu.memref_slice %arg20[%dma_wait3A_1944, %dma_wait3A_1945] : memref<10240x128xf32, #tpu.memory_space<vmem_shared>> -> memref<10240x128xf32, #tpu.memory_space<vmem_shared>>
        tpu.wait_indirect_dma semaphore(%arg26 : memref<!tpu.dma_semaphore, #tpu.memory_space<semaphore_mem>>) src(%arg15 : memref<40x128xf32, #tpu.memory_space<vmem>>) dst(%dma_wait3A_1946 : memref<10240x128xf32, #tpu.memory_space<vmem_shared>>)
        %add3A_1947 = arith.constant 5 : i32
        %add3A_1948 = arith.addi %mul3A_87, %add3A_1947 : i32
        %add3A_1949 = arith.constant 0 : i32
        %add3A_1950 = arith.addi %add3A_1948, %add3A_1949 : i32
        %mul3A_1951 = arith.constant 40 : i32
        %mul3A_1952 = arith.muli %add3A_1950, %mul3A_1951 : i32
        %add3A_1953 = arith.addi %mul3A_15, %mul3A_1952 : i32
        %dma_start3A_1954 = tpu.memref_slice %arg2[%add3A_1953] : memref<320000xi32, #tpu.memory_space<hbm>> -> memref<40xi32, #tpu.memory_space<hbm>>
        %dma_start3A_1955 = tpu.memref_slice %arg2[%add3A_1953] : memref<320000xi32, #tpu.memory_space<hbm>> -> memref<40xi32, #tpu.memory_space<hbm>>
        tpu.enqueue_dma source(%dma_start3A_1955 : memref<40xi32, #tpu.memory_space<hbm>>) target(%arg5 : memref<40xi32, #tpu.memory_space<vmem>>) target_semaphore(%arg21 : memref<!tpu.dma_semaphore, #tpu.memory_space<semaphore_mem>>)
        %mul3A_1956 = arith.constant 16 : i32
        %mul3A_1957 = arith.muli %add3A_1953, %mul3A_1956 : i32
        %dma_start3A_1958 = tpu.memref_slice %arg3[%mul3A_1957] : memref<5120000xf32, #tpu.memory_space<hbm>> -> memref<640xf32, #tpu.memory_space<hbm>>
        %dma_start3A_1959 = tpu.memref_slice %arg3[%mul3A_1957] : memref<5120000xf32, #tpu.memory_space<hbm>> -> memref<640xf32, #tpu.memory_space<hbm>>
        tpu.enqueue_dma source(%dma_start3A_1959 : memref<640xf32, #tpu.memory_space<hbm>>) target(%arg10 : memref<640xf32, #tpu.memory_space<vmem>>) target_semaphore(%arg21 : memref<!tpu.dma_semaphore, #tpu.memory_space<semaphore_mem>>)
        %dma_wait3A_1960 = arith.constant 0 : i32
        %dma_wait3A_1961 = arith.constant 0 : i32
        %dma_wait3A_1962 = tpu.memref_slice %arg20[%dma_wait3A_1960, %dma_wait3A_1961] : memref<10240x128xf32, #tpu.memory_space<vmem_shared>> -> memref<10240x128xf32, #tpu.memory_space<vmem_shared>>
        tpu.wait_indirect_dma semaphore(%arg27 : memref<!tpu.dma_semaphore, #tpu.memory_space<semaphore_mem>>) src(%arg16 : memref<40x128xf32, #tpu.memory_space<vmem>>) dst(%dma_wait3A_1962 : memref<10240x128xf32, #tpu.memory_space<vmem_shared>>)
        %add3A_1963 = arith.constant 5 : i32
        %add3A_1964 = arith.addi %mul3A_87, %add3A_1963 : i32
        %add3A_1965 = arith.constant 1 : i32
        %add3A_1966 = arith.addi %add3A_1964, %add3A_1965 : i32
        %mul3A_1967 = arith.constant 40 : i32
        %mul3A_1968 = arith.muli %add3A_1966, %mul3A_1967 : i32
        %add3A_1969 = arith.addi %mul3A_15, %mul3A_1968 : i32
        %dma_start3A_1970 = tpu.memref_slice %arg2[%add3A_1969] : memref<320000xi32, #tpu.memory_space<hbm>> -> memref<40xi32, #tpu.memory_space<hbm>>
        %dma_start3A_1971 = tpu.memref_slice %arg2[%add3A_1969] : memref<320000xi32, #tpu.memory_space<hbm>> -> memref<40xi32, #tpu.memory_space<hbm>>
        tpu.enqueue_dma source(%dma_start3A_1971 : memref<40xi32, #tpu.memory_space<hbm>>) target(%arg6 : memref<40xi32, #tpu.memory_space<vmem>>) target_semaphore(%arg22 : memref<!tpu.dma_semaphore, #tpu.memory_space<semaphore_mem>>)
        %mul3A_1972 = arith.constant 16 : i32
        %mul3A_1973 = arith.muli %add3A_1969, %mul3A_1972 : i32
        %dma_start3A_1974 = tpu.memref_slice %arg3[%mul3A_1973] : memref<5120000xf32, #tpu.memory_space<hbm>> -> memref<640xf32, #tpu.memory_space<hbm>>
        %dma_start3A_1975 = tpu.memref_slice %arg3[%mul3A_1973] : memref<5120000xf32, #tpu.memory_space<hbm>> -> memref<640xf32, #tpu.memory_space<hbm>>
        tpu.enqueue_dma source(%dma_start3A_1975 : memref<640xf32, #tpu.memory_space<hbm>>) target(%arg11 : memref<640xf32, #tpu.memory_space<vmem>>) target_semaphore(%arg22 : memref<!tpu.dma_semaphore, #tpu.memory_space<semaphore_mem>>)
        %dma_wait3A_1976 = arith.constant 0 : i32
        %dma_wait3A_1977 = arith.constant 0 : i32
        %dma_wait3A_1978 = tpu.memref_slice %arg20[%dma_wait3A_1976, %dma_wait3A_1977] : memref<10240x128xf32, #tpu.memory_space<vmem_shared>> -> memref<10240x128xf32, #tpu.memory_space<vmem_shared>>
        tpu.wait_indirect_dma semaphore(%arg28 : memref<!tpu.dma_semaphore, #tpu.memory_space<semaphore_mem>>) src(%arg17 : memref<40x128xf32, #tpu.memory_space<vmem>>) dst(%dma_wait3A_1978 : memref<10240x128xf32, #tpu.memory_space<vmem_shared>>)
        %add3A_1979 = arith.constant 5 : i32
        %add3A_1980 = arith.addi %mul3A_87, %add3A_1979 : i32
        %add3A_1981 = arith.constant 2 : i32
        %add3A_1982 = arith.addi %add3A_1980, %add3A_1981 : i32
        %mul3A_1983 = arith.constant 40 : i32
        %mul3A_1984 = arith.muli %add3A_1982, %mul3A_1983 : i32
        %add3A_1985 = arith.addi %mul3A_15, %mul3A_1984 : i32
        %dma_start3A_1986 = tpu.memref_slice %arg2[%add3A_1985] : memref<320000xi32, #tpu.memory_space<hbm>> -> memref<40xi32, #tpu.memory_space<hbm>>
        %dma_start3A_1987 = tpu.memref_slice %arg2[%add3A_1985] : memref<320000xi32, #tpu.memory_space<hbm>> -> memref<40xi32, #tpu.memory_space<hbm>>
        tpu.enqueue_dma source(%dma_start3A_1987 : memref<40xi32, #tpu.memory_space<hbm>>) target(%arg7 : memref<40xi32, #tpu.memory_space<vmem>>) target_semaphore(%arg23 : memref<!tpu.dma_semaphore, #tpu.memory_space<semaphore_mem>>)
        %mul3A_1988 = arith.constant 16 : i32
        %mul3A_1989 = arith.muli %add3A_1985, %mul3A_1988 : i32
        %dma_start3A_1990 = tpu.memref_slice %arg3[%mul3A_1989] : memref<5120000xf32, #tpu.memory_space<hbm>> -> memref<640xf32, #tpu.memory_space<hbm>>
        %dma_start3A_1991 = tpu.memref_slice %arg3[%mul3A_1989] : memref<5120000xf32, #tpu.memory_space<hbm>> -> memref<640xf32, #tpu.memory_space<hbm>>
        tpu.enqueue_dma source(%dma_start3A_1991 : memref<640xf32, #tpu.memory_space<hbm>>) target(%arg12 : memref<640xf32, #tpu.memory_space<vmem>>) target_semaphore(%arg23 : memref<!tpu.dma_semaphore, #tpu.memory_space<semaphore_mem>>)
        %dma_wait3A_1992 = arith.constant 0 : i32
        %dma_wait3A_1993 = arith.constant 0 : i32
        %dma_wait3A_1994 = tpu.memref_slice %arg20[%dma_wait3A_1992, %dma_wait3A_1993] : memref<10240x128xf32, #tpu.memory_space<vmem_shared>> -> memref<10240x128xf32, #tpu.memory_space<vmem_shared>>
        tpu.wait_indirect_dma semaphore(%arg29 : memref<!tpu.dma_semaphore, #tpu.memory_space<semaphore_mem>>) src(%arg18 : memref<40x128xf32, #tpu.memory_space<vmem>>) dst(%dma_wait3A_1994 : memref<10240x128xf32, #tpu.memory_space<vmem_shared>>)
        %add3A_1995 = arith.constant 5 : i32
        %add3A_1996 = arith.addi %mul3A_87, %add3A_1995 : i32
        %add3A_1997 = arith.constant 3 : i32
        %add3A_1998 = arith.addi %add3A_1996, %add3A_1997 : i32
        %mul3A_1999 = arith.constant 40 : i32
        %mul3A_2000 = arith.muli %add3A_1998, %mul3A_1999 : i32
        %add3A_2001 = arith.addi %mul3A_15, %mul3A_2000 : i32
        %dma_start3A_2002 = tpu.memref_slice %arg2[%add3A_2001] : memref<320000xi32, #tpu.memory_space<hbm>> -> memref<40xi32, #tpu.memory_space<hbm>>
        %dma_start3A_2003 = tpu.memref_slice %arg2[%add3A_2001] : memref<320000xi32, #tpu.memory_space<hbm>> -> memref<40xi32, #tpu.memory_space<hbm>>
        tpu.enqueue_dma source(%dma_start3A_2003 : memref<40xi32, #tpu.memory_space<hbm>>) target(%arg8 : memref<40xi32, #tpu.memory_space<vmem>>) target_semaphore(%arg24 : memref<!tpu.dma_semaphore, #tpu.memory_space<semaphore_mem>>)
        %mul3A_2004 = arith.constant 16 : i32
        %mul3A_2005 = arith.muli %add3A_2001, %mul3A_2004 : i32
        %dma_start3A_2006 = tpu.memref_slice %arg3[%mul3A_2005] : memref<5120000xf32, #tpu.memory_space<hbm>> -> memref<640xf32, #tpu.memory_space<hbm>>
        %dma_start3A_2007 = tpu.memref_slice %arg3[%mul3A_2005] : memref<5120000xf32, #tpu.memory_space<hbm>> -> memref<640xf32, #tpu.memory_space<hbm>>
        tpu.enqueue_dma source(%dma_start3A_2007 : memref<640xf32, #tpu.memory_space<hbm>>) target(%arg13 : memref<640xf32, #tpu.memory_space<vmem>>) target_semaphore(%arg24 : memref<!tpu.dma_semaphore, #tpu.memory_space<semaphore_mem>>)
        %dma_wait3A_2008 = arith.constant 0 : i32
        %dma_wait3A_2009 = arith.constant 0 : i32
        %dma_wait3A_2010 = tpu.memref_slice %arg20[%dma_wait3A_2008, %dma_wait3A_2009] : memref<10240x128xf32, #tpu.memory_space<vmem_shared>> -> memref<10240x128xf32, #tpu.memory_space<vmem_shared>>
        tpu.wait_indirect_dma semaphore(%arg30 : memref<!tpu.dma_semaphore, #tpu.memory_space<semaphore_mem>>) src(%arg19 : memref<40x128xf32, #tpu.memory_space<vmem>>) dst(%dma_wait3A_2010 : memref<10240x128xf32, #tpu.memory_space<vmem_shared>>)
        %add3A_2011 = arith.constant 5 : i32
        %add3A_2012 = arith.addi %mul3A_87, %add3A_2011 : i32
        %add3A_2013 = arith.constant 4 : i32
        %add3A_2014 = arith.addi %add3A_2012, %add3A_2013 : i32
        %mul3A_2015 = arith.constant 40 : i32
        %mul3A_2016 = arith.muli %add3A_2014, %mul3A_2015 : i32
        %add3A_2017 = arith.addi %mul3A_15, %mul3A_2016 : i32
        %dma_start3A_2018 = tpu.memref_slice %arg2[%add3A_2017] : memref<320000xi32, #tpu.memory_space<hbm>> -> memref<40xi32, #tpu.memory_space<hbm>>
        %dma_start3A_2019 = tpu.memref_slice %arg2[%add3A_2017] : memref<320000xi32, #tpu.memory_space<hbm>> -> memref<40xi32, #tpu.memory_space<hbm>>
        tpu.enqueue_dma source(%dma_start3A_2019 : memref<40xi32, #tpu.memory_space<hbm>>) target(%arg9 : memref<40xi32, #tpu.memory_space<vmem>>) target_semaphore(%arg25 : memref<!tpu.dma_semaphore, #tpu.memory_space<semaphore_mem>>)
        %mul3A_2020 = arith.constant 16 : i32
        %mul3A_2021 = arith.muli %add3A_2017, %mul3A_2020 : i32
        %dma_start3A_2022 = tpu.memref_slice %arg3[%mul3A_2021] : memref<5120000xf32, #tpu.memory_space<hbm>> -> memref<640xf32, #tpu.memory_space<hbm>>
        %dma_start3A_2023 = tpu.memref_slice %arg3[%mul3A_2021] : memref<5120000xf32, #tpu.memory_space<hbm>> -> memref<640xf32, #tpu.memory_space<hbm>>
        tpu.enqueue_dma source(%dma_start3A_2023 : memref<640xf32, #tpu.memory_space<hbm>>) target(%arg14 : memref<640xf32, #tpu.memory_space<vmem>>) target_semaphore(%arg25 : memref<!tpu.dma_semaphore, #tpu.memory_space<semaphore_mem>>)
      } else {
      }
      %scan3A_1943 = arith.constant 0 : i32
      scf.yield %scan3A_1943 : i32
    }
    %scan3A_61 = arith.constant 50 : i32
    %dma_wait3A = arith.constant 0 : i32
    %dma_wait3A_62 = arith.constant 0 : i32
    %dma_wait3A_63 = tpu.memref_slice %arg20[%dma_wait3A, %dma_wait3A_62] : memref<10240x128xf32, #tpu.memory_space<vmem_shared>> -> memref<10240x128xf32, #tpu.memory_space<vmem_shared>>
    tpu.wait_indirect_dma semaphore(%arg26 : memref<!tpu.dma_semaphore, #tpu.memory_space<semaphore_mem>>) src(%arg15 : memref<40x128xf32, #tpu.memory_space<vmem>>) dst(%dma_wait3A_63 : memref<10240x128xf32, #tpu.memory_space<vmem_shared>>)
    %dma_wait3A_64 = arith.constant 0 : i32
    %dma_wait3A_65 = arith.constant 0 : i32
    %dma_wait3A_66 = tpu.memref_slice %arg20[%dma_wait3A_64, %dma_wait3A_65] : memref<10240x128xf32, #tpu.memory_space<vmem_shared>> -> memref<10240x128xf32, #tpu.memory_space<vmem_shared>>
    tpu.wait_indirect_dma semaphore(%arg27 : memref<!tpu.dma_semaphore, #tpu.memory_space<semaphore_mem>>) src(%arg16 : memref<40x128xf32, #tpu.memory_space<vmem>>) dst(%dma_wait3A_66 : memref<10240x128xf32, #tpu.memory_space<vmem_shared>>)
    %dma_wait3A_67 = arith.constant 0 : i32
    %dma_wait3A_68 = arith.constant 0 : i32
    %dma_wait3A_69 = tpu.memref_slice %arg20[%dma_wait3A_67, %dma_wait3A_68] : memref<10240x128xf32, #tpu.memory_space<vmem_shared>> -> memref<10240x128xf32, #tpu.memory_space<vmem_shared>>
    tpu.wait_indirect_dma semaphore(%arg28 : memref<!tpu.dma_semaphore, #tpu.memory_space<semaphore_mem>>) src(%arg17 : memref<40x128xf32, #tpu.memory_space<vmem>>) dst(%dma_wait3A_69 : memref<10240x128xf32, #tpu.memory_space<vmem_shared>>)
    %dma_wait3A_70 = arith.constant 0 : i32
    %dma_wait3A_71 = arith.constant 0 : i32
    %dma_wait3A_72 = tpu.memref_slice %arg20[%dma_wait3A_70, %dma_wait3A_71] : memref<10240x128xf32, #tpu.memory_space<vmem_shared>> -> memref<10240x128xf32, #tpu.memory_space<vmem_shared>>
    tpu.wait_indirect_dma semaphore(%arg29 : memref<!tpu.dma_semaphore, #tpu.memory_space<semaphore_mem>>) src(%arg18 : memref<40x128xf32, #tpu.memory_space<vmem>>) dst(%dma_wait3A_72 : memref<10240x128xf32, #tpu.memory_space<vmem_shared>>)
    %dma_wait3A_73 = arith.constant 0 : i32
    %dma_wait3A_74 = arith.constant 0 : i32
    %dma_wait3A_75 = tpu.memref_slice %arg20[%dma_wait3A_73, %dma_wait3A_74] : memref<10240x128xf32, #tpu.memory_space<vmem_shared>> -> memref<10240x128xf32, #tpu.memory_space<vmem_shared>>
    tpu.wait_indirect_dma semaphore(%arg30 : memref<!tpu.dma_semaphore, #tpu.memory_space<semaphore_mem>>) src(%arg19 : memref<40x128xf32, #tpu.memory_space<vmem>>) dst(%dma_wait3A_75 : memref<10240x128xf32, #tpu.memory_space<vmem_shared>>)
    %barrier3A_76 = arith.constant 0 : index
    tpu.barrier barrier_id(%barrier3A_76)
    %scan3A_77 = arith.constant 0 : i32
    %scan3A_78 = arith.constant 0 : i32
    %scan3A_79 = arith.constant 8 : i32
    %scan3A_80 = arith.addi %scan3A_78, %scan3A_79 : i32
    %scan3A_81 = arith.constant 1 : i32
    %scan3A_82 = scf.for %scan3A_84 = %scan3A_78 to %scan3A_80 step %scan3A_81 iter_args(%scan3A_85 = %scan3A_77) -> (i32)  : i32 {
      %mul3A_86 = arith.constant 640 : i32
      %mul3A_87 = arith.muli %arg1, %mul3A_86 : i32
      %mul3A_88 = arith.constant 80 : i32
      %mul3A_89 = arith.muli %scan3A_84, %mul3A_88 : i32
      %add3A_90 = arith.addi %mul3A_87, %mul3A_89 : i32
      "tpu.region"() ({
        %run_scoped3A = tpu.sem_alloc : memref<!tpu.dma_semaphore, #tpu.memory_space<semaphore_mem>>
        %dma_start3A_92 = arith.constant 0 : i32
        %dma_start3A_93 = tpu.memref_slice %arg4[%arg0, %add3A_90, %dma_start3A_92] : memref<2x10240x128xf32, #tpu.memory_space<hbm>> -> memref<1x80x128xf32, #tpu.memory_space<hbm>>
        %dma_start3A_94 = tpu.memref_squeeze %dma_start3A_93 : memref<1x80x128xf32, #tpu.memory_space<hbm>> -> memref<80x128xf32, #tpu.memory_space<hbm>>
        %dma_start3A_95 = arith.constant 0 : i32
        %dma_start3A_96 = tpu.memref_slice %arg20[%add3A_90, %dma_start3A_95] : memref<10240x128xf32, #tpu.memory_space<vmem_shared>> -> memref<80x128xf32, #tpu.memory_space<vmem_shared>>
        tpu.enqueue_dma source(%dma_start3A_96 : memref<80x128xf32, #tpu.memory_space<vmem_shared>>) target(%dma_start3A_94 : memref<80x128xf32, #tpu.memory_space<hbm>>) target_semaphore(%run_scoped3A : memref<!tpu.dma_semaphore, #tpu.memory_space<semaphore_mem>>)
        %dma_wait3A_97 = arith.constant 0 : i32
        %dma_wait3A_98 = tpu.memref_slice %arg4[%arg0, %add3A_90, %dma_wait3A_97] : memref<2x10240x128xf32, #tpu.memory_space<hbm>> -> memref<1x80x128xf32, #tpu.memory_space<hbm>>
        %dma_wait3A_99 = tpu.memref_squeeze %dma_wait3A_98 : memref<1x80x128xf32, #tpu.memory_space<hbm>> -> memref<80x128xf32, #tpu.memory_space<hbm>>
        %dma_wait3A_100 = arith.constant 0 : i32
        %dma_wait3A_101 = tpu.memref_slice %arg20[%add3A_90, %dma_wait3A_100] : memref<10240x128xf32, #tpu.memory_space<vmem_shared>> -> memref<80x128xf32, #tpu.memory_space<vmem_shared>>
        tpu.wait_dma2 semaphore(%run_scoped3A : memref<!tpu.dma_semaphore, #tpu.memory_space<semaphore_mem>>) src(%dma_wait3A_101 : memref<80x128xf32, #tpu.memory_space<vmem_shared>>) dst(%dma_wait3A_99 : memref<80x128xf32, #tpu.memory_space<hbm>>)
        tpu.yield
      }) : () -> ()
      %scan3A_91 = arith.constant 0 : i32
      scf.yield %scan3A_91 : i32
    }
    %scan3A_83 = arith.constant 8 : i32
    return
  }
}

#map = affine_map<(d0, d1) -> (0)>
#map1 = affine_map<(d0, d1) -> (0, 0)>
#map2 = affine_map<(d0, d1) -> (0, 0, 0)>
module attributes {stable_mosaic.version = 14 : i64} {
  func.func @k(%arg0: i32, %arg1: i32, %arg2: memref<320000xi32, #tpu.memory_space<hbm>>, %arg3: memref<320000x128xf32, #tpu.memory_space<hbm>>, %arg4: memref<2x10240x128xf32, #tpu.memory_space<hbm>>, %arg5: memref<40xi32, #tpu.memory_space<vmem>>, %arg6: memref<40xi32, #tpu.memory_space<vmem>>, %arg7: memref<40xi32, #tpu.memory_space<vmem>>, %arg8: memref<40xi32, #tpu.memory_space<vmem>>, %arg9: memref<40xi32, #tpu.memory_space<vmem>>, %arg10: memref<40x128xf32, #tpu.memory_space<vmem>>, %arg11: memref<40x128xf32, #tpu.memory_space<vmem>>, %arg12: memref<40x128xf32, #tpu.memory_space<vmem>>, %arg13: memref<40x128xf32, #tpu.memory_space<vmem>>, %arg14: memref<40x128xf32, #tpu.memory_space<vmem>>, %arg15: memref<10240x128xf32, #tpu.memory_space<vmem_shared>>, %arg16: memref<!tpu.dma_semaphore, #tpu.memory_space<semaphore_mem>>, %arg17: memref<!tpu.dma_semaphore, #tpu.memory_space<semaphore_mem>>, %arg18: memref<!tpu.dma_semaphore, #tpu.memory_space<semaphore_mem>>, %arg19: memref<!tpu.dma_semaphore, #tpu.memory_space<semaphore_mem>>, %arg20: memref<!tpu.dma_semaphore, #tpu.memory_space<semaphore_mem>>, %arg21: memref<!tpu.dma_semaphore, #tpu.memory_space<semaphore_mem>>, %arg22: memref<!tpu.dma_semaphore, #tpu.memory_space<semaphore_mem>>, %arg23: memref<!tpu.dma_semaphore, #tpu.memory_space<semaphore_mem>>, %arg24: memref<!tpu.dma_semaphore, #tpu.memory_space<semaphore_mem>>, %arg25: memref<!tpu.dma_semaphore, #tpu.memory_space<semaphore_mem>>) attributes {dimension_semantics = [#tpu.dimension_semantics<core_parallel>, #tpu.dimension_semantics<subcore_parallel>], iteration_bounds = array<i64: 2, 16>, scalar_prefetch = 0 : i64, scratch_operands = 21 : i64, tpu.core_type = #tpu.core_type<sc_vector_subcore>, window_params = [{transform_indices = #map}, {transform_indices = #map1}, {transform_indices = #map2}]} {
    %mul3A = arith.constant 16 : i32
    %mul3A_0 = arith.muli %arg0, %mul3A : i32
    %add3A = arith.addi %mul3A_0, %arg1 : i32
    %scan3A = arith.constant 0 : i32
    %scan3A_1 = arith.constant 0 : i32
    %scan3A_2 = arith.constant 40 : i32
    %scan3A_3 = arith.addi %scan3A_1, %scan3A_2 : i32
    %scan3A_4 = arith.constant 1 : i32
    %scan3A_5 = scf.for %scan3A_84 = %scan3A_1 to %scan3A_3 step %scan3A_4 iter_args(%scan3A_85 = %scan3A) -> (i32)  : i32 {
      %broadcast_in_dim3A = arith.constant 0.000000e+00 : f32
      %broadcast_in_dim3A_86 = vector.broadcast %broadcast_in_dim3A : f32 to vector<16xf32>
      %swap3A = arith.index_cast %scan3A_84 : i32 to index
      %swap3A_87 = arith.constant 0 : index
      %swap3A_88 = tpu.vector_load %arg10[%swap3A, %swap3A_87] {strides = array<i32>} : memref<40x128xf32, #tpu.memory_space<vmem>>, vector<1x16xf32>,
      %swap3A_89 = vector.shape_cast %swap3A_88 : vector<1x16xf32> to vector<16xf32>
      %swap3A_90 = vector.shape_cast %broadcast_in_dim3A_86 : vector<16xf32> to vector<1x16xf32>
      tpu.vector_store %arg10[%swap3A, %swap3A_87], %swap3A_90 {strides = array<i32>} : memref<40x128xf32, #tpu.memory_space<vmem>>, vector<1x16xf32>,
      %broadcast_in_dim3A_91 = arith.constant 0.000000e+00 : f32
      %broadcast_in_dim3A_92 = vector.broadcast %broadcast_in_dim3A_91 : f32 to vector<16xf32>
      %swap3A_93 = arith.index_cast %scan3A_84 : i32 to index
      %swap3A_94 = arith.constant 16 : index
      %swap3A_95 = tpu.vector_load %arg10[%swap3A_93, %swap3A_94] {strides = array<i32>} : memref<40x128xf32, #tpu.memory_space<vmem>>, vector<1x16xf32>,
      %swap3A_96 = vector.shape_cast %swap3A_95 : vector<1x16xf32> to vector<16xf32>
      %swap3A_97 = vector.shape_cast %broadcast_in_dim3A_92 : vector<16xf32> to vector<1x16xf32>
      tpu.vector_store %arg10[%swap3A_93, %swap3A_94], %swap3A_97 {strides = array<i32>} : memref<40x128xf32, #tpu.memory_space<vmem>>, vector<1x16xf32>,
      %broadcast_in_dim3A_98 = arith.constant 0.000000e+00 : f32
      %broadcast_in_dim3A_99 = vector.broadcast %broadcast_in_dim3A_98 : f32 to vector<16xf32>
      %swap3A_100 = arith.index_cast %scan3A_84 : i32 to index
      %swap3A_101 = arith.constant 32 : index
      %swap3A_102 = tpu.vector_load %arg10[%swap3A_100, %swap3A_101] {strides = array<i32>} : memref<40x128xf32, #tpu.memory_space<vmem>>, vector<1x16xf32>,
      %swap3A_103 = vector.shape_cast %swap3A_102 : vector<1x16xf32> to vector<16xf32>
      %swap3A_104 = vector.shape_cast %broadcast_in_dim3A_99 : vector<16xf32> to vector<1x16xf32>
      tpu.vector_store %arg10[%swap3A_100, %swap3A_101], %swap3A_104 {strides = array<i32>} : memref<40x128xf32, #tpu.memory_space<vmem>>, vector<1x16xf32>,
      %broadcast_in_dim3A_105 = arith.constant 0.000000e+00 : f32
      %broadcast_in_dim3A_106 = vector.broadcast %broadcast_in_dim3A_105 : f32 to vector<16xf32>
      %swap3A_107 = arith.index_cast %scan3A_84 : i32 to index
      %swap3A_108 = arith.constant 48 : index
      %swap3A_109 = tpu.vector_load %arg10[%swap3A_107, %swap3A_108] {strides = array<i32>} : memref<40x128xf32, #tpu.memory_space<vmem>>, vector<1x16xf32>,
      %swap3A_110 = vector.shape_cast %swap3A_109 : vector<1x16xf32> to vector<16xf32>
      %swap3A_111 = vector.shape_cast %broadcast_in_dim3A_106 : vector<16xf32> to vector<1x16xf32>
      tpu.vector_store %arg10[%swap3A_107, %swap3A_108], %swap3A_111 {strides = array<i32>} : memref<40x128xf32, #tpu.memory_space<vmem>>, vector<1x16xf32>,
      %broadcast_in_dim3A_112 = arith.constant 0.000000e+00 : f32
      %broadcast_in_dim3A_113 = vector.broadcast %broadcast_in_dim3A_112 : f32 to vector<16xf32>
      %swap3A_114 = arith.index_cast %scan3A_84 : i32 to index
      %swap3A_115 = arith.constant 64 : index
      %swap3A_116 = tpu.vector_load %arg10[%swap3A_114, %swap3A_115] {strides = array<i32>} : memref<40x128xf32, #tpu.memory_space<vmem>>, vector<1x16xf32>,
      %swap3A_117 = vector.shape_cast %swap3A_116 : vector<1x16xf32> to vector<16xf32>
      %swap3A_118 = vector.shape_cast %broadcast_in_dim3A_113 : vector<16xf32> to vector<1x16xf32>
      tpu.vector_store %arg10[%swap3A_114, %swap3A_115], %swap3A_118 {strides = array<i32>} : memref<40x128xf32, #tpu.memory_space<vmem>>, vector<1x16xf32>,
      %broadcast_in_dim3A_119 = arith.constant 0.000000e+00 : f32
      %broadcast_in_dim3A_120 = vector.broadcast %broadcast_in_dim3A_119 : f32 to vector<16xf32>
      %swap3A_121 = arith.index_cast %scan3A_84 : i32 to index
      %swap3A_122 = arith.constant 80 : index
      %swap3A_123 = tpu.vector_load %arg10[%swap3A_121, %swap3A_122] {strides = array<i32>} : memref<40x128xf32, #tpu.memory_space<vmem>>, vector<1x16xf32>,
      %swap3A_124 = vector.shape_cast %swap3A_123 : vector<1x16xf32> to vector<16xf32>
      %swap3A_125 = vector.shape_cast %broadcast_in_dim3A_120 : vector<16xf32> to vector<1x16xf32>
      tpu.vector_store %arg10[%swap3A_121, %swap3A_122], %swap3A_125 {strides = array<i32>} : memref<40x128xf32, #tpu.memory_space<vmem>>, vector<1x16xf32>,
      %broadcast_in_dim3A_126 = arith.constant 0.000000e+00 : f32
      %broadcast_in_dim3A_127 = vector.broadcast %broadcast_in_dim3A_126 : f32 to vector<16xf32>
      %swap3A_128 = arith.index_cast %scan3A_84 : i32 to index
      %swap3A_129 = arith.constant 96 : index
      %swap3A_130 = tpu.vector_load %arg10[%swap3A_128, %swap3A_129] {strides = array<i32>} : memref<40x128xf32, #tpu.memory_space<vmem>>, vector<1x16xf32>,
      %swap3A_131 = vector.shape_cast %swap3A_130 : vector<1x16xf32> to vector<16xf32>
      %swap3A_132 = vector.shape_cast %broadcast_in_dim3A_127 : vector<16xf32> to vector<1x16xf32>
      tpu.vector_store %arg10[%swap3A_128, %swap3A_129], %swap3A_132 {strides = array<i32>} : memref<40x128xf32, #tpu.memory_space<vmem>>, vector<1x16xf32>,
      %broadcast_in_dim3A_133 = arith.constant 0.000000e+00 : f32
      %broadcast_in_dim3A_134 = vector.broadcast %broadcast_in_dim3A_133 : f32 to vector<16xf32>
      %swap3A_135 = arith.index_cast %scan3A_84 : i32 to index
      %swap3A_136 = arith.constant 112 : index
      %swap3A_137 = tpu.vector_load %arg10[%swap3A_135, %swap3A_136] {strides = array<i32>} : memref<40x128xf32, #tpu.memory_space<vmem>>, vector<1x16xf32>,
      %swap3A_138 = vector.shape_cast %swap3A_137 : vector<1x16xf32> to vector<16xf32>
      %swap3A_139 = vector.shape_cast %broadcast_in_dim3A_134 : vector<16xf32> to vector<1x16xf32>
      tpu.vector_store %arg10[%swap3A_135, %swap3A_136], %swap3A_139 {strides = array<i32>} : memref<40x128xf32, #tpu.memory_space<vmem>>, vector<1x16xf32>,
      %scan3A_140 = arith.constant 0 : i32
      scf.yield %scan3A_140 : i32
    }
    %scan3A_6 = arith.constant 40 : i32
    %scan3A_7 = arith.constant 0 : i32
    %scan3A_8 = arith.constant 0 : i32
    %scan3A_9 = arith.constant 16 : i32
    %scan3A_10 = arith.addi %scan3A_8, %scan3A_9 : i32
    %scan3A_11 = arith.constant 1 : i32
    %scan3A_12 = scf.for %scan3A_84 = %scan3A_8 to %scan3A_10 step %scan3A_11 iter_args(%scan3A_85 = %scan3A_7) -> (i32)  : i32 {
      %mul3A_86 = arith.constant 640 : i32
      %mul3A_87 = arith.muli %arg1, %mul3A_86 : i32
      %mul3A_88 = arith.constant 40 : i32
      %mul3A_89 = arith.muli %scan3A_84, %mul3A_88 : i32
      %add3A_90 = arith.addi %mul3A_87, %mul3A_89 : i32
      "tpu.region"() ({
        %run_scoped3A = tpu.sem_alloc : memref<!tpu.dma_semaphore, #tpu.memory_space<semaphore_mem>>
        %dma_start3A_92 = arith.constant 0 : i32
        %dma_start3A_93 = tpu.memref_slice %arg15[%add3A_90, %dma_start3A_92] : memref<10240x128xf32, #tpu.memory_space<vmem_shared>> -> memref<40x128xf32, #tpu.memory_space<vmem_shared>>
        %dma_start3A_94 = arith.constant 0 : i32
        %dma_start3A_95 = tpu.memref_slice %arg15[%add3A_90, %dma_start3A_94] : memref<10240x128xf32, #tpu.memory_space<vmem_shared>> -> memref<40x128xf32, #tpu.memory_space<vmem_shared>>
        tpu.enqueue_dma source(%arg10 : memref<40x128xf32, #tpu.memory_space<vmem>>) target(%dma_start3A_95 : memref<40x128xf32, #tpu.memory_space<vmem_shared>>) target_semaphore(%run_scoped3A : memref<!tpu.dma_semaphore, #tpu.memory_space<semaphore_mem>>)
        %dma_wait3A_96 = arith.constant 0 : i32
        %dma_wait3A_97 = tpu.memref_slice %arg15[%add3A_90, %dma_wait3A_96] : memref<10240x128xf32, #tpu.memory_space<vmem_shared>> -> memref<40x128xf32, #tpu.memory_space<vmem_shared>>
        %dma_wait3A_98 = arith.constant 0 : i32
        %dma_wait3A_99 = tpu.memref_slice %arg15[%add3A_90, %dma_wait3A_98] : memref<10240x128xf32, #tpu.memory_space<vmem_shared>> -> memref<40x128xf32, #tpu.memory_space<vmem_shared>>
        tpu.wait_dma2 semaphore(%run_scoped3A : memref<!tpu.dma_semaphore, #tpu.memory_space<semaphore_mem>>) src(%arg10 : memref<40x128xf32, #tpu.memory_space<vmem>>) dst(%dma_wait3A_99 : memref<40x128xf32, #tpu.memory_space<vmem_shared>>)
        tpu.yield
      }) : () -> ()
      %scan3A_91 = arith.constant 0 : i32
      scf.yield %scan3A_91 : i32
    }
    %scan3A_13 = arith.constant 16 : i32
    %barrier3A = arith.constant 0 : index
    tpu.barrier barrier_id(%barrier3A)
    %mul3A_14 = arith.constant 10000 : i32
    %mul3A_15 = arith.muli %add3A, %mul3A_14 : i32
    %add3A_16 = arith.constant 0 : i32
    %add3A_17 = arith.addi %mul3A_15, %add3A_16 : i32
    %dma_start3A = tpu.memref_slice %arg2[%add3A_17] : memref<320000xi32, #tpu.memory_space<hbm>> -> memref<40xi32, #tpu.memory_space<hbm>>
    %dma_start3A_18 = tpu.memref_slice %arg2[%add3A_17] : memref<320000xi32, #tpu.memory_space<hbm>> -> memref<40xi32, #tpu.memory_space<hbm>>
    tpu.enqueue_dma source(%dma_start3A_18 : memref<40xi32, #tpu.memory_space<hbm>>) target(%arg5 : memref<40xi32, #tpu.memory_space<vmem>>) target_semaphore(%arg16 : memref<!tpu.dma_semaphore, #tpu.memory_space<semaphore_mem>>)
    %dma_start3A_19 = arith.constant 0 : i32
    %dma_start3A_20 = tpu.memref_slice %arg3[%add3A_17, %dma_start3A_19] : memref<320000x128xf32, #tpu.memory_space<hbm>> -> memref<40x128xf32, #tpu.memory_space<hbm>>
    %dma_start3A_21 = arith.constant 0 : i32
    %dma_start3A_22 = tpu.memref_slice %arg3[%add3A_17, %dma_start3A_21] : memref<320000x128xf32, #tpu.memory_space<hbm>> -> memref<40x128xf32, #tpu.memory_space<hbm>>
    tpu.enqueue_dma source(%dma_start3A_22 : memref<40x128xf32, #tpu.memory_space<hbm>>) target(%arg10 : memref<40x128xf32, #tpu.memory_space<vmem>>) target_semaphore(%arg16 : memref<!tpu.dma_semaphore, #tpu.memory_space<semaphore_mem>>)
    %add3A_23 = arith.constant 40 : i32
    %add3A_24 = arith.addi %mul3A_15, %add3A_23 : i32
    %dma_start3A_25 = tpu.memref_slice %arg2[%add3A_24] : memref<320000xi32, #tpu.memory_space<hbm>> -> memref<40xi32, #tpu.memory_space<hbm>>
    %dma_start3A_26 = tpu.memref_slice %arg2[%add3A_24] : memref<320000xi32, #tpu.memory_space<hbm>> -> memref<40xi32, #tpu.memory_space<hbm>>
    tpu.enqueue_dma source(%dma_start3A_26 : memref<40xi32, #tpu.memory_space<hbm>>) target(%arg6 : memref<40xi32, #tpu.memory_space<vmem>>) target_semaphore(%arg17 : memref<!tpu.dma_semaphore, #tpu.memory_space<semaphore_mem>>)
    %dma_start3A_27 = arith.constant 0 : i32
    %dma_start3A_28 = tpu.memref_slice %arg3[%add3A_24, %dma_start3A_27] : memref<320000x128xf32, #tpu.memory_space<hbm>> -> memref<40x128xf32, #tpu.memory_space<hbm>>
    %dma_start3A_29 = arith.constant 0 : i32
    %dma_start3A_30 = tpu.memref_slice %arg3[%add3A_24, %dma_start3A_29] : memref<320000x128xf32, #tpu.memory_space<hbm>> -> memref<40x128xf32, #tpu.memory_space<hbm>>
    tpu.enqueue_dma source(%dma_start3A_30 : memref<40x128xf32, #tpu.memory_space<hbm>>) target(%arg11 : memref<40x128xf32, #tpu.memory_space<vmem>>) target_semaphore(%arg17 : memref<!tpu.dma_semaphore, #tpu.memory_space<semaphore_mem>>)
    %add3A_31 = arith.constant 80 : i32
    %add3A_32 = arith.addi %mul3A_15, %add3A_31 : i32
    %dma_start3A_33 = tpu.memref_slice %arg2[%add3A_32] : memref<320000xi32, #tpu.memory_space<hbm>> -> memref<40xi32, #tpu.memory_space<hbm>>
    %dma_start3A_34 = tpu.memref_slice %arg2[%add3A_32] : memref<320000xi32, #tpu.memory_space<hbm>> -> memref<40xi32, #tpu.memory_space<hbm>>
    tpu.enqueue_dma source(%dma_start3A_34 : memref<40xi32, #tpu.memory_space<hbm>>) target(%arg7 : memref<40xi32, #tpu.memory_space<vmem>>) target_semaphore(%arg18 : memref<!tpu.dma_semaphore, #tpu.memory_space<semaphore_mem>>)
    %dma_start3A_35 = arith.constant 0 : i32
    %dma_start3A_36 = tpu.memref_slice %arg3[%add3A_32, %dma_start3A_35] : memref<320000x128xf32, #tpu.memory_space<hbm>> -> memref<40x128xf32, #tpu.memory_space<hbm>>
    %dma_start3A_37 = arith.constant 0 : i32
    %dma_start3A_38 = tpu.memref_slice %arg3[%add3A_32, %dma_start3A_37] : memref<320000x128xf32, #tpu.memory_space<hbm>> -> memref<40x128xf32, #tpu.memory_space<hbm>>
    tpu.enqueue_dma source(%dma_start3A_38 : memref<40x128xf32, #tpu.memory_space<hbm>>) target(%arg12 : memref<40x128xf32, #tpu.memory_space<vmem>>) target_semaphore(%arg18 : memref<!tpu.dma_semaphore, #tpu.memory_space<semaphore_mem>>)
    %add3A_39 = arith.constant 120 : i32
    %add3A_40 = arith.addi %mul3A_15, %add3A_39 : i32
    %dma_start3A_41 = tpu.memref_slice %arg2[%add3A_40] : memref<320000xi32, #tpu.memory_space<hbm>> -> memref<40xi32, #tpu.memory_space<hbm>>
    %dma_start3A_42 = tpu.memref_slice %arg2[%add3A_40] : memref<320000xi32, #tpu.memory_space<hbm>> -> memref<40xi32, #tpu.memory_space<hbm>>
    tpu.enqueue_dma source(%dma_start3A_42 : memref<40xi32, #tpu.memory_space<hbm>>) target(%arg8 : memref<40xi32, #tpu.memory_space<vmem>>) target_semaphore(%arg19 : memref<!tpu.dma_semaphore, #tpu.memory_space<semaphore_mem>>)
    %dma_start3A_43 = arith.constant 0 : i32
    %dma_start3A_44 = tpu.memref_slice %arg3[%add3A_40, %dma_start3A_43] : memref<320000x128xf32, #tpu.memory_space<hbm>> -> memref<40x128xf32, #tpu.memory_space<hbm>>
    %dma_start3A_45 = arith.constant 0 : i32
    %dma_start3A_46 = tpu.memref_slice %arg3[%add3A_40, %dma_start3A_45] : memref<320000x128xf32, #tpu.memory_space<hbm>> -> memref<40x128xf32, #tpu.memory_space<hbm>>
    tpu.enqueue_dma source(%dma_start3A_46 : memref<40x128xf32, #tpu.memory_space<hbm>>) target(%arg13 : memref<40x128xf32, #tpu.memory_space<vmem>>) target_semaphore(%arg19 : memref<!tpu.dma_semaphore, #tpu.memory_space<semaphore_mem>>)
    %add3A_47 = arith.constant 160 : i32
    %add3A_48 = arith.addi %mul3A_15, %add3A_47 : i32
    %dma_start3A_49 = tpu.memref_slice %arg2[%add3A_48] : memref<320000xi32, #tpu.memory_space<hbm>> -> memref<40xi32, #tpu.memory_space<hbm>>
    %dma_start3A_50 = tpu.memref_slice %arg2[%add3A_48] : memref<320000xi32, #tpu.memory_space<hbm>> -> memref<40xi32, #tpu.memory_space<hbm>>
    tpu.enqueue_dma source(%dma_start3A_50 : memref<40xi32, #tpu.memory_space<hbm>>) target(%arg9 : memref<40xi32, #tpu.memory_space<vmem>>) target_semaphore(%arg20 : memref<!tpu.dma_semaphore, #tpu.memory_space<semaphore_mem>>)
    %dma_start3A_51 = arith.constant 0 : i32
    %dma_start3A_52 = tpu.memref_slice %arg3[%add3A_48, %dma_start3A_51] : memref<320000x128xf32, #tpu.memory_space<hbm>> -> memref<40x128xf32, #tpu.memory_space<hbm>>
    %dma_start3A_53 = arith.constant 0 : i32
    %dma_start3A_54 = tpu.memref_slice %arg3[%add3A_48, %dma_start3A_53] : memref<320000x128xf32, #tpu.memory_space<hbm>> -> memref<40x128xf32, #tpu.memory_space<hbm>>
    tpu.enqueue_dma source(%dma_start3A_54 : memref<40x128xf32, #tpu.memory_space<hbm>>) target(%arg14 : memref<40x128xf32, #tpu.memory_space<vmem>>) target_semaphore(%arg20 : memref<!tpu.dma_semaphore, #tpu.memory_space<semaphore_mem>>)
    %scan3A_55 = arith.constant 0 : i32
    %scan3A_56 = arith.constant 0 : i32
    %scan3A_57 = arith.constant 50 : i32
    %scan3A_58 = arith.addi %scan3A_56, %scan3A_57 : i32
    %scan3A_59 = arith.constant 1 : i32
    %scan3A_60 = scf.for %scan3A_84 = %scan3A_56 to %scan3A_58 step %scan3A_59 iter_args(%scan3A_85 = %scan3A_55) -> (i32)  : i32 {
      %mul3A_86 = arith.constant 5 : i32
      %mul3A_87 = arith.muli %mul3A_86, %scan3A_84 : i32
      %dma_wait3A_88 = arith.constant 0 : i32
      %dma_wait3A_89 = tpu.memref_slice %arg2[%dma_wait3A_88] : memref<320000xi32, #tpu.memory_space<hbm>> -> memref<40xi32, #tpu.memory_space<hbm>>
      %dma_wait3A_90 = arith.constant 0 : i32
      %dma_wait3A_91 = tpu.memref_slice %arg2[%dma_wait3A_90] : memref<320000xi32, #tpu.memory_space<hbm>> -> memref<40xi32, #tpu.memory_space<hbm>>
      tpu.wait_dma2 semaphore(%arg16 : memref<!tpu.dma_semaphore, #tpu.memory_space<semaphore_mem>>) src(%dma_wait3A_91 : memref<40xi32, #tpu.memory_space<hbm>>) dst(%arg5 : memref<40xi32, #tpu.memory_space<vmem>>)
      %dma_wait3A_92 = arith.constant 0 : i32
      %dma_wait3A_93 = arith.constant 0 : i32
      %dma_wait3A_94 = tpu.memref_slice %arg3[%dma_wait3A_92, %dma_wait3A_93] : memref<320000x128xf32, #tpu.memory_space<hbm>> -> memref<40x128xf32, #tpu.memory_space<hbm>>
      %dma_wait3A_95 = arith.constant 0 : i32
      %dma_wait3A_96 = arith.constant 0 : i32
      %dma_wait3A_97 = tpu.memref_slice %arg3[%dma_wait3A_95, %dma_wait3A_96] : memref<320000x128xf32, #tpu.memory_space<hbm>> -> memref<40x128xf32, #tpu.memory_space<hbm>>
      tpu.wait_dma2 semaphore(%arg16 : memref<!tpu.dma_semaphore, #tpu.memory_space<semaphore_mem>>) src(%dma_wait3A_97 : memref<40x128xf32, #tpu.memory_space<hbm>>) dst(%arg10 : memref<40x128xf32, #tpu.memory_space<vmem>>)
      %dma_start3A_98 = arith.constant 0 : i32
      %dma_start3A_99 = arith.constant 0 : i32
      %dma_start3A_100 = tpu.memref_slice %arg15[%dma_start3A_98, %dma_start3A_99] : memref<10240x128xf32, #tpu.memory_space<vmem_shared>> -> memref<10240x128xf32, #tpu.memory_space<vmem_shared>>
      tpu.enqueue_indirect_dma source(%arg10 : memref<40x128xf32, #tpu.memory_space<vmem>>) target(%dma_start3A_100 : memref<10240x128xf32, #tpu.memory_space<vmem_shared>>) offsets(%arg5 : memref<40xi32, #tpu.memory_space<vmem>>) semaphore(%arg21 : memref<!tpu.dma_semaphore, #tpu.memory_space<semaphore_mem>>) {add = true}
      %dma_wait3A_101 = arith.constant 0 : i32
      %dma_wait3A_102 = tpu.memref_slice %arg2[%dma_wait3A_101] : memref<320000xi32, #tpu.memory_space<hbm>> -> memref<40xi32, #tpu.memory_space<hbm>>
      %dma_wait3A_103 = arith.constant 0 : i32
      %dma_wait3A_104 = tpu.memref_slice %arg2[%dma_wait3A_103] : memref<320000xi32, #tpu.memory_space<hbm>> -> memref<40xi32, #tpu.memory_space<hbm>>
      tpu.wait_dma2 semaphore(%arg17 : memref<!tpu.dma_semaphore, #tpu.memory_space<semaphore_mem>>) src(%dma_wait3A_104 : memref<40xi32, #tpu.memory_space<hbm>>) dst(%arg6 : memref<40xi32, #tpu.memory_space<vmem>>)
      %dma_wait3A_105 = arith.constant 0 : i32
      %dma_wait3A_106 = arith.constant 0 : i32
      %dma_wait3A_107 = tpu.memref_slice %arg3[%dma_wait3A_105, %dma_wait3A_106] : memref<320000x128xf32, #tpu.memory_space<hbm>> -> memref<40x128xf32, #tpu.memory_space<hbm>>
      %dma_wait3A_108 = arith.constant 0 : i32
      %dma_wait3A_109 = arith.constant 0 : i32
      %dma_wait3A_110 = tpu.memref_slice %arg3[%dma_wait3A_108, %dma_wait3A_109] : memref<320000x128xf32, #tpu.memory_space<hbm>> -> memref<40x128xf32, #tpu.memory_space<hbm>>
      tpu.wait_dma2 semaphore(%arg17 : memref<!tpu.dma_semaphore, #tpu.memory_space<semaphore_mem>>) src(%dma_wait3A_110 : memref<40x128xf32, #tpu.memory_space<hbm>>) dst(%arg11 : memref<40x128xf32, #tpu.memory_space<vmem>>)
      %dma_start3A_111 = arith.constant 0 : i32
      %dma_start3A_112 = arith.constant 0 : i32
      %dma_start3A_113 = tpu.memref_slice %arg15[%dma_start3A_111, %dma_start3A_112] : memref<10240x128xf32, #tpu.memory_space<vmem_shared>> -> memref<10240x128xf32, #tpu.memory_space<vmem_shared>>
      tpu.enqueue_indirect_dma source(%arg11 : memref<40x128xf32, #tpu.memory_space<vmem>>) target(%dma_start3A_113 : memref<10240x128xf32, #tpu.memory_space<vmem_shared>>) offsets(%arg6 : memref<40xi32, #tpu.memory_space<vmem>>) semaphore(%arg22 : memref<!tpu.dma_semaphore, #tpu.memory_space<semaphore_mem>>) {add = true}
      %dma_wait3A_114 = arith.constant 0 : i32
      %dma_wait3A_115 = tpu.memref_slice %arg2[%dma_wait3A_114] : memref<320000xi32, #tpu.memory_space<hbm>> -> memref<40xi32, #tpu.memory_space<hbm>>
      %dma_wait3A_116 = arith.constant 0 : i32
      %dma_wait3A_117 = tpu.memref_slice %arg2[%dma_wait3A_116] : memref<320000xi32, #tpu.memory_space<hbm>> -> memref<40xi32, #tpu.memory_space<hbm>>
      tpu.wait_dma2 semaphore(%arg18 : memref<!tpu.dma_semaphore, #tpu.memory_space<semaphore_mem>>) src(%dma_wait3A_117 : memref<40xi32, #tpu.memory_space<hbm>>) dst(%arg7 : memref<40xi32, #tpu.memory_space<vmem>>)
      %dma_wait3A_118 = arith.constant 0 : i32
      %dma_wait3A_119 = arith.constant 0 : i32
      %dma_wait3A_120 = tpu.memref_slice %arg3[%dma_wait3A_118, %dma_wait3A_119] : memref<320000x128xf32, #tpu.memory_space<hbm>> -> memref<40x128xf32, #tpu.memory_space<hbm>>
      %dma_wait3A_121 = arith.constant 0 : i32
      %dma_wait3A_122 = arith.constant 0 : i32
      %dma_wait3A_123 = tpu.memref_slice %arg3[%dma_wait3A_121, %dma_wait3A_122] : memref<320000x128xf32, #tpu.memory_space<hbm>> -> memref<40x128xf32, #tpu.memory_space<hbm>>
      tpu.wait_dma2 semaphore(%arg18 : memref<!tpu.dma_semaphore, #tpu.memory_space<semaphore_mem>>) src(%dma_wait3A_123 : memref<40x128xf32, #tpu.memory_space<hbm>>) dst(%arg12 : memref<40x128xf32, #tpu.memory_space<vmem>>)
      %dma_start3A_124 = arith.constant 0 : i32
      %dma_start3A_125 = arith.constant 0 : i32
      %dma_start3A_126 = tpu.memref_slice %arg15[%dma_start3A_124, %dma_start3A_125] : memref<10240x128xf32, #tpu.memory_space<vmem_shared>> -> memref<10240x128xf32, #tpu.memory_space<vmem_shared>>
      tpu.enqueue_indirect_dma source(%arg12 : memref<40x128xf32, #tpu.memory_space<vmem>>) target(%dma_start3A_126 : memref<10240x128xf32, #tpu.memory_space<vmem_shared>>) offsets(%arg7 : memref<40xi32, #tpu.memory_space<vmem>>) semaphore(%arg23 : memref<!tpu.dma_semaphore, #tpu.memory_space<semaphore_mem>>) {add = true}
      %dma_wait3A_127 = arith.constant 0 : i32
      %dma_wait3A_128 = tpu.memref_slice %arg2[%dma_wait3A_127] : memref<320000xi32, #tpu.memory_space<hbm>> -> memref<40xi32, #tpu.memory_space<hbm>>
      %dma_wait3A_129 = arith.constant 0 : i32
      %dma_wait3A_130 = tpu.memref_slice %arg2[%dma_wait3A_129] : memref<320000xi32, #tpu.memory_space<hbm>> -> memref<40xi32, #tpu.memory_space<hbm>>
      tpu.wait_dma2 semaphore(%arg19 : memref<!tpu.dma_semaphore, #tpu.memory_space<semaphore_mem>>) src(%dma_wait3A_130 : memref<40xi32, #tpu.memory_space<hbm>>) dst(%arg8 : memref<40xi32, #tpu.memory_space<vmem>>)
      %dma_wait3A_131 = arith.constant 0 : i32
      %dma_wait3A_132 = arith.constant 0 : i32
      %dma_wait3A_133 = tpu.memref_slice %arg3[%dma_wait3A_131, %dma_wait3A_132] : memref<320000x128xf32, #tpu.memory_space<hbm>> -> memref<40x128xf32, #tpu.memory_space<hbm>>
      %dma_wait3A_134 = arith.constant 0 : i32
      %dma_wait3A_135 = arith.constant 0 : i32
      %dma_wait3A_136 = tpu.memref_slice %arg3[%dma_wait3A_134, %dma_wait3A_135] : memref<320000x128xf32, #tpu.memory_space<hbm>> -> memref<40x128xf32, #tpu.memory_space<hbm>>
      tpu.wait_dma2 semaphore(%arg19 : memref<!tpu.dma_semaphore, #tpu.memory_space<semaphore_mem>>) src(%dma_wait3A_136 : memref<40x128xf32, #tpu.memory_space<hbm>>) dst(%arg13 : memref<40x128xf32, #tpu.memory_space<vmem>>)
      %dma_start3A_137 = arith.constant 0 : i32
      %dma_start3A_138 = arith.constant 0 : i32
      %dma_start3A_139 = tpu.memref_slice %arg15[%dma_start3A_137, %dma_start3A_138] : memref<10240x128xf32, #tpu.memory_space<vmem_shared>> -> memref<10240x128xf32, #tpu.memory_space<vmem_shared>>
      tpu.enqueue_indirect_dma source(%arg13 : memref<40x128xf32, #tpu.memory_space<vmem>>) target(%dma_start3A_139 : memref<10240x128xf32, #tpu.memory_space<vmem_shared>>) offsets(%arg8 : memref<40xi32, #tpu.memory_space<vmem>>) semaphore(%arg24 : memref<!tpu.dma_semaphore, #tpu.memory_space<semaphore_mem>>) {add = true}
      %dma_wait3A_140 = arith.constant 0 : i32
      %dma_wait3A_141 = tpu.memref_slice %arg2[%dma_wait3A_140] : memref<320000xi32, #tpu.memory_space<hbm>> -> memref<40xi32, #tpu.memory_space<hbm>>
      %dma_wait3A_142 = arith.constant 0 : i32
      %dma_wait3A_143 = tpu.memref_slice %arg2[%dma_wait3A_142] : memref<320000xi32, #tpu.memory_space<hbm>> -> memref<40xi32, #tpu.memory_space<hbm>>
      tpu.wait_dma2 semaphore(%arg20 : memref<!tpu.dma_semaphore, #tpu.memory_space<semaphore_mem>>) src(%dma_wait3A_143 : memref<40xi32, #tpu.memory_space<hbm>>) dst(%arg9 : memref<40xi32, #tpu.memory_space<vmem>>)
      %dma_wait3A_144 = arith.constant 0 : i32
      %dma_wait3A_145 = arith.constant 0 : i32
      %dma_wait3A_146 = tpu.memref_slice %arg3[%dma_wait3A_144, %dma_wait3A_145] : memref<320000x128xf32, #tpu.memory_space<hbm>> -> memref<40x128xf32, #tpu.memory_space<hbm>>
      %dma_wait3A_147 = arith.constant 0 : i32
      %dma_wait3A_148 = arith.constant 0 : i32
      %dma_wait3A_149 = tpu.memref_slice %arg3[%dma_wait3A_147, %dma_wait3A_148] : memref<320000x128xf32, #tpu.memory_space<hbm>> -> memref<40x128xf32, #tpu.memory_space<hbm>>
      tpu.wait_dma2 semaphore(%arg20 : memref<!tpu.dma_semaphore, #tpu.memory_space<semaphore_mem>>) src(%dma_wait3A_149 : memref<40x128xf32, #tpu.memory_space<hbm>>) dst(%arg14 : memref<40x128xf32, #tpu.memory_space<vmem>>)
      %dma_start3A_150 = arith.constant 0 : i32
      %dma_start3A_151 = arith.constant 0 : i32
      %dma_start3A_152 = tpu.memref_slice %arg15[%dma_start3A_150, %dma_start3A_151] : memref<10240x128xf32, #tpu.memory_space<vmem_shared>> -> memref<10240x128xf32, #tpu.memory_space<vmem_shared>>
      tpu.enqueue_indirect_dma source(%arg14 : memref<40x128xf32, #tpu.memory_space<vmem>>) target(%dma_start3A_152 : memref<10240x128xf32, #tpu.memory_space<vmem_shared>>) offsets(%arg9 : memref<40xi32, #tpu.memory_space<vmem>>) semaphore(%arg25 : memref<!tpu.dma_semaphore, #tpu.memory_space<semaphore_mem>>) {add = true}
      %lt3A = arith.constant 49 : i32
      %lt3A_153 = arith.cmpi slt, %scan3A_84, %lt3A : i32
      %convert_element_type3A = arith.extui %lt3A_153 : i1 to i32
      %cond3A = arith.constant 0 : i32
      %cond3A_154 = arith.cmpi ne, %convert_element_type3A, %cond3A : i32
      scf.if %cond3A_154 {
        %dma_wait3A_156 = arith.constant 0 : i32
        %dma_wait3A_157 = arith.constant 0 : i32
        %dma_wait3A_158 = tpu.memref_slice %arg15[%dma_wait3A_156, %dma_wait3A_157] : memref<10240x128xf32, #tpu.memory_space<vmem_shared>> -> memref<10240x128xf32, #tpu.memory_space<vmem_shared>>
        tpu.wait_indirect_dma semaphore(%arg21 : memref<!tpu.dma_semaphore, #tpu.memory_space<semaphore_mem>>) src(%arg10 : memref<40x128xf32, #tpu.memory_space<vmem>>) dst(%dma_wait3A_158 : memref<10240x128xf32, #tpu.memory_space<vmem_shared>>)
        %add3A_159 = arith.constant 5 : i32
        %add3A_160 = arith.addi %mul3A_87, %add3A_159 : i32
        %add3A_161 = arith.constant 0 : i32
        %add3A_162 = arith.addi %add3A_160, %add3A_161 : i32
        %mul3A_163 = arith.constant 40 : i32
        %mul3A_164 = arith.muli %add3A_162, %mul3A_163 : i32
        %add3A_165 = arith.addi %mul3A_15, %mul3A_164 : i32
        %dma_start3A_166 = tpu.memref_slice %arg2[%add3A_165] : memref<320000xi32, #tpu.memory_space<hbm>> -> memref<40xi32, #tpu.memory_space<hbm>>
        %dma_start3A_167 = tpu.memref_slice %arg2[%add3A_165] : memref<320000xi32, #tpu.memory_space<hbm>> -> memref<40xi32, #tpu.memory_space<hbm>>
        tpu.enqueue_dma source(%dma_start3A_167 : memref<40xi32, #tpu.memory_space<hbm>>) target(%arg5 : memref<40xi32, #tpu.memory_space<vmem>>) target_semaphore(%arg16 : memref<!tpu.dma_semaphore, #tpu.memory_space<semaphore_mem>>)
        %dma_start3A_168 = arith.constant 0 : i32
        %dma_start3A_169 = tpu.memref_slice %arg3[%add3A_165, %dma_start3A_168] : memref<320000x128xf32, #tpu.memory_space<hbm>> -> memref<40x128xf32, #tpu.memory_space<hbm>>
        %dma_start3A_170 = arith.constant 0 : i32
        %dma_start3A_171 = tpu.memref_slice %arg3[%add3A_165, %dma_start3A_170] : memref<320000x128xf32, #tpu.memory_space<hbm>> -> memref<40x128xf32, #tpu.memory_space<hbm>>
        tpu.enqueue_dma source(%dma_start3A_171 : memref<40x128xf32, #tpu.memory_space<hbm>>) target(%arg10 : memref<40x128xf32, #tpu.memory_space<vmem>>) target_semaphore(%arg16 : memref<!tpu.dma_semaphore, #tpu.memory_space<semaphore_mem>>)
        %dma_wait3A_172 = arith.constant 0 : i32
        %dma_wait3A_173 = arith.constant 0 : i32
        %dma_wait3A_174 = tpu.memref_slice %arg15[%dma_wait3A_172, %dma_wait3A_173] : memref<10240x128xf32, #tpu.memory_space<vmem_shared>> -> memref<10240x128xf32, #tpu.memory_space<vmem_shared>>
        tpu.wait_indirect_dma semaphore(%arg22 : memref<!tpu.dma_semaphore, #tpu.memory_space<semaphore_mem>>) src(%arg11 : memref<40x128xf32, #tpu.memory_space<vmem>>) dst(%dma_wait3A_174 : memref<10240x128xf32, #tpu.memory_space<vmem_shared>>)
        %add3A_175 = arith.constant 5 : i32
        %add3A_176 = arith.addi %mul3A_87, %add3A_175 : i32
        %add3A_177 = arith.constant 1 : i32
        %add3A_178 = arith.addi %add3A_176, %add3A_177 : i32
        %mul3A_179 = arith.constant 40 : i32
        %mul3A_180 = arith.muli %add3A_178, %mul3A_179 : i32
        %add3A_181 = arith.addi %mul3A_15, %mul3A_180 : i32
        %dma_start3A_182 = tpu.memref_slice %arg2[%add3A_181] : memref<320000xi32, #tpu.memory_space<hbm>> -> memref<40xi32, #tpu.memory_space<hbm>>
        %dma_start3A_183 = tpu.memref_slice %arg2[%add3A_181] : memref<320000xi32, #tpu.memory_space<hbm>> -> memref<40xi32, #tpu.memory_space<hbm>>
        tpu.enqueue_dma source(%dma_start3A_183 : memref<40xi32, #tpu.memory_space<hbm>>) target(%arg6 : memref<40xi32, #tpu.memory_space<vmem>>) target_semaphore(%arg17 : memref<!tpu.dma_semaphore, #tpu.memory_space<semaphore_mem>>)
        %dma_start3A_184 = arith.constant 0 : i32
        %dma_start3A_185 = tpu.memref_slice %arg3[%add3A_181, %dma_start3A_184] : memref<320000x128xf32, #tpu.memory_space<hbm>> -> memref<40x128xf32, #tpu.memory_space<hbm>>
        %dma_start3A_186 = arith.constant 0 : i32
        %dma_start3A_187 = tpu.memref_slice %arg3[%add3A_181, %dma_start3A_186] : memref<320000x128xf32, #tpu.memory_space<hbm>> -> memref<40x128xf32, #tpu.memory_space<hbm>>
        tpu.enqueue_dma source(%dma_start3A_187 : memref<40x128xf32, #tpu.memory_space<hbm>>) target(%arg11 : memref<40x128xf32, #tpu.memory_space<vmem>>) target_semaphore(%arg17 : memref<!tpu.dma_semaphore, #tpu.memory_space<semaphore_mem>>)
        %dma_wait3A_188 = arith.constant 0 : i32
        %dma_wait3A_189 = arith.constant 0 : i32
        %dma_wait3A_190 = tpu.memref_slice %arg15[%dma_wait3A_188, %dma_wait3A_189] : memref<10240x128xf32, #tpu.memory_space<vmem_shared>> -> memref<10240x128xf32, #tpu.memory_space<vmem_shared>>
        tpu.wait_indirect_dma semaphore(%arg23 : memref<!tpu.dma_semaphore, #tpu.memory_space<semaphore_mem>>) src(%arg12 : memref<40x128xf32, #tpu.memory_space<vmem>>) dst(%dma_wait3A_190 : memref<10240x128xf32, #tpu.memory_space<vmem_shared>>)
        %add3A_191 = arith.constant 5 : i32
        %add3A_192 = arith.addi %mul3A_87, %add3A_191 : i32
        %add3A_193 = arith.constant 2 : i32
        %add3A_194 = arith.addi %add3A_192, %add3A_193 : i32
        %mul3A_195 = arith.constant 40 : i32
        %mul3A_196 = arith.muli %add3A_194, %mul3A_195 : i32
        %add3A_197 = arith.addi %mul3A_15, %mul3A_196 : i32
        %dma_start3A_198 = tpu.memref_slice %arg2[%add3A_197] : memref<320000xi32, #tpu.memory_space<hbm>> -> memref<40xi32, #tpu.memory_space<hbm>>
        %dma_start3A_199 = tpu.memref_slice %arg2[%add3A_197] : memref<320000xi32, #tpu.memory_space<hbm>> -> memref<40xi32, #tpu.memory_space<hbm>>
        tpu.enqueue_dma source(%dma_start3A_199 : memref<40xi32, #tpu.memory_space<hbm>>) target(%arg7 : memref<40xi32, #tpu.memory_space<vmem>>) target_semaphore(%arg18 : memref<!tpu.dma_semaphore, #tpu.memory_space<semaphore_mem>>)
        %dma_start3A_200 = arith.constant 0 : i32
        %dma_start3A_201 = tpu.memref_slice %arg3[%add3A_197, %dma_start3A_200] : memref<320000x128xf32, #tpu.memory_space<hbm>> -> memref<40x128xf32, #tpu.memory_space<hbm>>
        %dma_start3A_202 = arith.constant 0 : i32
        %dma_start3A_203 = tpu.memref_slice %arg3[%add3A_197, %dma_start3A_202] : memref<320000x128xf32, #tpu.memory_space<hbm>> -> memref<40x128xf32, #tpu.memory_space<hbm>>
        tpu.enqueue_dma source(%dma_start3A_203 : memref<40x128xf32, #tpu.memory_space<hbm>>) target(%arg12 : memref<40x128xf32, #tpu.memory_space<vmem>>) target_semaphore(%arg18 : memref<!tpu.dma_semaphore, #tpu.memory_space<semaphore_mem>>)
        %dma_wait3A_204 = arith.constant 0 : i32
        %dma_wait3A_205 = arith.constant 0 : i32
        %dma_wait3A_206 = tpu.memref_slice %arg15[%dma_wait3A_204, %dma_wait3A_205] : memref<10240x128xf32, #tpu.memory_space<vmem_shared>> -> memref<10240x128xf32, #tpu.memory_space<vmem_shared>>
        tpu.wait_indirect_dma semaphore(%arg24 : memref<!tpu.dma_semaphore, #tpu.memory_space<semaphore_mem>>) src(%arg13 : memref<40x128xf32, #tpu.memory_space<vmem>>) dst(%dma_wait3A_206 : memref<10240x128xf32, #tpu.memory_space<vmem_shared>>)
        %add3A_207 = arith.constant 5 : i32
        %add3A_208 = arith.addi %mul3A_87, %add3A_207 : i32
        %add3A_209 = arith.constant 3 : i32
        %add3A_210 = arith.addi %add3A_208, %add3A_209 : i32
        %mul3A_211 = arith.constant 40 : i32
        %mul3A_212 = arith.muli %add3A_210, %mul3A_211 : i32
        %add3A_213 = arith.addi %mul3A_15, %mul3A_212 : i32
        %dma_start3A_214 = tpu.memref_slice %arg2[%add3A_213] : memref<320000xi32, #tpu.memory_space<hbm>> -> memref<40xi32, #tpu.memory_space<hbm>>
        %dma_start3A_215 = tpu.memref_slice %arg2[%add3A_213] : memref<320000xi32, #tpu.memory_space<hbm>> -> memref<40xi32, #tpu.memory_space<hbm>>
        tpu.enqueue_dma source(%dma_start3A_215 : memref<40xi32, #tpu.memory_space<hbm>>) target(%arg8 : memref<40xi32, #tpu.memory_space<vmem>>) target_semaphore(%arg19 : memref<!tpu.dma_semaphore, #tpu.memory_space<semaphore_mem>>)
        %dma_start3A_216 = arith.constant 0 : i32
        %dma_start3A_217 = tpu.memref_slice %arg3[%add3A_213, %dma_start3A_216] : memref<320000x128xf32, #tpu.memory_space<hbm>> -> memref<40x128xf32, #tpu.memory_space<hbm>>
        %dma_start3A_218 = arith.constant 0 : i32
        %dma_start3A_219 = tpu.memref_slice %arg3[%add3A_213, %dma_start3A_218] : memref<320000x128xf32, #tpu.memory_space<hbm>> -> memref<40x128xf32, #tpu.memory_space<hbm>>
        tpu.enqueue_dma source(%dma_start3A_219 : memref<40x128xf32, #tpu.memory_space<hbm>>) target(%arg13 : memref<40x128xf32, #tpu.memory_space<vmem>>) target_semaphore(%arg19 : memref<!tpu.dma_semaphore, #tpu.memory_space<semaphore_mem>>)
        %dma_wait3A_220 = arith.constant 0 : i32
        %dma_wait3A_221 = arith.constant 0 : i32
        %dma_wait3A_222 = tpu.memref_slice %arg15[%dma_wait3A_220, %dma_wait3A_221] : memref<10240x128xf32, #tpu.memory_space<vmem_shared>> -> memref<10240x128xf32, #tpu.memory_space<vmem_shared>>
        tpu.wait_indirect_dma semaphore(%arg25 : memref<!tpu.dma_semaphore, #tpu.memory_space<semaphore_mem>>) src(%arg14 : memref<40x128xf32, #tpu.memory_space<vmem>>) dst(%dma_wait3A_222 : memref<10240x128xf32, #tpu.memory_space<vmem_shared>>)
        %add3A_223 = arith.constant 5 : i32
        %add3A_224 = arith.addi %mul3A_87, %add3A_223 : i32
        %add3A_225 = arith.constant 4 : i32
        %add3A_226 = arith.addi %add3A_224, %add3A_225 : i32
        %mul3A_227 = arith.constant 40 : i32
        %mul3A_228 = arith.muli %add3A_226, %mul3A_227 : i32
        %add3A_229 = arith.addi %mul3A_15, %mul3A_228 : i32
        %dma_start3A_230 = tpu.memref_slice %arg2[%add3A_229] : memref<320000xi32, #tpu.memory_space<hbm>> -> memref<40xi32, #tpu.memory_space<hbm>>
        %dma_start3A_231 = tpu.memref_slice %arg2[%add3A_229] : memref<320000xi32, #tpu.memory_space<hbm>> -> memref<40xi32, #tpu.memory_space<hbm>>
        tpu.enqueue_dma source(%dma_start3A_231 : memref<40xi32, #tpu.memory_space<hbm>>) target(%arg9 : memref<40xi32, #tpu.memory_space<vmem>>) target_semaphore(%arg20 : memref<!tpu.dma_semaphore, #tpu.memory_space<semaphore_mem>>)
        %dma_start3A_232 = arith.constant 0 : i32
        %dma_start3A_233 = tpu.memref_slice %arg3[%add3A_229, %dma_start3A_232] : memref<320000x128xf32, #tpu.memory_space<hbm>> -> memref<40x128xf32, #tpu.memory_space<hbm>>
        %dma_start3A_234 = arith.constant 0 : i32
        %dma_start3A_235 = tpu.memref_slice %arg3[%add3A_229, %dma_start3A_234] : memref<320000x128xf32, #tpu.memory_space<hbm>> -> memref<40x128xf32, #tpu.memory_space<hbm>>
        tpu.enqueue_dma source(%dma_start3A_235 : memref<40x128xf32, #tpu.memory_space<hbm>>) target(%arg14 : memref<40x128xf32, #tpu.memory_space<vmem>>) target_semaphore(%arg20 : memref<!tpu.dma_semaphore, #tpu.memory_space<semaphore_mem>>)
      } else {
      }
      %scan3A_155 = arith.constant 0 : i32
      scf.yield %scan3A_155 : i32
    }
    %scan3A_61 = arith.constant 50 : i32
    %dma_wait3A = arith.constant 0 : i32
    %dma_wait3A_62 = arith.constant 0 : i32
    %dma_wait3A_63 = tpu.memref_slice %arg15[%dma_wait3A, %dma_wait3A_62] : memref<10240x128xf32, #tpu.memory_space<vmem_shared>> -> memref<10240x128xf32, #tpu.memory_space<vmem_shared>>
    tpu.wait_indirect_dma semaphore(%arg21 : memref<!tpu.dma_semaphore, #tpu.memory_space<semaphore_mem>>) src(%arg10 : memref<40x128xf32, #tpu.memory_space<vmem>>) dst(%dma_wait3A_63 : memref<10240x128xf32, #tpu.memory_space<vmem_shared>>)
    %dma_wait3A_64 = arith.constant 0 : i32
    %dma_wait3A_65 = arith.constant 0 : i32
    %dma_wait3A_66 = tpu.memref_slice %arg15[%dma_wait3A_64, %dma_wait3A_65] : memref<10240x128xf32, #tpu.memory_space<vmem_shared>> -> memref<10240x128xf32, #tpu.memory_space<vmem_shared>>
    tpu.wait_indirect_dma semaphore(%arg22 : memref<!tpu.dma_semaphore, #tpu.memory_space<semaphore_mem>>) src(%arg11 : memref<40x128xf32, #tpu.memory_space<vmem>>) dst(%dma_wait3A_66 : memref<10240x128xf32, #tpu.memory_space<vmem_shared>>)
    %dma_wait3A_67 = arith.constant 0 : i32
    %dma_wait3A_68 = arith.constant 0 : i32
    %dma_wait3A_69 = tpu.memref_slice %arg15[%dma_wait3A_67, %dma_wait3A_68] : memref<10240x128xf32, #tpu.memory_space<vmem_shared>> -> memref<10240x128xf32, #tpu.memory_space<vmem_shared>>
    tpu.wait_indirect_dma semaphore(%arg23 : memref<!tpu.dma_semaphore, #tpu.memory_space<semaphore_mem>>) src(%arg12 : memref<40x128xf32, #tpu.memory_space<vmem>>) dst(%dma_wait3A_69 : memref<10240x128xf32, #tpu.memory_space<vmem_shared>>)
    %dma_wait3A_70 = arith.constant 0 : i32
    %dma_wait3A_71 = arith.constant 0 : i32
    %dma_wait3A_72 = tpu.memref_slice %arg15[%dma_wait3A_70, %dma_wait3A_71] : memref<10240x128xf32, #tpu.memory_space<vmem_shared>> -> memref<10240x128xf32, #tpu.memory_space<vmem_shared>>
    tpu.wait_indirect_dma semaphore(%arg24 : memref<!tpu.dma_semaphore, #tpu.memory_space<semaphore_mem>>) src(%arg13 : memref<40x128xf32, #tpu.memory_space<vmem>>) dst(%dma_wait3A_72 : memref<10240x128xf32, #tpu.memory_space<vmem_shared>>)
    %dma_wait3A_73 = arith.constant 0 : i32
    %dma_wait3A_74 = arith.constant 0 : i32
    %dma_wait3A_75 = tpu.memref_slice %arg15[%dma_wait3A_73, %dma_wait3A_74] : memref<10240x128xf32, #tpu.memory_space<vmem_shared>> -> memref<10240x128xf32, #tpu.memory_space<vmem_shared>>
    tpu.wait_indirect_dma semaphore(%arg25 : memref<!tpu.dma_semaphore, #tpu.memory_space<semaphore_mem>>) src(%arg14 : memref<40x128xf32, #tpu.memory_space<vmem>>) dst(%dma_wait3A_75 : memref<10240x128xf32, #tpu.memory_space<vmem_shared>>)
    %barrier3A_76 = arith.constant 0 : index
    tpu.barrier barrier_id(%barrier3A_76)
    %scan3A_77 = arith.constant 0 : i32
    %scan3A_78 = arith.constant 0 : i32
    %scan3A_79 = arith.constant 8 : i32
    %scan3A_80 = arith.addi %scan3A_78, %scan3A_79 : i32
    %scan3A_81 = arith.constant 1 : i32
    %scan3A_82 = scf.for %scan3A_84 = %scan3A_78 to %scan3A_80 step %scan3A_81 iter_args(%scan3A_85 = %scan3A_77) -> (i32)  : i32 {
      %mul3A_86 = arith.constant 640 : i32
      %mul3A_87 = arith.muli %arg1, %mul3A_86 : i32
      %mul3A_88 = arith.constant 80 : i32
      %mul3A_89 = arith.muli %scan3A_84, %mul3A_88 : i32
      %add3A_90 = arith.addi %mul3A_87, %mul3A_89 : i32
      "tpu.region"() ({
        %run_scoped3A = tpu.sem_alloc : memref<!tpu.dma_semaphore, #tpu.memory_space<semaphore_mem>>
        %dma_start3A_92 = arith.constant 0 : i32
        %dma_start3A_93 = tpu.memref_slice %arg4[%arg0, %add3A_90, %dma_start3A_92] : memref<2x10240x128xf32, #tpu.memory_space<hbm>> -> memref<1x80x128xf32, #tpu.memory_space<hbm>>
        %dma_start3A_94 = tpu.memref_squeeze %dma_start3A_93 : memref<1x80x128xf32, #tpu.memory_space<hbm>> -> memref<80x128xf32, #tpu.memory_space<hbm>>
        %dma_start3A_95 = arith.constant 0 : i32
        %dma_start3A_96 = tpu.memref_slice %arg15[%add3A_90, %dma_start3A_95] : memref<10240x128xf32, #tpu.memory_space<vmem_shared>> -> memref<80x128xf32, #tpu.memory_space<vmem_shared>>
        tpu.enqueue_dma source(%dma_start3A_96 : memref<80x128xf32, #tpu.memory_space<vmem_shared>>) target(%dma_start3A_94 : memref<80x128xf32, #tpu.memory_space<hbm>>) target_semaphore(%run_scoped3A : memref<!tpu.dma_semaphore, #tpu.memory_space<semaphore_mem>>)
        %dma_wait3A_97 = arith.constant 0 : i32
        %dma_wait3A_98 = tpu.memref_slice %arg4[%arg0, %add3A_90, %dma_wait3A_97] : memref<2x10240x128xf32, #tpu.memory_space<hbm>> -> memref<1x80x128xf32, #tpu.memory_space<hbm>>
        %dma_wait3A_99 = tpu.memref_squeeze %dma_wait3A_98 : memref<1x80x128xf32, #tpu.memory_space<hbm>> -> memref<80x128xf32, #tpu.memory_space<hbm>>
        %dma_wait3A_100 = arith.constant 0 : i32
        %dma_wait3A_101 = tpu.memref_slice %arg15[%add3A_90, %dma_wait3A_100] : memref<10240x128xf32, #tpu.memory_space<vmem_shared>> -> memref<80x128xf32, #tpu.memory_space<vmem_shared>>
        tpu.wait_dma2 semaphore(%run_scoped3A : memref<!tpu.dma_semaphore, #tpu.memory_space<semaphore_mem>>) src(%dma_wait3A_101 : memref<80x128xf32, #tpu.memory_space<vmem_shared>>) dst(%dma_wait3A_99 : memref<80x128xf32, #tpu.memory_space<hbm>>)
        tpu.yield
      }) : () -> ()
      %scan3A_91 = arith.constant 0 : i32
      scf.yield %scan3A_91 : i32
    }
    %scan3A_83 = arith.constant 8 : i32
    return
  }
}

#map = affine_map<(d0, d1) -> (0, 0)>
#map1 = affine_map<(d0, d1) -> (0)>
#map2 = affine_map<(d0, d1) -> (0, 0, 0)>
module attributes {stable_mosaic.version = 14 : i64} {
  func.func @k(%arg0: i32, %arg1: i32, %arg2: memref<10000x128xf32, #tpu.memory_space<hbm>>, %arg3: memref<10000x128xf32, #tpu.memory_space<hbm>>, %arg4: memref<320000xi32, #tpu.memory_space<hbm>>, %arg5: memref<320000xi32, #tpu.memory_space<hbm>>, %arg6: memref<320000x128xf32, #tpu.memory_space<hbm>>, %arg7: memref<320000x128xf32, #tpu.memory_space<hbm>>, %arg8: memref<320000x128xf32, #tpu.memory_space<hbm>>, %arg9: memref<2x10240x128xf32, #tpu.memory_space<hbm>>, %arg10: memref<40xi32, #tpu.memory_space<vmem>>, %arg11: memref<40xi32, #tpu.memory_space<vmem>>, %arg12: memref<40xi32, #tpu.memory_space<vmem>>, %arg13: memref<40xi32, #tpu.memory_space<vmem>>, %arg14: memref<40x128xf32, #tpu.memory_space<vmem>>, %arg15: memref<40x128xf32, #tpu.memory_space<vmem>>, %arg16: memref<40x128xf32, #tpu.memory_space<vmem>>, %arg17: memref<40x128xf32, #tpu.memory_space<vmem>>, %arg18: memref<40x128xf32, #tpu.memory_space<vmem>>, %arg19: memref<40x128xf32, #tpu.memory_space<vmem>>, %arg20: memref<10240x128xf32, #tpu.memory_space<vmem_shared>>, %arg21: memref<!tpu.dma_semaphore, #tpu.memory_space<semaphore_mem>>, %arg22: memref<!tpu.dma_semaphore, #tpu.memory_space<semaphore_mem>>, %arg23: memref<!tpu.dma_semaphore, #tpu.memory_space<semaphore_mem>>, %arg24: memref<!tpu.dma_semaphore, #tpu.memory_space<semaphore_mem>>, %arg25: memref<!tpu.dma_semaphore, #tpu.memory_space<semaphore_mem>>, %arg26: memref<!tpu.dma_semaphore, #tpu.memory_space<semaphore_mem>>, %arg27: memref<!tpu.dma_semaphore, #tpu.memory_space<semaphore_mem>>, %arg28: memref<!tpu.dma_semaphore, #tpu.memory_space<semaphore_mem>>, %arg29: memref<!tpu.dma_semaphore, #tpu.memory_space<semaphore_mem>>, %arg30: memref<!tpu.dma_semaphore, #tpu.memory_space<semaphore_mem>>) attributes {dimension_semantics = [#tpu.dimension_semantics<core_parallel>, #tpu.dimension_semantics<subcore_parallel>], iteration_bounds = array<i64: 2, 16>, scalar_prefetch = 0 : i64, scratch_operands = 21 : i64, tpu.core_type = #tpu.core_type<sc_vector_subcore>, window_params = [{transform_indices = #map}, {transform_indices = #map}, {transform_indices = #map1}, {transform_indices = #map1}, {transform_indices = #map}, {transform_indices = #map}, {transform_indices = #map}, {transform_indices = #map2}]} {
    %mul3A = arith.constant 16 : i32
    %mul3A_0 = arith.muli %arg0, %mul3A : i32
    %add3A = arith.addi %mul3A_0, %arg1 : i32
    %scan3A = arith.constant 0 : i32
    %scan3A_1 = arith.constant 0 : i32
    %scan3A_2 = arith.constant 40 : i32
    %scan3A_3 = arith.addi %scan3A_1, %scan3A_2 : i32
    %scan3A_4 = arith.constant 1 : i32
    %scan3A_5 = scf.for %scan3A_71 = %scan3A_1 to %scan3A_3 step %scan3A_4 iter_args(%scan3A_72 = %scan3A) -> (i32)  : i32 {
      %broadcast_in_dim3A = arith.constant 0.000000e+00 : f32
      %broadcast_in_dim3A_73 = vector.broadcast %broadcast_in_dim3A : f32 to vector<16xf32>
      %swap3A = arith.index_cast %scan3A_71 : i32 to index
      %swap3A_74 = arith.constant 0 : index
      %swap3A_75 = tpu.vector_load %arg18[%swap3A, %swap3A_74] {strides = array<i32>} : memref<40x128xf32, #tpu.memory_space<vmem>>, vector<1x16xf32>,
      %swap3A_76 = vector.shape_cast %swap3A_75 : vector<1x16xf32> to vector<16xf32>
      %swap3A_77 = vector.shape_cast %broadcast_in_dim3A_73 : vector<16xf32> to vector<1x16xf32>
      tpu.vector_store %arg18[%swap3A, %swap3A_74], %swap3A_77 {strides = array<i32>} : memref<40x128xf32, #tpu.memory_space<vmem>>, vector<1x16xf32>,
      %broadcast_in_dim3A_78 = arith.constant 0.000000e+00 : f32
      %broadcast_in_dim3A_79 = vector.broadcast %broadcast_in_dim3A_78 : f32 to vector<16xf32>
      %swap3A_80 = arith.index_cast %scan3A_71 : i32 to index
      %swap3A_81 = arith.constant 16 : index
      %swap3A_82 = tpu.vector_load %arg18[%swap3A_80, %swap3A_81] {strides = array<i32>} : memref<40x128xf32, #tpu.memory_space<vmem>>, vector<1x16xf32>,
      %swap3A_83 = vector.shape_cast %swap3A_82 : vector<1x16xf32> to vector<16xf32>
      %swap3A_84 = vector.shape_cast %broadcast_in_dim3A_79 : vector<16xf32> to vector<1x16xf32>
      tpu.vector_store %arg18[%swap3A_80, %swap3A_81], %swap3A_84 {strides = array<i32>} : memref<40x128xf32, #tpu.memory_space<vmem>>, vector<1x16xf32>,
      %broadcast_in_dim3A_85 = arith.constant 0.000000e+00 : f32
      %broadcast_in_dim3A_86 = vector.broadcast %broadcast_in_dim3A_85 : f32 to vector<16xf32>
      %swap3A_87 = arith.index_cast %scan3A_71 : i32 to index
      %swap3A_88 = arith.constant 32 : index
      %swap3A_89 = tpu.vector_load %arg18[%swap3A_87, %swap3A_88] {strides = array<i32>} : memref<40x128xf32, #tpu.memory_space<vmem>>, vector<1x16xf32>,
      %swap3A_90 = vector.shape_cast %swap3A_89 : vector<1x16xf32> to vector<16xf32>
      %swap3A_91 = vector.shape_cast %broadcast_in_dim3A_86 : vector<16xf32> to vector<1x16xf32>
      tpu.vector_store %arg18[%swap3A_87, %swap3A_88], %swap3A_91 {strides = array<i32>} : memref<40x128xf32, #tpu.memory_space<vmem>>, vector<1x16xf32>,
      %broadcast_in_dim3A_92 = arith.constant 0.000000e+00 : f32
      %broadcast_in_dim3A_93 = vector.broadcast %broadcast_in_dim3A_92 : f32 to vector<16xf32>
      %swap3A_94 = arith.index_cast %scan3A_71 : i32 to index
      %swap3A_95 = arith.constant 48 : index
      %swap3A_96 = tpu.vector_load %arg18[%swap3A_94, %swap3A_95] {strides = array<i32>} : memref<40x128xf32, #tpu.memory_space<vmem>>, vector<1x16xf32>,
      %swap3A_97 = vector.shape_cast %swap3A_96 : vector<1x16xf32> to vector<16xf32>
      %swap3A_98 = vector.shape_cast %broadcast_in_dim3A_93 : vector<16xf32> to vector<1x16xf32>
      tpu.vector_store %arg18[%swap3A_94, %swap3A_95], %swap3A_98 {strides = array<i32>} : memref<40x128xf32, #tpu.memory_space<vmem>>, vector<1x16xf32>,
      %broadcast_in_dim3A_99 = arith.constant 0.000000e+00 : f32
      %broadcast_in_dim3A_100 = vector.broadcast %broadcast_in_dim3A_99 : f32 to vector<16xf32>
      %swap3A_101 = arith.index_cast %scan3A_71 : i32 to index
      %swap3A_102 = arith.constant 64 : index
      %swap3A_103 = tpu.vector_load %arg18[%swap3A_101, %swap3A_102] {strides = array<i32>} : memref<40x128xf32, #tpu.memory_space<vmem>>, vector<1x16xf32>,
      %swap3A_104 = vector.shape_cast %swap3A_103 : vector<1x16xf32> to vector<16xf32>
      %swap3A_105 = vector.shape_cast %broadcast_in_dim3A_100 : vector<16xf32> to vector<1x16xf32>
      tpu.vector_store %arg18[%swap3A_101, %swap3A_102], %swap3A_105 {strides = array<i32>} : memref<40x128xf32, #tpu.memory_space<vmem>>, vector<1x16xf32>,
      %broadcast_in_dim3A_106 = arith.constant 0.000000e+00 : f32
      %broadcast_in_dim3A_107 = vector.broadcast %broadcast_in_dim3A_106 : f32 to vector<16xf32>
      %swap3A_108 = arith.index_cast %scan3A_71 : i32 to index
      %swap3A_109 = arith.constant 80 : index
      %swap3A_110 = tpu.vector_load %arg18[%swap3A_108, %swap3A_109] {strides = array<i32>} : memref<40x128xf32, #tpu.memory_space<vmem>>, vector<1x16xf32>,
      %swap3A_111 = vector.shape_cast %swap3A_110 : vector<1x16xf32> to vector<16xf32>
      %swap3A_112 = vector.shape_cast %broadcast_in_dim3A_107 : vector<16xf32> to vector<1x16xf32>
      tpu.vector_store %arg18[%swap3A_108, %swap3A_109], %swap3A_112 {strides = array<i32>} : memref<40x128xf32, #tpu.memory_space<vmem>>, vector<1x16xf32>,
      %broadcast_in_dim3A_113 = arith.constant 0.000000e+00 : f32
      %broadcast_in_dim3A_114 = vector.broadcast %broadcast_in_dim3A_113 : f32 to vector<16xf32>
      %swap3A_115 = arith.index_cast %scan3A_71 : i32 to index
      %swap3A_116 = arith.constant 96 : index
      %swap3A_117 = tpu.vector_load %arg18[%swap3A_115, %swap3A_116] {strides = array<i32>} : memref<40x128xf32, #tpu.memory_space<vmem>>, vector<1x16xf32>,
      %swap3A_118 = vector.shape_cast %swap3A_117 : vector<1x16xf32> to vector<16xf32>
      %swap3A_119 = vector.shape_cast %broadcast_in_dim3A_114 : vector<16xf32> to vector<1x16xf32>
      tpu.vector_store %arg18[%swap3A_115, %swap3A_116], %swap3A_119 {strides = array<i32>} : memref<40x128xf32, #tpu.memory_space<vmem>>, vector<1x16xf32>,
      %broadcast_in_dim3A_120 = arith.constant 0.000000e+00 : f32
      %broadcast_in_dim3A_121 = vector.broadcast %broadcast_in_dim3A_120 : f32 to vector<16xf32>
      %swap3A_122 = arith.index_cast %scan3A_71 : i32 to index
      %swap3A_123 = arith.constant 112 : index
      %swap3A_124 = tpu.vector_load %arg18[%swap3A_122, %swap3A_123] {strides = array<i32>} : memref<40x128xf32, #tpu.memory_space<vmem>>, vector<1x16xf32>,
      %swap3A_125 = vector.shape_cast %swap3A_124 : vector<1x16xf32> to vector<16xf32>
      %swap3A_126 = vector.shape_cast %broadcast_in_dim3A_121 : vector<16xf32> to vector<1x16xf32>
      tpu.vector_store %arg18[%swap3A_122, %swap3A_123], %swap3A_126 {strides = array<i32>} : memref<40x128xf32, #tpu.memory_space<vmem>>, vector<1x16xf32>,
      %scan3A_127 = arith.constant 0 : i32
      scf.yield %scan3A_127 : i32
    }
    %scan3A_6 = arith.constant 40 : i32
    %scan3A_7 = arith.constant 0 : i32
    %scan3A_8 = arith.constant 0 : i32
    %scan3A_9 = arith.constant 16 : i32
    %scan3A_10 = arith.addi %scan3A_8, %scan3A_9 : i32
    %scan3A_11 = arith.constant 1 : i32
    %scan3A_12 = scf.for %scan3A_71 = %scan3A_8 to %scan3A_10 step %scan3A_11 iter_args(%scan3A_72 = %scan3A_7) -> (i32)  : i32 {
      %mul3A_73 = arith.constant 640 : i32
      %mul3A_74 = arith.muli %arg1, %mul3A_73 : i32
      %mul3A_75 = arith.constant 40 : i32
      %mul3A_76 = arith.muli %scan3A_71, %mul3A_75 : i32
      %add3A_77 = arith.addi %mul3A_74, %mul3A_76 : i32
      "tpu.region"() ({
        %run_scoped3A = tpu.sem_alloc : memref<!tpu.dma_semaphore, #tpu.memory_space<semaphore_mem>>
        %dma_start3A_79 = arith.constant 0 : i32
        %dma_start3A_80 = tpu.memref_slice %arg20[%add3A_77, %dma_start3A_79] : memref<10240x128xf32, #tpu.memory_space<vmem_shared>> -> memref<40x128xf32, #tpu.memory_space<vmem_shared>>
        %dma_start3A_81 = arith.constant 0 : i32
        %dma_start3A_82 = tpu.memref_slice %arg20[%add3A_77, %dma_start3A_81] : memref<10240x128xf32, #tpu.memory_space<vmem_shared>> -> memref<40x128xf32, #tpu.memory_space<vmem_shared>>
        tpu.enqueue_dma source(%arg18 : memref<40x128xf32, #tpu.memory_space<vmem>>) target(%dma_start3A_82 : memref<40x128xf32, #tpu.memory_space<vmem_shared>>) target_semaphore(%run_scoped3A : memref<!tpu.dma_semaphore, #tpu.memory_space<semaphore_mem>>)
        %dma_wait3A_83 = arith.constant 0 : i32
        %dma_wait3A_84 = tpu.memref_slice %arg20[%add3A_77, %dma_wait3A_83] : memref<10240x128xf32, #tpu.memory_space<vmem_shared>> -> memref<40x128xf32, #tpu.memory_space<vmem_shared>>
        %dma_wait3A_85 = arith.constant 0 : i32
        %dma_wait3A_86 = tpu.memref_slice %arg20[%add3A_77, %dma_wait3A_85] : memref<10240x128xf32, #tpu.memory_space<vmem_shared>> -> memref<40x128xf32, #tpu.memory_space<vmem_shared>>
        tpu.wait_dma2 semaphore(%run_scoped3A : memref<!tpu.dma_semaphore, #tpu.memory_space<semaphore_mem>>) src(%arg18 : memref<40x128xf32, #tpu.memory_space<vmem>>) dst(%dma_wait3A_86 : memref<40x128xf32, #tpu.memory_space<vmem_shared>>)
        tpu.yield
      }) : () -> ()
      %scan3A_78 = arith.constant 0 : i32
      scf.yield %scan3A_78 : i32
    }
    %scan3A_13 = arith.constant 16 : i32
    %barrier3A = arith.constant 0 : index
    tpu.barrier barrier_id(%barrier3A)
    %mul3A_14 = arith.constant 10000 : i32
    %mul3A_15 = arith.muli %add3A, %mul3A_14 : i32
    %add3A_16 = arith.constant 0 : i32
    %add3A_17 = arith.addi %mul3A_15, %add3A_16 : i32
    %dma_start3A = tpu.memref_slice %arg4[%add3A_17] : memref<320000xi32, #tpu.memory_space<hbm>> -> memref<40xi32, #tpu.memory_space<hbm>>
    %dma_start3A_18 = tpu.memref_slice %arg4[%add3A_17] : memref<320000xi32, #tpu.memory_space<hbm>> -> memref<40xi32, #tpu.memory_space<hbm>>
    tpu.enqueue_dma source(%dma_start3A_18 : memref<40xi32, #tpu.memory_space<hbm>>) target(%arg10 : memref<40xi32, #tpu.memory_space<vmem>>) target_semaphore(%arg21 : memref<!tpu.dma_semaphore, #tpu.memory_space<semaphore_mem>>)
    %dma_start3A_19 = tpu.memref_slice %arg5[%add3A_17] : memref<320000xi32, #tpu.memory_space<hbm>> -> memref<40xi32, #tpu.memory_space<hbm>>
    %dma_start3A_20 = tpu.memref_slice %arg5[%add3A_17] : memref<320000xi32, #tpu.memory_space<hbm>> -> memref<40xi32, #tpu.memory_space<hbm>>
    tpu.enqueue_dma source(%dma_start3A_20 : memref<40xi32, #tpu.memory_space<hbm>>) target(%arg12 : memref<40xi32, #tpu.memory_space<vmem>>) target_semaphore(%arg21 : memref<!tpu.dma_semaphore, #tpu.memory_space<semaphore_mem>>)
    %dma_start3A_21 = arith.constant 0 : i32
    %dma_start3A_22 = tpu.memref_slice %arg6[%add3A_17, %dma_start3A_21] : memref<320000x128xf32, #tpu.memory_space<hbm>> -> memref<40x128xf32, #tpu.memory_space<hbm>>
    %dma_start3A_23 = arith.constant 0 : i32
    %dma_start3A_24 = tpu.memref_slice %arg6[%add3A_17, %dma_start3A_23] : memref<320000x128xf32, #tpu.memory_space<hbm>> -> memref<40x128xf32, #tpu.memory_space<hbm>>
    tpu.enqueue_dma source(%dma_start3A_24 : memref<40x128xf32, #tpu.memory_space<hbm>>) target(%arg18 : memref<40x128xf32, #tpu.memory_space<vmem>>) target_semaphore(%arg23 : memref<!tpu.dma_semaphore, #tpu.memory_space<semaphore_mem>>)
    %add3A_25 = arith.constant 40 : i32
    %add3A_26 = arith.addi %mul3A_15, %add3A_25 : i32
    %dma_start3A_27 = tpu.memref_slice %arg4[%add3A_26] : memref<320000xi32, #tpu.memory_space<hbm>> -> memref<40xi32, #tpu.memory_space<hbm>>
    %dma_start3A_28 = tpu.memref_slice %arg4[%add3A_26] : memref<320000xi32, #tpu.memory_space<hbm>> -> memref<40xi32, #tpu.memory_space<hbm>>
    tpu.enqueue_dma source(%dma_start3A_28 : memref<40xi32, #tpu.memory_space<hbm>>) target(%arg11 : memref<40xi32, #tpu.memory_space<vmem>>) target_semaphore(%arg22 : memref<!tpu.dma_semaphore, #tpu.memory_space<semaphore_mem>>)
    %dma_start3A_29 = tpu.memref_slice %arg5[%add3A_26] : memref<320000xi32, #tpu.memory_space<hbm>> -> memref<40xi32, #tpu.memory_space<hbm>>
    %dma_start3A_30 = tpu.memref_slice %arg5[%add3A_26] : memref<320000xi32, #tpu.memory_space<hbm>> -> memref<40xi32, #tpu.memory_space<hbm>>
    tpu.enqueue_dma source(%dma_start3A_30 : memref<40xi32, #tpu.memory_space<hbm>>) target(%arg13 : memref<40xi32, #tpu.memory_space<vmem>>) target_semaphore(%arg22 : memref<!tpu.dma_semaphore, #tpu.memory_space<semaphore_mem>>)
    %dma_start3A_31 = arith.constant 0 : i32
    %dma_start3A_32 = tpu.memref_slice %arg6[%add3A_26, %dma_start3A_31] : memref<320000x128xf32, #tpu.memory_space<hbm>> -> memref<40x128xf32, #tpu.memory_space<hbm>>
    %dma_start3A_33 = arith.constant 0 : i32
    %dma_start3A_34 = tpu.memref_slice %arg6[%add3A_26, %dma_start3A_33] : memref<320000x128xf32, #tpu.memory_space<hbm>> -> memref<40x128xf32, #tpu.memory_space<hbm>>
    tpu.enqueue_dma source(%dma_start3A_34 : memref<40x128xf32, #tpu.memory_space<hbm>>) target(%arg19 : memref<40x128xf32, #tpu.memory_space<vmem>>) target_semaphore(%arg24 : memref<!tpu.dma_semaphore, #tpu.memory_space<semaphore_mem>>)
    %scan3A_35 = arith.constant 0 : i32
    %scan3A_36 = arith.constant 0 : i32
    %scan3A_37 = arith.constant 125 : i32
    %scan3A_38 = arith.addi %scan3A_36, %scan3A_37 : i32
    %scan3A_39 = arith.constant 1 : i32
    %scan3A_40 = scf.for %scan3A_71 = %scan3A_36 to %scan3A_38 step %scan3A_39 iter_args(%scan3A_72 = %scan3A_35) -> (i32)  : i32 {
      %mul3A_73 = arith.constant 2 : i32
      %mul3A_74 = arith.muli %mul3A_73, %scan3A_71 : i32
      %gt3A = arith.constant 0 : i32
      %gt3A_75 = arith.cmpi sgt, %scan3A_71, %gt3A : i32
      %convert_element_type3A = arith.extui %gt3A_75 : i1 to i32
      %cond3A = arith.constant 0 : i32
      %cond3A_76 = arith.cmpi ne, %convert_element_type3A, %cond3A : i32
      scf.if %cond3A_76 {
        %dma_wait3A_169 = arith.constant 0 : i32
        %dma_wait3A_170 = tpu.memref_slice %arg7[%mul3A_15, %dma_wait3A_169] : memref<320000x128xf32, #tpu.memory_space<hbm>> -> memref<40x128xf32, #tpu.memory_space<hbm>>
        %dma_wait3A_171 = arith.constant 0 : i32
        %dma_wait3A_172 = tpu.memref_slice %arg7[%mul3A_15, %dma_wait3A_171] : memref<320000x128xf32, #tpu.memory_space<hbm>> -> memref<40x128xf32, #tpu.memory_space<hbm>>
        tpu.wait_dma2 semaphore(%arg27 : memref<!tpu.dma_semaphore, #tpu.memory_space<semaphore_mem>>) src(%arg14 : memref<40x128xf32, #tpu.memory_space<vmem>>) dst(%dma_wait3A_172 : memref<40x128xf32, #tpu.memory_space<hbm>>)
        %dma_wait3A_173 = arith.constant 0 : i32
        %dma_wait3A_174 = tpu.memref_slice %arg8[%mul3A_15, %dma_wait3A_173] : memref<320000x128xf32, #tpu.memory_space<hbm>> -> memref<40x128xf32, #tpu.memory_space<hbm>>
        %dma_wait3A_175 = arith.constant 0 : i32
        %dma_wait3A_176 = tpu.memref_slice %arg8[%mul3A_15, %dma_wait3A_175] : memref<320000x128xf32, #tpu.memory_space<hbm>> -> memref<40x128xf32, #tpu.memory_space<hbm>>
        tpu.wait_dma2 semaphore(%arg27 : memref<!tpu.dma_semaphore, #tpu.memory_space<semaphore_mem>>) src(%arg16 : memref<40x128xf32, #tpu.memory_space<vmem>>) dst(%dma_wait3A_176 : memref<40x128xf32, #tpu.memory_space<hbm>>)
      } else {
      }
      %dma_wait3A_77 = arith.constant 0 : i32
      %dma_wait3A_78 = tpu.memref_slice %arg4[%dma_wait3A_77] : memref<320000xi32, #tpu.memory_space<hbm>> -> memref<40xi32, #tpu.memory_space<hbm>>
      %dma_wait3A_79 = arith.constant 0 : i32
      %dma_wait3A_80 = tpu.memref_slice %arg4[%dma_wait3A_79] : memref<320000xi32, #tpu.memory_space<hbm>> -> memref<40xi32, #tpu.memory_space<hbm>>
      tpu.wait_dma2 semaphore(%arg21 : memref<!tpu.dma_semaphore, #tpu.memory_space<semaphore_mem>>) src(%dma_wait3A_80 : memref<40xi32, #tpu.memory_space<hbm>>) dst(%arg10 : memref<40xi32, #tpu.memory_space<vmem>>)
      %dma_wait3A_81 = arith.constant 0 : i32
      %dma_wait3A_82 = tpu.memref_slice %arg5[%dma_wait3A_81] : memref<320000xi32, #tpu.memory_space<hbm>> -> memref<40xi32, #tpu.memory_space<hbm>>
      %dma_wait3A_83 = arith.constant 0 : i32
      %dma_wait3A_84 = tpu.memref_slice %arg5[%dma_wait3A_83] : memref<320000xi32, #tpu.memory_space<hbm>> -> memref<40xi32, #tpu.memory_space<hbm>>
      tpu.wait_dma2 semaphore(%arg21 : memref<!tpu.dma_semaphore, #tpu.memory_space<semaphore_mem>>) src(%dma_wait3A_84 : memref<40xi32, #tpu.memory_space<hbm>>) dst(%arg12 : memref<40xi32, #tpu.memory_space<vmem>>)
      %dma_start3A_85 = arith.constant 0 : i32
      %dma_start3A_86 = arith.constant 0 : i32
      %dma_start3A_87 = tpu.memref_slice %arg2[%dma_start3A_85, %dma_start3A_86] : memref<10000x128xf32, #tpu.memory_space<hbm>> -> memref<10000x128xf32, #tpu.memory_space<hbm>>
      tpu.enqueue_indirect_dma source(%dma_start3A_87 : memref<10000x128xf32, #tpu.memory_space<hbm>>) target(%arg14 : memref<40x128xf32, #tpu.memory_space<vmem>>) offsets(%arg10 : memref<40xi32, #tpu.memory_space<vmem>>) semaphore(%arg25 : memref<!tpu.dma_semaphore, #tpu.memory_space<semaphore_mem>>)
      %dma_start3A_88 = arith.constant 0 : i32
      %dma_start3A_89 = arith.constant 0 : i32
      %dma_start3A_90 = tpu.memref_slice %arg3[%dma_start3A_88, %dma_start3A_89] : memref<10000x128xf32, #tpu.memory_space<hbm>> -> memref<10000x128xf32, #tpu.memory_space<hbm>>
      tpu.enqueue_indirect_dma source(%dma_start3A_90 : memref<10000x128xf32, #tpu.memory_space<hbm>>) target(%arg16 : memref<40x128xf32, #tpu.memory_space<vmem>>) offsets(%arg12 : memref<40xi32, #tpu.memory_space<vmem>>) semaphore(%arg25 : memref<!tpu.dma_semaphore, #tpu.memory_space<semaphore_mem>>)
      %gt3A_91 = arith.constant 0 : i32
      %gt3A_92 = arith.cmpi sgt, %scan3A_71, %gt3A_91 : i32
      %convert_element_type3A_93 = arith.extui %gt3A_92 : i1 to i32
      %cond3A_94 = arith.constant 0 : i32
      %cond3A_95 = arith.cmpi ne, %convert_element_type3A_93, %cond3A_94 : i32
      scf.if %cond3A_95 {
        %dma_wait3A_169 = arith.constant 0 : i32
        %dma_wait3A_170 = tpu.memref_slice %arg7[%mul3A_15, %dma_wait3A_169] : memref<320000x128xf32, #tpu.memory_space<hbm>> -> memref<40x128xf32, #tpu.memory_space<hbm>>
        %dma_wait3A_171 = arith.constant 0 : i32
        %dma_wait3A_172 = tpu.memref_slice %arg7[%mul3A_15, %dma_wait3A_171] : memref<320000x128xf32, #tpu.memory_space<hbm>> -> memref<40x128xf32, #tpu.memory_space<hbm>>
        tpu.wait_dma2 semaphore(%arg28 : memref<!tpu.dma_semaphore, #tpu.memory_space<semaphore_mem>>) src(%arg15 : memref<40x128xf32, #tpu.memory_space<vmem>>) dst(%dma_wait3A_172 : memref<40x128xf32, #tpu.memory_space<hbm>>)
        %dma_wait3A_173 = arith.constant 0 : i32
        %dma_wait3A_174 = tpu.memref_slice %arg8[%mul3A_15, %dma_wait3A_173] : memref<320000x128xf32, #tpu.memory_space<hbm>> -> memref<40x128xf32, #tpu.memory_space<hbm>>
        %dma_wait3A_175 = arith.constant 0 : i32
        %dma_wait3A_176 = tpu.memref_slice %arg8[%mul3A_15, %dma_wait3A_175] : memref<320000x128xf32, #tpu.memory_space<hbm>> -> memref<40x128xf32, #tpu.memory_space<hbm>>
        tpu.wait_dma2 semaphore(%arg28 : memref<!tpu.dma_semaphore, #tpu.memory_space<semaphore_mem>>) src(%arg17 : memref<40x128xf32, #tpu.memory_space<vmem>>) dst(%dma_wait3A_176 : memref<40x128xf32, #tpu.memory_space<hbm>>)
      } else {
      }
      %dma_wait3A_96 = arith.constant 0 : i32
      %dma_wait3A_97 = tpu.memref_slice %arg4[%dma_wait3A_96] : memref<320000xi32, #tpu.memory_space<hbm>> -> memref<40xi32, #tpu.memory_space<hbm>>
      %dma_wait3A_98 = arith.constant 0 : i32
      %dma_wait3A_99 = tpu.memref_slice %arg4[%dma_wait3A_98] : memref<320000xi32, #tpu.memory_space<hbm>> -> memref<40xi32, #tpu.memory_space<hbm>>
      tpu.wait_dma2 semaphore(%arg22 : memref<!tpu.dma_semaphore, #tpu.memory_space<semaphore_mem>>) src(%dma_wait3A_99 : memref<40xi32, #tpu.memory_space<hbm>>) dst(%arg11 : memref<40xi32, #tpu.memory_space<vmem>>)
      %dma_wait3A_100 = arith.constant 0 : i32
      %dma_wait3A_101 = tpu.memref_slice %arg5[%dma_wait3A_100] : memref<320000xi32, #tpu.memory_space<hbm>> -> memref<40xi32, #tpu.memory_space<hbm>>
      %dma_wait3A_102 = arith.constant 0 : i32
      %dma_wait3A_103 = tpu.memref_slice %arg5[%dma_wait3A_102] : memref<320000xi32, #tpu.memory_space<hbm>> -> memref<40xi32, #tpu.memory_space<hbm>>
      tpu.wait_dma2 semaphore(%arg22 : memref<!tpu.dma_semaphore, #tpu.memory_space<semaphore_mem>>) src(%dma_wait3A_103 : memref<40xi32, #tpu.memory_space<hbm>>) dst(%arg13 : memref<40xi32, #tpu.memory_space<vmem>>)
      %dma_start3A_104 = arith.constant 0 : i32
      %dma_start3A_105 = arith.constant 0 : i32
      %dma_start3A_106 = tpu.memref_slice %arg2[%dma_start3A_104, %dma_start3A_105] : memref<10000x128xf32, #tpu.memory_space<hbm>> -> memref<10000x128xf32, #tpu.memory_space<hbm>>
      tpu.enqueue_indirect_dma source(%dma_start3A_106 : memref<10000x128xf32, #tpu.memory_space<hbm>>) target(%arg15 : memref<40x128xf32, #tpu.memory_space<vmem>>) offsets(%arg11 : memref<40xi32, #tpu.memory_space<vmem>>) semaphore(%arg26 : memref<!tpu.dma_semaphore, #tpu.memory_space<semaphore_mem>>)
      %dma_start3A_107 = arith.constant 0 : i32
      %dma_start3A_108 = arith.constant 0 : i32
      %dma_start3A_109 = tpu.memref_slice %arg3[%dma_start3A_107, %dma_start3A_108] : memref<10000x128xf32, #tpu.memory_space<hbm>> -> memref<10000x128xf32, #tpu.memory_space<hbm>>
      tpu.enqueue_indirect_dma source(%dma_start3A_109 : memref<10000x128xf32, #tpu.memory_space<hbm>>) target(%arg17 : memref<40x128xf32, #tpu.memory_space<vmem>>) offsets(%arg13 : memref<40xi32, #tpu.memory_space<vmem>>) semaphore(%arg26 : memref<!tpu.dma_semaphore, #tpu.memory_space<semaphore_mem>>)
      %dma_wait3A_110 = arith.constant 0 : i32
      %dma_wait3A_111 = arith.constant 0 : i32
      %dma_wait3A_112 = tpu.memref_slice %arg2[%dma_wait3A_110, %dma_wait3A_111] : memref<10000x128xf32, #tpu.memory_space<hbm>> -> memref<10000x128xf32, #tpu.memory_space<hbm>>
      tpu.wait_indirect_dma semaphore(%arg25 : memref<!tpu.dma_semaphore, #tpu.memory_space<semaphore_mem>>) src(%dma_wait3A_112 : memref<10000x128xf32, #tpu.memory_space<hbm>>) dst(%arg14 : memref<40x128xf32, #tpu.memory_space<vmem>>)
      %dma_wait3A_113 = arith.constant 0 : i32
      %dma_wait3A_114 = arith.constant 0 : i32
      %dma_wait3A_115 = tpu.memref_slice %arg3[%dma_wait3A_113, %dma_wait3A_114] : memref<10000x128xf32, #tpu.memory_space<hbm>> -> memref<10000x128xf32, #tpu.memory_space<hbm>>
      tpu.wait_indirect_dma semaphore(%arg25 : memref<!tpu.dma_semaphore, #tpu.memory_space<semaphore_mem>>) src(%dma_wait3A_115 : memref<10000x128xf32, #tpu.memory_space<hbm>>) dst(%arg16 : memref<40x128xf32, #tpu.memory_space<vmem>>)
      %mul3A_116 = arith.constant 40 : i32
      %mul3A_117 = arith.muli %mul3A_74, %mul3A_116 : i32
      %add3A_118 = arith.addi %mul3A_15, %mul3A_117 : i32
      %dma_start3A_119 = arith.constant 0 : i32
      %dma_start3A_120 = tpu.memref_slice %arg7[%add3A_118, %dma_start3A_119] : memref<320000x128xf32, #tpu.memory_space<hbm>> -> memref<40x128xf32, #tpu.memory_space<hbm>>
      %dma_start3A_121 = arith.constant 0 : i32
      %dma_start3A_122 = tpu.memref_slice %arg7[%add3A_118, %dma_start3A_121] : memref<320000x128xf32, #tpu.memory_space<hbm>> -> memref<40x128xf32, #tpu.memory_space<hbm>>
      tpu.enqueue_dma source(%arg14 : memref<40x128xf32, #tpu.memory_space<vmem>>) target(%dma_start3A_122 : memref<40x128xf32, #tpu.memory_space<hbm>>) target_semaphore(%arg27 : memref<!tpu.dma_semaphore, #tpu.memory_space<semaphore_mem>>)
      %dma_start3A_123 = arith.constant 0 : i32
      %dma_start3A_124 = tpu.memref_slice %arg8[%add3A_118, %dma_start3A_123] : memref<320000x128xf32, #tpu.memory_space<hbm>> -> memref<40x128xf32, #tpu.memory_space<hbm>>
      %dma_start3A_125 = arith.constant 0 : i32
      %dma_start3A_126 = tpu.memref_slice %arg8[%add3A_118, %dma_start3A_125] : memref<320000x128xf32, #tpu.memory_space<hbm>> -> memref<40x128xf32, #tpu.memory_space<hbm>>
      tpu.enqueue_dma source(%arg16 : memref<40x128xf32, #tpu.memory_space<vmem>>) target(%dma_start3A_126 : memref<40x128xf32, #tpu.memory_space<hbm>>) target_semaphore(%arg27 : memref<!tpu.dma_semaphore, #tpu.memory_space<semaphore_mem>>)
      %dma_wait3A_127 = arith.constant 0 : i32
      %dma_wait3A_128 = arith.constant 0 : i32
      %dma_wait3A_129 = tpu.memref_slice %arg6[%dma_wait3A_127, %dma_wait3A_128] : memref<320000x128xf32, #tpu.memory_space<hbm>> -> memref<40x128xf32, #tpu.memory_space<hbm>>
      %dma_wait3A_130 = arith.constant 0 : i32
      %dma_wait3A_131 = arith.constant 0 : i32
      %dma_wait3A_132 = tpu.memref_slice %arg6[%dma_wait3A_130, %dma_wait3A_131] : memref<320000x128xf32, #tpu.memory_space<hbm>> -> memref<40x128xf32, #tpu.memory_space<hbm>>
      tpu.wait_dma2 semaphore(%arg23 : memref<!tpu.dma_semaphore, #tpu.memory_space<semaphore_mem>>) src(%dma_wait3A_132 : memref<40x128xf32, #tpu.memory_space<hbm>>) dst(%arg18 : memref<40x128xf32, #tpu.memory_space<vmem>>)
      %dma_start3A_133 = arith.constant 0 : i32
      %dma_start3A_134 = arith.constant 0 : i32
      %dma_start3A_135 = tpu.memref_slice %arg20[%dma_start3A_133, %dma_start3A_134] : memref<10240x128xf32, #tpu.memory_space<vmem_shared>> -> memref<10240x128xf32, #tpu.memory_space<vmem_shared>>
      tpu.enqueue_indirect_dma source(%arg18 : memref<40x128xf32, #tpu.memory_space<vmem>>) target(%dma_start3A_135 : memref<10240x128xf32, #tpu.memory_space<vmem_shared>>) offsets(%arg12 : memref<40xi32, #tpu.memory_space<vmem>>) semaphore(%arg29 : memref<!tpu.dma_semaphore, #tpu.memory_space<semaphore_mem>>) {add = true}
      %dma_wait3A_136 = arith.constant 0 : i32
      %dma_wait3A_137 = arith.constant 0 : i32
      %dma_wait3A_138 = tpu.memref_slice %arg2[%dma_wait3A_136, %dma_wait3A_137] : memref<10000x128xf32, #tpu.memory_space<hbm>> -> memref<10000x128xf32, #tpu.memory_space<hbm>>
      tpu.wait_indirect_dma semaphore(%arg26 : memref<!tpu.dma_semaphore, #tpu.memory_space<semaphore_mem>>) src(%dma_wait3A_138 : memref<10000x128xf32, #tpu.memory_space<hbm>>) dst(%arg15 : memref<40x128xf32, #tpu.memory_space<vmem>>)
      %dma_wait3A_139 = arith.constant 0 : i32
      %dma_wait3A_140 = arith.constant 0 : i32
      %dma_wait3A_141 = tpu.memref_slice %arg3[%dma_wait3A_139, %dma_wait3A_140] : memref<10000x128xf32, #tpu.memory_space<hbm>> -> memref<10000x128xf32, #tpu.memory_space<hbm>>
      tpu.wait_indirect_dma semaphore(%arg26 : memref<!tpu.dma_semaphore, #tpu.memory_space<semaphore_mem>>) src(%dma_wait3A_141 : memref<10000x128xf32, #tpu.memory_space<hbm>>) dst(%arg17 : memref<40x128xf32, #tpu.memory_space<vmem>>)
      %add3A_142 = arith.constant 1 : i32
      %add3A_143 = arith.addi %mul3A_74, %add3A_142 : i32
      %mul3A_144 = arith.constant 40 : i32
      %mul3A_145 = arith.muli %add3A_143, %mul3A_144 : i32
      %add3A_146 = arith.addi %mul3A_15, %mul3A_145 : i32
      %dma_start3A_147 = arith.constant 0 : i32
      %dma_start3A_148 = tpu.memref_slice %arg7[%add3A_146, %dma_start3A_147] : memref<320000x128xf32, #tpu.memory_space<hbm>> -> memref<40x128xf32, #tpu.memory_space<hbm>>
      %dma_start3A_149 = arith.constant 0 : i32
      %dma_start3A_150 = tpu.memref_slice %arg7[%add3A_146, %dma_start3A_149] : memref<320000x128xf32, #tpu.memory_space<hbm>> -> memref<40x128xf32, #tpu.memory_space<hbm>>
      tpu.enqueue_dma source(%arg15 : memref<40x128xf32, #tpu.memory_space<vmem>>) target(%dma_start3A_150 : memref<40x128xf32, #tpu.memory_space<hbm>>) target_semaphore(%arg28 : memref<!tpu.dma_semaphore, #tpu.memory_space<semaphore_mem>>)
      %dma_start3A_151 = arith.constant 0 : i32
      %dma_start3A_152 = tpu.memref_slice %arg8[%add3A_146, %dma_start3A_151] : memref<320000x128xf32, #tpu.memory_space<hbm>> -> memref<40x128xf32, #tpu.memory_space<hbm>>
      %dma_start3A_153 = arith.constant 0 : i32
      %dma_start3A_154 = tpu.memref_slice %arg8[%add3A_146, %dma_start3A_153] : memref<320000x128xf32, #tpu.memory_space<hbm>> -> memref<40x128xf32, #tpu.memory_space<hbm>>
      tpu.enqueue_dma source(%arg17 : memref<40x128xf32, #tpu.memory_space<vmem>>) target(%dma_start3A_154 : memref<40x128xf32, #tpu.memory_space<hbm>>) target_semaphore(%arg28 : memref<!tpu.dma_semaphore, #tpu.memory_space<semaphore_mem>>)
      %dma_wait3A_155 = arith.constant 0 : i32
      %dma_wait3A_156 = arith.constant 0 : i32
      %dma_wait3A_157 = tpu.memref_slice %arg6[%dma_wait3A_155, %dma_wait3A_156] : memref<320000x128xf32, #tpu.memory_space<hbm>> -> memref<40x128xf32, #tpu.memory_space<hbm>>
      %dma_wait3A_158 = arith.constant 0 : i32
      %dma_wait3A_159 = arith.constant 0 : i32
      %dma_wait3A_160 = tpu.memref_slice %arg6[%dma_wait3A_158, %dma_wait3A_159] : memref<320000x128xf32, #tpu.memory_space<hbm>> -> memref<40x128xf32, #tpu.memory_space<hbm>>
      tpu.wait_dma2 semaphore(%arg24 : memref<!tpu.dma_semaphore, #tpu.memory_space<semaphore_mem>>) src(%dma_wait3A_160 : memref<40x128xf32, #tpu.memory_space<hbm>>) dst(%arg19 : memref<40x128xf32, #tpu.memory_space<vmem>>)
      %dma_start3A_161 = arith.constant 0 : i32
      %dma_start3A_162 = arith.constant 0 : i32
      %dma_start3A_163 = tpu.memref_slice %arg20[%dma_start3A_161, %dma_start3A_162] : memref<10240x128xf32, #tpu.memory_space<vmem_shared>> -> memref<10240x128xf32, #tpu.memory_space<vmem_shared>>
      tpu.enqueue_indirect_dma source(%arg19 : memref<40x128xf32, #tpu.memory_space<vmem>>) target(%dma_start3A_163 : memref<10240x128xf32, #tpu.memory_space<vmem_shared>>) offsets(%arg13 : memref<40xi32, #tpu.memory_space<vmem>>) semaphore(%arg30 : memref<!tpu.dma_semaphore, #tpu.memory_space<semaphore_mem>>) {add = true}
      %lt3A = arith.constant 124 : i32
      %lt3A_164 = arith.cmpi slt, %scan3A_71, %lt3A : i32
      %convert_element_type3A_165 = arith.extui %lt3A_164 : i1 to i32
      %cond3A_166 = arith.constant 0 : i32
      %cond3A_167 = arith.cmpi ne, %convert_element_type3A_165, %cond3A_166 : i32
      scf.if %cond3A_167 {
        %dma_wait3A_169 = arith.constant 0 : i32
        %dma_wait3A_170 = arith.constant 0 : i32
        %dma_wait3A_171 = tpu.memref_slice %arg20[%dma_wait3A_169, %dma_wait3A_170] : memref<10240x128xf32, #tpu.memory_space<vmem_shared>> -> memref<10240x128xf32, #tpu.memory_space<vmem_shared>>
        tpu.wait_indirect_dma semaphore(%arg29 : memref<!tpu.dma_semaphore, #tpu.memory_space<semaphore_mem>>) src(%arg18 : memref<40x128xf32, #tpu.memory_space<vmem>>) dst(%dma_wait3A_171 : memref<10240x128xf32, #tpu.memory_space<vmem_shared>>)
        %add3A_172 = arith.constant 2 : i32
        %add3A_173 = arith.addi %mul3A_74, %add3A_172 : i32
        %mul3A_174 = arith.constant 40 : i32
        %mul3A_175 = arith.muli %add3A_173, %mul3A_174 : i32
        %add3A_176 = arith.addi %mul3A_15, %mul3A_175 : i32
        %dma_start3A_177 = tpu.memref_slice %arg4[%add3A_176] : memref<320000xi32, #tpu.memory_space<hbm>> -> memref<40xi32, #tpu.memory_space<hbm>>
        %dma_start3A_178 = tpu.memref_slice %arg4[%add3A_176] : memref<320000xi32, #tpu.memory_space<hbm>> -> memref<40xi32, #tpu.memory_space<hbm>>
        tpu.enqueue_dma source(%dma_start3A_178 : memref<40xi32, #tpu.memory_space<hbm>>) target(%arg10 : memref<40xi32, #tpu.memory_space<vmem>>) target_semaphore(%arg21 : memref<!tpu.dma_semaphore, #tpu.memory_space<semaphore_mem>>)
        %dma_start3A_179 = tpu.memref_slice %arg5[%add3A_176] : memref<320000xi32, #tpu.memory_space<hbm>> -> memref<40xi32, #tpu.memory_space<hbm>>
        %dma_start3A_180 = tpu.memref_slice %arg5[%add3A_176] : memref<320000xi32, #tpu.memory_space<hbm>> -> memref<40xi32, #tpu.memory_space<hbm>>
        tpu.enqueue_dma source(%dma_start3A_180 : memref<40xi32, #tpu.memory_space<hbm>>) target(%arg12 : memref<40xi32, #tpu.memory_space<vmem>>) target_semaphore(%arg21 : memref<!tpu.dma_semaphore, #tpu.memory_space<semaphore_mem>>)
        %dma_start3A_181 = arith.constant 0 : i32
        %dma_start3A_182 = tpu.memref_slice %arg6[%add3A_176, %dma_start3A_181] : memref<320000x128xf32, #tpu.memory_space<hbm>> -> memref<40x128xf32, #tpu.memory_space<hbm>>
        %dma_start3A_183 = arith.constant 0 : i32
        %dma_start3A_184 = tpu.memref_slice %arg6[%add3A_176, %dma_start3A_183] : memref<320000x128xf32, #tpu.memory_space<hbm>> -> memref<40x128xf32, #tpu.memory_space<hbm>>
        tpu.enqueue_dma source(%dma_start3A_184 : memref<40x128xf32, #tpu.memory_space<hbm>>) target(%arg18 : memref<40x128xf32, #tpu.memory_space<vmem>>) target_semaphore(%arg23 : memref<!tpu.dma_semaphore, #tpu.memory_space<semaphore_mem>>)
        %dma_wait3A_185 = arith.constant 0 : i32
        %dma_wait3A_186 = arith.constant 0 : i32
        %dma_wait3A_187 = tpu.memref_slice %arg20[%dma_wait3A_185, %dma_wait3A_186] : memref<10240x128xf32, #tpu.memory_space<vmem_shared>> -> memref<10240x128xf32, #tpu.memory_space<vmem_shared>>
        tpu.wait_indirect_dma semaphore(%arg30 : memref<!tpu.dma_semaphore, #tpu.memory_space<semaphore_mem>>) src(%arg19 : memref<40x128xf32, #tpu.memory_space<vmem>>) dst(%dma_wait3A_187 : memref<10240x128xf32, #tpu.memory_space<vmem_shared>>)
        %add3A_188 = arith.constant 3 : i32
        %add3A_189 = arith.addi %mul3A_74, %add3A_188 : i32
        %mul3A_190 = arith.constant 40 : i32
        %mul3A_191 = arith.muli %add3A_189, %mul3A_190 : i32
        %add3A_192 = arith.addi %mul3A_15, %mul3A_191 : i32
        %dma_start3A_193 = tpu.memref_slice %arg4[%add3A_192] : memref<320000xi32, #tpu.memory_space<hbm>> -> memref<40xi32, #tpu.memory_space<hbm>>
        %dma_start3A_194 = tpu.memref_slice %arg4[%add3A_192] : memref<320000xi32, #tpu.memory_space<hbm>> -> memref<40xi32, #tpu.memory_space<hbm>>
        tpu.enqueue_dma source(%dma_start3A_194 : memref<40xi32, #tpu.memory_space<hbm>>) target(%arg11 : memref<40xi32, #tpu.memory_space<vmem>>) target_semaphore(%arg22 : memref<!tpu.dma_semaphore, #tpu.memory_space<semaphore_mem>>)
        %dma_start3A_195 = tpu.memref_slice %arg5[%add3A_192] : memref<320000xi32, #tpu.memory_space<hbm>> -> memref<40xi32, #tpu.memory_space<hbm>>
        %dma_start3A_196 = tpu.memref_slice %arg5[%add3A_192] : memref<320000xi32, #tpu.memory_space<hbm>> -> memref<40xi32, #tpu.memory_space<hbm>>
        tpu.enqueue_dma source(%dma_start3A_196 : memref<40xi32, #tpu.memory_space<hbm>>) target(%arg13 : memref<40xi32, #tpu.memory_space<vmem>>) target_semaphore(%arg22 : memref<!tpu.dma_semaphore, #tpu.memory_space<semaphore_mem>>)
        %dma_start3A_197 = arith.constant 0 : i32
        %dma_start3A_198 = tpu.memref_slice %arg6[%add3A_192, %dma_start3A_197] : memref<320000x128xf32, #tpu.memory_space<hbm>> -> memref<40x128xf32, #tpu.memory_space<hbm>>
        %dma_start3A_199 = arith.constant 0 : i32
        %dma_start3A_200 = tpu.memref_slice %arg6[%add3A_192, %dma_start3A_199] : memref<320000x128xf32, #tpu.memory_space<hbm>> -> memref<40x128xf32, #tpu.memory_space<hbm>>
        tpu.enqueue_dma source(%dma_start3A_200 : memref<40x128xf32, #tpu.memory_space<hbm>>) target(%arg19 : memref<40x128xf32, #tpu.memory_space<vmem>>) target_semaphore(%arg24 : memref<!tpu.dma_semaphore, #tpu.memory_space<semaphore_mem>>)
      } else {
      }
      %scan3A_168 = arith.constant 0 : i32
      scf.yield %scan3A_168 : i32
    }
    %scan3A_41 = arith.constant 125 : i32
    %dma_wait3A = arith.constant 0 : i32
    %dma_wait3A_42 = tpu.memref_slice %arg7[%mul3A_15, %dma_wait3A] : memref<320000x128xf32, #tpu.memory_space<hbm>> -> memref<40x128xf32, #tpu.memory_space<hbm>>
    %dma_wait3A_43 = arith.constant 0 : i32
    %dma_wait3A_44 = tpu.memref_slice %arg7[%mul3A_15, %dma_wait3A_43] : memref<320000x128xf32, #tpu.memory_space<hbm>> -> memref<40x128xf32, #tpu.memory_space<hbm>>
    tpu.wait_dma2 semaphore(%arg27 : memref<!tpu.dma_semaphore, #tpu.memory_space<semaphore_mem>>) src(%arg14 : memref<40x128xf32, #tpu.memory_space<vmem>>) dst(%dma_wait3A_44 : memref<40x128xf32, #tpu.memory_space<hbm>>)
    %dma_wait3A_45 = arith.constant 0 : i32
    %dma_wait3A_46 = tpu.memref_slice %arg8[%mul3A_15, %dma_wait3A_45] : memref<320000x128xf32, #tpu.memory_space<hbm>> -> memref<40x128xf32, #tpu.memory_space<hbm>>
    %dma_wait3A_47 = arith.constant 0 : i32
    %dma_wait3A_48 = tpu.memref_slice %arg8[%mul3A_15, %dma_wait3A_47] : memref<320000x128xf32, #tpu.memory_space<hbm>> -> memref<40x128xf32, #tpu.memory_space<hbm>>
    tpu.wait_dma2 semaphore(%arg27 : memref<!tpu.dma_semaphore, #tpu.memory_space<semaphore_mem>>) src(%arg16 : memref<40x128xf32, #tpu.memory_space<vmem>>) dst(%dma_wait3A_48 : memref<40x128xf32, #tpu.memory_space<hbm>>)
    %dma_wait3A_49 = arith.constant 0 : i32
    %dma_wait3A_50 = tpu.memref_slice %arg7[%mul3A_15, %dma_wait3A_49] : memref<320000x128xf32, #tpu.memory_space<hbm>> -> memref<40x128xf32, #tpu.memory_space<hbm>>
    %dma_wait3A_51 = arith.constant 0 : i32
    %dma_wait3A_52 = tpu.memref_slice %arg7[%mul3A_15, %dma_wait3A_51] : memref<320000x128xf32, #tpu.memory_space<hbm>> -> memref<40x128xf32, #tpu.memory_space<hbm>>
    tpu.wait_dma2 semaphore(%arg28 : memref<!tpu.dma_semaphore, #tpu.memory_space<semaphore_mem>>) src(%arg15 : memref<40x128xf32, #tpu.memory_space<vmem>>) dst(%dma_wait3A_52 : memref<40x128xf32, #tpu.memory_space<hbm>>)
    %dma_wait3A_53 = arith.constant 0 : i32
    %dma_wait3A_54 = tpu.memref_slice %arg8[%mul3A_15, %dma_wait3A_53] : memref<320000x128xf32, #tpu.memory_space<hbm>> -> memref<40x128xf32, #tpu.memory_space<hbm>>
    %dma_wait3A_55 = arith.constant 0 : i32
    %dma_wait3A_56 = tpu.memref_slice %arg8[%mul3A_15, %dma_wait3A_55] : memref<320000x128xf32, #tpu.memory_space<hbm>> -> memref<40x128xf32, #tpu.memory_space<hbm>>
    tpu.wait_dma2 semaphore(%arg28 : memref<!tpu.dma_semaphore, #tpu.memory_space<semaphore_mem>>) src(%arg17 : memref<40x128xf32, #tpu.memory_space<vmem>>) dst(%dma_wait3A_56 : memref<40x128xf32, #tpu.memory_space<hbm>>)
    %dma_wait3A_57 = arith.constant 0 : i32
    %dma_wait3A_58 = arith.constant 0 : i32
    %dma_wait3A_59 = tpu.memref_slice %arg20[%dma_wait3A_57, %dma_wait3A_58] : memref<10240x128xf32, #tpu.memory_space<vmem_shared>> -> memref<10240x128xf32, #tpu.memory_space<vmem_shared>>
    tpu.wait_indirect_dma semaphore(%arg29 : memref<!tpu.dma_semaphore, #tpu.memory_space<semaphore_mem>>) src(%arg18 : memref<40x128xf32, #tpu.memory_space<vmem>>) dst(%dma_wait3A_59 : memref<10240x128xf32, #tpu.memory_space<vmem_shared>>)
    %dma_wait3A_60 = arith.constant 0 : i32
    %dma_wait3A_61 = arith.constant 0 : i32
    %dma_wait3A_62 = tpu.memref_slice %arg20[%dma_wait3A_60, %dma_wait3A_61] : memref<10240x128xf32, #tpu.memory_space<vmem_shared>> -> memref<10240x128xf32, #tpu.memory_space<vmem_shared>>
    tpu.wait_indirect_dma semaphore(%arg30 : memref<!tpu.dma_semaphore, #tpu.memory_space<semaphore_mem>>) src(%arg19 : memref<40x128xf32, #tpu.memory_space<vmem>>) dst(%dma_wait3A_62 : memref<10240x128xf32, #tpu.memory_space<vmem_shared>>)
    %barrier3A_63 = arith.constant 0 : index
    tpu.barrier barrier_id(%barrier3A_63)
    %scan3A_64 = arith.constant 0 : i32
    %scan3A_65 = arith.constant 0 : i32
    %scan3A_66 = arith.constant 8 : i32
    %scan3A_67 = arith.addi %scan3A_65, %scan3A_66 : i32
    %scan3A_68 = arith.constant 1 : i32
    %scan3A_69 = scf.for %scan3A_71 = %scan3A_65 to %scan3A_67 step %scan3A_68 iter_args(%scan3A_72 = %scan3A_64) -> (i32)  : i32 {
      %mul3A_73 = arith.constant 640 : i32
      %mul3A_74 = arith.muli %arg1, %mul3A_73 : i32
      %mul3A_75 = arith.constant 80 : i32
      %mul3A_76 = arith.muli %scan3A_71, %mul3A_75 : i32
      %add3A_77 = arith.addi %mul3A_74, %mul3A_76 : i32
      "tpu.region"() ({
        %run_scoped3A = tpu.sem_alloc : memref<!tpu.dma_semaphore, #tpu.memory_space<semaphore_mem>>
        %dma_start3A_79 = arith.constant 0 : i32
        %dma_start3A_80 = tpu.memref_slice %arg9[%arg0, %add3A_77, %dma_start3A_79] : memref<2x10240x128xf32, #tpu.memory_space<hbm>> -> memref<1x80x128xf32, #tpu.memory_space<hbm>>
        %dma_start3A_81 = tpu.memref_squeeze %dma_start3A_80 : memref<1x80x128xf32, #tpu.memory_space<hbm>> -> memref<80x128xf32, #tpu.memory_space<hbm>>
        %dma_start3A_82 = arith.constant 0 : i32
        %dma_start3A_83 = tpu.memref_slice %arg20[%add3A_77, %dma_start3A_82] : memref<10240x128xf32, #tpu.memory_space<vmem_shared>> -> memref<80x128xf32, #tpu.memory_space<vmem_shared>>
        tpu.enqueue_dma source(%dma_start3A_83 : memref<80x128xf32, #tpu.memory_space<vmem_shared>>) target(%dma_start3A_81 : memref<80x128xf32, #tpu.memory_space<hbm>>) target_semaphore(%run_scoped3A : memref<!tpu.dma_semaphore, #tpu.memory_space<semaphore_mem>>)
        %dma_wait3A_84 = arith.constant 0 : i32
        %dma_wait3A_85 = tpu.memref_slice %arg9[%arg0, %add3A_77, %dma_wait3A_84] : memref<2x10240x128xf32, #tpu.memory_space<hbm>> -> memref<1x80x128xf32, #tpu.memory_space<hbm>>
        %dma_wait3A_86 = tpu.memref_squeeze %dma_wait3A_85 : memref<1x80x128xf32, #tpu.memory_space<hbm>> -> memref<80x128xf32, #tpu.memory_space<hbm>>
        %dma_wait3A_87 = arith.constant 0 : i32
        %dma_wait3A_88 = tpu.memref_slice %arg20[%add3A_77, %dma_wait3A_87] : memref<10240x128xf32, #tpu.memory_space<vmem_shared>> -> memref<80x128xf32, #tpu.memory_space<vmem_shared>>
        tpu.wait_dma2 semaphore(%run_scoped3A : memref<!tpu.dma_semaphore, #tpu.memory_space<semaphore_mem>>) src(%dma_wait3A_88 : memref<80x128xf32, #tpu.memory_space<vmem_shared>>) dst(%dma_wait3A_86 : memref<80x128xf32, #tpu.memory_space<hbm>>)
        tpu.yield
      }) : () -> ()
      %scan3A_78 = arith.constant 0 : i32
      scf.yield %scan3A_78 : i32
    }
    %scan3A_70 = arith.constant 8 : i32
    return
  }
}

module attributes {stable_mosaic.version = 14 : i64} {
  func.func @body(%arg0: i32, %arg1: memref<1000x128xf32, #tpu.memory_space<vmem>>, %arg2: memref<128x128xf32, #tpu.memory_space<vmem>>, %arg3: memref<1x128xf32, #tpu.memory_space<vmem>>, %arg4: memref<128x128xf32, #tpu.memory_space<vmem>>, %arg5: memref<1x128xf32, #tpu.memory_space<vmem>>, %arg6: memref<1000x128xf32, #tpu.memory_space<vmem>>, %arg7: memref<1000x128xf32, #tpu.memory_space<vmem>>) attributes {dimension_semantics = [#tpu.dimension_semantics<arbitrary>], iteration_bounds = array<i64: 10>, scalar_prefetch = 0 : i64, scratch_operands = 0 : i64, tpu.core_type = #tpu.core_type<tc>, window_params = [{transform_indices = @transform_0, window_bounds = array<i64: 1000, 128>}, {pipeline_mode = #tpu.pipeline_mode<synchronous>, transform_indices = @transform_1, window_bounds = array<i64: 128, 128>}, {pipeline_mode = #tpu.pipeline_mode<synchronous>, transform_indices = @transform_2, window_bounds = array<i64: 1, 128>}, {pipeline_mode = #tpu.pipeline_mode<synchronous>, transform_indices = @transform_3, window_bounds = array<i64: 128, 128>}, {pipeline_mode = #tpu.pipeline_mode<synchronous>, transform_indices = @transform_4, window_bounds = array<i64: 1, 128>}, {transform_indices = @transform_5, window_bounds = array<i64: 1000, 128>}, {transform_indices = @transform_6, window_bounds = array<i64: 1000, 128>}]} {
    %get3A = arith.constant 0 : index
    %get3A_0 = arith.constant 0 : index
    %get3A_1 = vector.load %arg1[%get3A, %get3A_0] : memref<1000x128xf32, #tpu.memory_space<vmem>>, vector<1000x128xf32>
    %get3A_2 = arith.constant 0 : index
    %get3A_3 = arith.constant 0 : index
    %get3A_4 = vector.load %arg2[%get3A_2, %get3A_3] : memref<128x128xf32, #tpu.memory_space<vmem>>, vector<128x128xf32>
    %dot_general3A = arith.constant dense<0.000000e+00> : vector<1000x128xf32>
    %dot_general3A_5 = tpu.matmul %get3A_1, %get3A_4, %dot_general3A {dimension_numbers = #tpu.dot_dimension_numbers<[1], [0], [0], [1], [0, 0, 1, 1], [], []>, transpose_lhs_hint = false} : vector<1000x128xf32>, vector<128x128xf32>, vector<1000x128xf32> -> vector<1000x128xf32>
    %get3A_6 = arith.constant 0 : index
    %get3A_7 = arith.constant 0 : index
    %get3A_8 = vector.load %arg3[%get3A_6, %get3A_7] : memref<1x128xf32, #tpu.memory_space<vmem>>, vector<1x128xf32>
    %add3A = vector.broadcast %get3A_8 : vector<1x128xf32> to vector<1000x128xf32>
    %add3A_9 = arith.addf %dot_general3A_5, %add3A : vector<1000x128xf32>
    %swap3A = arith.constant 0 : index
    %swap3A_10 = arith.constant 0 : index
    %swap3A_11 = vector.load %arg6[%swap3A, %swap3A_10] : memref<1000x128xf32, #tpu.memory_space<vmem>>, vector<1000x128xf32>
    tpu.vector_store %arg6[%swap3A, %swap3A_10], %add3A_9 {strides = array<i32>} : memref<1000x128xf32, #tpu.memory_space<vmem>>, vector<1000x128xf32>,
    %get3A_12 = arith.constant 0 : index
    %get3A_13 = arith.constant 0 : index
    %get3A_14 = vector.load %arg4[%get3A_12, %get3A_13] : memref<128x128xf32, #tpu.memory_space<vmem>>, vector<128x128xf32>
    %dot_general3A_15 = arith.constant dense<0.000000e+00> : vector<1000x128xf32>
    %dot_general3A_16 = tpu.matmul %get3A_1, %get3A_14, %dot_general3A_15 {dimension_numbers = #tpu.dot_dimension_numbers<[1], [0], [0], [1], [0, 0, 1, 1], [], []>, transpose_lhs_hint = false} : vector<1000x128xf32>, vector<128x128xf32>, vector<1000x128xf32> -> vector<1000x128xf32>
    %get3A_17 = arith.constant 0 : index
    %get3A_18 = arith.constant 0 : index
    %get3A_19 = vector.load %arg5[%get3A_17, %get3A_18] : memref<1x128xf32, #tpu.memory_space<vmem>>, vector<1x128xf32>
    %add3A_20 = vector.broadcast %get3A_19 : vector<1x128xf32> to vector<1000x128xf32>
    %add3A_21 = arith.addf %dot_general3A_16, %add3A_20 : vector<1000x128xf32>
    %swap3A_22 = arith.constant 0 : index
    %swap3A_23 = arith.constant 0 : index
    %swap3A_24 = vector.load %arg7[%swap3A_22, %swap3A_23] : memref<1000x128xf32, #tpu.memory_space<vmem>>, vector<1000x128xf32>
    tpu.vector_store %arg7[%swap3A_22, %swap3A_23], %add3A_21 {strides = array<i32>} : memref<1000x128xf32, #tpu.memory_space<vmem>>, vector<1000x128xf32>,
    return
  }
  func.func @transform_0(%arg0: i32) -> (i32, i32) {
    %c0_i32 = arith.constant 0 : i32
    %c0_i32_0 = arith.constant 0 : i32
    return %arg0, %c0_i32 : i32, i32
  }
  func.func @transform_1(%arg0: i32) -> (i32, i32) {
    %c0_i32 = arith.constant 0 : i32
    %c0_i32_0 = arith.constant 0 : i32
    %c0_i32_1 = arith.constant 0 : i32
    return %c0_i32, %c0_i32_0 : i32, i32
  }
  func.func @transform_2(%arg0: i32) -> (i32, i32) {
    %c0_i32 = arith.constant 0 : i32
    %c0_i32_0 = arith.constant 0 : i32
    %c0_i32_1 = arith.constant 0 : i32
    return %c0_i32, %c0_i32_0 : i32, i32
  }
  func.func @transform_3(%arg0: i32) -> (i32, i32) {
    %c0_i32 = arith.constant 0 : i32
    %c0_i32_0 = arith.constant 0 : i32
    %c0_i32_1 = arith.constant 0 : i32
    return %c0_i32, %c0_i32_0 : i32, i32
  }
  func.func @transform_4(%arg0: i32) -> (i32, i32) {
    %c0_i32 = arith.constant 0 : i32
    %c0_i32_0 = arith.constant 0 : i32
    %c0_i32_1 = arith.constant 0 : i32
    return %c0_i32, %c0_i32_0 : i32, i32
  }
  func.func @transform_5(%arg0: i32) -> (i32, i32) {
    %c0_i32 = arith.constant 0 : i32
    %c0_i32_0 = arith.constant 0 : i32
    return %arg0, %c0_i32 : i32, i32
  }
  func.func @transform_6(%arg0: i32) -> (i32, i32) {
    %c0_i32 = arith.constant 0 : i32
    %c0_i32_0 = arith.constant 0 : i32
    return %arg0, %c0_i32 : i32, i32
  }
}

module attributes {stable_mosaic.version = 14 : i64} {
  func.func @body(%arg0: i32, %arg1: memref<4000x128xf32, #tpu.memory_space<vmem>>, %arg2: memref<4000x128xf32, #tpu.memory_space<vmem>>, %arg3: memref<4000x128xf32, #tpu.memory_space<vmem>>, %arg4: memref<128x128xf32, #tpu.memory_space<vmem>>, %arg5: memref<128x16xf32, #tpu.memory_space<vmem>>, %arg6: memref<16x128xf32, #tpu.memory_space<vmem>>, %arg7: memref<4000x16xf32, #tpu.memory_space<vmem>>, %arg8: memref<4000x128xf32, #tpu.memory_space<vmem>>) attributes {dimension_semantics = [#tpu.dimension_semantics<arbitrary>], iteration_bounds = array<i64: 80>, scalar_prefetch = 0 : i64, scratch_operands = 0 : i64, tpu.core_type = #tpu.core_type<tc>, window_params = [{transform_indices = @transform_0, window_bounds = array<i64: 4000, 128>}, {transform_indices = @transform_1, window_bounds = array<i64: 4000, 128>}, {transform_indices = @transform_2, window_bounds = array<i64: 4000, 128>}, {pipeline_mode = #tpu.pipeline_mode<synchronous>, transform_indices = @transform_3, window_bounds = array<i64: 128, 128>}, {pipeline_mode = #tpu.pipeline_mode<synchronous>, transform_indices = @transform_4, window_bounds = array<i64: 128, 16>}, {pipeline_mode = #tpu.pipeline_mode<synchronous>, transform_indices = @transform_5, window_bounds = array<i64: 16, 128>}, {transform_indices = @transform_6, window_bounds = array<i64: 4000, 16>}, {transform_indices = @transform_7, window_bounds = array<i64: 4000, 128>}]} {
    %get3A = arith.constant 0 : index
    %get3A_0 = arith.constant 0 : index
    %get3A_1 = vector.load %arg2[%get3A, %get3A_0] : memref<4000x128xf32, #tpu.memory_space<vmem>>, vector<4000x128xf32>
    %get3A_2 = arith.constant 0 : index
    %get3A_3 = arith.constant 0 : index
    %get3A_4 = vector.load %arg1[%get3A_2, %get3A_3] : memref<4000x128xf32, #tpu.memory_space<vmem>>, vector<4000x128xf32>
    %get3A_5 = arith.constant 0 : index
    %get3A_6 = arith.constant 0 : index
    %get3A_7 = vector.load %arg4[%get3A_5, %get3A_6] : memref<128x128xf32, #tpu.memory_space<vmem>>, vector<128x128xf32>
    %dot_general3A = arith.constant dense<0.000000e+00> : vector<4000x128xf32>
    %dot_general3A_8 = tpu.matmul %get3A_4, %get3A_7, %dot_general3A {dimension_numbers = #tpu.dot_dimension_numbers<[1], [0], [0], [1], [0, 0, 1, 1], [], []>, transpose_lhs_hint = false} : vector<4000x128xf32>, vector<128x128xf32>, vector<4000x128xf32> -> vector<4000x128xf32>
    %get3A_9 = arith.constant 0 : index
    %get3A_10 = arith.constant 0 : index
    %get3A_11 = vector.load %arg3[%get3A_9, %get3A_10] : memref<4000x128xf32, #tpu.memory_space<vmem>>, vector<4000x128xf32>
    %add3A = arith.addf %get3A_1, %get3A_11 : vector<4000x128xf32>
    %add3A_12 = arith.addf %add3A, %dot_general3A_8 : vector<4000x128xf32>
    %ge3A = arith.constant 0.000000e+00 : f32
    %ge3A_13 = vector.broadcast %ge3A : f32 to vector<4000x128xf32>
    %ge3A_14 = arith.cmpf oge, %add3A_12, %ge3A_13 : vector<4000x128xf32>
    %mul3A = arith.constant 2.000000e-01 : f32
    %mul3A_15 = vector.broadcast %mul3A : f32 to vector<4000x128xf32>
    %mul3A_16 = arith.mulf %mul3A_15, %add3A_12 : vector<4000x128xf32>
    %select_n3A = arith.select %ge3A_14, %add3A_12, %mul3A_16 : vector<4000x128xi1>, vector<4000x128xf32>
    %get3A_17 = arith.constant 0 : index
    %get3A_18 = arith.constant 0 : index
    %get3A_19 = vector.load %arg5[%get3A_17, %get3A_18] : memref<128x16xf32, #tpu.memory_space<vmem>>, vector<128x16xf32>
    %dot_general3A_20 = arith.constant dense<0.000000e+00> : vector<4000x16xf32>
    %dot_general3A_21 = tpu.matmul %select_n3A, %get3A_19, %dot_general3A_20 {dimension_numbers = #tpu.dot_dimension_numbers<[1], [0], [0], [1], [0, 0, 1, 1], [], []>, transpose_lhs_hint = false} : vector<4000x128xf32>, vector<128x16xf32>, vector<4000x16xf32> -> vector<4000x16xf32>
    %exp3A = math.exp %dot_general3A_21 : vector<4000x16xf32>
    %swap3A = arith.constant 0 : index
    %swap3A_22 = arith.constant 0 : index
    %swap3A_23 = vector.load %arg7[%swap3A, %swap3A_22] : memref<4000x16xf32, #tpu.memory_space<vmem>>, vector<4000x16xf32>
    tpu.vector_store %arg7[%swap3A, %swap3A_22], %exp3A {strides = array<i32>} : memref<4000x16xf32, #tpu.memory_space<vmem>>, vector<4000x16xf32>,
    %get3A_24 = arith.constant 0 : index
    %get3A_25 = arith.constant 0 : index
    %get3A_26 = vector.load %arg6[%get3A_24, %get3A_25] : memref<16x128xf32, #tpu.memory_space<vmem>>, vector<16x128xf32>
    %dot_general3A_27 = arith.constant dense<0.000000e+00> : vector<4000x128xf32>
    %dot_general3A_28 = tpu.matmul %exp3A, %get3A_26, %dot_general3A_27 {dimension_numbers = #tpu.dot_dimension_numbers<[1], [0], [0], [1], [0, 0, 1, 1], [], []>, transpose_lhs_hint = false} : vector<4000x16xf32>, vector<16x128xf32>, vector<4000x128xf32> -> vector<4000x128xf32>
    %mul3A_29 = arith.mulf %get3A_1, %dot_general3A_28 : vector<4000x128xf32>
    %swap3A_30 = arith.constant 0 : index
    %swap3A_31 = arith.constant 0 : index
    %swap3A_32 = vector.load %arg8[%swap3A_30, %swap3A_31] : memref<4000x128xf32, #tpu.memory_space<vmem>>, vector<4000x128xf32>
    tpu.vector_store %arg8[%swap3A_30, %swap3A_31], %mul3A_29 {strides = array<i32>} : memref<4000x128xf32, #tpu.memory_space<vmem>>, vector<4000x128xf32>,
    return
  }
  func.func @transform_0(%arg0: i32) -> (i32, i32) {
    %c0_i32 = arith.constant 0 : i32
    %c0_i32_0 = arith.constant 0 : i32
    return %arg0, %c0_i32 : i32, i32
  }
  func.func @transform_1(%arg0: i32) -> (i32, i32) {
    %c0_i32 = arith.constant 0 : i32
    %c0_i32_0 = arith.constant 0 : i32
    return %arg0, %c0_i32 : i32, i32
  }
  func.func @transform_2(%arg0: i32) -> (i32, i32) {
    %c0_i32 = arith.constant 0 : i32
    %c0_i32_0 = arith.constant 0 : i32
    return %arg0, %c0_i32 : i32, i32
  }
  func.func @transform_3(%arg0: i32) -> (i32, i32) {
    %c0_i32 = arith.constant 0 : i32
    %c0_i32_0 = arith.constant 0 : i32
    %c0_i32_1 = arith.constant 0 : i32
    return %c0_i32, %c0_i32_0 : i32, i32
  }
  func.func @transform_4(%arg0: i32) -> (i32, i32) {
    %c0_i32 = arith.constant 0 : i32
    %c0_i32_0 = arith.constant 0 : i32
    %c0_i32_1 = arith.constant 0 : i32
    return %c0_i32, %c0_i32_0 : i32, i32
  }
  func.func @transform_5(%arg0: i32) -> (i32, i32) {
    %c0_i32 = arith.constant 0 : i32
    %c0_i32_0 = arith.constant 0 : i32
    %c0_i32_1 = arith.constant 0 : i32
    return %c0_i32, %c0_i32_0 : i32, i32
  }
  func.func @transform_6(%arg0: i32) -> (i32, i32) {
    %c0_i32 = arith.constant 0 : i32
    %c0_i32_0 = arith.constant 0 : i32
    return %arg0, %c0_i32 : i32, i32
  }
  func.func @transform_7(%arg0: i32) -> (i32, i32) {
    %c0_i32 = arith.constant 0 : i32
    %c0_i32_0 = arith.constant 0 : i32
    return %arg0, %c0_i32 : i32, i32
  }
}

module attributes {stable_mosaic.version = 14 : i64} {
  func.func @body(%arg0: i32, %arg1: memref<1000x128xf32, #tpu.memory_space<vmem>>, %arg2: memref<1000x128xf32, #tpu.memory_space<vmem>>, %arg3: memref<1000x128xf32, #tpu.memory_space<vmem>>, %arg4: memref<1000x128xf32, #tpu.memory_space<vmem>>, %arg5: memref<1000x128xf32, #tpu.memory_space<vmem>>, %arg6: memref<1000x128xf32, #tpu.memory_space<vmem>>, %arg7: memref<1000x128xf32, #tpu.memory_space<vmem>>, %arg8: memref<1000x16xf32, #tpu.memory_space<vmem>>, %arg9: memref<1000x16xf32, #tpu.memory_space<vmem>>, %arg10: memref<128x128xf32, #tpu.memory_space<vmem>>, %arg11: memref<128x16xf32, #tpu.memory_space<vmem>>, %arg12: memref<16x128xf32, #tpu.memory_space<vmem>>, %arg13: memref<128x512xf32, #tpu.memory_space<vmem>>, %arg14: memref<1x512xf32, #tpu.memory_space<vmem>>, %arg15: memref<512x128xf32, #tpu.memory_space<vmem>>, %arg16: memref<1x128xf32, #tpu.memory_space<vmem>>, %arg17: memref<1x128xf32, #tpu.memory_space<vmem>>, %arg18: memref<1x128xf32, #tpu.memory_space<vmem>>, %arg19: memref<1x128xf32, #tpu.memory_space<vmem>>, %arg20: memref<1x128xf32, #tpu.memory_space<vmem>>, %arg21: memref<1x128xf32, #tpu.memory_space<vmem>>, %arg22: memref<1000x128xf32, #tpu.memory_space<vmem>>) attributes {dimension_semantics = [#tpu.dimension_semantics<arbitrary>], iteration_bounds = array<i64: 10>, scalar_prefetch = 0 : i64, scratch_operands = 0 : i64, tpu.core_type = #tpu.core_type<tc>, window_params = [{transform_indices = @transform_0, window_bounds = array<i64: 1000, 128>}, {transform_indices = @transform_1, window_bounds = array<i64: 1000, 128>}, {transform_indices = @transform_2, window_bounds = array<i64: 1000, 128>}, {transform_indices = @transform_3, window_bounds = array<i64: 1000, 128>}, {transform_indices = @transform_4, window_bounds = array<i64: 1000, 128>}, {transform_indices = @transform_5, window_bounds = array<i64: 1000, 128>}, {transform_indices = @transform_6, window_bounds = array<i64: 1000, 128>}, {transform_indices = @transform_7, window_bounds = array<i64: 1000, 16>}, {transform_indices = @transform_8, window_bounds = array<i64: 1000, 16>}, {pipeline_mode = #tpu.pipeline_mode<synchronous>, transform_indices = @transform_9, window_bounds = array<i64: 128, 128>}, {pipeline_mode = #tpu.pipeline_mode<synchronous>, transform_indices = @transform_10, window_bounds = array<i64: 128, 16>}, {pipeline_mode = #tpu.pipeline_mode<synchronous>, transform_indices = @transform_11, window_bounds = array<i64: 16, 128>}, {pipeline_mode = #tpu.pipeline_mode<synchronous>, transform_indices = @transform_12, window_bounds = array<i64: 128, 512>}, {pipeline_mode = #tpu.pipeline_mode<synchronous>, transform_indices = @transform_13, window_bounds = array<i64: 1, 512>}, {pipeline_mode = #tpu.pipeline_mode<synchronous>, transform_indices = @transform_14, window_bounds = array<i64: 512, 128>}, {pipeline_mode = #tpu.pipeline_mode<synchronous>, transform_indices = @transform_15, window_bounds = array<i64: 1, 128>}, {pipeline_mode = #tpu.pipeline_mode<synchronous>, transform_indices = @transform_16, window_bounds = array<i64: 1, 128>}, {pipeline_mode = #tpu.pipeline_mode<synchronous>, transform_indices = @transform_17, window_bounds = array<i64: 1, 128>}, {pipeline_mode = #tpu.pipeline_mode<synchronous>, transform_indices = @transform_18, window_bounds = array<i64: 1, 128>}, {pipeline_mode = #tpu.pipeline_mode<synchronous>, transform_indices = @transform_19, window_bounds = array<i64: 1, 128>}, {pipeline_mode = #tpu.pipeline_mode<synchronous>, transform_indices = @transform_20, window_bounds = array<i64: 1, 128>}, {transform_indices = @transform_21, window_bounds = array<i64: 1000, 128>}]} {
    %get3A = arith.constant 0 : index
    %get3A_0 = arith.constant 0 : index
    %get3A_1 = vector.load %arg2[%get3A, %get3A_0] : memref<1000x128xf32, #tpu.memory_space<vmem>>, vector<1000x128xf32>
    %get3A_2 = arith.constant 0 : index
    %get3A_3 = arith.constant 0 : index
    %get3A_4 = vector.load %arg8[%get3A_2, %get3A_3] : memref<1000x16xf32, #tpu.memory_space<vmem>>, vector<1000x16xf32>
    %get3A_5 = arith.constant 0 : index
    %get3A_6 = arith.constant 0 : index
    %get3A_7 = vector.load %arg9[%get3A_5, %get3A_6] : memref<1000x16xf32, #tpu.memory_space<vmem>>, vector<1000x16xf32>
    %add3A = arith.addf %get3A_4, %get3A_7 : vector<1000x16xf32>
    %slice3A = vector.extract_strided_slice %add3A {offsets = [0, 8], sizes = [1000, 1], strides = [1, 1]} : vector<1000x16xf32> to vector<1000x1xf32>
    %max3A = arith.constant 1.000000e+00 : f32
    %max3A_8 = vector.broadcast %max3A : f32 to vector<1000x1xf32>
    %max3A_9 = arith.maximumf %slice3A, %max3A_8 : vector<1000x1xf32>
    %get3A_10 = arith.constant 0 : index
    %get3A_11 = arith.constant 0 : index
    %get3A_12 = vector.load %arg4[%get3A_10, %get3A_11] : memref<1000x128xf32, #tpu.memory_space<vmem>>, vector<1000x128xf32>
    %get3A_13 = arith.constant 0 : index
    %get3A_14 = arith.constant 0 : index
    %get3A_15 = vector.load %arg5[%get3A_13, %get3A_14] : memref<1000x128xf32, #tpu.memory_space<vmem>>, vector<1000x128xf32>
    %add3A_16 = arith.addf %get3A_12, %get3A_15 : vector<1000x128xf32>
    %div3A = vector.broadcast %max3A_9 : vector<1000x1xf32> to vector<1000x128xf32>
    %div3A_17 = arith.divf %add3A_16, %div3A : vector<1000x128xf32>
    %get3A_18 = arith.constant 0 : index
    %get3A_19 = arith.constant 0 : index
    %get3A_20 = vector.load %arg10[%get3A_18, %get3A_19] : memref<128x128xf32, #tpu.memory_space<vmem>>, vector<128x128xf32>
    %dot_general3A = arith.constant dense<0.000000e+00> : vector<1000x128xf32>
    %dot_general3A_21 = tpu.matmul %div3A_17, %get3A_20, %dot_general3A {dimension_numbers = #tpu.dot_dimension_numbers<[1], [0], [0], [1], [0, 0, 1, 1], [], []>, transpose_lhs_hint = false} : vector<1000x128xf32>, vector<128x128xf32>, vector<1000x128xf32> -> vector<1000x128xf32>
    %get3A_22 = arith.constant 0 : index
    %get3A_23 = arith.constant 0 : index
    %get3A_24 = vector.load %arg3[%get3A_22, %get3A_23] : memref<1000x128xf32, #tpu.memory_space<vmem>>, vector<1000x128xf32>
    %add3A_25 = arith.addf %get3A_1, %get3A_24 : vector<1000x128xf32>
    %add3A_26 = arith.addf %add3A_25, %dot_general3A_21 : vector<1000x128xf32>
    %ge3A = arith.constant 0.000000e+00 : f32
    %ge3A_27 = vector.broadcast %ge3A : f32 to vector<1000x128xf32>
    %ge3A_28 = arith.cmpf oge, %add3A_26, %ge3A_27 : vector<1000x128xf32>
    %mul3A = arith.constant 2.000000e-01 : f32
    %mul3A_29 = vector.broadcast %mul3A : f32 to vector<1000x128xf32>
    %mul3A_30 = arith.mulf %mul3A_29, %add3A_26 : vector<1000x128xf32>
    %select_n3A = arith.select %ge3A_28, %add3A_26, %mul3A_30 : vector<1000x128xi1>, vector<1000x128xf32>
    %get3A_31 = arith.constant 0 : index
    %get3A_32 = arith.constant 0 : index
    %get3A_33 = vector.load %arg11[%get3A_31, %get3A_32] : memref<128x16xf32, #tpu.memory_space<vmem>>, vector<128x16xf32>
    %dot_general3A_34 = arith.constant dense<0.000000e+00> : vector<1000x16xf32>
    %dot_general3A_35 = tpu.matmul %select_n3A, %get3A_33, %dot_general3A_34 {dimension_numbers = #tpu.dot_dimension_numbers<[1], [0], [0], [1], [0, 0, 1, 1], [], []>, transpose_lhs_hint = false} : vector<1000x128xf32>, vector<128x16xf32>, vector<1000x16xf32> -> vector<1000x16xf32>
    %exp3A = math.exp %dot_general3A_35 : vector<1000x16xf32>
    %add3A_36 = arith.addf %add3A, %exp3A : vector<1000x16xf32>
    %get3A_37 = arith.constant 0 : index
    %get3A_38 = arith.constant 0 : index
    %get3A_39 = vector.load %arg12[%get3A_37, %get3A_38] : memref<16x128xf32, #tpu.memory_space<vmem>>, vector<16x128xf32>
    %dot_general3A_40 = arith.constant dense<0.000000e+00> : vector<1000x128xf32>
    %dot_general3A_41 = tpu.matmul %add3A_36, %get3A_39, %dot_general3A_40 {dimension_numbers = #tpu.dot_dimension_numbers<[1], [0], [0], [1], [0, 0, 1, 1], [], []>, transpose_lhs_hint = false} : vector<1000x16xf32>, vector<16x128xf32>, vector<1000x128xf32> -> vector<1000x128xf32>
    %get3A_42 = arith.constant 0 : index
    %get3A_43 = arith.constant 0 : index
    %get3A_44 = vector.load %arg6[%get3A_42, %get3A_43] : memref<1000x128xf32, #tpu.memory_space<vmem>>, vector<1000x128xf32>
    %get3A_45 = arith.constant 0 : index
    %get3A_46 = arith.constant 0 : index
    %get3A_47 = vector.load %arg7[%get3A_45, %get3A_46] : memref<1000x128xf32, #tpu.memory_space<vmem>>, vector<1000x128xf32>
    %add3A_48 = arith.addf %get3A_44, %get3A_47 : vector<1000x128xf32>
    %get3A_49 = arith.constant 0 : index
    %get3A_50 = arith.constant 0 : index
    %get3A_51 = vector.load %arg12[%get3A_49, %get3A_50] : memref<16x128xf32, #tpu.memory_space<vmem>>, vector<16x128xf32>
    %dot_general3A_52 = arith.constant dense<0.000000e+00> : vector<1000x128xf32>
    %dot_general3A_53 = tpu.matmul %exp3A, %get3A_51, %dot_general3A_52 {dimension_numbers = #tpu.dot_dimension_numbers<[1], [0], [0], [1], [0, 0, 1, 1], [], []>, transpose_lhs_hint = false} : vector<1000x16xf32>, vector<16x128xf32>, vector<1000x128xf32> -> vector<1000x128xf32>
    %mul3A_54 = arith.mulf %get3A_1, %dot_general3A_53 : vector<1000x128xf32>
    %add3A_55 = arith.addf %add3A_48, %mul3A_54 : vector<1000x128xf32>
    %div3A_56 = arith.divf %add3A_55, %dot_general3A_41 : vector<1000x128xf32>
    %get3A_57 = arith.constant 0 : index
    %get3A_58 = arith.constant 0 : index
    %get3A_59 = vector.load %arg17[%get3A_57, %get3A_58] : memref<1x128xf32, #tpu.memory_space<vmem>>, vector<1x128xf32>
    %add3A_60 = vector.broadcast %get3A_59 : vector<1x128xf32> to vector<1000x128xf32>
    %add3A_61 = arith.addf %div3A_56, %add3A_60 : vector<1000x128xf32>
    %get3A_62 = arith.constant 0 : index
    %get3A_63 = arith.constant 0 : index
    %get3A_64 = vector.load %arg1[%get3A_62, %get3A_63] : memref<1000x128xf32, #tpu.memory_space<vmem>>, vector<1000x128xf32>
    %add3A_65 = arith.addf %get3A_64, %add3A_61 : vector<1000x128xf32>
    %get3A_66 = arith.constant 0 : index
    %get3A_67 = arith.constant 0 : index
    %get3A_68 = vector.load %arg18[%get3A_66, %get3A_67] : memref<1x128xf32, #tpu.memory_space<vmem>>, vector<1x128xf32>
    %get3A_69 = arith.constant 0 : index
    %get3A_70 = arith.constant 0 : index
    %get3A_71 = vector.load %arg19[%get3A_69, %get3A_70] : memref<1x128xf32, #tpu.memory_space<vmem>>, vector<1x128xf32>
    %reduce_sum3A = arith.constant dense<0.000000e+00> : vector<1000xf32>
    %reduce_sum3A_72 = vector.multi_reduction <add>, %add3A_65, %reduce_sum3A [1] : vector<1000x128xf32> to vector<1000xf32>
    %broadcast_in_dim3A = vector.shape_cast %reduce_sum3A_72 : vector<1000xf32> to vector<1000x1xf32>
    %div3A_73 = arith.constant 1.280000e+02 : f32
    %div3A_74 = vector.broadcast %div3A_73 : f32 to vector<1000x1xf32>
    %div3A_75 = arith.divf %broadcast_in_dim3A, %div3A_74 : vector<1000x1xf32>
    %sub3A = vector.broadcast %div3A_75 : vector<1000x1xf32> to vector<1000x128xf32>
    %sub3A_76 = arith.subf %add3A_65, %sub3A : vector<1000x128xf32>
    %sub3A_77 = vector.broadcast %div3A_75 : vector<1000x1xf32> to vector<1000x128xf32>
    %sub3A_78 = arith.subf %add3A_65, %sub3A_77 : vector<1000x128xf32>
    %mul3A_79 = arith.mulf %sub3A_76, %sub3A_78 : vector<1000x128xf32>
    %reduce_sum3A_80 = arith.constant dense<0.000000e+00> : vector<1000xf32>
    %reduce_sum3A_81 = vector.multi_reduction <add>, %mul3A_79, %reduce_sum3A_80 [1] : vector<1000x128xf32> to vector<1000xf32>
    %broadcast_in_dim3A_82 = vector.shape_cast %reduce_sum3A_81 : vector<1000xf32> to vector<1000x1xf32>
    %div3A_83 = arith.constant 1.280000e+02 : f32
    %div3A_84 = vector.broadcast %div3A_83 : f32 to vector<1000x1xf32>
    %div3A_85 = arith.divf %broadcast_in_dim3A_82, %div3A_84 : vector<1000x1xf32>
    %sub3A_86 = vector.broadcast %div3A_75 : vector<1000x1xf32> to vector<1000x128xf32>
    %sub3A_87 = arith.subf %add3A_65, %sub3A_86 : vector<1000x128xf32>
    %add3A_88 = arith.constant 9.99999974E-6 : f32
    %add3A_89 = vector.broadcast %add3A_88 : f32 to vector<1000x1xf32>
    %add3A_90 = arith.addf %div3A_85, %add3A_89 : vector<1000x1xf32>
    %rsqrt3A = math.rsqrt %add3A_90 : vector<1000x1xf32>
    %mul3A_91 = vector.broadcast %rsqrt3A : vector<1000x1xf32> to vector<1000x128xf32>
    %mul3A_92 = arith.mulf %sub3A_87, %mul3A_91 : vector<1000x128xf32>
    %mul3A_93 = vector.broadcast %get3A_68 : vector<1x128xf32> to vector<1000x128xf32>
    %mul3A_94 = arith.mulf %mul3A_92, %mul3A_93 : vector<1000x128xf32>
    %add3A_95 = vector.broadcast %get3A_71 : vector<1x128xf32> to vector<1000x128xf32>
    %add3A_96 = arith.addf %mul3A_94, %add3A_95 : vector<1000x128xf32>
    %get3A_97 = arith.constant 0 : index
    %get3A_98 = arith.constant 0 : index
    %get3A_99 = vector.load %arg13[%get3A_97, %get3A_98] : memref<128x512xf32, #tpu.memory_space<vmem>>, vector<128x512xf32>
    %dot_general3A_100 = arith.constant dense<0.000000e+00> : vector<1000x512xf32>
    %dot_general3A_101 = tpu.matmul %add3A_96, %get3A_99, %dot_general3A_100 {dimension_numbers = #tpu.dot_dimension_numbers<[1], [0], [0], [1], [0, 0, 1, 1], [], []>, transpose_lhs_hint = false} : vector<1000x128xf32>, vector<128x512xf32>, vector<1000x512xf32> -> vector<1000x512xf32>
    %get3A_102 = arith.constant 0 : index
    %get3A_103 = arith.constant 0 : index
    %get3A_104 = vector.load %arg14[%get3A_102, %get3A_103] : memref<1x512xf32, #tpu.memory_space<vmem>>, vector<1x512xf32>
    %add3A_105 = vector.broadcast %get3A_104 : vector<1x512xf32> to vector<1000x512xf32>
    %add3A_106 = arith.addf %dot_general3A_101, %add3A_105 : vector<1000x512xf32>
    %mul3A_107 = arith.constant 5.000000e-01 : f32
    %mul3A_108 = vector.broadcast %mul3A_107 : f32 to vector<1000x512xf32>
    %mul3A_109 = arith.mulf %mul3A_108, %add3A_106 : vector<1000x512xf32>
    %mul3A_110 = arith.constant 0.707106769 : f32
    %mul3A_111 = vector.broadcast %mul3A_110 : f32 to vector<1000x512xf32>
    %mul3A_112 = arith.mulf %add3A_106, %mul3A_111 : vector<1000x512xf32>
    %erf3A = math.erf %mul3A_112 : vector<1000x512xf32>
    %add3A_113 = arith.constant 1.000000e+00 : f32
    %add3A_114 = vector.broadcast %add3A_113 : f32 to vector<1000x512xf32>
    %add3A_115 = arith.addf %add3A_114, %erf3A : vector<1000x512xf32>
    %mul3A_116 = arith.mulf %mul3A_109, %add3A_115 : vector<1000x512xf32>
    %get3A_117 = arith.constant 0 : index
    %get3A_118 = arith.constant 0 : index
    %get3A_119 = vector.load %arg15[%get3A_117, %get3A_118] : memref<512x128xf32, #tpu.memory_space<vmem>>, vector<512x128xf32>
    %dot_general3A_120 = arith.constant dense<0.000000e+00> : vector<1000x128xf32>
    %dot_general3A_121 = tpu.matmul %mul3A_116, %get3A_119, %dot_general3A_120 {dimension_numbers = #tpu.dot_dimension_numbers<[1], [0], [0], [1], [0, 0, 1, 1], [], []>, transpose_lhs_hint = false} : vector<1000x512xf32>, vector<512x128xf32>, vector<1000x128xf32> -> vector<1000x128xf32>
    %get3A_122 = arith.constant 0 : index
    %get3A_123 = arith.constant 0 : index
    %get3A_124 = vector.load %arg16[%get3A_122, %get3A_123] : memref<1x128xf32, #tpu.memory_space<vmem>>, vector<1x128xf32>
    %add3A_125 = vector.broadcast %get3A_124 : vector<1x128xf32> to vector<1000x128xf32>
    %add3A_126 = arith.addf %dot_general3A_121, %add3A_125 : vector<1000x128xf32>
    %add3A_127 = arith.addf %add3A_96, %add3A_126 : vector<1000x128xf32>
    %get3A_128 = arith.constant 0 : index
    %get3A_129 = arith.constant 0 : index
    %get3A_130 = vector.load %arg20[%get3A_128, %get3A_129] : memref<1x128xf32, #tpu.memory_space<vmem>>, vector<1x128xf32>
    %get3A_131 = arith.constant 0 : index
    %get3A_132 = arith.constant 0 : index
    %get3A_133 = vector.load %arg21[%get3A_131, %get3A_132] : memref<1x128xf32, #tpu.memory_space<vmem>>, vector<1x128xf32>
    %reduce_sum3A_134 = arith.constant dense<0.000000e+00> : vector<1000xf32>
    %reduce_sum3A_135 = vector.multi_reduction <add>, %add3A_127, %reduce_sum3A_134 [1] : vector<1000x128xf32> to vector<1000xf32>
    %broadcast_in_dim3A_136 = vector.shape_cast %reduce_sum3A_135 : vector<1000xf32> to vector<1000x1xf32>
    %div3A_137 = arith.constant 1.280000e+02 : f32
    %div3A_138 = vector.broadcast %div3A_137 : f32 to vector<1000x1xf32>
    %div3A_139 = arith.divf %broadcast_in_dim3A_136, %div3A_138 : vector<1000x1xf32>
    %sub3A_140 = vector.broadcast %div3A_139 : vector<1000x1xf32> to vector<1000x128xf32>
    %sub3A_141 = arith.subf %add3A_127, %sub3A_140 : vector<1000x128xf32>
    %sub3A_142 = vector.broadcast %div3A_139 : vector<1000x1xf32> to vector<1000x128xf32>
    %sub3A_143 = arith.subf %add3A_127, %sub3A_142 : vector<1000x128xf32>
    %mul3A_144 = arith.mulf %sub3A_141, %sub3A_143 : vector<1000x128xf32>
    %reduce_sum3A_145 = arith.constant dense<0.000000e+00> : vector<1000xf32>
    %reduce_sum3A_146 = vector.multi_reduction <add>, %mul3A_144, %reduce_sum3A_145 [1] : vector<1000x128xf32> to vector<1000xf32>
    %broadcast_in_dim3A_147 = vector.shape_cast %reduce_sum3A_146 : vector<1000xf32> to vector<1000x1xf32>
    %div3A_148 = arith.constant 1.280000e+02 : f32
    %div3A_149 = vector.broadcast %div3A_148 : f32 to vector<1000x1xf32>
    %div3A_150 = arith.divf %broadcast_in_dim3A_147, %div3A_149 : vector<1000x1xf32>
    %sub3A_151 = vector.broadcast %div3A_139 : vector<1000x1xf32> to vector<1000x128xf32>
    %sub3A_152 = arith.subf %add3A_127, %sub3A_151 : vector<1000x128xf32>
    %add3A_153 = arith.constant 9.99999974E-6 : f32
    %add3A_154 = vector.broadcast %add3A_153 : f32 to vector<1000x1xf32>
    %add3A_155 = arith.addf %div3A_150, %add3A_154 : vector<1000x1xf32>
    %rsqrt3A_156 = math.rsqrt %add3A_155 : vector<1000x1xf32>
    %mul3A_157 = vector.broadcast %rsqrt3A_156 : vector<1000x1xf32> to vector<1000x128xf32>
    %mul3A_158 = arith.mulf %sub3A_152, %mul3A_157 : vector<1000x128xf32>
    %mul3A_159 = vector.broadcast %get3A_130 : vector<1x128xf32> to vector<1000x128xf32>
    %mul3A_160 = arith.mulf %mul3A_158, %mul3A_159 : vector<1000x128xf32>
    %add3A_161 = vector.broadcast %get3A_133 : vector<1x128xf32> to vector<1000x128xf32>
    %add3A_162 = arith.addf %mul3A_160, %add3A_161 : vector<1000x128xf32>
    %swap3A = arith.constant 0 : index
    %swap3A_163 = arith.constant 0 : index
    %swap3A_164 = vector.load %arg22[%swap3A, %swap3A_163] : memref<1000x128xf32, #tpu.memory_space<vmem>>, vector<1000x128xf32>
    tpu.vector_store %arg22[%swap3A, %swap3A_163], %add3A_162 {strides = array<i32>} : memref<1000x128xf32, #tpu.memory_space<vmem>>, vector<1000x128xf32>,
    return
  }
  func.func @transform_0(%arg0: i32) -> (i32, i32) {
    %c0_i32 = arith.constant 0 : i32
    %c0_i32_0 = arith.constant 0 : i32
    return %arg0, %c0_i32 : i32, i32
  }
  func.func @transform_1(%arg0: i32) -> (i32, i32) {
    %c0_i32 = arith.constant 0 : i32
    %c0_i32_0 = arith.constant 0 : i32
    return %arg0, %c0_i32 : i32, i32
  }
  func.func @transform_2(%arg0: i32) -> (i32, i32) {
    %c0_i32 = arith.constant 0 : i32
    %c0_i32_0 = arith.constant 0 : i32
    return %arg0, %c0_i32 : i32, i32
  }
  func.func @transform_3(%arg0: i32) -> (i32, i32) {
    %c0_i32 = arith.constant 0 : i32
    %c0_i32_0 = arith.constant 0 : i32
    return %arg0, %c0_i32 : i32, i32
  }
  func.func @transform_4(%arg0: i32) -> (i32, i32) {
    %c0_i32 = arith.constant 0 : i32
    %c0_i32_0 = arith.constant 0 : i32
    return %arg0, %c0_i32 : i32, i32
  }
  func.func @transform_5(%arg0: i32) -> (i32, i32) {
    %c0_i32 = arith.constant 0 : i32
    %c0_i32_0 = arith.constant 0 : i32
    return %arg0, %c0_i32 : i32, i32
  }
  func.func @transform_6(%arg0: i32) -> (i32, i32) {
    %c0_i32 = arith.constant 0 : i32
    %c0_i32_0 = arith.constant 0 : i32
    return %arg0, %c0_i32 : i32, i32
  }
  func.func @transform_7(%arg0: i32) -> (i32, i32) {
    %c0_i32 = arith.constant 0 : i32
    %c0_i32_0 = arith.constant 0 : i32
    return %arg0, %c0_i32 : i32, i32
  }
  func.func @transform_8(%arg0: i32) -> (i32, i32) {
    %c0_i32 = arith.constant 0 : i32
    %c0_i32_0 = arith.constant 0 : i32
    return %arg0, %c0_i32 : i32, i32
  }
  func.func @transform_9(%arg0: i32) -> (i32, i32) {
    %c0_i32 = arith.constant 0 : i32
    %c0_i32_0 = arith.constant 0 : i32
    %c0_i32_1 = arith.constant 0 : i32
    return %c0_i32, %c0_i32_0 : i32, i32
  }
  func.func @transform_10(%arg0: i32) -> (i32, i32) {
    %c0_i32 = arith.constant 0 : i32
    %c0_i32_0 = arith.constant 0 : i32
    %c0_i32_1 = arith.constant 0 : i32
    return %c0_i32, %c0_i32_0 : i32, i32
  }
  func.func @transform_11(%arg0: i32) -> (i32, i32) {
    %c0_i32 = arith.constant 0 : i32
    %c0_i32_0 = arith.constant 0 : i32
    %c0_i32_1 = arith.constant 0 : i32
    return %c0_i32, %c0_i32_0 : i32, i32
  }
  func.func @transform_12(%arg0: i32) -> (i32, i32) {
    %c0_i32 = arith.constant 0 : i32
    %c0_i32_0 = arith.constant 0 : i32
    %c0_i32_1 = arith.constant 0 : i32
    return %c0_i32, %c0_i32_0 : i32, i32
  }
  func.func @transform_13(%arg0: i32) -> (i32, i32) {
    %c0_i32 = arith.constant 0 : i32
    %c0_i32_0 = arith.constant 0 : i32
    %c0_i32_1 = arith.constant 0 : i32
    return %c0_i32, %c0_i32_0 : i32, i32
  }
  func.func @transform_14(%arg0: i32) -> (i32, i32) {
    %c0_i32 = arith.constant 0 : i32
    %c0_i32_0 = arith.constant 0 : i32
    %c0_i32_1 = arith.constant 0 : i32
    return %c0_i32, %c0_i32_0 : i32, i32
  }
  func.func @transform_15(%arg0: i32) -> (i32, i32) {
    %c0_i32 = arith.constant 0 : i32
    %c0_i32_0 = arith.constant 0 : i32
    %c0_i32_1 = arith.constant 0 : i32
    return %c0_i32, %c0_i32_0 : i32, i32
  }
  func.func @transform_16(%arg0: i32) -> (i32, i32) {
    %c0_i32 = arith.constant 0 : i32
    %c0_i32_0 = arith.constant 0 : i32
    %c0_i32_1 = arith.constant 0 : i32
    return %c0_i32, %c0_i32_0 : i32, i32
  }
  func.func @transform_17(%arg0: i32) -> (i32, i32) {
    %c0_i32 = arith.constant 0 : i32
    %c0_i32_0 = arith.constant 0 : i32
    %c0_i32_1 = arith.constant 0 : i32
    return %c0_i32, %c0_i32_0 : i32, i32
  }
  func.func @transform_18(%arg0: i32) -> (i32, i32) {
    %c0_i32 = arith.constant 0 : i32
    %c0_i32_0 = arith.constant 0 : i32
    %c0_i32_1 = arith.constant 0 : i32
    return %c0_i32, %c0_i32_0 : i32, i32
  }
  func.func @transform_19(%arg0: i32) -> (i32, i32) {
    %c0_i32 = arith.constant 0 : i32
    %c0_i32_0 = arith.constant 0 : i32
    %c0_i32_1 = arith.constant 0 : i32
    return %c0_i32, %c0_i32_0 : i32, i32
  }
  func.func @transform_20(%arg0: i32) -> (i32, i32) {
    %c0_i32 = arith.constant 0 : i32
    %c0_i32_0 = arith.constant 0 : i32
    %c0_i32_1 = arith.constant 0 : i32
    return %c0_i32, %c0_i32_0 : i32, i32
  }
  func.func @transform_21(%arg0: i32) -> (i32, i32) {
    %c0_i32 = arith.constant 0 : i32
    %c0_i32_0 = arith.constant 0 : i32
    return %arg0, %c0_i32 : i32, i32
  }
}

</mosaic_0001>

<sc_bundles>
// kernel: kernel.11.cloned.1.call-start
scs
__scs_entry_jumppad:
0x0: {  	(pc) =	sbr.rel $0x88, $3  }
0x1: {  	(tag) =	ssettag $0x0;
	lr =	simm.s32 $0x1  }
0x2: {  	[smem:$0x3F8F] =	sst lr;
	_ =	strace $0xD0000000  }
0x3: {  	_ = 	snop  }
0x4: {  	_ = 	snop  }
0x5: {  	_ = 	snop  }
0x6: {  	_ = 	snop  }
0x7: {  	_ = 	snop  }
__scs_overlays_trampoline_lowered:
0x8: {  	[smem:$0x3F9E] =	sst s0  }
0x9: {  	[smem:$0x3F9F] =	sst s1  }
0xa: {  	[smem:$0x3FA0] =	sst s2  }
0xb: {  	[smem:$0x3FA1] =	sst s3  }
0xc: {  	[smem:$0x3FA2] =	sst s4  }
0xd: {  	[smem:$0x3FA3] =	sst s5  }
0xe: {  	[smem:$0x3FA4] =	sst s6  }
0xf: {  	[smem:$0x3FA5] =	sst s7  }
0x10: {  	[smem:$0x3FA6] =	sst s8  }
0x11: {  	[smem:$0x3FA7] =	sst s9;
	s0 =	simm.s32 @!p0 $0x0  }
0x12: {  	s1 =	sld [smem:$0x3F8D];
	s0 =	simm.s32 @p0 $0x1  }
0x13: {  	[smem:$0x3FA8] =	sst s0;
	s0 =	simm.s32 @!p1 $0x0  }
0x14: {  	s2 =	sld [smem:$0x3F8C];
	s0 =	simm.s32 @p1 $0x1  }
0x15: {  	[smem:$0x3FA9] =	sst s0;
	s0 =	simm.s32 @!p2 $0x0  }
0x16: {  	s3 =	sld [smem:$0x3FDB];
	s0 =	simm.s32 @p2 $0x1  }
0x17: {  	s4 =	simm.s32 $0x1BF5;
	[smem:$0x3FAB] =	sst s0  }
0x18: {  	s0 =	sld [smem:$0x3F8E];
	_ =	swait.ge [sflag:s4], $0x0  }
0x19: {  	s7 =	sld [smem:$0x3F8F]  }
0x1a: {  	s8 =	sadd.s32 $0xFFFFE003, lr  }
0x1b: {  	s9 =	sadd.s32 $0xFFFFFEF7, lr;
	s5 =	simm.s32 $0xFFFFFFFF;
	p2 =	slt.u32 s8, $0xFFFFF086  }
0x1c: {  	p1 =	slt.u32 s9, $0xF7A;
	s5 =	simm.s32 @!p2 $0x0  }
0x1d: {  	s5 =	simm.s32 @p1 $0x1;
	p0 =	seq.s32 s7, s2  }
0x1e: {  	s7 =	smul.u32 @!p0 $0xF7A, s2;
	p2 =	seq.s32 @!p0 s5, $0x0  }
0x1f: {  	s9 =	smul.u32 $0xF7A, s1;
	s8 =	simm.s32 @!p0 $0x1BF5;
	p2 =	por !p2, p0  }
0x20: {  	[sflag:s8] =	ssyncset.s32 @!p0 $0xFFFFF086;
	s6 =	sadd.s32 @!p0 s3, s7;
	s7 =	simm.s32 @!p0 $0x108  }
0x21: {  	s3 =	sadd.s32 s3, s9;
	s6 =	sadd.s32 @!p0 $0x88, s6;
	s7 =	simm.s32 @p2 $0x1082  }
0x22: {  	[simem:s7], [sflag:s8] =	dma.local @!p0 [hbm:s6], $0xF7A  }
0x23: {  	s9 =	sor.u32 $0xD0000000, s2;
	s6 =	simm.s32 $0x108;
	_ =	swait.ge @!p0 [sflag:s8], $0x0  }
0x24: {  	s3 =	sadd.s32 $0x88, s3;
	s6 =	simm.s32 @!p1 $0x1082;
	[sflag:s4] =	ssyncset.s32 $0xFFFFF086  }
0x25: {  	[simem:s6], [sflag:s4] =	dma.local [hbm:s3], $0xF7A  }
0x26: {  	[smem:$0x3F8F] =	sst s1;
	(tag) =	ssettag s2;
	_ =	strace s9  }
0x27: {  	s1 =	sld [smem:$0x3F9F]  }
0x28: {  	s2 =	sld [smem:$0x3FA0]  }
0x29: {  	s4 =	sld [smem:$0x3FA2]  }
0x2a: {  	p0 =	seq.s32 s5, $0x0;
	s5 =	sld [smem:$0x3FA3]  }
0x2b: {  	s6 =	sld [smem:$0x3FA4]  }
0x2c: {  	s7 =	sld [smem:$0x3FA5]  }
0x2d: {  	s3 =	simm.s32 $0x108;
	s8 =	sld [smem:$0x3FA6]  }
0x2e: {  	s3 =	simm.s32 @!p0 $0x1082;
	s9 =	sld [smem:$0x3FA7]  }
0x2f: {  	lr =	sadd.s32 s0, s3;
	s0 =	sld [smem:$0x3F9E]  }
0x30: {  	s3 =	sld [smem:$0x3FA1]  }
0x31: {  	[smem:$0x3FAA] =	sst s10  }
0x32: {  	s10 =	sld [smem:$0x3FA8];
	_ =	sdelay $0x3  }
0x33: {  	p0 =	seq.s32 s10, $0x1;
	s10 =	sld [smem:$0x3FAA];
	_ =	sdelay $0x3  }
0x34: {  	[smem:$0x3FAA] =	sst s10  }
0x35: {  	s10 =	sld [smem:$0x3FA9];
	_ =	sdelay $0x3  }
0x36: {  	p1 =	seq.s32 s10, $0x1;
	s10 =	sld [smem:$0x3FAA];
	_ =	sdelay $0x3  }
0x37: {  	[smem:$0x3FAA] =	sst s10  }
0x38: {  	s10 =	sld [smem:$0x3FAB]  }
0x39: {  	_ = 	snop;
	(pc) =	sbr.ind lr, $3  }
0x3a: {  	_ = 	snop  }
0x3b: {  	_ = 	snop  }
0x3c: {  	p2 =	seq.s32 s10, $0x1;
	s10 =	sld [smem:$0x3FAA]  }
0x3d: {  	_ =	shalt  }
0x3e: {  	_ =	shalt  }
0x3f: {  	_ =	shalt  }
0x40: {  	_ =	shalt  }
0x41: {  	_ =	shalt  }
0x42: {  	_ =	shalt  }
0x43: {  	_ =	shalt  }
0x44: {  	_ =	shalt  }
0x45: {  	_ =	shalt  }
0x46: {  	_ =	shalt  }
0x47: {  	_ =	shalt  }
0x48: {  	_ =	shalt  }
0x49: {  	_ =	shalt  }
0x4a: {  	_ =	shalt  }
0x4b: {  	_ =	shalt  }
0x4c: {  	_ =	shalt  }
0x4d: {  	_ =	shalt  }
0x4e: {  	_ =	shalt  }
0x4f: {  	_ =	shalt  }
0x50: {  	_ =	shalt  }
0x51: {  	_ =	shalt  }
0x52: {  	_ =	shalt  }
0x53: {  	_ =	shalt  }
0x54: {  	_ =	shalt  }
0x55: {  	_ =	shalt  }
0x56: {  	_ =	shalt  }
0x57: {  	_ =	shalt  }
0x58: {  	_ =	shalt  }
0x59: {  	_ =	shalt  }
0x5a: {  	_ =	shalt  }
0x5b: {  	_ =	shalt  }
0x5c: {  	_ =	shalt  }
0x5d: {  	_ =	shalt  }
0x5e: {  	_ =	shalt  }
0x5f: {  	_ =	shalt  }
0x60: {  	_ =	shalt  }
0x61: {  	_ =	shalt  }
0x62: {  	_ =	shalt  }
0x63: {  	_ =	shalt  }
0x64: {  	_ =	shalt  }
0x65: {  	_ =	shalt  }
0x66: {  	_ =	shalt  }
0x67: {  	_ =	shalt  }
0x68: {  	_ =	shalt  }
0x69: {  	_ =	shalt  }
0x6a: {  	_ =	shalt  }
0x6b: {  	_ =	shalt  }
0x6c: {  	_ =	shalt  }
0x6d: {  	_ =	shalt  }
0x6e: {  	_ =	shalt  }
0x6f: {  	_ =	shalt  }
0x70: {  	_ =	shalt  }
0x71: {  	_ =	shalt  }
0x72: {  	_ =	shalt  }
0x73: {  	_ =	shalt  }
0x74: {  	_ =	shalt  }
0x75: {  	_ =	shalt  }
0x76: {  	_ =	shalt  }
0x77: {  	_ =	shalt  }
0x78: {  	_ =	shalt  }
0x79: {  	_ =	shalt  }
0x7a: {  	_ =	shalt  }
0x7b: {  	_ =	shalt  }
0x7c: {  	_ =	shalt  }
0x7d: {  	_ =	shalt  }
0x7e: {  	_ =	shalt  }
0x7f: {  	_ =	shalt  }
0x80: {  	_ =	shalt  }
0x81: {  	_ =	shalt  }
0x82: {  	_ =	shalt  }
0x83: {  	_ =	shalt  }
0x84: {  	_ =	shalt  }
0x85: {  	_ =	shalt  }
0x86: {  	_ =	shalt  }
0x87: {  	_ =	shalt  }
.Lfunc_end0:
.L_simem_size_0:
called_computation.1_lowered:
.L_overlay_start_0:
0x88: {  	s2 =	sld [smem:$0x3FD9]  }
0x89: {  	s3 =	sld [smem:$0x3FFE];
	_ =	sdelay $0x1  }
0x8a: {  	s1 =	srdreg.scid  }
0x8b: {  	s0 =	sand.u32 $0x1, s1  }
0x8c: {  	s17 =	sshll.u32 s0, $0xA;
	s2 =	sadd.s32 s3, s2  }
0x8d: {  	s2 =	sadd.s32 s2, s17  }
0x8e: {  	[smem:$0x3FB6] =	sst s2  }
0x8f: {  	_ = 	snop  }
0x90: {  	(tm) =	ssettm $0x1  }
0x91: {  	s18 =	sld [smem:$0x3FFB];
	_ =	sdelay $0x3  }
0x92: {  	_ =	strace s18  }
0x93: {  	s2 =	sld [smem:$0x3FFC];
	_ =	sdelay $0x3  }
0x94: {  	_ =	strace s2  }
0x95: {  	s2 =	sld [smem:$0x3FFD];
	_ =	sdelay $0x3  }
0x96: {  	_ =	strace s2  }
0x97: {  	_ =	strace $0x8FFFFFFF  }
0x98: {  	s19 =	sld [smem:$0x3FDB];
	_ =	sdelay $0x1  }
0x99: {  	s20 =	simm.s32 $_scs_section_size  }
0x9a: {  	s4 =	simm.s32 $_size__tile_overlayer_lowered;
	s5 =	simm.s32 $_tile_overlayer_lowered  }
0x9b: {  	s6 =	simm.s32 $0x1BFF;
	s21 =	sshll.u32 s5, $0x1;
	s3 =	sadd.s32 s20, s19  }
0x9c: {  	s22 =	simm.s32 $0x0;
	s4 =	sshll.u32 s4, $0x1;
	s5 =	sadd.s32 s21, s3  }
0x9d: {  	[timem:s22], [sflag:s6] =	dma.local [hbm:s5], s4  }
0x9e: {  	_ =	swait.ge [sflag:s6], s4  }
0x9f: {  	s4 =	ssub.s32 $0x0, s4;
	[sflag:s6] =	ssyncset.done $0x0  }
0xa0: {  	[sflag:s6] =	ssyncadd.s32 s4;
	_ =	sdelay $0x1  }
0xa1: {  	s23 =	simm.s32 $0x1B8B  }
0xa2: {  	_ =	swait.ge [sflag:s23], $0x1  }
0xa3: {  	[sflag:s23] =	ssyncset.done $0x0  }
0xa4: {  	[sflag:s23] =	ssyncadd.s32 $0xFFFFFFFF  }
0xa5: {  	s4 =	sld [smem:$0x0]  }
0xa6: {  	s5 =	sand.u32 $0xFFFFFFFE, s1  }
0xa7: {  	p0 =	sne.s32 s1, s5  }
0xa8: {  	s5 =	sshll.u32 @p0 s5, $0xE  }
0xa9: {  	s5 =	sadd.s32 @p0 $0x11B8D, s5;
	s6 =	sshll.u32 @p0 s4, $0x11  }
0xaa: {  	s5 =	sor.u32 @p0 s6, s5  }
0xab: {  	[sflag:s5] =	ssyncadd.remote.s32 @p0 $0x1;
	_ =	sdelay $0x1  }
0xac: {  	s5 =	simm.s32 @p0 $0x1B8D  }
0xad: {  	_ =	swait.eq @p0 [sflag:s5], $0x1  }
0xae: {  	[sflag:s5] =	ssyncadd.s32 @p0 $0xFFFFFFFF  }
0xaf: {  	s6 =	sshll.u32 @!p0 s1, $0xE  }
0xb0: {  	s6 =	sor.u32 @!p0 $0x4000, s6;
	s5 =	simm.s32 @!p0 $0x1B8D  }
0xb1: {  	s4 =	sshll.u32 @!p0 s4, $0x11;
	s6 =	sadd.s32 @!p0 $0x11B8D, s6;
	_ =	swait.eq @!p0 [sflag:s5], $0x1  }
0xb2: {  	s4 =	sor.u32 @!p0 s4, s6;
	[sflag:s5] =	ssyncadd.s32 @!p0 $0xFFFFFFFF  }
0xb3: {  	s25 =	simm.s32 $0x1B8E;
	s24 =	sld [smem:$0x3FFE];
	[sflag:s4] =	ssyncadd.remote.s32 @!p0 $0x1  }
0xb4: {  	s26 =	simm.s32 $execute0_lowered;
	[smem:$0x3FD2] =	sst s25  }
0xb5: {  	s5 =	sshll.u32 s26, $0x1;
	_ =	strace $0x8000004C;
	[dreg:$0x1] =	wrdreg $0xFFFFFFFF  }
0xb6: {  	s28 =	simm.s32 $_size_execute0_lowered;
	s3 =	sadd.s32 s3, s5;
	[dreg:$0x0] =	wrdreg $0x0  }
0xb7: {  	s5 =	sshll.u32 s28, $0x1;
	[dreg:$0x2] =	wrdreg s3  }
0xb8: {  	[dreg:$0x3] =	wrdreg s5  }
0xb9: {  	[dreg:$0x4] =	wrdreg $0xC0  }
0xba: {  	_ =	task [dreg:s22], $0x5FFFF  }
0xbb: {  	[dreg:$0x1] =	wrdreg $0xFFFFFFFF  }
0xbc: {  	[dreg:$0x0] =	wrdreg $0x60  }
0xbd: {  	[dreg:$0x2] =	wrdreg s24  }
0xbe: {  	[dreg:$0x3] =	wrdreg $0x66800  }
0xbf: {  	[dreg:$0x4] =	wrdreg $0x9  }
0xc0: {  	_ =	task.clear_ibuf [dreg:s22], $0x5FFFF;
	_ =	strace $0x9000004C  }
0xc1: {  	s29 =	simm.s32 $0x9;
	_ =	strace $0x8000004E  }
0xc2: {  	_ =	swait.ge [sflag:s29], $0x1  }
0xc3: {  	[sflag:s29] =	ssyncadd.s32 $0xFFFFFFFF  }
0xc4: {  	_ =	strace $0x9000004E  }
0xc5: {  	_ =	sfence  }
0xc6: {  	s30 =	sld [smem:$0x0];
	_ =	sdelay $0x2  }
0xc7: {  	s31 =	sshll.u32 s1, $0xD;
	s1 =	sshrl.u32 s1, $0x2  }
0xc8: {  	s4 =	sand.u32 $0x4000, s31;
	s1 =	sadd.s32 s1, s30  }
0xc9: {  	s0 =	sor.u32 s4, s0;
	s1 =	sshll.u32 s1, $0x11  }
0xca: {  	s0 =	sor.u32 s1, s0  }
0xcb: {  	s0 =	sadd.s32 $0x8F2B, s0  }
0xcc: {  	[sflag:s0] =	ssyncadd.remote.s32 $0x1  }
0xcd: {  	_ =	sfence.sel $0xFFFF  }
0xce: {  	[dreg:$0x0] =	wrdreg $0xFFFFFFFF;
	(pc) =	sbr.abs _section_cstart, $3  }
0xcf: {  	[dreg:$0x1] =	wrdreg $0xFFFFFFFF  }
0xd0: {  	_ =	task.clear_ibuf [dreg:s22], $0x2FFFF;
	_ =	strace $0x9FFFFFFF  }
0xd1: {  	(tm) =	ssettm $0x7FFFFFFF  }
tec
execute0_lowered:
.L_overlay_start_1:
0x0: {  	(tag) =	ssettag $0x1  }
0x1: {  	s0 =	srdreg.scid;
	s22 =	stileid.u32  }
0x2: {  	s1 =	rddreg [dreg:$0x0];
	s2 =	sand.u32 $0x1, s0;
	s12 =	smul.u32 $0x14000, s22  }
0x3: {  	s5 =	sadd.s32 $0xF38400, s1;
	s9 =	smul.u32 $0x140000, s2  }
0x4: {  	s7 =	sadd.s32 $0xAA6400, s1;
	s0 =	sshll.u32 s2, $0x4;
	s17 =	smul.u32 $0x271000, s2  }
0x5: {  	s3 =	ssub.s32 $0x2, s2;
	s2 =	smul.u32 $0x27100, s2;
	s4 =	sor.u32 s22, s0  }
0x6: {  	s25 =	sshrl.u32 s3, $0x1;
	s19 =	sadd.s32 $0xA000, s12;
	s6 =	smul.u32 $0x2710, s4  }
0x7: {  	s20 =	sadd.s32 $0xC800, s12;
	s21 =	sadd.s32 $0xF000, s12;
	s26 =	smul.u32 $0x27100, s4  }
0x8: {  	s0 =	ssub.s32 s3, s25;
	s15 =	sadd.s32 s9, s12;
	s4 =	sadd.s32 $0x28, s6  }
0x9: {  	s8 =	sadd.s32 $0x50, s6;
	s3 =	sadd.s32 s5, s26;
	s26 =	sadd.s32 s9, s19  }
0xa: {  	s10 =	sshll.u32 s4, $0x4;
	s11 =	sshll.u32 s8, $0x4;
	[dreg:$0x3] =	wrdreg s3  }
0xb: {  	s3 =	sadd.s32 $0x78, s6;
	s4 =	sshrl.u32 s4, $0x3;
	s13 =	sadd.s32 s5, s10  }
0xc: {  	s14 =	sadd.s32 s5, s11;
	s10 =	sadd.s32 $0xA0, s6;
	[dreg:$0x4] =	wrdreg s13  }
0xd: {  	s11 =	sshrl.u32 s15, $0x3;
	[dreg:$0x5] =	wrdreg s14;
	s13 =	sshll.u32 s3, $0x4  }
0xe: {  	s14 =	sshll.u32 s10, $0x4;
	s11 =	sadd.s32 s7, s11;
	s3 =	sshrl.u32 s3, $0x3  }
0xf: {  	s13 =	sadd.s32 s5, s13;
	s16 =	sadd.s32 s5, s14;
	[dreg:$0x8] =	wrdreg s11  }
0x10: {  	s11 =	sor.u32 $0x2800, s12;
	s14 =	sadd.s32 $0x5000, s12;
	s5 =	sadd.s32 s17, s5  }
0x11: {  	s17 =	sshrl.u32 s26, $0x3;
	s26 =	smul.u32 $0x27100, s22;
	[dreg:$0x6] =	wrdreg s13  }
0x12: {  	[dreg:$0x7] =	wrdreg s16;
	s16 =	sadd.s32 $0x7800, s12;
	s18 =	sadd.s32 s9, s11  }
0x13: {  	s12 =	sadd.s32 $0x11800, s12;
	s15 =	sadd.s32 s9, s14;
	s13 =	sshrl.u32 s18, $0x3  }
0x14: {  	s23 =	sshrl.u32 s15, $0x3;
	s24 =	sadd.s32 s9, s16;
	s5 =	sadd.s32 s26, s5  }
0x15: {  	s18 =	sadd.s32 s9, s20;
	s13 =	sadd.s32 s7, s13;
	[dreg:$0x10] =	wrdreg s5  }
0x16: {  	s15 =	sshrl.u32 s6, $0x3;
	s25 =	sshrl.u32 s24, $0x3;
	[dreg:$0x9] =	wrdreg s13  }
0x17: {  	s13 =	sadd.s32 s7, s23;
	s23 =	sshrl.u32 s18, $0x3;
	s18 =	rddreg [dreg:$0x1]  }
0x18: {  	s24 =	sadd.s32 s9, s21;
	[dreg:$0xa] =	wrdreg s13;
	s13 =	sadd.s32 s7, s25  }
0x19: {  	s9 =	sadd.s32 s9, s12;
	[dreg:$0xb] =	wrdreg s13;
	s13 =	sadd.s32 s7, s17  }
0x1a: {  	s25 =	sshrl.u32 s24, $0x3;
	[dreg:$0xc] =	wrdreg s13;
	s13 =	sadd.s32 s7, s23  }
0x1b: {  	s9 =	sshrl.u32 s9, $0x3;
	[dreg:$0xd] =	wrdreg s13;
	s13 =	sadd.s32 s7, s25  }
0x1c: {  	s17 =	smul.u32 $0x2710, s22;
	s7 =	sadd.s32 s7, s9;
	[dreg:$0xe] =	wrdreg s13  }
0x1d: {  	s5 =	sadd.s32 $0x10200, s1;
	s13 =	simm.s32 $0x0;
	[dreg:$0xf] =	wrdreg s7  }
0x1e: {  	s1 =	sadd.s32 s5, s15;
	s2 =	sadd.s32 s17, s2;
	[smem:$0x7FF] =	sst s13  }
0x1f: {  	s17 =	sadd.s32 s5, s4;
	_ =	strace $0x8000004D;
	[dreg:$0x12] =	wrdreg s1  }
0x20: {  	s28 =	simm.s32 $0xA;
	s25 =	sadd.s32 s5, s3;
	[dreg:$0x13] =	wrdreg s17  }
0x21: {  	s0 =	smax.u32 s0, $0x1;
	s26 =	sshrl.u32 s10, $0x3;
	[dreg:$0x15] =	wrdreg s25  }
0x22: {  	s24 =	smul.u32 $0x50000, s22;
	s4 =	sadd.s32 s20, s18;
	[dreg:$0x17] =	wrdreg s0  }
0x23: {  	s29 =	sadd.s32 s14, s18;
	s6 =	sadd.s32 s21, s18;
	[dreg:$0x1d] =	wrdreg s4  }
0x24: {  	s30 =	sadd.s32 s16, s18;
	s7 =	sadd.s32 s12, s18;
	[dreg:$0x1e] =	wrdreg s6  }
0x25: {  	s31 =	sadd.s32 s19, s18;
	s23 =	sshrl.u32 s8, $0x3;
	[dreg:$0x1f] =	wrdreg s7  }
0x26: {  	s3 =	sadd.s32 $0x168, s2;
	s15 =	sadd.s32 $0xC8, s2;
	[dreg:$0x11] =	wrdreg s5  }
0x27: {  	s8 =	sadd.s32 $0x140, s2;
	s9 =	sadd.s32 $0x118, s2;
	[smem:$0x7F5] =	sst s15  }
0x28: {  	s10 =	sadd.s32 $0xF0, s2;
	s2 =	simm.s32 $0x3E80;
	[dreg:$0x1a] =	wrdreg s29  }
0x29: {  	s12 =	sshrl.u32 s10, $0x3;
	s10 =	simm.s32 $0x5;
	[dreg:$0x1b] =	wrdreg s30  }
0x2a: {  	s1 =	sadd.s32 s5, s23;
	s25 =	sadd.s32 s11, s18;
	[dreg:$0x1c] =	wrdreg s31  }
0x2b: {  	s0 =	sshrl.u32 s3, $0x3;
	s14 =	sadd.s32 s12, s5;
	[dreg:$0x14] =	wrdreg s1  }
0x2c: {  	s11 =	sshrl.u32 s9, $0x3;
	s6 =	simm.s32 $0x200;
	[smem:$0x7F4] =	sst s14  }
0x2d: {  	s3 =	simm.s32 $0x5280;
	s0 =	sadd.s32 s0, s5;
	[dreg:$0x19] =	wrdreg s25  }
0x2e: {  	s1 =	sadd.s32 s5, s26;
	[smem:$0x7F1] =	sst s0;
	s0 =	sshrl.u32 s8, $0x3  }
0x2f: {  	[dreg:$0x16] =	wrdreg s1;
	s1 =	sshrl.u32 s24, $0x2;
	s0 =	sadd.s32 s0, s5  }
0x30: {  	s7 =	simm.s32 $0x1;
	s17 =	sadd.s32 s1, s18;
	[smem:$0x7F2] =	sst s0  }
0x31: {  	s4 =	simm.s32 $0x28;
	s0 =	sadd.s32 s11, s5;
	[dreg:$0x18] =	wrdreg s17  }
0x32: {  	s9 =	simm.s32 $0x4;
	s16 =	sadd.s32 $0x1400, s17;
	[smem:$0x7F3] =	sst s0  }
0x33: {  	s12 =	simm.s32 $0x7;
	s19 =	sadd.s32 $0x3C00, s17;
	[smem:$0x7F6] =	sst s16  }
0x34: {  	s15 =	simm.s32 $0x0;
	s20 =	sadd.s32 $0x6400, s17;
	[smem:$0x7F7] =	sst s19  }
0x35: {  	s14 =	simm.s32 $0x8;
	s21 =	sadd.s32 $0x8C00, s17;
	[smem:$0x7F8] =	sst s20  }
0x36: {  	s8 =	simm.s32 $0x2;
	s22 =	sadd.s32 $0xB400, s17;
	[smem:$0x7F9] =	sst s21  }
0x37: {  	s1 =	simm.s32 $0x180;
	s23 =	sadd.s32 $0xDC00, s17;
	[smem:$0x7FA] =	sst s22  }
.Ltmp0:
0x38: {  	s24 =	sadd.s32 $0x10400, s17;
	[smem:$0x7FB] =	sst s23;
	(pc) =	sbr.rel .LBB2_1-.Ltmp0, $4  }
0x39: {  	s26 =	sadd.s32 $0x12C00, s17;
	s5 =	simm.s32 $0x3;
	[smem:$0x7FC] =	sst s24  }
0x3a: {  	s11 =	simm.s32 $0x6;
	[smem:$0x7FD] =	sst s26;
	s19 =	simm.s32 $0x280  }
0x3b: {  	s20 =	simm.s32 $0xB;
	s21 =	simm.s32 $0x80;
	s22 =	simm.s32 $0x1680  }
0x3c: {  	v0 =	vimm.f32 $0.0e+00;
	s23 =	simm.s32 $0x100;
	s24 =	simm.s32 $0x2A80;
	s26 =	simm.s32 $0x9  }
.LBB2_6:
0x3d: {  	_ =	swait.ge [sflag:s12], $0x1400  }
0x3e: {  	[sflag:s12] =	ssyncset.done $0x0  }
0x3f: {  	[sflag:s12] =	ssyncadd.s32 $0xFFFFEC00  }
0x40: {  	_ =	swait.ge [sflag:s14], $0x1400  }
0x41: {  	[sflag:s14] =	ssyncset.done $0x0  }
0x42: {  	[sflag:s14] =	ssyncadd.s32 $0xFFFFEC00  }
0x43: {  	_ =	swait.ge [sflag:s26], $0x1400  }
0x44: {  	[sflag:s26] =	ssyncset.done $0x0  }
0x45: {  	[sflag:s26] =	ssyncadd.s32 $0xFFFFEC00  }
0x46: {  	_ =	swait.ge [sflag:s28], $0x1400  }
0x47: {  	[sflag:s28] =	ssyncset.done $0x0  }
0x48: {  	[sflag:s28] =	ssyncadd.s32 $0xFFFFEC00  }
0x49: {  	s0 =	stileid.u32;
	[bflag:$0x0] =	sbarrier.arrive $0xFFFF  }
0x4a: {  	s0 =	sshll.u32 s0, $0x6;
	s17 =	rddreg [dreg:$0x18]  }
0x4b: {  	s0 =	sor.u32 $0x1C0B, s0;
	s16 =	rddreg [dreg:$0x8];
	s15 =	sshrl.u32 s17, $0x3  }
0x4c: {  	[hbm:s16], [sflag:s0] =	dma.local [spmem:s15], $0x500  }
0x4d: {  	_ =	swait.ge [sflag:s20], $0x500  }
0x4e: {  	[sflag:s20] =	ssyncset.done $0x0;
	s25 =	rddreg [dreg:$0x19]  }
0x4f: {  	s16 =	rddreg [dreg:$0x9];
	[sflag:s20] =	ssyncadd.s32 $0xFFFFFB00;
	s15 =	sshrl.u32 s25, $0x3  }
0x50: {  	[hbm:s16], [sflag:s0] =	dma.local [spmem:s15], $0x500  }
0x51: {  	_ =	swait.ge [sflag:s20], $0x500  }
0x52: {  	[sflag:s20] =	ssyncset.done $0x0;
	s29 =	rddreg [dreg:$0x1a]  }
0x53: {  	s16 =	rddreg [dreg:$0xa];
	[sflag:s20] =	ssyncadd.s32 $0xFFFFFB00;
	s15 =	sshrl.u32 s29, $0x3  }
0x54: {  	[hbm:s16], [sflag:s0] =	dma.local [spmem:s15], $0x500  }
0x55: {  	_ =	swait.ge [sflag:s20], $0x500  }
0x56: {  	[sflag:s20] =	ssyncset.done $0x0;
	s30 =	rddreg [dreg:$0x1b]  }
0x57: {  	s16 =	rddreg [dreg:$0xb];
	[sflag:s20] =	ssyncadd.s32 $0xFFFFFB00;
	s15 =	sshrl.u32 s30, $0x3  }
0x58: {  	[hbm:s16], [sflag:s0] =	dma.local [spmem:s15], $0x500  }
0x59: {  	_ =	swait.ge [sflag:s20], $0x500  }
0x5a: {  	[sflag:s20] =	ssyncset.done $0x0;
	s31 =	rddreg [dreg:$0x1c]  }
0x5b: {  	s16 =	rddreg [dreg:$0xc];
	[sflag:s20] =	ssyncadd.s32 $0xFFFFFB00;
	s15 =	sshrl.u32 s31, $0x3  }
0x5c: {  	[hbm:s16], [sflag:s0] =	dma.local [spmem:s15], $0x500  }
0x5d: {  	_ =	swait.ge [sflag:s20], $0x500  }
0x5e: {  	[sflag:s20] =	ssyncset.done $0x0;
	s16 =	rddreg [dreg:$0x1d]  }
0x5f: {  	[sflag:s20] =	ssyncadd.s32 $0xFFFFFB00;
	s15 =	sshrl.u32 s16, $0x3;
	s16 =	rddreg [dreg:$0xd]  }
0x60: {  	[hbm:s16], [sflag:s0] =	dma.local [spmem:s15], $0x500  }
0x61: {  	_ =	swait.ge [sflag:s20], $0x500  }
0x62: {  	[sflag:s20] =	ssyncset.done $0x0;
	s16 =	rddreg [dreg:$0x1e]  }
0x63: {  	[sflag:s20] =	ssyncadd.s32 $0xFFFFFB00;
	s15 =	sshrl.u32 s16, $0x3;
	s16 =	rddreg [dreg:$0xe]  }
0x64: {  	[hbm:s16], [sflag:s0] =	dma.local [spmem:s15], $0x500  }
0x65: {  	_ =	swait.ge [sflag:s20], $0x500  }
0x66: {  	[sflag:s20] =	ssyncset.done $0x0;
	s16 =	rddreg [dreg:$0x1f]  }
0x67: {  	[sflag:s20] =	ssyncadd.s32 $0xFFFFFB00;
	s15 =	sshrl.u32 s16, $0x3;
	s16 =	rddreg [dreg:$0xf]  }
0x68: {  	[hbm:s16], [sflag:s0] =	dma.local [spmem:s15], $0x500  }
0x69: {  	_ =	swait.ge [sflag:s20], $0x500  }
0x6a: {  	s0 =	sld [smem:$0x7F0];
	_ =	sdelay $0x2  }
0x6b: {  	s16 =	rddreg [dreg:$0x17];
	s15 =	sadd.s32 $0x1, s0  }
0x6c: {  	p0 =	sne.s32 s15, s16  }
.Ltmp1:
0x6d: {  	_ = 	snop;
	(pc) =	sbr.rel @!p0 .LBB2_7-.Ltmp1, $3  }
0x6e: {  	_ =	sdelay $0x1  }
0x6f: {  	[sflag:s20] =	ssyncset.done $0x0  }
0x70: {  	[sflag:s20] =	ssyncadd.s32 $0xFFFFFB00  }
.LBB2_1:
0x71: {  	[smem:$0x7F0] =	sst s15;
	s0 =	simm.s32 $0x0;
	s16 =	simm.s32 $0x200  }
.LBB2_2:
0x72: {  	p0 =	sne.s32 s16, $0x4E00;
	[tilespmem:s0+$0x2F0] =	vst v0  }
0x73: {  	[tilespmem:s0+$0x280] =	vst v0  }
0x74: {  	[tilespmem:s0+$0x290] =	vst v0  }
.Ltmp2:
0x75: {  	[tilespmem:s0+$0x2A0] =	vst v0;
	(pc) =	sbr.rel @p0 .LBB2_2-.Ltmp2, $4  }
0x76: {  	[tilespmem:s0+$0x2B0] =	vst v0  }
0x77: {  	[tilespmem:s0+$0x2C0] =	vst v0  }
0x78: {  	[tilespmem:s0+$0x2D0] =	vst v0  }
0x79: {  	[tilespmem:s0+$0x2E0] =	vst v0;
	s0 =	sshra.s32 s16, $0x2;
	s16 =	sadd.s32 $0x200, s16  }
0x7a: {  	[tilespmem:s0+$0x2F0] =	vst v0  }
0x7b: {  	[tilespmem:s0+$0x280] =	vst v0  }
0x7c: {  	[tilespmem:s0+$0x290] =	vst v0  }
0x7d: {  	[tilespmem:s0+$0x2A0] =	vst v0  }
0x7e: {  	[tilespmem:s0+$0x2B0] =	vst v0  }
0x7f: {  	[tilespmem:s0+$0x2C0] =	vst v0  }
0x80: {  	[tilespmem:s0+$0x2D0] =	vst v0  }
0x81: {  	[tilespmem:s0+$0x2E0] =	vst v0  }
0x82: {  	[spmem:s17] =	stream.linear.scatter [tilespmem:s19], [sflag:$0xB], $0x1400, $0x38;
	[tilespmem:$0x1A680] =	vst v63  }
0x83: {  	_ =	swait.ge [sflag:s20], $0x1400  }
0x84: {  	s17 =	sld [smem:$0x7F6]  }
0x85: {  	[sflag:s20] =	ssyncset.done $0x0  }
0x86: {  	[sflag:s20] =	ssyncadd.s32 $0xFFFFEC00  }
0x87: {  	[spmem:s17] =	stream.linear.scatter [tilespmem:s19], [sflag:$0xB], $0x1400, $0x38;
	[tilespmem:$0x1A680] =	vst v63  }
0x88: {  	_ =	swait.ge [sflag:s20], $0x1400  }
0x89: {  	[sflag:s20] =	ssyncset.done $0x0  }
0x8a: {  	[sflag:s20] =	ssyncadd.s32 $0xFFFFEC00  }
0x8b: {  	[spmem:s25] =	stream.linear.scatter [tilespmem:s19], [sflag:$0xB], $0x1400, $0x38;
	[tilespmem:$0x1A680] =	vst v63  }
0x8c: {  	_ =	swait.ge [sflag:s20], $0x1400  }
0x8d: {  	s15 =	sld [smem:$0x7F7]  }
0x8e: {  	[sflag:s20] =	ssyncset.done $0x0  }
0x8f: {  	[sflag:s20] =	ssyncadd.s32 $0xFFFFEC00  }
0x90: {  	[spmem:s15] =	stream.linear.scatter [tilespmem:s19], [sflag:$0xB], $0x1400, $0x38;
	[tilespmem:$0x1A680] =	vst v63  }
0x91: {  	_ =	swait.ge [sflag:s20], $0x1400  }
0x92: {  	[sflag:s20] =	ssyncset.done $0x0  }
0x93: {  	[sflag:s20] =	ssyncadd.s32 $0xFFFFEC00  }
0x94: {  	[spmem:s29] =	stream.linear.scatter [tilespmem:s19], [sflag:$0xB], $0x1400, $0x38;
	[tilespmem:$0x1A680] =	vst v63  }
0x95: {  	_ =	swait.ge [sflag:s20], $0x1400  }
0x96: {  	s16 =	sld [smem:$0x7F8]  }
0x97: {  	[sflag:s20] =	ssyncset.done $0x0  }
0x98: {  	[sflag:s20] =	ssyncadd.s32 $0xFFFFEC00  }
0x99: {  	[spmem:s16] =	stream.linear.scatter [tilespmem:s19], [sflag:$0xB], $0x1400, $0x38;
	[tilespmem:$0x1A680] =	vst v63  }
0x9a: {  	_ =	swait.ge [sflag:s20], $0x1400  }
0x9b: {  	[sflag:s20] =	ssyncset.done $0x0  }
0x9c: {  	[sflag:s20] =	ssyncadd.s32 $0xFFFFEC00  }
0x9d: {  	[spmem:s30] =	stream.linear.scatter [tilespmem:s19], [sflag:$0xB], $0x1400, $0x38;
	[tilespmem:$0x1A680] =	vst v63  }
0x9e: {  	_ =	swait.ge [sflag:s20], $0x1400  }
0x9f: {  	s17 =	sld [smem:$0x7F9]  }
0xa0: {  	[sflag:s20] =	ssyncset.done $0x0  }
0xa1: {  	[sflag:s20] =	ssyncadd.s32 $0xFFFFEC00  }
0xa2: {  	[spmem:s17] =	stream.linear.scatter [tilespmem:s19], [sflag:$0xB], $0x1400, $0x38;
	[tilespmem:$0x1A680] =	vst v63  }
0xa3: {  	_ =	swait.ge [sflag:s20], $0x1400  }
0xa4: {  	[sflag:s20] =	ssyncset.done $0x0  }
0xa5: {  	[sflag:s20] =	ssyncadd.s32 $0xFFFFEC00  }
0xa6: {  	[spmem:s31] =	stream.linear.scatter [tilespmem:s19], [sflag:$0xB], $0x1400, $0x38;
	[tilespmem:$0x1A680] =	vst v63  }
0xa7: {  	_ =	swait.ge [sflag:s20], $0x1400  }
0xa8: {  	s25 =	sld [smem:$0x7FA]  }
0xa9: {  	[sflag:s20] =	ssyncset.done $0x0  }
0xaa: {  	[sflag:s20] =	ssyncadd.s32 $0xFFFFEC00  }
0xab: {  	[spmem:s25] =	stream.linear.scatter [tilespmem:s19], [sflag:$0xB], $0x1400, $0x38;
	[tilespmem:$0x1A680] =	vst v63  }
0xac: {  	_ =	swait.ge [sflag:s20], $0x1400  }
0xad: {  	[sflag:s20] =	ssyncset.done $0x0  }
0xae: {  	s15 =	rddreg [dreg:$0x1d];
	[sflag:s20] =	ssyncadd.s32 $0xFFFFEC00  }
0xaf: {  	[spmem:s15] =	stream.linear.scatter [tilespmem:s19], [sflag:$0xB], $0x1400, $0x38;
	[tilespmem:$0x1A680] =	vst v63  }
0xb0: {  	_ =	swait.ge [sflag:s20], $0x1400  }
0xb1: {  	s16 =	sld [smem:$0x7FB]  }
0xb2: {  	[sflag:s20] =	ssyncset.done $0x0  }
0xb3: {  	[sflag:s20] =	ssyncadd.s32 $0xFFFFEC00  }
0xb4: {  	[spmem:s16] =	stream.linear.scatter [tilespmem:s19], [sflag:$0xB], $0x1400, $0x38;
	[tilespmem:$0x1A680] =	vst v63  }
0xb5: {  	_ =	swait.ge [sflag:s20], $0x1400  }
0xb6: {  	[sflag:s20] =	ssyncset.done $0x0  }
0xb7: {  	s17 =	rddreg [dreg:$0x1e];
	[sflag:s20] =	ssyncadd.s32 $0xFFFFEC00  }
0xb8: {  	[spmem:s17] =	stream.linear.scatter [tilespmem:s19], [sflag:$0xB], $0x1400, $0x38;
	[tilespmem:$0x1A680] =	vst v63  }
0xb9: {  	_ =	swait.ge [sflag:s20], $0x1400  }
0xba: {  	s25 =	sld [smem:$0x7FC]  }
0xbb: {  	[sflag:s20] =	ssyncset.done $0x0  }
0xbc: {  	[sflag:s20] =	ssyncadd.s32 $0xFFFFEC00  }
0xbd: {  	[spmem:s25] =	stream.linear.scatter [tilespmem:s19], [sflag:$0xB], $0x1400, $0x38;
	[tilespmem:$0x1A680] =	vst v63  }
0xbe: {  	_ =	swait.ge [sflag:s20], $0x1400  }
0xbf: {  	[sflag:s20] =	ssyncset.done $0x0  }
0xc0: {  	s15 =	rddreg [dreg:$0x1f];
	[sflag:s20] =	ssyncadd.s32 $0xFFFFEC00  }
0xc1: {  	[spmem:s15] =	stream.linear.scatter [tilespmem:s19], [sflag:$0xB], $0x1400, $0x38;
	[tilespmem:$0x1A680] =	vst v63  }
0xc2: {  	_ =	swait.ge [sflag:s20], $0x1400  }
0xc3: {  	s16 =	sld [smem:$0x7FD]  }
0xc4: {  	[sflag:s20] =	ssyncset.done $0x0  }
0xc5: {  	[sflag:s20] =	ssyncadd.s32 $0xFFFFEC00  }
0xc6: {  	[spmem:s16] =	stream.linear.scatter [tilespmem:s19], [sflag:$0xB], $0x1400, $0x38;
	[tilespmem:$0x1A680] =	vst v63  }
0xc7: {  	_ =	swait.ge [sflag:s20], $0x1400  }
0xc8: {  	[sflag:s20] =	ssyncset.done $0x0  }
0xc9: {  	[sflag:s20] =	ssyncadd.s32 $0xFFFFEC00  }
0xca: {  	[bflag:$0x0] =	sbarrier.arrive $0xFFFF  }
0xcb: {  	s17 =	rddreg [dreg:$0x12]  }
0xcc: {  	s25 =	rddreg [dreg:$0x3]  }
0xcd: {  	s15 =	rddreg [dreg:$0x13]  }
0xce: {  	s16 =	rddreg [dreg:$0x4]  }
0xcf: {  	s30 =	simm.s32 $0x0;
	s31 =	sld [smem:$0x7F5]  }
0xd0: {  	[tilespmem:s30], [sflag:$0x1] =	stream.linear.gather [hbm4b:s17+s30], $0x28, $0x38;
	[tilespmem:$0x1A680] =	vst v63  }
0xd1: {  	s0 =	sld [smem:$0x7F3]  }
0xd2: {  	[tilespmem:s19], [sflag:$0x1] =	stream.linear.gather [hbm4b:s25+s30], $0x1400, $0x38;
	[tilespmem:$0x1A680] =	vst v63  }
0xd3: {  	s29 =	sld [smem:$0x7F1]  }
0xd4: {  	[tilespmem:s21], [sflag:$0x2] =	stream.linear.gather [hbm4b:s15+s30], $0x28, $0x38;
	[tilespmem:$0x1A680] =	vst v63  }
0xd5: {  	s17 =	rddreg [dreg:$0x14]  }
0xd6: {  	[tilespmem:s22], [sflag:$0x2] =	stream.linear.gather [hbm4b:s16+s30], $0x1400, $0x38;
	[tilespmem:$0x1A680] =	vst v63  }
0xd7: {  	s25 =	rddreg [dreg:$0x5]  }
0xd8: {  	[tilespmem:s23], [sflag:$0x3] =	stream.linear.gather [hbm4b:s17+s30], $0x28, $0x38;
	[tilespmem:$0x1A680] =	vst v63  }
0xd9: {  	s15 =	rddreg [dreg:$0x15]  }
0xda: {  	[tilespmem:s24], [sflag:$0x3] =	stream.linear.gather [hbm4b:s25+s30], $0x1400, $0x38;
	[tilespmem:$0x1A680] =	vst v63  }
0xdb: {  	s16 =	rddreg [dreg:$0x6]  }
0xdc: {  	[tilespmem:s1], [sflag:$0x4] =	stream.linear.gather [hbm4b:s15+s30], $0x28, $0x38;
	[tilespmem:$0x1A680] =	vst v63  }
0xdd: {  	s17 =	rddreg [dreg:$0x16]  }
0xde: {  	[tilespmem:s2], [sflag:$0x4] =	stream.linear.gather [hbm4b:s16+s30], $0x1400, $0x38;
	[tilespmem:$0x1A680] =	vst v63  }
0xdf: {  	s25 =	rddreg [dreg:$0x7]  }
0xe0: {  	[tilespmem:s6], [sflag:$0x5] =	stream.linear.gather [hbm4b:s17+s30], $0x28, $0x38;
	[tilespmem:$0x1A680] =	vst v63  }
0xe1: {  	s16 =	sld [smem:$0x7F4]  }
0xe2: {  	[tilespmem:s3], [sflag:$0x5] =	stream.linear.gather [hbm4b:s25+s30], $0x1400, $0x38;
	[tilespmem:$0x1A680] =	vst v63  }
0xe3: {  	s25 =	sld [smem:$0x7F2]  }
.LBB2_4:
0xe4: {  	_ =	swait.ge [sflag:s7], $0x28  }
0xe5: {  	[sflag:s7] =	ssyncset.done $0x0  }
0xe6: {  	[sflag:s7] =	ssyncadd.s32 $0xFFFFFFD8  }
0xe7: {  	_ =	swait.ge [sflag:s7], $0x1400  }
0xe8: {  	[sflag:s7] =	ssyncset.done $0x0  }
0xe9: {  	[sflag:s7] =	ssyncadd.s32 $0xFFFFEC00  }
0xea: {  	[spmem:s18] =	stream.indirect.scatter.add.f32 [tilespmem:s19], [sflag:$0x6], $0x80, s13, s4, $0xb8;
	[tilespmem:$0x1A680] =	vst v63  }
0xeb: {  	_ =	swait.ge [sflag:s8], $0x28  }
0xec: {  	[sflag:s8] =	ssyncset.done $0x0  }
0xed: {  	[sflag:s8] =	ssyncadd.s32 $0xFFFFFFD8  }
0xee: {  	_ =	swait.ge [sflag:s8], $0x1400  }
0xef: {  	[sflag:s8] =	ssyncset.done $0x0  }
0xf0: {  	[sflag:s8] =	ssyncadd.s32 $0xFFFFEC00  }
0xf1: {  	[spmem:s18] =	stream.indirect.scatter.add.f32 [tilespmem:s22], [sflag:$0x7], $0x80, s21, s4, $0xb8;
	[tilespmem:$0x1A680] =	vst v63  }
0xf2: {  	_ =	swait.ge [sflag:s5], $0x28  }
0xf3: {  	[sflag:s5] =	ssyncset.done $0x0  }
0xf4: {  	[sflag:s5] =	ssyncadd.s32 $0xFFFFFFD8  }
0xf5: {  	_ =	swait.ge [sflag:s5], $0x1400  }
0xf6: {  	[sflag:s5] =	ssyncset.done $0x0  }
0xf7: {  	[sflag:s5] =	ssyncadd.s32 $0xFFFFEC00  }
0xf8: {  	[spmem:s18] =	stream.indirect.scatter.add.f32 [tilespmem:s24], [sflag:$0x8], $0x80, s23, s4, $0xb8;
	[tilespmem:$0x1A680] =	vst v63  }
0xf9: {  	_ =	swait.ge [sflag:s9], $0x28  }
0xfa: {  	[sflag:s9] =	ssyncset.done $0x0  }
0xfb: {  	[sflag:s9] =	ssyncadd.s32 $0xFFFFFFD8  }
0xfc: {  	_ =	swait.ge [sflag:s9], $0x1400  }
0xfd: {  	[sflag:s9] =	ssyncset.done $0x0  }
0xfe: {  	[sflag:s9] =	ssyncadd.s32 $0xFFFFEC00  }
0xff: {  	[spmem:s18] =	stream.indirect.scatter.add.f32 [tilespmem:s2], [sflag:$0x9], $0x80, s1, s4, $0xb8;
	[tilespmem:$0x1A680] =	vst v63  }
0x100: {  	_ =	swait.ge [sflag:s10], $0x28  }
0x101: {  	[sflag:s10] =	ssyncset.done $0x0  }
0x102: {  	[sflag:s10] =	ssyncadd.s32 $0xFFFFFFD8  }
0x103: {  	_ =	swait.ge [sflag:s10], $0x1400  }
0x104: {  	p0 =	seq.s32 s30, $0x26480;
	[sflag:s10] =	ssyncset.done $0x0  }
.Ltmp3:
0x105: {  	[sflag:s10] =	ssyncadd.s32 $0xFFFFEC00;
	(pc) =	sbr.rel @p0 .LBB2_6-.Ltmp3, $4  }
0x106: {  	[spmem:s18] =	stream.indirect.scatter.add.f32 [tilespmem:s3], [sflag:$0xA], $0x80, s6, s4, $0xb8;
	[tilespmem:$0x1A680] =	vst v63  }
0x107: {  	_ =	swait.ge [sflag:s11], $0x1400  }
0x108: {  	[sflag:s11] =	ssyncset.done $0x0  }
0x109: {  	[sflag:s11] =	ssyncadd.s32 $0xFFFFEC00  }
0x10a: {  	s15 =	sshrl.u32 s31, $0x3;
	s17 =	rddreg [dreg:$0x11]  }
0x10b: {  	s15 =	sadd.s32 s17, s15;
	s17 =	rddreg [dreg:$0x10]  }
0x10c: {  	[tilespmem:s13], [sflag:$0x1] =	stream.linear.gather [hbm4b:s15+s13], $0x28, $0x38;
	[tilespmem:$0x1A680] =	vst v63  }
0x10d: {  	s15 =	sadd.s32 s30, s17  }
0x10e: {  	s17 =	sadd.s32 $0xC80, s15  }
0x10f: {  	[tilespmem:s19], [sflag:$0x1] =	stream.linear.gather [hbm4b:s17+s13], $0x1400, $0x38;
	[tilespmem:$0x1A680] =	vst v63  }
0x110: {  	_ =	swait.ge [sflag:s12], $0x1400  }
0x111: {  	[sflag:s12] =	ssyncset.done $0x0  }
0x112: {  	[sflag:s12] =	ssyncadd.s32 $0xFFFFEC00  }
0x113: {  	[tilespmem:s21], [sflag:$0x2] =	stream.linear.gather [hbm4b:s16+s13], $0x28, $0x38;
	[tilespmem:$0x1A680] =	vst v63  }
0x114: {  	s17 =	sadd.s32 $0xF00, s15  }
0x115: {  	[tilespmem:s22], [sflag:$0x2] =	stream.linear.gather [hbm4b:s17+s13], $0x1400, $0x38;
	[tilespmem:$0x1A680] =	vst v63  }
0x116: {  	_ =	swait.ge [sflag:s14], $0x1400  }
0x117: {  	[sflag:s14] =	ssyncset.done $0x0  }
0x118: {  	[sflag:s14] =	ssyncadd.s32 $0xFFFFEC00  }
0x119: {  	[tilespmem:s23], [sflag:$0x3] =	stream.linear.gather [hbm4b:s0+s13], $0x28, $0x38;
	[tilespmem:$0x1A680] =	vst v63  }
0x11a: {  	s17 =	sadd.s32 $0x1180, s15  }
0x11b: {  	[tilespmem:s24], [sflag:$0x3] =	stream.linear.gather [hbm4b:s17+s13], $0x1400, $0x38;
	[tilespmem:$0x1A680] =	vst v63  }
0x11c: {  	_ =	swait.ge [sflag:s26], $0x1400  }
0x11d: {  	[sflag:s26] =	ssyncset.done $0x0  }
0x11e: {  	[sflag:s26] =	ssyncadd.s32 $0xFFFFEC00  }
0x11f: {  	[tilespmem:s1], [sflag:$0x4] =	stream.linear.gather [hbm4b:s25+s13], $0x28, $0x38;
	[tilespmem:$0x1A680] =	vst v63  }
0x120: {  	s17 =	sadd.s32 $0x1400, s15  }
0x121: {  	[tilespmem:s2], [sflag:$0x4] =	stream.linear.gather [hbm4b:s17+s13], $0x1400, $0x38;
	[tilespmem:$0x1A680] =	vst v63  }
0x122: {  	s31 =	sadd.s32 $0xC8, s31;
	_ =	swait.ge [sflag:s28], $0x1400  }
.Ltmp4:
0x123: {  	s30 =	sadd.s32 $0xC80, s30;
	[sflag:s28] =	ssyncset.done $0x0;
	(pc) =	sbr.rel .LBB2_4-.Ltmp4, $4  }
0x124: {  	s16 =	sadd.s32 $0x19, s16;
	s0 =	sadd.s32 $0x19, s0;
	[sflag:s28] =	ssyncadd.s32 $0xFFFFEC00  }
0x125: {  	[tilespmem:s6], [sflag:$0x5] =	stream.linear.gather [hbm4b:s29+s13], $0x28, $0x38;
	[tilespmem:$0x1A680] =	vst v63  }
0x126: {  	s15 =	sadd.s32 $0x1680, s15;
	s25 =	sadd.s32 $0x19, s25;
	s29 =	sadd.s32 $0x19, s29  }
0x127: {  	[tilespmem:s3], [sflag:$0x5] =	stream.linear.gather [hbm4b:s15+s13], $0x1400, $0x38;
	[tilespmem:$0x1A680] =	vst v63  }
.LBB2_7:
0x128: {  	_ =	sfence.sel $0x180000  }
0x129: {  	[bflag:$0x0] =	sbarrier.arrive $0xFFFF  }
0x12a: {  	_ =	strace $0x9000004D  }
0x12b: {  	s0 =	stileid.u32;
	[bflag:$0x2] =	sbarrier.arrive $0xFFFF  }
0x12c: {  	p0 =	sne.s32 s0, $0x0;
	s0 =	rddreg [dreg:$0x2]  }
0x12d: {  	s0 =	sadd.s32 @!p0 $0x100000, s0  }
0x12e: {  	[sflag:s0] =	ssyncadd.tile.s32 @!p0 $0x1;
	_ =	shalt  }
.Lfunc_end2:
_tile_overlayer_lowered:
.L_overlay_start_2:
0x12f: {  	(tag) =	ssettag $0x2  }
0x130: {  	s0 =	rddreg [dreg:$0x0];
	s2 =	stileid.u32  }
0x131: {  	s1 =	rddreg [dreg:$0x1];
	p0 =	sne.s32 s2, $0x0  }
0x132: {  	s3 =	rddreg [dreg:$0x2];
	[bflag:$0x3] =	sbarrier.arrive $0xFFFF;
	s2 =	simm.s32 @!p0 $0x1C0B  }
0x133: {  	[timem:s3], [sflag:s2] =	dma.local @!p0 [hbm:s0], s1  }
0x134: {  	s0 =	simm.s32 @!p0 $0xB  }
0x135: {  	_ =	swait.ge @!p0 [sflag:s0], s1  }
0x136: {  	s1 =	ssub.s32 @!p0 $0x0, s1;
	[sflag:s0] =	ssyncset.done @!p0 $0x0  }
0x137: {  	[sflag:s0] =	ssyncadd.s32 @!p0 s1  }
0x138: {  	[bflag:$0x3] =	sbarrier.arrive $0xFFFF  }
0x139: {  	_ =	shalt  }

// kernel: kernel.14.cloned.1.call-start
scs
__scs_entry_jumppad:
0x0: {  	(pc) =	sbr.rel $0x88, $3  }
0x1: {  	(tag) =	ssettag $0x0;
	lr =	simm.s32 $0x1  }
0x2: {  	[smem:$0x3F8F] =	sst lr;
	_ =	strace $0xD0000000  }
0x3: {  	_ = 	snop  }
0x4: {  	_ = 	snop  }
0x5: {  	_ = 	snop  }
0x6: {  	_ = 	snop  }
0x7: {  	_ = 	snop  }
__scs_overlays_trampoline_lowered:
0x8: {  	[smem:$0x3F9E] =	sst s0  }
0x9: {  	[smem:$0x3F9F] =	sst s1  }
0xa: {  	[smem:$0x3FA0] =	sst s2  }
0xb: {  	[smem:$0x3FA1] =	sst s3  }
0xc: {  	[smem:$0x3FA2] =	sst s4  }
0xd: {  	[smem:$0x3FA3] =	sst s5  }
0xe: {  	[smem:$0x3FA4] =	sst s6  }
0xf: {  	[smem:$0x3FA5] =	sst s7  }
0x10: {  	[smem:$0x3FA6] =	sst s8  }
0x11: {  	[smem:$0x3FA7] =	sst s9;
	s0 =	simm.s32 @!p0 $0x0  }
0x12: {  	s1 =	sld [smem:$0x3F8D];
	s0 =	simm.s32 @p0 $0x1  }
0x13: {  	[smem:$0x3FA8] =	sst s0;
	s0 =	simm.s32 @!p1 $0x0  }
0x14: {  	s2 =	sld [smem:$0x3F8C];
	s0 =	simm.s32 @p1 $0x1  }
0x15: {  	[smem:$0x3FA9] =	sst s0;
	s0 =	simm.s32 @!p2 $0x0  }
0x16: {  	s3 =	sld [smem:$0x3FDB];
	s0 =	simm.s32 @p2 $0x1  }
0x17: {  	s4 =	simm.s32 $0x1BF5;
	[smem:$0x3FAB] =	sst s0  }
0x18: {  	s0 =	sld [smem:$0x3F8E];
	_ =	swait.ge [sflag:s4], $0x0  }
0x19: {  	s7 =	sld [smem:$0x3F8F]  }
0x1a: {  	s8 =	sadd.s32 $0xFFFFE003, lr  }
0x1b: {  	s9 =	sadd.s32 $0xFFFFFEF7, lr;
	s5 =	simm.s32 $0xFFFFFFFF;
	p2 =	slt.u32 s8, $0xFFFFF086  }
0x1c: {  	p1 =	slt.u32 s9, $0xF7A;
	s5 =	simm.s32 @!p2 $0x0  }
0x1d: {  	s5 =	simm.s32 @p1 $0x1;
	p0 =	seq.s32 s7, s2  }
0x1e: {  	s7 =	smul.u32 @!p0 $0xF7A, s2;
	p2 =	seq.s32 @!p0 s5, $0x0  }
0x1f: {  	s9 =	smul.u32 $0xF7A, s1;
	s8 =	simm.s32 @!p0 $0x1BF5;
	p2 =	por !p2, p0  }
0x20: {  	[sflag:s8] =	ssyncset.s32 @!p0 $0xFFFFF086;
	s6 =	sadd.s32 @!p0 s3, s7;
	s7 =	simm.s32 @!p0 $0x108  }
0x21: {  	s3 =	sadd.s32 s3, s9;
	s6 =	sadd.s32 @!p0 $0x88, s6;
	s7 =	simm.s32 @p2 $0x1082  }
0x22: {  	[simem:s7], [sflag:s8] =	dma.local @!p0 [hbm:s6], $0xF7A  }
0x23: {  	s9 =	sor.u32 $0xD0000000, s2;
	s6 =	simm.s32 $0x108;
	_ =	swait.ge @!p0 [sflag:s8], $0x0  }
0x24: {  	s3 =	sadd.s32 $0x88, s3;
	s6 =	simm.s32 @!p1 $0x1082;
	[sflag:s4] =	ssyncset.s32 $0xFFFFF086  }
0x25: {  	[simem:s6], [sflag:s4] =	dma.local [hbm:s3], $0xF7A  }
0x26: {  	[smem:$0x3F8F] =	sst s1;
	(tag) =	ssettag s2;
	_ =	strace s9  }
0x27: {  	s1 =	sld [smem:$0x3F9F]  }
0x28: {  	s2 =	sld [smem:$0x3FA0]  }
0x29: {  	s4 =	sld [smem:$0x3FA2]  }
0x2a: {  	p0 =	seq.s32 s5, $0x0;
	s5 =	sld [smem:$0x3FA3]  }
0x2b: {  	s6 =	sld [smem:$0x3FA4]  }
0x2c: {  	s7 =	sld [smem:$0x3FA5]  }
0x2d: {  	s3 =	simm.s32 $0x108;
	s8 =	sld [smem:$0x3FA6]  }
0x2e: {  	s3 =	simm.s32 @!p0 $0x1082;
	s9 =	sld [smem:$0x3FA7]  }
0x2f: {  	lr =	sadd.s32 s0, s3;
	s0 =	sld [smem:$0x3F9E]  }
0x30: {  	s3 =	sld [smem:$0x3FA1]  }
0x31: {  	[smem:$0x3FAA] =	sst s10  }
0x32: {  	s10 =	sld [smem:$0x3FA8];
	_ =	sdelay $0x3  }
0x33: {  	p0 =	seq.s32 s10, $0x1;
	s10 =	sld [smem:$0x3FAA];
	_ =	sdelay $0x3  }
0x34: {  	[smem:$0x3FAA] =	sst s10  }
0x35: {  	s10 =	sld [smem:$0x3FA9];
	_ =	sdelay $0x3  }
0x36: {  	p1 =	seq.s32 s10, $0x1;
	s10 =	sld [smem:$0x3FAA];
	_ =	sdelay $0x3  }
0x37: {  	[smem:$0x3FAA] =	sst s10  }
0x38: {  	s10 =	sld [smem:$0x3FAB]  }
0x39: {  	_ = 	snop;
	(pc) =	sbr.ind lr, $3  }
0x3a: {  	_ = 	snop  }
0x3b: {  	_ = 	snop  }
0x3c: {  	p2 =	seq.s32 s10, $0x1;
	s10 =	sld [smem:$0x3FAA]  }
0x3d: {  	_ =	shalt  }
0x3e: {  	_ =	shalt  }
0x3f: {  	_ =	shalt  }
0x40: {  	_ =	shalt  }
0x41: {  	_ =	shalt  }
0x42: {  	_ =	shalt  }
0x43: {  	_ =	shalt  }
0x44: {  	_ =	shalt  }
0x45: {  	_ =	shalt  }
0x46: {  	_ =	shalt  }
0x47: {  	_ =	shalt  }
0x48: {  	_ =	shalt  }
0x49: {  	_ =	shalt  }
0x4a: {  	_ =	shalt  }
0x4b: {  	_ =	shalt  }
0x4c: {  	_ =	shalt  }
0x4d: {  	_ =	shalt  }
0x4e: {  	_ =	shalt  }
0x4f: {  	_ =	shalt  }
0x50: {  	_ =	shalt  }
0x51: {  	_ =	shalt  }
0x52: {  	_ =	shalt  }
0x53: {  	_ =	shalt  }
0x54: {  	_ =	shalt  }
0x55: {  	_ =	shalt  }
0x56: {  	_ =	shalt  }
0x57: {  	_ =	shalt  }
0x58: {  	_ =	shalt  }
0x59: {  	_ =	shalt  }
0x5a: {  	_ =	shalt  }
0x5b: {  	_ =	shalt  }
0x5c: {  	_ =	shalt  }
0x5d: {  	_ =	shalt  }
0x5e: {  	_ =	shalt  }
0x5f: {  	_ =	shalt  }
0x60: {  	_ =	shalt  }
0x61: {  	_ =	shalt  }
0x62: {  	_ =	shalt  }
0x63: {  	_ =	shalt  }
0x64: {  	_ =	shalt  }
0x65: {  	_ =	shalt  }
0x66: {  	_ =	shalt  }
0x67: {  	_ =	shalt  }
0x68: {  	_ =	shalt  }
0x69: {  	_ =	shalt  }
0x6a: {  	_ =	shalt  }
0x6b: {  	_ =	shalt  }
0x6c: {  	_ =	shalt  }
0x6d: {  	_ =	shalt  }
0x6e: {  	_ =	shalt  }
0x6f: {  	_ =	shalt  }
0x70: {  	_ =	shalt  }
0x71: {  	_ =	shalt  }
0x72: {  	_ =	shalt  }
0x73: {  	_ =	shalt  }
0x74: {  	_ =	shalt  }
0x75: {  	_ =	shalt  }
0x76: {  	_ =	shalt  }
0x77: {  	_ =	shalt  }
0x78: {  	_ =	shalt  }
0x79: {  	_ =	shalt  }
0x7a: {  	_ =	shalt  }
0x7b: {  	_ =	shalt  }
0x7c: {  	_ =	shalt  }
0x7d: {  	_ =	shalt  }
0x7e: {  	_ =	shalt  }
0x7f: {  	_ =	shalt  }
0x80: {  	_ =	shalt  }
0x81: {  	_ =	shalt  }
0x82: {  	_ =	shalt  }
0x83: {  	_ =	shalt  }
0x84: {  	_ =	shalt  }
0x85: {  	_ =	shalt  }
0x86: {  	_ =	shalt  }
0x87: {  	_ =	shalt  }
.Lfunc_end0:
.L_simem_size_0:
called_computation.2_lowered:
.L_overlay_start_0:
0x88: {  	s2 =	sld [smem:$0x3FD9]  }
0x89: {  	s3 =	sld [smem:$0x3FFE];
	_ =	sdelay $0x1  }
0x8a: {  	s1 =	srdreg.scid  }
0x8b: {  	s0 =	sand.u32 $0x1, s1  }
0x8c: {  	s16 =	sshll.u32 s0, $0xA;
	s2 =	sadd.s32 s3, s2  }
0x8d: {  	s2 =	sadd.s32 s2, s16  }
0x8e: {  	[smem:$0x3FB6] =	sst s2  }
0x8f: {  	_ = 	snop  }
0x90: {  	(tm) =	ssettm $0x1  }
0x91: {  	s17 =	sld [smem:$0x3FFB];
	_ =	sdelay $0x3  }
0x92: {  	_ =	strace s17  }
0x93: {  	s2 =	sld [smem:$0x3FFC];
	_ =	sdelay $0x3  }
0x94: {  	_ =	strace s2  }
0x95: {  	s2 =	sld [smem:$0x3FFD];
	_ =	sdelay $0x3  }
0x96: {  	_ =	strace s2  }
0x97: {  	_ =	strace $0x8FFFFFFF  }
0x98: {  	s18 =	sld [smem:$0x3FDB];
	_ =	sdelay $0x1  }
0x99: {  	s19 =	simm.s32 $_scs_section_size  }
0x9a: {  	s4 =	simm.s32 $_size__tile_overlayer_lowered;
	s5 =	simm.s32 $_tile_overlayer_lowered  }
0x9b: {  	s22 =	simm.s32 $0x1BFF;
	s21 =	sshll.u32 s5, $0x1;
	s2 =	sadd.s32 s19, s18  }
0x9c: {  	s6 =	simm.s32 $0x0;
	s20 =	sshll.u32 s4, $0x1;
	s4 =	sadd.s32 s21, s2  }
0x9d: {  	[timem:s6], [sflag:s22] =	dma.local [hbm:s4], s20  }
0x9e: {  	_ =	swait.ge [sflag:s22], s20  }
0x9f: {  	s3 =	ssub.s32 $0x0, s20;
	[sflag:s22] =	ssyncset.done $0x0  }
0xa0: {  	[sflag:s22] =	ssyncadd.s32 s3;
	_ =	sdelay $0x1  }
0xa1: {  	s23 =	simm.s32 $0x1B8B  }
0xa2: {  	_ =	swait.ge [sflag:s23], $0x1  }
0xa3: {  	[sflag:s23] =	ssyncset.done $0x0  }
0xa4: {  	s25 =	simm.s32 $0x1B8E;
	s24 =	sld [smem:$0x3FFE];
	[sflag:s23] =	ssyncadd.s32 $0xFFFFFFFF  }
0xa5: {  	s26 =	simm.s32 $execute0_lowered;
	[smem:$0x3FD2] =	sst s25  }
0xa6: {  	s4 =	sshll.u32 s26, $0x1;
	_ =	strace $0x80000049;
	[dreg:$0x1] =	wrdreg $0xFFFFFFFF  }
0xa7: {  	s28 =	simm.s32 $_size_execute0_lowered;
	s2 =	sadd.s32 s2, s4;
	[dreg:$0x0] =	wrdreg $0x0  }
0xa8: {  	s4 =	sshll.u32 s28, $0x1;
	[dreg:$0x2] =	wrdreg s2  }
0xa9: {  	[dreg:$0x3] =	wrdreg s4  }
0xaa: {  	[dreg:$0x4] =	wrdreg $0xC0  }
0xab: {  	_ =	task [dreg:s6], $0x5FFFF  }
0xac: {  	[dreg:$0x1] =	wrdreg $0xFFFFFFFF  }
0xad: {  	[dreg:$0x0] =	wrdreg $0x60  }
0xae: {  	[dreg:$0x2] =	wrdreg s24  }
0xaf: {  	[dreg:$0x3] =	wrdreg $0x73000  }
0xb0: {  	[dreg:$0x4] =	wrdreg $0xA  }
0xb1: {  	_ =	task.clear_ibuf [dreg:s6], $0x5FFFF;
	_ =	strace $0x90000049  }
0xb2: {  	s29 =	simm.s32 $0xA;
	_ =	strace $0x8000004B  }
0xb3: {  	_ =	swait.ge [sflag:s29], $0x1  }
0xb4: {  	[sflag:s29] =	ssyncadd.s32 $0xFFFFFFFF  }
0xb5: {  	_ =	strace $0x9000004B  }
0xb6: {  	_ =	sfence  }
0xb7: {  	s30 =	sld [smem:$0x0];
	_ =	sdelay $0x2  }
0xb8: {  	s31 =	sshll.u32 s1, $0xD;
	s1 =	sshrl.u32 s1, $0x2  }
0xb9: {  	s3 =	sand.u32 $0x4000, s31;
	s1 =	sadd.s32 s1, s30  }
0xba: {  	s0 =	sor.u32 s3, s0;
	s1 =	sshll.u32 s1, $0x11  }
0xbb: {  	s0 =	sor.u32 s1, s0  }
0xbc: {  	s0 =	sadd.s32 $0x8F2B, s0  }
0xbd: {  	[sflag:s0] =	ssyncadd.remote.s32 $0x1  }
0xbe: {  	_ =	sfence.sel $0xFFFF  }
0xbf: {  	[dreg:$0x0] =	wrdreg $0xFFFFFFFF;
	(pc) =	sbr.abs _section_cstart, $3  }
0xc0: {  	[dreg:$0x1] =	wrdreg $0xFFFFFFFF  }
0xc1: {  	_ =	task.clear_ibuf [dreg:s6], $0x2FFFF;
	_ =	strace $0x9FFFFFFF  }
0xc2: {  	(tm) =	ssettm $0x7FFFFFFF  }
0xc3: {  	_ =	shalt  }
tec
execute0_lowered:
.L_overlay_start_1:
0x0: {  	(tag) =	ssettag $0x1  }
0x1: {  	s0 =	srdreg.scid;
	s2 =	rddreg [dreg:$0x0];
	s1 =	simm.s32 $0x0  }
0x2: {  	s25 =	stileid.u32;
	s11 =	sand.u32 $0x1, s0;
	s10 =	sadd.s32 $0x41200, s2  }
0x3: {  	s9 =	smul.u32 $0x14000, s25;
	s14 =	sadd.s32 $0xA56400, s2;
	[smem:$0x7FF] =	sst s1  }
0x4: {  	s13 =	smul.u32 $0x140000, s11;
	s0 =	sshll.u32 s11, $0x4;
	s3 =	ssub.s32 $0x2, s11  }
0x5: {  	s4 =	sor.u32 s25, s0;
	s21 =	sshrl.u32 s3, $0x1;
	s6 =	sadd.s32 $0xA000, s9  }
0x6: {  	s7 =	sadd.s32 $0xC800, s9;
	s8 =	sadd.s32 $0xF000, s9;
	s12 =	smul.u32 $0x2710, s4  }
0x7: {  	s5 =	sadd.s32 s13, s9;
	s0 =	ssub.s32 s3, s21;
	s15 =	smul.u32 $0x4E20, s4  }
0x8: {  	s4 =	sadd.s32 $0x5000, s9;
	s26 =	sadd.s32 s13, s6;
	s21 =	smul.u32 $0x27100, s11  }
0x9: {  	s18 =	sadd.s32 s13, s7;
	s11 =	smul.u32 $0x4E200, s11;
	s22 =	sshrl.u32 s5, $0x3  }
0xa: {  	s5 =	sadd.s32 $0x7800, s9;
	s17 =	sadd.s32 s13, s4;
	s19 =	sshrl.u32 s18, $0x3  }
0xb: {  	s3 =	sadd.s32 s14, s22;
	s17 =	sshrl.u32 s17, $0x3;
	s24 =	sadd.s32 s13, s5  }
0xc: {  	s20 =	sadd.s32 s14, s19;
	s22 =	sadd.s32 s13, s8;
	s11 =	sadd.s32 s11, s10  }
0xd: {  	s19 =	sadd.s32 $0x78, s12;
	[dreg:$0x3] =	wrdreg s3;
	s3 =	sor.u32 $0x2800, s9  }
0xe: {  	s9 =	sadd.s32 $0x11800, s9;
	s23 =	sadd.s32 s14, s17;
	s17 =	sshrl.u32 s26, $0x3  }
0xf: {  	[dreg:$0x8] =	wrdreg s20;
	s26 =	sadd.s32 s10, s15;
	s18 =	sshll.u32 s19, $0x1  }
0x10: {  	s16 =	sadd.s32 s13, s3;
	[dreg:$0x5] =	wrdreg s23;
	s13 =	sadd.s32 s13, s9  }
0x11: {  	[dreg:$0xb] =	wrdreg s26;
	s20 =	sadd.s32 s10, s18;
	s16 =	sshrl.u32 s16, $0x3  }
0x12: {  	s13 =	sshrl.u32 s13, $0x3;
	[dreg:$0xe] =	wrdreg s20;
	s16 =	sadd.s32 s14, s16  }
0x13: {  	s13 =	sadd.s32 s14, s13;
	[dreg:$0x4] =	wrdreg s16;
	s16 =	sshrl.u32 s24, $0x3  }
0x14: {  	[dreg:$0xa] =	wrdreg s13;
	s24 =	smul.u32 $0x4E20, s25;
	s16 =	sadd.s32 s14, s16  }
0x15: {  	s15 =	sadd.s32 $0x28, s12;
	s23 =	smul.u32 $0x2710, s25;
	[dreg:$0x6] =	wrdreg s16  }
0x16: {  	s16 =	sadd.s32 s14, s17;
	s17 =	sshrl.u32 s22, $0x3;
	s11 =	sadd.s32 s24, s11  }
0x17: {  	[dreg:$0x7] =	wrdreg s16;
	s17 =	sadd.s32 s14, s17;
	s14 =	sadd.s32 s23, s21  }
0x18: {  	[smem:$0x7F2] =	sst s11;
	s11 =	sshll.u32 s15, $0x1;
	s16 =	sadd.s32 $0x50, s12  }
0x19: {  	[dreg:$0x9] =	wrdreg s17;
	s13 =	sadd.s32 s10, s11;
	s17 =	sshll.u32 s16, $0x1  }
0x1a: {  	s18 =	sadd.s32 $0x168, s14;
	s20 =	sadd.s32 $0x118, s14;
	s11 =	sadd.s32 $0xC8, s14  }
0x1b: {  	[dreg:$0xc] =	wrdreg s13;
	s13 =	sadd.s32 s10, s17;
	s23 =	sshrl.u32 s18, $0x3  }
0x1c: {  	s24 =	sshrl.u32 s20, $0x3;
	[dreg:$0x10] =	wrdreg s11;
	s20 =	sshll.u32 s11, $0x1  }
0x1d: {  	[dreg:$0xd] =	wrdreg s13;
	s13 =	sadd.s32 $0xA0, s12;
	s22 =	sshll.u32 s23, $0x4  }
0x1e: {  	s26 =	sshll.u32 s24, $0x4;
	s12 =	sshrl.u32 s12, $0x3;
	s21 =	sshll.u32 s13, $0x1  }
0x1f: {  	s18 =	sadd.s32 s26, s10;
	s26 =	sshrl.u32 s15, $0x3;
	s17 =	sadd.s32 s10, s21  }
0x20: {  	s15 =	sshrl.u32 s19, $0x3;
	s21 =	sadd.s32 $0x10200, s2;
	[dreg:$0xf] =	wrdreg s17  }
0x21: {  	s17 =	sadd.s32 s22, s10;
	s22 =	rddreg [dreg:$0x1];
	s2 =	sadd.s32 s21, s12  }
0x22: {  	s11 =	sadd.s32 s21, s26;
	_ =	strace $0x8000004A;
	[dreg:$0x11] =	wrdreg s2  }
0x23: {  	s19 =	sadd.s32 s21, s15;
	[dreg:$0x12] =	wrdreg s11  }
0x24: {  	s0 =	smax.u32 s0, $0x1;
	s20 =	sadd.s32 s20, s10;
	[dreg:$0x14] =	wrdreg s19  }
0x25: {  	s12 =	sshrl.u32 s16, $0x3;
	s10 =	sadd.s32 s24, s21;
	[dreg:$0x16] =	wrdreg s0  }
0x26: {  	s2 =	sadd.s32 s21, s12;
	[smem:$0x7F4] =	sst s10  }
0x27: {  	s31 =	sadd.s32 s4, s22;
	s4 =	sadd.s32 s8, s22;
	[dreg:$0x13] =	wrdreg s2  }
0x28: {  	s28 =	simm.s32 $0xB;
	s8 =	sadd.s32 s23, s21;
	[dreg:$0x1d] =	wrdreg s4  }
0x29: {  	s30 =	simm.s32 $0x8;
	s16 =	smul.u32 $0x50000, s25;
	[dreg:$0x1f] =	wrdreg s8  }
0x2a: {  	s25 =	sshrl.u32 s13, $0x3;
	s7 =	sadd.s32 s7, s22;
	[dreg:$0x19] =	wrdreg s31  }
0x2b: {  	s2 =	sadd.s32 s21, s25;
	s26 =	sshrl.u32 s16, $0x2;
	[dreg:$0x1c] =	wrdreg s7  }
0x2c: {  	[dreg:$0x15] =	wrdreg s2;
	s25 =	sadd.s32 s26, s22;
	s2 =	sadd.s32 s5, s22  }
0x2d: {  	s26 =	sadd.s32 s3, s22;
	s3 =	sadd.s32 s6, s22;
	[dreg:$0x1a] =	wrdreg s2  }
0x2e: {  	s29 =	simm.s32 $0x9;
	s5 =	sadd.s32 s9, s22;
	[dreg:$0x1b] =	wrdreg s3  }
0x2f: {  	s10 =	simm.s32 $0xA;
	s8 =	simm.s32 $0x28;
	[dreg:$0x1e] =	wrdreg s5  }
0x30: {  	s4 =	simm.s32 $0x6;
	s6 =	sadd.s32 $0x140, s14;
	[dreg:$0x17] =	wrdreg s25  }
0x31: {  	s9 =	sadd.s32 $0xF0, s14;
	s12 =	sadd.s32 $0x1400, s25;
	[dreg:$0x18] =	wrdreg s26  }
0x32: {  	s0 =	sshrl.u32 s6, $0x3;
	s13 =	sadd.s32 $0x3C00, s25;
	[smem:$0x7F6] =	sst s12  }
0x33: {  	s11 =	sshrl.u32 s9, $0x3;
	s14 =	sadd.s32 $0x6400, s25;
	[smem:$0x7F7] =	sst s13  }
0x34: {  	s15 =	sadd.s32 $0x8C00, s25;
	s16 =	sadd.s32 $0xB400, s25;
	[smem:$0x7F8] =	sst s14  }
0x35: {  	s19 =	sadd.s32 $0xDC00, s25;
	s23 =	sadd.s32 $0x10400, s25;
	[smem:$0x7F9] =	sst s15  }
0x36: {  	s24 =	sadd.s32 $0x12C00, s25;
	s9 =	simm.s32 $0x3;
	[smem:$0x7FA] =	sst s16  }
0x37: {  	s2 =	simm.s32 $0x5;
	s5 =	simm.s32 $0x7;
	[smem:$0x7FB] =	sst s19  }
.Ltmp0:
0x38: {  	s3 =	simm.s32 $0x0;
	[smem:$0x7FC] =	sst s23;
	(pc) =	sbr.rel .LBB2_1-.Ltmp0, $4  }
0x39: {  	s0 =	sadd.s32 s0, s21;
	[smem:$0x7FD] =	sst s24;
	s16 =	simm.s32 $0x80  }
0x3a: {  	s12 =	simm.s32 $0x100;
	s13 =	simm.s32 $0x180;
	s15 =	simm.s32 $0x200  }
0x3b: {  	s23 =	simm.s32 $0x1;
	[smem:$0x7F3] =	sst s0;
	s0 =	sadd.s32 s11, s21  }
0x3c: {  	v0 =	vimm.f32 $0.0e+00;
	s24 =	simm.s32 $0x2;
	s19 =	simm.s32 $0x4;
	[smem:$0x7F5] =	sst s0  }
.LBB2_6:
0x3d: {  	_ =	swait.ge [sflag:s5], $0x1400  }
0x3e: {  	[sflag:s5] =	ssyncset.done $0x0  }
0x3f: {  	[sflag:s5] =	ssyncadd.s32 $0xFFFFEC00  }
0x40: {  	_ =	swait.ge [sflag:s30], $0x1400  }
0x41: {  	[sflag:s30] =	ssyncset.done $0x0  }
0x42: {  	[sflag:s30] =	ssyncadd.s32 $0xFFFFEC00  }
0x43: {  	_ =	swait.ge [sflag:s29], $0x1400  }
0x44: {  	[sflag:s29] =	ssyncset.done $0x0  }
0x45: {  	[sflag:s29] =	ssyncadd.s32 $0xFFFFEC00  }
0x46: {  	_ =	swait.ge [sflag:s10], $0x1400  }
0x47: {  	[sflag:s10] =	ssyncset.done $0x0  }
0x48: {  	[sflag:s10] =	ssyncadd.s32 $0xFFFFEC00  }
0x49: {  	s0 =	stileid.u32;
	[bflag:$0x0] =	sbarrier.arrive $0xFFFF  }
0x4a: {  	s0 =	sshll.u32 s0, $0x6;
	s25 =	rddreg [dreg:$0x17]  }
0x4b: {  	s0 =	sor.u32 $0x1C0B, s0;
	s6 =	rddreg [dreg:$0x3];
	s3 =	sshrl.u32 s25, $0x3  }
0x4c: {  	[hbm:s6], [sflag:s0] =	dma.local [spmem:s3], $0x500  }
0x4d: {  	_ =	swait.ge [sflag:s28], $0x500  }
0x4e: {  	[sflag:s28] =	ssyncset.done $0x0;
	s26 =	rddreg [dreg:$0x18]  }
0x4f: {  	s14 =	rddreg [dreg:$0x4];
	[sflag:s28] =	ssyncadd.s32 $0xFFFFFB00;
	s11 =	sshrl.u32 s26, $0x3  }
0x50: {  	[hbm:s14], [sflag:s0] =	dma.local [spmem:s11], $0x500  }
0x51: {  	_ =	swait.ge [sflag:s28], $0x500  }
0x52: {  	[sflag:s28] =	ssyncset.done $0x0;
	s31 =	rddreg [dreg:$0x19]  }
0x53: {  	s7 =	rddreg [dreg:$0x5];
	[sflag:s28] =	ssyncadd.s32 $0xFFFFFB00;
	s6 =	sshrl.u32 s31, $0x3  }
0x54: {  	[hbm:s7], [sflag:s0] =	dma.local [spmem:s6], $0x500  }
0x55: {  	_ =	swait.ge [sflag:s28], $0x500  }
0x56: {  	[sflag:s28] =	ssyncset.done $0x0;
	s11 =	rddreg [dreg:$0x1a]  }
0x57: {  	s14 =	rddreg [dreg:$0x6];
	[sflag:s28] =	ssyncadd.s32 $0xFFFFFB00;
	s3 =	sshrl.u32 s11, $0x3  }
0x58: {  	[hbm:s14], [sflag:s0] =	dma.local [spmem:s3], $0x500  }
0x59: {  	_ =	swait.ge [sflag:s28], $0x500  }
0x5a: {  	[sflag:s28] =	ssyncset.done $0x0;
	s6 =	rddreg [dreg:$0x1b]  }
0x5b: {  	s7 =	rddreg [dreg:$0x7];
	[sflag:s28] =	ssyncadd.s32 $0xFFFFFB00;
	s3 =	sshrl.u32 s6, $0x3  }
0x5c: {  	[hbm:s7], [sflag:s0] =	dma.local [spmem:s3], $0x500  }
0x5d: {  	_ =	swait.ge [sflag:s28], $0x500  }
0x5e: {  	[sflag:s28] =	ssyncset.done $0x0;
	s7 =	rddreg [dreg:$0x1c]  }
0x5f: {  	s14 =	rddreg [dreg:$0x8];
	[sflag:s28] =	ssyncadd.s32 $0xFFFFFB00;
	s11 =	sshrl.u32 s7, $0x3  }
0x60: {  	[hbm:s14], [sflag:s0] =	dma.local [spmem:s11], $0x500  }
0x61: {  	_ =	swait.ge [sflag:s28], $0x500  }
0x62: {  	[sflag:s28] =	ssyncset.done $0x0;
	s11 =	rddreg [dreg:$0x1d]  }
0x63: {  	s14 =	rddreg [dreg:$0x9];
	[sflag:s28] =	ssyncadd.s32 $0xFFFFFB00;
	s3 =	sshrl.u32 s11, $0x3  }
0x64: {  	[hbm:s14], [sflag:s0] =	dma.local [spmem:s3], $0x500  }
0x65: {  	_ =	swait.ge [sflag:s28], $0x500  }
0x66: {  	[sflag:s28] =	ssyncset.done $0x0;
	s11 =	rddreg [dreg:$0x1e]  }
0x67: {  	s14 =	rddreg [dreg:$0xa];
	[sflag:s28] =	ssyncadd.s32 $0xFFFFFB00;
	s3 =	sshrl.u32 s11, $0x3  }
0x68: {  	[hbm:s14], [sflag:s0] =	dma.local [spmem:s3], $0x500  }
0x69: {  	_ =	swait.ge [sflag:s28], $0x500  }
0x6a: {  	s11 =	sld [smem:$0x7F1];
	_ =	sdelay $0x2  }
0x6b: {  	s14 =	rddreg [dreg:$0x16];
	s3 =	sadd.s32 $0x1, s11  }
0x6c: {  	p0 =	sne.s32 s3, s14  }
.Ltmp1:
0x6d: {  	_ = 	snop;
	(pc) =	sbr.rel @!p0 .LBB2_7-.Ltmp1, $3  }
0x6e: {  	_ =	sdelay $0x1  }
0x6f: {  	[sflag:s28] =	ssyncset.done $0x0  }
0x70: {  	[sflag:s28] =	ssyncadd.s32 $0xFFFFFB00  }
.LBB2_1:
0x71: {  	[smem:$0x7F1] =	sst s3;
	s0 =	simm.s32 $0x0;
	s6 =	simm.s32 $0x200  }
.LBB2_2:
0x72: {  	p0 =	sne.s32 s6, $0x4E00;
	[tilespmem:s0+$0x5F70] =	vst v0  }
0x73: {  	[tilespmem:s0+$0xF00] =	vst v0  }
0x74: {  	[tilespmem:s0+$0xF10] =	vst v0  }
0x75: {  	[tilespmem:s0+$0xF20] =	vst v0  }
0x76: {  	[tilespmem:s0+$0xF30] =	vst v0  }
0x77: {  	[tilespmem:s0+$0xF40] =	vst v0  }
0x78: {  	[tilespmem:s0+$0xF50] =	vst v0  }
0x79: {  	[tilespmem:s0+$0xF60] =	vst v0  }
0x7a: {  	[tilespmem:s0+$0xF70] =	vst v0  }
0x7b: {  	[tilespmem:s0+$0x2300] =	vst v0  }
0x7c: {  	[tilespmem:s0+$0x2310] =	vst v0  }
0x7d: {  	[tilespmem:s0+$0x2320] =	vst v0  }
0x7e: {  	[tilespmem:s0+$0x2330] =	vst v0  }
0x7f: {  	[tilespmem:s0+$0x2340] =	vst v0  }
0x80: {  	[tilespmem:s0+$0x2350] =	vst v0  }
0x81: {  	[tilespmem:s0+$0x2360] =	vst v0  }
0x82: {  	[tilespmem:s0+$0x2370] =	vst v0  }
0x83: {  	[tilespmem:s0+$0x3700] =	vst v0  }
0x84: {  	[tilespmem:s0+$0x3710] =	vst v0  }
0x85: {  	[tilespmem:s0+$0x3720] =	vst v0  }
0x86: {  	[tilespmem:s0+$0x3730] =	vst v0  }
0x87: {  	[tilespmem:s0+$0x3740] =	vst v0  }
0x88: {  	[tilespmem:s0+$0x3750] =	vst v0  }
0x89: {  	[tilespmem:s0+$0x3760] =	vst v0  }
0x8a: {  	[tilespmem:s0+$0x3770] =	vst v0  }
0x8b: {  	[tilespmem:s0+$0x4B00] =	vst v0  }
0x8c: {  	[tilespmem:s0+$0x4B10] =	vst v0  }
0x8d: {  	[tilespmem:s0+$0x4B20] =	vst v0  }
0x8e: {  	[tilespmem:s0+$0x4B30] =	vst v0  }
0x8f: {  	[tilespmem:s0+$0x4B40] =	vst v0  }
0x90: {  	[tilespmem:s0+$0x4B50] =	vst v0  }
0x91: {  	[tilespmem:s0+$0x4B60] =	vst v0  }
0x92: {  	[tilespmem:s0+$0x4B70] =	vst v0  }
0x93: {  	[tilespmem:s0+$0x5F00] =	vst v0  }
0x94: {  	[tilespmem:s0+$0x5F10] =	vst v0  }
.Ltmp2:
0x95: {  	[tilespmem:s0+$0x5F20] =	vst v0;
	(pc) =	sbr.rel @p0 .LBB2_2-.Ltmp2, $4  }
0x96: {  	[tilespmem:s0+$0x5F30] =	vst v0  }
0x97: {  	[tilespmem:s0+$0x5F40] =	vst v0  }
0x98: {  	[tilespmem:s0+$0x5F50] =	vst v0  }
0x99: {  	[tilespmem:s0+$0x5F60] =	vst v0;
	s0 =	sshra.s32 s6, $0x2;
	s6 =	sadd.s32 $0x200, s6  }
0x9a: {  	[tilespmem:s0+$0x5F70] =	vst v0  }
0x9b: {  	[tilespmem:s0+$0xF00] =	vst v0  }
0x9c: {  	[tilespmem:s0+$0xF10] =	vst v0  }
0x9d: {  	[tilespmem:s0+$0xF20] =	vst v0  }
0x9e: {  	[tilespmem:s0+$0xF30] =	vst v0  }
0x9f: {  	[tilespmem:s0+$0xF40] =	vst v0  }
0xa0: {  	[tilespmem:s0+$0xF50] =	vst v0  }
0xa1: {  	[tilespmem:s0+$0xF60] =	vst v0  }
0xa2: {  	[tilespmem:s0+$0xF70] =	vst v0  }
0xa3: {  	[tilespmem:s0+$0x2300] =	vst v0  }
0xa4: {  	[tilespmem:s0+$0x2310] =	vst v0  }
0xa5: {  	[tilespmem:s0+$0x2320] =	vst v0  }
0xa6: {  	[tilespmem:s0+$0x2330] =	vst v0  }
0xa7: {  	[tilespmem:s0+$0x2340] =	vst v0  }
0xa8: {  	[tilespmem:s0+$0x2350] =	vst v0  }
0xa9: {  	[tilespmem:s0+$0x2360] =	vst v0  }
0xaa: {  	[tilespmem:s0+$0x2370] =	vst v0  }
0xab: {  	[tilespmem:s0+$0x3700] =	vst v0  }
0xac: {  	[tilespmem:s0+$0x3710] =	vst v0  }
0xad: {  	[tilespmem:s0+$0x3720] =	vst v0  }
0xae: {  	[tilespmem:s0+$0x3730] =	vst v0  }
0xaf: {  	[tilespmem:s0+$0x3740] =	vst v0  }
0xb0: {  	[tilespmem:s0+$0x3750] =	vst v0  }
0xb1: {  	[tilespmem:s0+$0x3760] =	vst v0  }
0xb2: {  	[tilespmem:s0+$0x3770] =	vst v0  }
0xb3: {  	[tilespmem:s0+$0x4B00] =	vst v0  }
0xb4: {  	[tilespmem:s0+$0x4B10] =	vst v0  }
0xb5: {  	[tilespmem:s0+$0x4B20] =	vst v0  }
0xb6: {  	[tilespmem:s0+$0x4B30] =	vst v0  }
0xb7: {  	[tilespmem:s0+$0x4B40] =	vst v0  }
0xb8: {  	[tilespmem:s0+$0x4B50] =	vst v0  }
0xb9: {  	[tilespmem:s0+$0x4B60] =	vst v0  }
0xba: {  	[tilespmem:s0+$0x4B70] =	vst v0  }
0xbb: {  	[tilespmem:s0+$0x5F00] =	vst v0  }
0xbc: {  	[tilespmem:s0+$0x5F10] =	vst v0  }
0xbd: {  	[tilespmem:s0+$0x5F20] =	vst v0  }
0xbe: {  	[tilespmem:s0+$0x5F30] =	vst v0  }
0xbf: {  	[tilespmem:s0+$0x5F40] =	vst v0  }
0xc0: {  	[tilespmem:s0+$0x5F50] =	vst v0  }
0xc1: {  	[tilespmem:s0+$0x5F60] =	vst v0;
	s3 =	simm.s32 $0xF00  }
0xc2: {  	[spmem:s25] =	stream.linear.scatter [tilespmem:s3], [sflag:$0xB], $0x1400, $0x38;
	[tilespmem:$0x1B300] =	vst v63  }
0xc3: {  	_ =	swait.ge [sflag:s28], $0x1400  }
0xc4: {  	s11 =	sld [smem:$0x7F6]  }
0xc5: {  	[sflag:s28] =	ssyncset.done $0x0  }
0xc6: {  	[sflag:s28] =	ssyncadd.s32 $0xFFFFEC00  }
0xc7: {  	[spmem:s11] =	stream.linear.scatter [tilespmem:s3], [sflag:$0xB], $0x1400, $0x38;
	[tilespmem:$0x1B300] =	vst v63  }
0xc8: {  	_ =	swait.ge [sflag:s28], $0x1400  }
0xc9: {  	[sflag:s28] =	ssyncset.done $0x0  }
0xca: {  	[sflag:s28] =	ssyncadd.s32 $0xFFFFEC00  }
0xcb: {  	[spmem:s26] =	stream.linear.scatter [tilespmem:s3], [sflag:$0xB], $0x1400, $0x38;
	[tilespmem:$0x1B300] =	vst v63  }
0xcc: {  	_ =	swait.ge [sflag:s28], $0x1400  }
0xcd: {  	s14 =	sld [smem:$0x7F7]  }
0xce: {  	[sflag:s28] =	ssyncset.done $0x0  }
0xcf: {  	[sflag:s28] =	ssyncadd.s32 $0xFFFFEC00  }
0xd0: {  	[spmem:s14] =	stream.linear.scatter [tilespmem:s3], [sflag:$0xB], $0x1400, $0x38;
	[tilespmem:$0x1B300] =	vst v63  }
0xd1: {  	_ =	swait.ge [sflag:s28], $0x1400  }
0xd2: {  	[sflag:s28] =	ssyncset.done $0x0  }
0xd3: {  	[sflag:s28] =	ssyncadd.s32 $0xFFFFEC00  }
0xd4: {  	[spmem:s31] =	stream.linear.scatter [tilespmem:s3], [sflag:$0xB], $0x1400, $0x38;
	[tilespmem:$0x1B300] =	vst v63  }
0xd5: {  	_ =	swait.ge [sflag:s28], $0x1400  }
0xd6: {  	s25 =	sld [smem:$0x7F8]  }
0xd7: {  	[sflag:s28] =	ssyncset.done $0x0  }
0xd8: {  	[sflag:s28] =	ssyncadd.s32 $0xFFFFEC00  }
0xd9: {  	[spmem:s25] =	stream.linear.scatter [tilespmem:s3], [sflag:$0xB], $0x1400, $0x38;
	[tilespmem:$0x1B300] =	vst v63  }
0xda: {  	_ =	swait.ge [sflag:s28], $0x1400  }
0xdb: {  	[sflag:s28] =	ssyncset.done $0x0  }
0xdc: {  	s26 =	rddreg [dreg:$0x1a];
	[sflag:s28] =	ssyncadd.s32 $0xFFFFEC00  }
0xdd: {  	[spmem:s26] =	stream.linear.scatter [tilespmem:s3], [sflag:$0xB], $0x1400, $0x38;
	[tilespmem:$0x1B300] =	vst v63  }
0xde: {  	_ =	swait.ge [sflag:s28], $0x1400  }
0xdf: {  	s6 =	sld [smem:$0x7F9]  }
0xe0: {  	[sflag:s28] =	ssyncset.done $0x0  }
0xe1: {  	[sflag:s28] =	ssyncadd.s32 $0xFFFFEC00  }
0xe2: {  	[spmem:s6] =	stream.linear.scatter [tilespmem:s3], [sflag:$0xB], $0x1400, $0x38;
	[tilespmem:$0x1B300] =	vst v63  }
0xe3: {  	_ =	swait.ge [sflag:s28], $0x1400  }
0xe4: {  	[sflag:s28] =	ssyncset.done $0x0  }
0xe5: {  	s11 =	rddreg [dreg:$0x1b];
	[sflag:s28] =	ssyncadd.s32 $0xFFFFEC00  }
0xe6: {  	[spmem:s11] =	stream.linear.scatter [tilespmem:s3], [sflag:$0xB], $0x1400, $0x38;
	[tilespmem:$0x1B300] =	vst v63  }
0xe7: {  	_ =	swait.ge [sflag:s28], $0x1400  }
0xe8: {  	s14 =	sld [smem:$0x7FA]  }
0xe9: {  	[sflag:s28] =	ssyncset.done $0x0  }
0xea: {  	[sflag:s28] =	ssyncadd.s32 $0xFFFFEC00  }
0xeb: {  	[spmem:s14] =	stream.linear.scatter [tilespmem:s3], [sflag:$0xB], $0x1400, $0x38;
	[tilespmem:$0x1B300] =	vst v63  }
0xec: {  	_ =	swait.ge [sflag:s28], $0x1400  }
0xed: {  	[sflag:s28] =	ssyncset.done $0x0  }
0xee: {  	[sflag:s28] =	ssyncadd.s32 $0xFFFFEC00  }
0xef: {  	[spmem:s7] =	stream.linear.scatter [tilespmem:s3], [sflag:$0xB], $0x1400, $0x38;
	[tilespmem:$0x1B300] =	vst v63  }
0xf0: {  	_ =	swait.ge [sflag:s28], $0x1400  }
0xf1: {  	s25 =	sld [smem:$0x7FB]  }
0xf2: {  	[sflag:s28] =	ssyncset.done $0x0  }
0xf3: {  	[sflag:s28] =	ssyncadd.s32 $0xFFFFEC00  }
0xf4: {  	[spmem:s25] =	stream.linear.scatter [tilespmem:s3], [sflag:$0xB], $0x1400, $0x38;
	[tilespmem:$0x1B300] =	vst v63  }
0xf5: {  	_ =	swait.ge [sflag:s28], $0x1400  }
0xf6: {  	[sflag:s28] =	ssyncset.done $0x0  }
0xf7: {  	s26 =	rddreg [dreg:$0x1d];
	[sflag:s28] =	ssyncadd.s32 $0xFFFFEC00  }
0xf8: {  	[spmem:s26] =	stream.linear.scatter [tilespmem:s3], [sflag:$0xB], $0x1400, $0x38;
	[tilespmem:$0x1B300] =	vst v63  }
0xf9: {  	_ =	swait.ge [sflag:s28], $0x1400  }
0xfa: {  	s6 =	sld [smem:$0x7FC]  }
0xfb: {  	[sflag:s28] =	ssyncset.done $0x0  }
0xfc: {  	[sflag:s28] =	ssyncadd.s32 $0xFFFFEC00  }
0xfd: {  	[spmem:s6] =	stream.linear.scatter [tilespmem:s3], [sflag:$0xB], $0x1400, $0x38;
	[tilespmem:$0x1B300] =	vst v63  }
0xfe: {  	_ =	swait.ge [sflag:s28], $0x1400  }
0xff: {  	[sflag:s28] =	ssyncset.done $0x0  }
0x100: {  	s7 =	rddreg [dreg:$0x1e];
	[sflag:s28] =	ssyncadd.s32 $0xFFFFEC00  }
0x101: {  	[spmem:s7] =	stream.linear.scatter [tilespmem:s3], [sflag:$0xB], $0x1400, $0x38;
	[tilespmem:$0x1B300] =	vst v63  }
0x102: {  	_ =	swait.ge [sflag:s28], $0x1400  }
0x103: {  	s11 =	sld [smem:$0x7FD]  }
0x104: {  	[sflag:s28] =	ssyncset.done $0x0  }
0x105: {  	[sflag:s28] =	ssyncadd.s32 $0xFFFFEC00  }
0x106: {  	[spmem:s11] =	stream.linear.scatter [tilespmem:s3], [sflag:$0xB], $0x1400, $0x38;
	[tilespmem:$0x1B300] =	vst v63  }
0x107: {  	_ =	swait.ge [sflag:s28], $0x1400  }
0x108: {  	[sflag:s28] =	ssyncset.done $0x0  }
0x109: {  	[sflag:s28] =	ssyncadd.s32 $0xFFFFEC00  }
0x10a: {  	[bflag:$0x0] =	sbarrier.arrive $0xFFFF  }
0x10b: {  	s14 =	rddreg [dreg:$0x11]  }
0x10c: {  	s25 =	rddreg [dreg:$0xb]  }
0x10d: {  	s3 =	rddreg [dreg:$0x12]  }
0x10e: {  	s7 =	rddreg [dreg:$0xc]  }
0x10f: {  	s6 =	simm.s32 $0x0;
	s31 =	sld [smem:$0x7F3]  }
0x110: {  	[tilespmem:s6], [sflag:$0x1] =	stream.linear.gather [hbm4b:s14+s6], $0x28, $0x38;
	[tilespmem:$0x1B300] =	vst v63  }
0x111: {  	s26 =	simm.s32 $0x280;
	s0 =	rddreg [dreg:$0x1f]  }
0x112: {  	[tilespmem:s26], [sflag:$0x1] =	stream.linear.gather [hbm4b:s25+s6], $0x280, $0x38;
	[tilespmem:$0x1B300] =	vst v63  }
0x113: {  	s14 =	rddreg [dreg:$0x13]  }
0x114: {  	[tilespmem:s16], [sflag:$0x2] =	stream.linear.gather [hbm4b:s3+s6], $0x28, $0x38;
	[tilespmem:$0x1B300] =	vst v63  }
0x115: {  	s11 =	simm.s32 $0x500;
	s25 =	rddreg [dreg:$0xd]  }
0x116: {  	[tilespmem:s11], [sflag:$0x2] =	stream.linear.gather [hbm4b:s7+s6], $0x280, $0x38;
	[tilespmem:$0x1B300] =	vst v63  }
0x117: {  	s3 =	rddreg [dreg:$0x14]  }
0x118: {  	[tilespmem:s12], [sflag:$0x3] =	stream.linear.gather [hbm4b:s14+s6], $0x28, $0x38;
	[tilespmem:$0x1B300] =	vst v63  }
0x119: {  	s26 =	simm.s32 $0x780;
	s7 =	rddreg [dreg:$0xe]  }
0x11a: {  	[tilespmem:s26], [sflag:$0x3] =	stream.linear.gather [hbm4b:s25+s6], $0x280, $0x38;
	[tilespmem:$0x1B300] =	vst v63  }
0x11b: {  	s14 =	rddreg [dreg:$0x15]  }
0x11c: {  	[tilespmem:s13], [sflag:$0x4] =	stream.linear.gather [hbm4b:s3+s6], $0x28, $0x38;
	[tilespmem:$0x1B300] =	vst v63  }
0x11d: {  	s11 =	simm.s32 $0xA00;
	s25 =	rddreg [dreg:$0xf]  }
0x11e: {  	[tilespmem:s11], [sflag:$0x4] =	stream.linear.gather [hbm4b:s7+s6], $0x280, $0x38;
	[tilespmem:$0x1B300] =	vst v63  }
0x11f: {  	s7 =	sld [smem:$0x7F5]  }
0x120: {  	[tilespmem:s15], [sflag:$0x5] =	stream.linear.gather [hbm4b:s14+s6], $0x28, $0x38;
	[tilespmem:$0x1B300] =	vst v63  }
0x121: {  	s26 =	simm.s32 $0xC80;
	s14 =	rddreg [dreg:$0x10]  }
0x122: {  	[tilespmem:s26], [sflag:$0x5] =	stream.linear.gather [hbm4b:s25+s6], $0x280, $0x38;
	[tilespmem:$0x1B300] =	vst v63  }
0x123: {  	s25 =	sld [smem:$0x7F4]  }
.LBB2_4:
0x124: {  	_ =	swait.ge [sflag:s23], $0x28  }
0x125: {  	[sflag:s23] =	ssyncset.done $0x0  }
0x126: {  	[sflag:s23] =	ssyncadd.s32 $0xFFFFFFD8  }
0x127: {  	_ =	swait.ge [sflag:s23], $0x280  }
0x128: {  	[sflag:s23] =	ssyncset.done $0x0  }
0x129: {  	[sflag:s23] =	ssyncadd.s32 $0xFFFFFD80  }
0x12a: {  	v1 =	vld [tilespmem:$0x280]  }
0x12b: {  	v2 =	vld [tilespmem:$0x290]  }
0x12c: {  	v3 =	vld [tilespmem:$0x2A0]  }
0x12d: {  	v4 =	vld [tilespmem:$0x2B0]  }
0x12e: {  	v5 =	vld [tilespmem:$0x2C0]  }
0x12f: {  	v42 =	vld [tilespmem:$0x300];
	[tilespmem:$0xF00] =	vst v1  }
0x130: {  	v43 =	vld [tilespmem:$0x310];
	[tilespmem:$0xF80] =	vst v2  }
0x131: {  	v1 =	vld [tilespmem:$0x2D0];
	[tilespmem:$0x1000] =	vst v3  }
0x132: {  	v2 =	vld [tilespmem:$0x2E0];
	[tilespmem:$0x1080] =	vst v4  }
0x133: {  	v3 =	vld [tilespmem:$0x2F0];
	[tilespmem:$0x1100] =	vst v5  }
0x134: {  	v44 =	vld [tilespmem:$0x350];
	[tilespmem:$0x1300] =	vst v42  }
0x135: {  	v45 =	vld [tilespmem:$0x360];
	[tilespmem:$0x1380] =	vst v43  }
0x136: {  	[tilespmem:$0x1180] =	vst v1;
	v1 =	vld [tilespmem:$0x320]  }
0x137: {  	[tilespmem:$0x1200] =	vst v2;
	v2 =	vld [tilespmem:$0x330]  }
0x138: {  	[tilespmem:$0x1280] =	vst v3;
	v3 =	vld [tilespmem:$0x340]  }
0x139: {  	v46 =	vld [tilespmem:$0x3A0];
	[tilespmem:$0x1580] =	vst v44  }
0x13a: {  	v47 =	vld [tilespmem:$0x3B0];
	[tilespmem:$0x1600] =	vst v45  }
0x13b: {  	[tilespmem:$0x1400] =	vst v1;
	v1 =	vld [tilespmem:$0x370]  }
0x13c: {  	[tilespmem:$0x1480] =	vst v2;
	v2 =	vld [tilespmem:$0x380]  }
0x13d: {  	[tilespmem:$0x1500] =	vst v3;
	v3 =	vld [tilespmem:$0x390]  }
0x13e: {  	v48 =	vld [tilespmem:$0x3F0];
	[tilespmem:$0x1800] =	vst v46  }
0x13f: {  	v49 =	vld [tilespmem:$0x400];
	[tilespmem:$0x1880] =	vst v47  }
0x140: {  	[tilespmem:$0x1680] =	vst v1;
	v1 =	vld [tilespmem:$0x3C0]  }
0x141: {  	[tilespmem:$0x1700] =	vst v2;
	v2 =	vld [tilespmem:$0x3D0]  }
0x142: {  	[tilespmem:$0x1780] =	vst v3;
	v3 =	vld [tilespmem:$0x3E0]  }
0x143: {  	v50 =	vld [tilespmem:$0x440];
	[tilespmem:$0x1A80] =	vst v48  }
0x144: {  	v51 =	vld [tilespmem:$0x450];
	[tilespmem:$0x1B00] =	vst v49  }
0x145: {  	[tilespmem:$0x1900] =	vst v1;
	v1 =	vld [tilespmem:$0x410]  }
0x146: {  	[tilespmem:$0x1980] =	vst v2;
	v2 =	vld [tilespmem:$0x420]  }
0x147: {  	[tilespmem:$0x1A00] =	vst v3;
	v3 =	vld [tilespmem:$0x430]  }
0x148: {  	v52 =	vld [tilespmem:$0x490];
	[tilespmem:$0x1D00] =	vst v50  }
0x149: {  	v53 =	vld [tilespmem:$0x4A0];
	[tilespmem:$0x1D80] =	vst v51  }
0x14a: {  	[tilespmem:$0x1B80] =	vst v1;
	v1 =	vld [tilespmem:$0x460]  }
0x14b: {  	[tilespmem:$0x1C00] =	vst v2;
	v2 =	vld [tilespmem:$0x470]  }
0x14c: {  	[tilespmem:$0x1C80] =	vst v3;
	v3 =	vld [tilespmem:$0x480]  }
0x14d: {  	v54 =	vld [tilespmem:$0x4E0];
	[tilespmem:$0x1F80] =	vst v52  }
0x14e: {  	v55 =	vld [tilespmem:$0x4F0];
	[tilespmem:$0x2000] =	vst v53  }
0x14f: {  	[tilespmem:$0x1E00] =	vst v1;
	v1 =	vld [tilespmem:$0x4B0]  }
0x150: {  	[tilespmem:$0x1E80] =	vst v2;
	v2 =	vld [tilespmem:$0x4C0]  }
0x151: {  	[tilespmem:$0x1F00] =	vst v3;
	v3 =	vld [tilespmem:$0x4D0]  }
0x152: {  	[tilespmem:$0x2200] =	vst v54  }
0x153: {  	[tilespmem:$0x2280] =	vst v55  }
0x154: {  	[tilespmem:$0x2080] =	vst v1  }
0x155: {  	[tilespmem:$0x2100] =	vst v2  }
0x156: {  	s3 =	simm.s32 $0xF00;
	[tilespmem:$0x2180] =	vst v3  }
0x157: {  	[spmem:s22] =	stream.indirect.scatter.add.f32 [tilespmem:s3], [sflag:$0x6], $0x80, s1, s8, $0xb8;
	[tilespmem:$0x1B300] =	vst v63  }
0x158: {  	_ =	swait.ge [sflag:s24], $0x28  }
0x159: {  	[sflag:s24] =	ssyncset.done $0x0  }
0x15a: {  	[sflag:s24] =	ssyncadd.s32 $0xFFFFFFD8  }
0x15b: {  	_ =	swait.ge [sflag:s24], $0x280  }
0x15c: {  	[sflag:s24] =	ssyncset.done $0x0  }
0x15d: {  	[sflag:s24] =	ssyncadd.s32 $0xFFFFFD80  }
0x15e: {  	v1 =	vld [tilespmem:$0x500]  }
0x15f: {  	v2 =	vld [tilespmem:$0x510]  }
0x160: {  	v3 =	vld [tilespmem:$0x520]  }
0x161: {  	v56 =	vld [tilespmem:$0x530]  }
0x162: {  	v57 =	vld [tilespmem:$0x540]  }
0x163: {  	v58 =	vld [tilespmem:$0x580];
	[tilespmem:$0x2300] =	vst v1  }
0x164: {  	v59 =	vld [tilespmem:$0x590];
	[tilespmem:$0x2380] =	vst v2  }
0x165: {  	v1 =	vld [tilespmem:$0x550];
	[tilespmem:$0x2400] =	vst v3  }
0x166: {  	v2 =	vld [tilespmem:$0x560];
	[tilespmem:$0x2480] =	vst v56  }
0x167: {  	v3 =	vld [tilespmem:$0x570];
	[tilespmem:$0x2500] =	vst v57  }
0x168: {  	v60 =	vld [tilespmem:$0x5D0];
	[tilespmem:$0x2700] =	vst v58  }
0x169: {  	v61 =	vld [tilespmem:$0x5E0];
	[tilespmem:$0x2780] =	vst v59  }
0x16a: {  	[tilespmem:$0x2580] =	vst v1;
	v1 =	vld [tilespmem:$0x5A0]  }
0x16b: {  	[tilespmem:$0x2600] =	vst v2;
	v2 =	vld [tilespmem:$0x5B0]  }
0x16c: {  	[tilespmem:$0x2680] =	vst v3;
	v3 =	vld [tilespmem:$0x5C0]  }
0x16d: {  	v62 =	vld [tilespmem:$0x620];
	[tilespmem:$0x2980] =	vst v60  }
0x16e: {  	v63 =	vld [tilespmem:$0x630];
	[tilespmem:$0x2A00] =	vst v61  }
0x16f: {  	[tilespmem:$0x2800] =	vst v1;
	v1 =	vld [tilespmem:$0x5F0]  }
0x170: {  	[tilespmem:$0x2880] =	vst v2;
	v2 =	vld [tilespmem:$0x600]  }
0x171: {  	[tilespmem:$0x2900] =	vst v3;
	v3 =	vld [tilespmem:$0x610]  }
0x172: {  	v8 =	vld [tilespmem:$0x670];
	[tilespmem:$0x2C00] =	vst v62  }
0x173: {  	v9 =	vld [tilespmem:$0x680];
	[tilespmem:$0x2C80] =	vst v63  }
0x174: {  	[tilespmem:$0x2A80] =	vst v1;
	v1 =	vld [tilespmem:$0x640]  }
0x175: {  	[tilespmem:$0x2B00] =	vst v2;
	v2 =	vld [tilespmem:$0x650]  }
0x176: {  	[tilespmem:$0x2B80] =	vst v3;
	v3 =	vld [tilespmem:$0x660]  }
0x177: {  	v10 =	vld [tilespmem:$0x6C0];
	[tilespmem:$0x2E80] =	vst v8  }
0x178: {  	v11 =	vld [tilespmem:$0x6D0];
	[tilespmem:$0x2F00] =	vst v9  }
0x179: {  	[tilespmem:$0x2D00] =	vst v1;
	v1 =	vld [tilespmem:$0x690]  }
0x17a: {  	[tilespmem:$0x2D80] =	vst v2;
	v2 =	vld [tilespmem:$0x6A0]  }
0x17b: {  	[tilespmem:$0x2E00] =	vst v3;
	v3 =	vld [tilespmem:$0x6B0]  }
0x17c: {  	v12 =	vld [tilespmem:$0x710];
	[tilespmem:$0x3100] =	vst v10  }
0x17d: {  	v13 =	vld [tilespmem:$0x720];
	[tilespmem:$0x3180] =	vst v11  }
0x17e: {  	[tilespmem:$0x2F80] =	vst v1;
	v1 =	vld [tilespmem:$0x6E0]  }
0x17f: {  	[tilespmem:$0x3000] =	vst v2;
	v2 =	vld [tilespmem:$0x6F0]  }
0x180: {  	[tilespmem:$0x3080] =	vst v3;
	v3 =	vld [tilespmem:$0x700]  }
0x181: {  	v14 =	vld [tilespmem:$0x760];
	[tilespmem:$0x3380] =	vst v12  }
0x182: {  	v15 =	vld [tilespmem:$0x770];
	[tilespmem:$0x3400] =	vst v13  }
0x183: {  	[tilespmem:$0x3200] =	vst v1;
	v1 =	vld [tilespmem:$0x730]  }
0x184: {  	[tilespmem:$0x3280] =	vst v2;
	v2 =	vld [tilespmem:$0x740]  }
0x185: {  	[tilespmem:$0x3300] =	vst v3;
	v3 =	vld [tilespmem:$0x750]  }
0x186: {  	[tilespmem:$0x3600] =	vst v14  }
0x187: {  	[tilespmem:$0x3680] =	vst v15  }
0x188: {  	[tilespmem:$0x3480] =	vst v1  }
0x189: {  	[tilespmem:$0x3500] =	vst v2  }
0x18a: {  	s11 =	simm.s32 $0x2300;
	[tilespmem:$0x3580] =	vst v3  }
0x18b: {  	[spmem:s22] =	stream.indirect.scatter.add.f32 [tilespmem:s11], [sflag:$0x7], $0x80, s16, s8, $0xb8;
	[tilespmem:$0x1B300] =	vst v63  }
0x18c: {  	_ =	swait.ge [sflag:s9], $0x28  }
0x18d: {  	[sflag:s9] =	ssyncset.done $0x0  }
0x18e: {  	[sflag:s9] =	ssyncadd.s32 $0xFFFFFFD8  }
0x18f: {  	_ =	swait.ge [sflag:s9], $0x280  }
0x190: {  	[sflag:s9] =	ssyncset.done $0x0  }
0x191: {  	[sflag:s9] =	ssyncadd.s32 $0xFFFFFD80  }
0x192: {  	v1 =	vld [tilespmem:$0x780]  }
0x193: {  	v2 =	vld [tilespmem:$0x790]  }
0x194: {  	v3 =	vld [tilespmem:$0x7A0]  }
0x195: {  	v16 =	vld [tilespmem:$0x7B0]  }
0x196: {  	v17 =	vld [tilespmem:$0x7C0]  }
0x197: {  	v18 =	vld [tilespmem:$0x800];
	[tilespmem:$0x3700] =	vst v1  }
0x198: {  	v19 =	vld [tilespmem:$0x810];
	[tilespmem:$0x3780] =	vst v2  }
0x199: {  	v1 =	vld [tilespmem:$0x7D0];
	[tilespmem:$0x3800] =	vst v3  }
0x19a: {  	v2 =	vld [tilespmem:$0x7E0];
	[tilespmem:$0x3880] =	vst v16  }
0x19b: {  	v3 =	vld [tilespmem:$0x7F0];
	[tilespmem:$0x3900] =	vst v17  }
0x19c: {  	v20 =	vld [tilespmem:$0x850];
	[tilespmem:$0x3B00] =	vst v18  }
0x19d: {  	v21 =	vld [tilespmem:$0x860];
	[tilespmem:$0x3B80] =	vst v19  }
0x19e: {  	[tilespmem:$0x3980] =	vst v1;
	v1 =	vld [tilespmem:$0x820]  }
0x19f: {  	[tilespmem:$0x3A00] =	vst v2;
	v2 =	vld [tilespmem:$0x830]  }
0x1a0: {  	[tilespmem:$0x3A80] =	vst v3;
	v3 =	vld [tilespmem:$0x840]  }
0x1a1: {  	v22 =	vld [tilespmem:$0x8A0];
	[tilespmem:$0x3D80] =	vst v20  }
0x1a2: {  	v23 =	vld [tilespmem:$0x8B0];
	[tilespmem:$0x3E00] =	vst v21  }
0x1a3: {  	[tilespmem:$0x3C00] =	vst v1;
	v1 =	vld [tilespmem:$0x870]  }
0x1a4: {  	[tilespmem:$0x3C80] =	vst v2;
	v2 =	vld [tilespmem:$0x880]  }
0x1a5: {  	[tilespmem:$0x3D00] =	vst v3;
	v3 =	vld [tilespmem:$0x890]  }
0x1a6: {  	v24 =	vld [tilespmem:$0x8F0];
	[tilespmem:$0x4000] =	vst v22  }
0x1a7: {  	v25 =	vld [tilespmem:$0x900];
	[tilespmem:$0x4080] =	vst v23  }
0x1a8: {  	[tilespmem:$0x3E80] =	vst v1;
	v1 =	vld [tilespmem:$0x8C0]  }
0x1a9: {  	[tilespmem:$0x3F00] =	vst v2;
	v2 =	vld [tilespmem:$0x8D0]  }
0x1aa: {  	[tilespmem:$0x3F80] =	vst v3;
	v3 =	vld [tilespmem:$0x8E0]  }
0x1ab: {  	v26 =	vld [tilespmem:$0x940];
	[tilespmem:$0x4280] =	vst v24  }
0x1ac: {  	v27 =	vld [tilespmem:$0x950];
	[tilespmem:$0x4300] =	vst v25  }
0x1ad: {  	[tilespmem:$0x4100] =	vst v1;
	v1 =	vld [tilespmem:$0x910]  }
0x1ae: {  	[tilespmem:$0x4180] =	vst v2;
	v2 =	vld [tilespmem:$0x920]  }
0x1af: {  	[tilespmem:$0x4200] =	vst v3;
	v3 =	vld [tilespmem:$0x930]  }
0x1b0: {  	v28 =	vld [tilespmem:$0x990];
	[tilespmem:$0x4500] =	vst v26  }
0x1b1: {  	v29 =	vld [tilespmem:$0x9A0];
	[tilespmem:$0x4580] =	vst v27  }
0x1b2: {  	[tilespmem:$0x4380] =	vst v1;
	v1 =	vld [tilespmem:$0x960]  }
0x1b3: {  	[tilespmem:$0x4400] =	vst v2;
	v2 =	vld [tilespmem:$0x970]  }
0x1b4: {  	[tilespmem:$0x4480] =	vst v3;
	v3 =	vld [tilespmem:$0x980]  }
0x1b5: {  	v30 =	vld [tilespmem:$0x9E0];
	[tilespmem:$0x4780] =	vst v28  }
0x1b6: {  	v31 =	vld [tilespmem:$0x9F0];
	[tilespmem:$0x4800] =	vst v29  }
0x1b7: {  	[tilespmem:$0x4600] =	vst v1;
	v1 =	vld [tilespmem:$0x9B0]  }
0x1b8: {  	[tilespmem:$0x4680] =	vst v2;
	v2 =	vld [tilespmem:$0x9C0]  }
0x1b9: {  	[tilespmem:$0x4700] =	vst v3;
	v3 =	vld [tilespmem:$0x9D0]  }
0x1ba: {  	[tilespmem:$0x4A00] =	vst v30  }
0x1bb: {  	[tilespmem:$0x4A80] =	vst v31  }
0x1bc: {  	[tilespmem:$0x4880] =	vst v1  }
0x1bd: {  	[tilespmem:$0x4900] =	vst v2  }
0x1be: {  	s26 =	simm.s32 $0x3700;
	[tilespmem:$0x4980] =	vst v3  }
0x1bf: {  	[spmem:s22] =	stream.indirect.scatter.add.f32 [tilespmem:s26], [sflag:$0x8], $0x80, s12, s8, $0xb8;
	[tilespmem:$0x1B300] =	vst v63  }
0x1c0: {  	_ =	swait.ge [sflag:s19], $0x28  }
0x1c1: {  	[sflag:s19] =	ssyncset.done $0x0  }
0x1c2: {  	[sflag:s19] =	ssyncadd.s32 $0xFFFFFFD8  }
0x1c3: {  	_ =	swait.ge [sflag:s19], $0x280  }
0x1c4: {  	[sflag:s19] =	ssyncset.done $0x0  }
0x1c5: {  	[sflag:s19] =	ssyncadd.s32 $0xFFFFFD80  }
0x1c6: {  	v1 =	vld [tilespmem:$0xA00]  }
0x1c7: {  	v2 =	vld [tilespmem:$0xA10]  }
0x1c8: {  	v3 =	vld [tilespmem:$0xA20]  }
0x1c9: {  	v32 =	vld [tilespmem:$0xA30]  }
0x1ca: {  	v33 =	vld [tilespmem:$0xA40]  }
0x1cb: {  	v34 =	vld [tilespmem:$0xA80];
	[tilespmem:$0x4B00] =	vst v1  }
0x1cc: {  	v35 =	vld [tilespmem:$0xA90];
	[tilespmem:$0x4B80] =	vst v2  }
0x1cd: {  	v1 =	vld [tilespmem:$0xA50];
	[tilespmem:$0x4C00] =	vst v3  }
0x1ce: {  	v2 =	vld [tilespmem:$0xA60];
	[tilespmem:$0x4C80] =	vst v32  }
0x1cf: {  	v3 =	vld [tilespmem:$0xA70];
	[tilespmem:$0x4D00] =	vst v33  }
0x1d0: {  	v36 =	vld [tilespmem:$0xAD0];
	[tilespmem:$0x4F00] =	vst v34  }
0x1d1: {  	v37 =	vld [tilespmem:$0xAE0];
	[tilespmem:$0x4F80] =	vst v35  }
0x1d2: {  	[tilespmem:$0x4D80] =	vst v1;
	v1 =	vld [tilespmem:$0xAA0]  }
0x1d3: {  	[tilespmem:$0x4E00] =	vst v2;
	v2 =	vld [tilespmem:$0xAB0]  }
0x1d4: {  	[tilespmem:$0x4E80] =	vst v3;
	v3 =	vld [tilespmem:$0xAC0]  }
0x1d5: {  	v38 =	vld [tilespmem:$0xB20];
	[tilespmem:$0x5180] =	vst v36  }
0x1d6: {  	v39 =	vld [tilespmem:$0xB30];
	[tilespmem:$0x5200] =	vst v37  }
0x1d7: {  	[tilespmem:$0x5000] =	vst v1;
	v1 =	vld [tilespmem:$0xAF0]  }
0x1d8: {  	[tilespmem:$0x5080] =	vst v2;
	v2 =	vld [tilespmem:$0xB00]  }
0x1d9: {  	[tilespmem:$0x5100] =	vst v3;
	v3 =	vld [tilespmem:$0xB10]  }
0x1da: {  	v40 =	vld [tilespmem:$0xB70];
	[tilespmem:$0x5400] =	vst v38  }
0x1db: {  	v41 =	vld [tilespmem:$0xB80];
	[tilespmem:$0x5480] =	vst v39  }
0x1dc: {  	[tilespmem:$0x5280] =	vst v1;
	v1 =	vld [tilespmem:$0xB40]  }
0x1dd: {  	[tilespmem:$0x5300] =	vst v2;
	v2 =	vld [tilespmem:$0xB50]  }
0x1de: {  	[tilespmem:$0x5380] =	vst v3;
	v3 =	vld [tilespmem:$0xB60]  }
0x1df: {  	v42 =	vld [tilespmem:$0xBC0];
	[tilespmem:$0x5680] =	vst v40  }
0x1e0: {  	v43 =	vld [tilespmem:$0xBD0];
	[tilespmem:$0x5700] =	vst v41  }
0x1e1: {  	[tilespmem:$0x5500] =	vst v1;
	v1 =	vld [tilespmem:$0xB90]  }
0x1e2: {  	[tilespmem:$0x5580] =	vst v2;
	v2 =	vld [tilespmem:$0xBA0]  }
0x1e3: {  	[tilespmem:$0x5600] =	vst v3;
	v3 =	vld [tilespmem:$0xBB0]  }
0x1e4: {  	v44 =	vld [tilespmem:$0xC10];
	[tilespmem:$0x5900] =	vst v42  }
0x1e5: {  	v45 =	vld [tilespmem:$0xC20];
	[tilespmem:$0x5980] =	vst v43  }
0x1e6: {  	[tilespmem:$0x5780] =	vst v1;
	v1 =	vld [tilespmem:$0xBE0]  }
0x1e7: {  	[tilespmem:$0x5800] =	vst v2;
	v2 =	vld [tilespmem:$0xBF0]  }
0x1e8: {  	[tilespmem:$0x5880] =	vst v3;
	v3 =	vld [tilespmem:$0xC00]  }
0x1e9: {  	v46 =	vld [tilespmem:$0xC60];
	[tilespmem:$0x5B80] =	vst v44  }
0x1ea: {  	v47 =	vld [tilespmem:$0xC70];
	[tilespmem:$0x5C00] =	vst v45  }
0x1eb: {  	[tilespmem:$0x5A00] =	vst v1;
	v1 =	vld [tilespmem:$0xC30]  }
0x1ec: {  	[tilespmem:$0x5A80] =	vst v2;
	v2 =	vld [tilespmem:$0xC40]  }
0x1ed: {  	[tilespmem:$0x5B00] =	vst v3;
	v3 =	vld [tilespmem:$0xC50]  }
0x1ee: {  	[tilespmem:$0x5E00] =	vst v46  }
0x1ef: {  	[tilespmem:$0x5E80] =	vst v47  }
0x1f0: {  	[tilespmem:$0x5C80] =	vst v1  }
0x1f1: {  	[tilespmem:$0x5D00] =	vst v2  }
0x1f2: {  	s11 =	simm.s32 $0x4B00;
	[tilespmem:$0x5D80] =	vst v3  }
0x1f3: {  	[spmem:s22] =	stream.indirect.scatter.add.f32 [tilespmem:s11], [sflag:$0x9], $0x80, s13, s8, $0xb8;
	[tilespmem:$0x1B300] =	vst v63  }
0x1f4: {  	_ =	swait.ge [sflag:s2], $0x28  }
0x1f5: {  	[sflag:s2] =	ssyncset.done $0x0  }
0x1f6: {  	[sflag:s2] =	ssyncadd.s32 $0xFFFFFFD8  }
0x1f7: {  	_ =	swait.ge [sflag:s2], $0x280  }
0x1f8: {  	[sflag:s2] =	ssyncset.done $0x0  }
0x1f9: {  	[sflag:s2] =	ssyncadd.s32 $0xFFFFFD80  }
0x1fa: {  	v1 =	vld [tilespmem:$0xC80]  }
0x1fb: {  	v2 =	vld [tilespmem:$0xC90]  }
0x1fc: {  	v3 =	vld [tilespmem:$0xCA0]  }
0x1fd: {  	v48 =	vld [tilespmem:$0xCB0]  }
0x1fe: {  	v49 =	vld [tilespmem:$0xCC0]  }
0x1ff: {  	v50 =	vld [tilespmem:$0xD00];
	[tilespmem:$0x5F00] =	vst v1  }
0x200: {  	v51 =	vld [tilespmem:$0xD10];
	[tilespmem:$0x5F80] =	vst v2  }
0x201: {  	v1 =	vld [tilespmem:$0xCD0];
	[tilespmem:$0x6000] =	vst v3  }
0x202: {  	v2 =	vld [tilespmem:$0xCE0];
	[tilespmem:$0x6080] =	vst v48  }
0x203: {  	v3 =	vld [tilespmem:$0xCF0];
	[tilespmem:$0x6100] =	vst v49  }
0x204: {  	v52 =	vld [tilespmem:$0xD50];
	[tilespmem:$0x6300] =	vst v50  }
0x205: {  	v53 =	vld [tilespmem:$0xD60];
	[tilespmem:$0x6380] =	vst v51  }
0x206: {  	[tilespmem:$0x6180] =	vst v1;
	v1 =	vld [tilespmem:$0xD20]  }
0x207: {  	[tilespmem:$0x6200] =	vst v2;
	v2 =	vld [tilespmem:$0xD30]  }
0x208: {  	[tilespmem:$0x6280] =	vst v3;
	v3 =	vld [tilespmem:$0xD40]  }
0x209: {  	v54 =	vld [tilespmem:$0xDA0];
	[tilespmem:$0x6580] =	vst v52  }
0x20a: {  	v55 =	vld [tilespmem:$0xDB0];
	[tilespmem:$0x6600] =	vst v53  }
0x20b: {  	[tilespmem:$0x6400] =	vst v1;
	v1 =	vld [tilespmem:$0xD70]  }
0x20c: {  	[tilespmem:$0x6480] =	vst v2;
	v2 =	vld [tilespmem:$0xD80]  }
0x20d: {  	[tilespmem:$0x6500] =	vst v3;
	v3 =	vld [tilespmem:$0xD90]  }
0x20e: {  	v56 =	vld [tilespmem:$0xDF0];
	[tilespmem:$0x6800] =	vst v54  }
0x20f: {  	v57 =	vld [tilespmem:$0xE00];
	[tilespmem:$0x6880] =	vst v55  }
0x210: {  	[tilespmem:$0x6680] =	vst v1;
	v1 =	vld [tilespmem:$0xDC0]  }
0x211: {  	[tilespmem:$0x6700] =	vst v2;
	v2 =	vld [tilespmem:$0xDD0]  }
0x212: {  	[tilespmem:$0x6780] =	vst v3;
	v3 =	vld [tilespmem:$0xDE0]  }
0x213: {  	v58 =	vld [tilespmem:$0xE40];
	[tilespmem:$0x6A80] =	vst v56  }
0x214: {  	v59 =	vld [tilespmem:$0xE50];
	[tilespmem:$0x6B00] =	vst v57  }
0x215: {  	[tilespmem:$0x6900] =	vst v1;
	v1 =	vld [tilespmem:$0xE10]  }
0x216: {  	[tilespmem:$0x6980] =	vst v2;
	v2 =	vld [tilespmem:$0xE20]  }
0x217: {  	[tilespmem:$0x6A00] =	vst v3;
	v3 =	vld [tilespmem:$0xE30]  }
0x218: {  	v60 =	vld [tilespmem:$0xE90];
	[tilespmem:$0x6D00] =	vst v58  }
0x219: {  	v61 =	vld [tilespmem:$0xEA0];
	[tilespmem:$0x6D80] =	vst v59  }
0x21a: {  	[tilespmem:$0x6B80] =	vst v1;
	v1 =	vld [tilespmem:$0xE60]  }
0x21b: {  	[tilespmem:$0x6C00] =	vst v2;
	v2 =	vld [tilespmem:$0xE70]  }
0x21c: {  	[tilespmem:$0x6C80] =	vst v3;
	v3 =	vld [tilespmem:$0xE80]  }
0x21d: {  	v62 =	vld [tilespmem:$0xEE0];
	[tilespmem:$0x6F80] =	vst v60  }
0x21e: {  	v63 =	vld [tilespmem:$0xEF0];
	[tilespmem:$0x7000] =	vst v61  }
0x21f: {  	[tilespmem:$0x6E00] =	vst v1;
	v1 =	vld [tilespmem:$0xEB0]  }
0x220: {  	[tilespmem:$0x6E80] =	vst v2;
	v2 =	vld [tilespmem:$0xEC0]  }
0x221: {  	[tilespmem:$0x6F00] =	vst v3;
	v3 =	vld [tilespmem:$0xED0]  }
0x222: {  	[tilespmem:$0x7200] =	vst v62  }
0x223: {  	[tilespmem:$0x7280] =	vst v63  }
0x224: {  	[tilespmem:$0x7080] =	vst v1  }
0x225: {  	p0 =	seq.s32 s6, $0x4C90;
	[tilespmem:$0x7100] =	vst v2  }
.Ltmp3:
0x226: {  	s26 =	simm.s32 $0x5F00;
	[tilespmem:$0x7180] =	vst v3;
	(pc) =	sbr.rel @p0 .LBB2_6-.Ltmp3, $4  }
0x227: {  	[spmem:s22] =	stream.indirect.scatter.add.f32 [tilespmem:s26], [sflag:$0xA], $0x80, s15, s8, $0xb8;
	[tilespmem:$0x1B300] =	vst v63  }
0x228: {  	_ =	swait.ge [sflag:s4], $0x1400  }
0x229: {  	[sflag:s4] =	ssyncset.done $0x0  }
0x22a: {  	[sflag:s4] =	ssyncadd.s32 $0xFFFFEC00  }
0x22b: {  	s3 =	sshrl.u32 s14, $0x3  }
0x22c: {  	s3 =	sadd.s32 s21, s3  }
0x22d: {  	[tilespmem:s1], [sflag:$0x1] =	stream.linear.gather [hbm4b:s3+s1], $0x28, $0x38;
	[tilespmem:$0x1B300] =	vst v63  }
0x22e: {  	s11 =	sadd.s32 s6, s20;
	s26 =	simm.s32 $0x280  }
0x22f: {  	[tilespmem:s26], [sflag:$0x1] =	stream.linear.gather [hbm4b:s11+s1], $0x280, $0x38;
	[tilespmem:$0x1B300] =	vst v63  }
0x230: {  	_ =	swait.ge [sflag:s5], $0x1400  }
0x231: {  	[sflag:s5] =	ssyncset.done $0x0;
	s11 =	sld [smem:$0x7F2]  }
0x232: {  	[sflag:s5] =	ssyncadd.s32 $0xFFFFEC00  }
0x233: {  	[tilespmem:s16], [sflag:$0x2] =	stream.linear.gather [hbm4b:s7+s1], $0x28, $0x38;
	[tilespmem:$0x1B300] =	vst v63  }
0x234: {  	s3 =	sadd.s32 s6, s11  }
0x235: {  	s11 =	simm.s32 $0x500;
	s26 =	sadd.s32 $0x1E0, s3  }
0x236: {  	[tilespmem:s11], [sflag:$0x2] =	stream.linear.gather [hbm4b:s26+s1], $0x280, $0x38;
	[tilespmem:$0x1B300] =	vst v63  }
0x237: {  	_ =	swait.ge [sflag:s30], $0x1400  }
0x238: {  	[sflag:s30] =	ssyncset.done $0x0  }
0x239: {  	[sflag:s30] =	ssyncadd.s32 $0xFFFFEC00  }
0x23a: {  	[tilespmem:s12], [sflag:$0x3] =	stream.linear.gather [hbm4b:s25+s1], $0x28, $0x38;
	[tilespmem:$0x1B300] =	vst v63  }
0x23b: {  	s26 =	sadd.s32 s6, s18;
	s11 =	simm.s32 $0x780  }
0x23c: {  	[tilespmem:s11], [sflag:$0x3] =	stream.linear.gather [hbm4b:s26+s1], $0x280, $0x38;
	[tilespmem:$0x1B300] =	vst v63  }
0x23d: {  	_ =	swait.ge [sflag:s29], $0x1400  }
0x23e: {  	[sflag:s29] =	ssyncset.done $0x0  }
0x23f: {  	[sflag:s29] =	ssyncadd.s32 $0xFFFFEC00  }
0x240: {  	[tilespmem:s13], [sflag:$0x4] =	stream.linear.gather [hbm4b:s31+s1], $0x28, $0x38;
	[tilespmem:$0x1B300] =	vst v63  }
0x241: {  	s3 =	sadd.s32 $0x280, s3;
	s26 =	simm.s32 $0xA00  }
0x242: {  	[tilespmem:s26], [sflag:$0x4] =	stream.linear.gather [hbm4b:s3+s1], $0x280, $0x38;
	[tilespmem:$0x1B300] =	vst v63  }
0x243: {  	s14 =	sadd.s32 $0xC8, s14;
	s7 =	sadd.s32 $0x19, s7;
	_ =	swait.ge [sflag:s10], $0x1400  }
.Ltmp4:
0x244: {  	s25 =	sadd.s32 $0x19, s25;
	[sflag:s10] =	ssyncset.done $0x0;
	(pc) =	sbr.rel .LBB2_4-.Ltmp4, $4  }
0x245: {  	s11 =	sadd.s32 s6, s17;
	s6 =	sadd.s32 $0x190, s6;
	[sflag:s10] =	ssyncadd.s32 $0xFFFFEC00  }
0x246: {  	[tilespmem:s15], [sflag:$0x5] =	stream.linear.gather [hbm4b:s0+s1], $0x28, $0x38;
	[tilespmem:$0x1B300] =	vst v63  }
0x247: {  	s31 =	sadd.s32 $0x19, s31;
	s26 =	simm.s32 $0xC80;
	s0 =	sadd.s32 $0x19, s0  }
0x248: {  	[tilespmem:s26], [sflag:$0x5] =	stream.linear.gather [hbm4b:s11+s1], $0x280, $0x38;
	[tilespmem:$0x1B300] =	vst v63  }
.LBB2_7:
0x249: {  	_ =	sfence.sel $0x180000  }
0x24a: {  	[bflag:$0x0] =	sbarrier.arrive $0xFFFF  }
0x24b: {  	_ =	strace $0x9000004A  }
0x24c: {  	s0 =	stileid.u32;
	[bflag:$0x2] =	sbarrier.arrive $0xFFFF  }
0x24d: {  	p0 =	sne.s32 s0, $0x0;
	s0 =	rddreg [dreg:$0x2]  }
0x24e: {  	s0 =	sadd.s32 @!p0 $0x100000, s0  }
0x24f: {  	[sflag:s0] =	ssyncadd.tile.s32 @!p0 $0x1;
	_ =	shalt  }
.Lfunc_end2:
_tile_overlayer_lowered:
.L_overlay_start_2:
0x250: {  	(tag) =	ssettag $0x2  }
0x251: {  	s0 =	rddreg [dreg:$0x0];
	s2 =	stileid.u32  }
0x252: {  	s1 =	rddreg [dreg:$0x1];
	p0 =	sne.s32 s2, $0x0  }
0x253: {  	s3 =	rddreg [dreg:$0x2];
	[bflag:$0x3] =	sbarrier.arrive $0xFFFF;
	s2 =	simm.s32 @!p0 $0x1C0B  }
0x254: {  	[timem:s3], [sflag:s2] =	dma.local @!p0 [hbm:s0], s1  }
0x255: {  	s0 =	simm.s32 @!p0 $0xB  }
0x256: {  	_ =	swait.ge @!p0 [sflag:s0], s1  }
0x257: {  	s1 =	ssub.s32 @!p0 $0x0, s1;
	[sflag:s0] =	ssyncset.done @!p0 $0x0  }
0x258: {  	[sflag:s0] =	ssyncadd.s32 @!p0 s1  }
0x259: {  	[bflag:$0x3] =	sbarrier.arrive $0xFFFF  }
0x25a: {  	_ =	shalt  }

// kernel: kernel.8.cloned.1.call-start
scs
__scs_entry_jumppad:
0x0: {  	(pc) =	sbr.rel $0x88, $3  }
0x1: {  	(tag) =	ssettag $0x0;
	lr =	simm.s32 $0x1  }
0x2: {  	[smem:$0x3F8F] =	sst lr;
	_ =	strace $0xD0000000  }
0x3: {  	_ = 	snop  }
0x4: {  	_ = 	snop  }
0x5: {  	_ = 	snop  }
0x6: {  	_ = 	snop  }
0x7: {  	_ = 	snop  }
__scs_overlays_trampoline_lowered:
0x8: {  	[smem:$0x3F9E] =	sst s0  }
0x9: {  	[smem:$0x3F9F] =	sst s1  }
0xa: {  	[smem:$0x3FA0] =	sst s2  }
0xb: {  	[smem:$0x3FA1] =	sst s3  }
0xc: {  	[smem:$0x3FA2] =	sst s4  }
0xd: {  	[smem:$0x3FA3] =	sst s5  }
0xe: {  	[smem:$0x3FA4] =	sst s6  }
0xf: {  	[smem:$0x3FA5] =	sst s7  }
0x10: {  	[smem:$0x3FA6] =	sst s8  }
0x11: {  	[smem:$0x3FA7] =	sst s9;
	s0 =	simm.s32 @!p0 $0x0  }
0x12: {  	s1 =	sld [smem:$0x3F8D];
	s0 =	simm.s32 @p0 $0x1  }
0x13: {  	[smem:$0x3FA8] =	sst s0;
	s0 =	simm.s32 @!p1 $0x0  }
0x14: {  	s2 =	sld [smem:$0x3F8C];
	s0 =	simm.s32 @p1 $0x1  }
0x15: {  	[smem:$0x3FA9] =	sst s0;
	s0 =	simm.s32 @!p2 $0x0  }
0x16: {  	s3 =	sld [smem:$0x3FDB];
	s0 =	simm.s32 @p2 $0x1  }
0x17: {  	s4 =	simm.s32 $0x1BF5;
	[smem:$0x3FAB] =	sst s0  }
0x18: {  	s0 =	sld [smem:$0x3F8E];
	_ =	swait.ge [sflag:s4], $0x0  }
0x19: {  	s7 =	sld [smem:$0x3F8F]  }
0x1a: {  	s8 =	sadd.s32 $0xFFFFE003, lr  }
0x1b: {  	s9 =	sadd.s32 $0xFFFFFEF7, lr;
	s5 =	simm.s32 $0xFFFFFFFF;
	p2 =	slt.u32 s8, $0xFFFFF086  }
0x1c: {  	p1 =	slt.u32 s9, $0xF7A;
	s5 =	simm.s32 @!p2 $0x0  }
0x1d: {  	s5 =	simm.s32 @p1 $0x1;
	p0 =	seq.s32 s7, s2  }
0x1e: {  	s7 =	smul.u32 @!p0 $0xF7A, s2;
	p2 =	seq.s32 @!p0 s5, $0x0  }
0x1f: {  	s9 =	smul.u32 $0xF7A, s1;
	s8 =	simm.s32 @!p0 $0x1BF5;
	p2 =	por !p2, p0  }
0x20: {  	[sflag:s8] =	ssyncset.s32 @!p0 $0xFFFFF086;
	s6 =	sadd.s32 @!p0 s3, s7;
	s7 =	simm.s32 @!p0 $0x108  }
0x21: {  	s3 =	sadd.s32 s3, s9;
	s6 =	sadd.s32 @!p0 $0x88, s6;
	s7 =	simm.s32 @p2 $0x1082  }
0x22: {  	[simem:s7], [sflag:s8] =	dma.local @!p0 [hbm:s6], $0xF7A  }
0x23: {  	s9 =	sor.u32 $0xD0000000, s2;
	s6 =	simm.s32 $0x108;
	_ =	swait.ge @!p0 [sflag:s8], $0x0  }
0x24: {  	s3 =	sadd.s32 $0x88, s3;
	s6 =	simm.s32 @!p1 $0x1082;
	[sflag:s4] =	ssyncset.s32 $0xFFFFF086  }
0x25: {  	[simem:s6], [sflag:s4] =	dma.local [hbm:s3], $0xF7A  }
0x26: {  	[smem:$0x3F8F] =	sst s1;
	(tag) =	ssettag s2;
	_ =	strace s9  }
0x27: {  	s1 =	sld [smem:$0x3F9F]  }
0x28: {  	s2 =	sld [smem:$0x3FA0]  }
0x29: {  	s4 =	sld [smem:$0x3FA2]  }
0x2a: {  	p0 =	seq.s32 s5, $0x0;
	s5 =	sld [smem:$0x3FA3]  }
0x2b: {  	s6 =	sld [smem:$0x3FA4]  }
0x2c: {  	s7 =	sld [smem:$0x3FA5]  }
0x2d: {  	s3 =	simm.s32 $0x108;
	s8 =	sld [smem:$0x3FA6]  }
0x2e: {  	s3 =	simm.s32 @!p0 $0x1082;
	s9 =	sld [smem:$0x3FA7]  }
0x2f: {  	lr =	sadd.s32 s0, s3;
	s0 =	sld [smem:$0x3F9E]  }
0x30: {  	s3 =	sld [smem:$0x3FA1]  }
0x31: {  	[smem:$0x3FAA] =	sst s10  }
0x32: {  	s10 =	sld [smem:$0x3FA8];
	_ =	sdelay $0x3  }
0x33: {  	p0 =	seq.s32 s10, $0x1;
	s10 =	sld [smem:$0x3FAA];
	_ =	sdelay $0x3  }
0x34: {  	[smem:$0x3FAA] =	sst s10  }
0x35: {  	s10 =	sld [smem:$0x3FA9];
	_ =	sdelay $0x3  }
0x36: {  	p1 =	seq.s32 s10, $0x1;
	s10 =	sld [smem:$0x3FAA];
	_ =	sdelay $0x3  }
0x37: {  	[smem:$0x3FAA] =	sst s10  }
0x38: {  	s10 =	sld [smem:$0x3FAB]  }
0x39: {  	_ = 	snop;
	(pc) =	sbr.ind lr, $3  }
0x3a: {  	_ = 	snop  }
0x3b: {  	_ = 	snop  }
0x3c: {  	p2 =	seq.s32 s10, $0x1;
	s10 =	sld [smem:$0x3FAA]  }
0x3d: {  	_ =	shalt  }
0x3e: {  	_ =	shalt  }
0x3f: {  	_ =	shalt  }
0x40: {  	_ =	shalt  }
0x41: {  	_ =	shalt  }
0x42: {  	_ =	shalt  }
0x43: {  	_ =	shalt  }
0x44: {  	_ =	shalt  }
0x45: {  	_ =	shalt  }
0x46: {  	_ =	shalt  }
0x47: {  	_ =	shalt  }
0x48: {  	_ =	shalt  }
0x49: {  	_ =	shalt  }
0x4a: {  	_ =	shalt  }
0x4b: {  	_ =	shalt  }
0x4c: {  	_ =	shalt  }
0x4d: {  	_ =	shalt  }
0x4e: {  	_ =	shalt  }
0x4f: {  	_ =	shalt  }
0x50: {  	_ =	shalt  }
0x51: {  	_ =	shalt  }
0x52: {  	_ =	shalt  }
0x53: {  	_ =	shalt  }
0x54: {  	_ =	shalt  }
0x55: {  	_ =	shalt  }
0x56: {  	_ =	shalt  }
0x57: {  	_ =	shalt  }
0x58: {  	_ =	shalt  }
0x59: {  	_ =	shalt  }
0x5a: {  	_ =	shalt  }
0x5b: {  	_ =	shalt  }
0x5c: {  	_ =	shalt  }
0x5d: {  	_ =	shalt  }
0x5e: {  	_ =	shalt  }
0x5f: {  	_ =	shalt  }
0x60: {  	_ =	shalt  }
0x61: {  	_ =	shalt  }
0x62: {  	_ =	shalt  }
0x63: {  	_ =	shalt  }
0x64: {  	_ =	shalt  }
0x65: {  	_ =	shalt  }
0x66: {  	_ =	shalt  }
0x67: {  	_ =	shalt  }
0x68: {  	_ =	shalt  }
0x69: {  	_ =	shalt  }
0x6a: {  	_ =	shalt  }
0x6b: {  	_ =	shalt  }
0x6c: {  	_ =	shalt  }
0x6d: {  	_ =	shalt  }
0x6e: {  	_ =	shalt  }
0x6f: {  	_ =	shalt  }
0x70: {  	_ =	shalt  }
0x71: {  	_ =	shalt  }
0x72: {  	_ =	shalt  }
0x73: {  	_ =	shalt  }
0x74: {  	_ =	shalt  }
0x75: {  	_ =	shalt  }
0x76: {  	_ =	shalt  }
0x77: {  	_ =	shalt  }
0x78: {  	_ =	shalt  }
0x79: {  	_ =	shalt  }
0x7a: {  	_ =	shalt  }
0x7b: {  	_ =	shalt  }
0x7c: {  	_ =	shalt  }
0x7d: {  	_ =	shalt  }
0x7e: {  	_ =	shalt  }
0x7f: {  	_ =	shalt  }
0x80: {  	_ =	shalt  }
0x81: {  	_ =	shalt  }
0x82: {  	_ =	shalt  }
0x83: {  	_ =	shalt  }
0x84: {  	_ =	shalt  }
0x85: {  	_ =	shalt  }
0x86: {  	_ =	shalt  }
0x87: {  	_ =	shalt  }
.Lfunc_end0:
.L_simem_size_0:
called_computation_lowered:
.L_overlay_start_0:
0x88: {  	s2 =	sld [smem:$0x3FD9]  }
0x89: {  	s3 =	sld [smem:$0x3FFE];
	_ =	sdelay $0x1  }
0x8a: {  	s1 =	srdreg.scid  }
0x8b: {  	s0 =	sand.u32 $0x1, s1  }
0x8c: {  	s17 =	sshll.u32 s0, $0xA;
	s2 =	sadd.s32 s3, s2  }
0x8d: {  	s2 =	sadd.s32 s2, s17  }
0x8e: {  	[smem:$0x3FB6] =	sst s2  }
0x8f: {  	_ = 	snop  }
0x90: {  	s2 =	sld [smem:$0x3FC7]  }
0x91: {  	s18 =	sld [smem:$0x3FD0];
	(tm) =	ssettm $0x1  }
0x92: {  	s4 =	sld [smem:$0x3FFB];
	_ =	sdelay $0x3  }
0x93: {  	_ =	strace s4  }
0x94: {  	s4 =	sld [smem:$0x3FFC];
	_ =	sdelay $0x3  }
0x95: {  	_ =	strace s4  }
0x96: {  	s4 =	sld [smem:$0x3FFD];
	_ =	sdelay $0x3  }
0x97: {  	_ =	strace s4  }
0x98: {  	_ =	strace $0x8FFFFFFF  }
0x99: {  	s19 =	sld [smem:$0x3FDB];
	_ =	sdelay $0x1  }
0x9a: {  	s5 =	simm.s32 $_scs_section_size  }
0x9b: {  	s6 =	simm.s32 $_size__tile_overlayer_lowered;
	s7 =	simm.s32 $_tile_overlayer_lowered  }
0x9c: {  	s22 =	simm.s32 $0x1BFF;
	s21 =	sshll.u32 s7, $0x1;
	s4 =	sadd.s32 s5, s19  }
0x9d: {  	s8 =	simm.s32 $0x0;
	s20 =	sshll.u32 s6, $0x1;
	s6 =	sadd.s32 s21, s4  }
0x9e: {  	[timem:s8], [sflag:s22] =	dma.local [hbm:s6], s20  }
0x9f: {  	_ =	swait.ge [sflag:s22], s20  }
0xa0: {  	s5 =	ssub.s32 $0x0, s20;
	[sflag:s22] =	ssyncset.done $0x0  }
0xa1: {  	[sflag:s22] =	ssyncadd.s32 s5;
	_ =	sdelay $0x1  }
0xa2: {  	s23 =	simm.s32 $0x1B8B  }
0xa3: {  	_ =	swait.ge [sflag:s23], $0x1  }
0xa4: {  	[sflag:s23] =	ssyncset.done $0x0  }
0xa5: {  	s25 =	simm.s32 $0x1B8E;
	s24 =	sld [smem:$0x3FFE];
	[sflag:s23] =	ssyncadd.s32 $0xFFFFFFFF  }
0xa6: {  	s26 =	simm.s32 $execute0_lowered;
	[smem:$0x3FD2] =	sst s25  }
0xa7: {  	s6 =	sshll.u32 s26, $0x1;
	_ =	strace $0x80000046;
	[dreg:$0x1] =	wrdreg $0xFFFFFFFF  }
0xa8: {  	s28 =	simm.s32 $_size_execute0_lowered;
	s4 =	sadd.s32 s4, s6;
	[dreg:$0x0] =	wrdreg $0x0  }
0xa9: {  	s6 =	sshll.u32 s28, $0x1;
	[dreg:$0x2] =	wrdreg s4  }
0xaa: {  	[dreg:$0x3] =	wrdreg s6  }
0xab: {  	[dreg:$0x4] =	wrdreg $0xC0  }
0xac: {  	_ =	task [dreg:s8], $0x5FFFF  }
0xad: {  	[dreg:$0x1] =	wrdreg $0xFFFFFFFF  }
0xae: {  	[dreg:$0x0] =	wrdreg $0x60  }
0xaf: {  	[dreg:$0x2] =	wrdreg s18  }
0xb0: {  	[dreg:$0x3] =	wrdreg s24  }
0xb1: {  	[dreg:$0x4] =	wrdreg s2  }
0xb2: {  	[dreg:$0x5] =	wrdreg $0x7A000  }
0xb3: {  	[dreg:$0x6] =	wrdreg $0x9  }
0xb4: {  	_ =	task.clear_ibuf [dreg:s8], $0x7FFFF;
	_ =	strace $0x90000046  }
0xb5: {  	s29 =	simm.s32 $0x9;
	_ =	strace $0x80000048  }
0xb6: {  	_ =	swait.ge [sflag:s29], $0x1  }
0xb7: {  	[sflag:s29] =	ssyncadd.s32 $0xFFFFFFFF  }
0xb8: {  	_ =	strace $0x90000048  }
0xb9: {  	_ =	sfence  }
0xba: {  	s30 =	sld [smem:$0x0];
	_ =	sdelay $0x2  }
0xbb: {  	s31 =	sshll.u32 s1, $0xD;
	s1 =	sshrl.u32 s1, $0x2  }
0xbc: {  	s3 =	sand.u32 $0x4000, s31;
	s1 =	sadd.s32 s1, s30  }
0xbd: {  	s0 =	sor.u32 s3, s0;
	s1 =	sshll.u32 s1, $0x11  }
0xbe: {  	s0 =	sor.u32 s1, s0  }
0xbf: {  	s0 =	sadd.s32 $0x8F2B, s0  }
0xc0: {  	[sflag:s0] =	ssyncadd.remote.s32 $0x1  }
0xc1: {  	_ =	sfence.sel $0xFFFF  }
0xc2: {  	[dreg:$0x0] =	wrdreg $0xFFFFFFFF;
	(pc) =	sbr.abs _section_cstart, $3  }
0xc3: {  	[dreg:$0x1] =	wrdreg $0xFFFFFFFF  }
0xc4: {  	_ =	task.clear_ibuf [dreg:s8], $0x2FFFF;
	_ =	strace $0x9FFFFFFF  }
0xc5: {  	(tm) =	ssettm $0x7FFFFFFF  }
tec
execute0_lowered:
.L_overlay_start_1:
0x0: {  	(tag) =	ssettag $0x1  }
0x1: {  	s23 =	stileid.u32  }
0x2: {  	s1 =	srdreg.scid;
	s6 =	smul.u32 $0x14000, s23  }
0x3: {  	s0 =	rddreg [dreg:$0x1];
	s2 =	sand.u32 $0x1, s1;
	s18 =	smul.u32 $0x2710, s23  }
0x4: {  	s3 =	rddreg [dreg:$0x2];
	s4 =	smul.u32 $0x271000, s2  }
0x5: {  	s1 =	simm.s32 $0x0;
	s7 =	sadd.s32 $0xA05200, s0;
	s5 =	smul.u32 $0x140000, s2  }
0x6: {  	[smem:$0x7FF] =	sst s1;
	s8 =	ssub.s32 $0x2, s2;
	s9 =	sshll.u32 s2, $0x4  }
0x7: {  	s2 =	smul.u32 $0x27100, s2;
	s10 =	sshrl.u32 s8, $0x1;
	s9 =	sor.u32 s23, s9  }
0x8: {  	s13 =	sadd.s32 $0x5000, s6;
	s19 =	sadd.s32 $0x7800, s6;
	s20 =	sadd.s32 $0xA000, s6  }
0x9: {  	s21 =	sadd.s32 $0xC800, s6;
	s8 =	ssub.s32 s8, s10;
	s10 =	smul.u32 $0x2710, s9  }
0xa: {  	s22 =	sadd.s32 $0xF000, s6;
	s11 =	sadd.s32 s5, s6;
	s9 =	smul.u32 $0x27100, s9  }
0xb: {  	s14 =	sadd.s32 s5, s13;
	s25 =	sadd.s32 s5, s19;
	s26 =	sadd.s32 s5, s20  }
0xc: {  	s15 =	sadd.s32 s5, s21;
	s17 =	sadd.s32 s5, s22;
	s2 =	sadd.s32 s18, s2  }
0xd: {  	s18 =	sadd.s32 $0x10200, s0;
	s11 =	sshrl.u32 s11, $0x3;
	s14 =	sshrl.u32 s14, $0x3  }
0xe: {  	s15 =	sshrl.u32 s15, $0x3;
	s11 =	sadd.s32 s7, s11;
	s24 =	sadd.s32 s7, s14  }
0xf: {  	s14 =	sshrl.u32 s26, $0x3;
	s16 =	sadd.s32 s7, s15;
	[dreg:$0x5] =	wrdreg s11  }
0x10: {  	s15 =	smul.u32 $0x50000, s23;
	s11 =	sor.u32 $0x2800, s6;
	[dreg:$0x7] =	wrdreg s24  }
0x11: {  	s6 =	sadd.s32 $0x11800, s6;
	s14 =	sadd.s32 s7, s14;
	[dreg:$0xa] =	wrdreg s16  }
0x12: {  	s24 =	sadd.s32 $0x28, s10;
	s16 =	sadd.s32 $0x1A000, s0;
	s12 =	sadd.s32 s5, s11  }
0x13: {  	[dreg:$0x9] =	wrdreg s14;
	s5 =	sadd.s32 s5, s6;
	s12 =	sshrl.u32 s12, $0x3  }
0x14: {  	s14 =	rddreg [dreg:$0x3];
	s5 =	sshrl.u32 s5, $0x3;
	s12 =	sadd.s32 s7, s12  }
0x15: {  	s5 =	sadd.s32 s7, s5;
	[dreg:$0x6] =	wrdreg s12;
	s12 =	sshrl.u32 s25, $0x3  }
0x16: {  	s10 =	sshrl.u32 s10, $0x3;
	[dreg:$0xc] =	wrdreg s5;
	s12 =	sadd.s32 s7, s12  }
0x17: {  	s25 =	sadd.s32 s3, s9;
	[dreg:$0x8] =	wrdreg s12;
	s12 =	sshrl.u32 s17, $0x3  }
0x18: {  	s26 =	sshll.u32 s24, $0x4;
	[dreg:$0xd] =	wrdreg s25;
	s12 =	sadd.s32 s7, s12  }
0x19: {  	s9 =	smul.u32 $0x27100, s23;
	s7 =	sadd.s32 s3, s26;
	[dreg:$0xb] =	wrdreg s12  }
0x1a: {  	s24 =	sshrl.u32 s24, $0x3;
	s3 =	sadd.s32 s4, s3;
	[dreg:$0xe] =	wrdreg s7  }
0x1b: {  	s17 =	sadd.s32 $0x6400, s0;
	s12 =	rddreg [dreg:$0x0];
	s3 =	sadd.s32 s9, s3  }
0x1c: {  	s4 =	sadd.s32 s4, s0;
	s23 =	sadd.s32 s17, s10;
	[dreg:$0xf] =	wrdreg s3  }
0x1d: {  	s0 =	sadd.s32 s18, s10;
	_ =	strace $0x80000047;
	[dreg:$0x10] =	wrdreg s23  }
0x1e: {  	s30 =	simm.s32 $0x9;
	s5 =	sadd.s32 s17, s24;
	[dreg:$0x11] =	wrdreg s0  }
0x1f: {  	s31 =	simm.s32 $0xA;
	s26 =	smax.u32 s8, $0x1;
	[dreg:$0x12] =	wrdreg s5  }
0x20: {  	s3 =	sadd.s32 s9, s4;
	s4 =	sadd.s32 s13, s14;
	[dreg:$0x14] =	wrdreg s26  }
0x21: {  	s29 =	sadd.s32 s11, s14;
	s7 =	sadd.s32 s20, s14;
	[dreg:$0x17] =	wrdreg s4  }
0x22: {  	s19 =	sadd.s32 s19, s14;
	s8 =	sadd.s32 s21, s14;
	[dreg:$0x19] =	wrdreg s7  }
0x23: {  	s25 =	sshrl.u32 s15, $0x2;
	s9 =	sadd.s32 s22, s14;
	[dreg:$0x1a] =	wrdreg s8  }
0x24: {  	s28 =	sadd.s32 s25, s14;
	s10 =	sadd.s32 s6, s14;
	[dreg:$0x1b] =	wrdreg s9  }
0x25: {  	s15 =	sadd.s32 $0x1400, s28;
	s13 =	sadd.s32 $0x50, s2;
	[dreg:$0x1c] =	wrdreg s10  }
0x26: {  	s21 =	sadd.s32 $0x6400, s28;
	s25 =	sadd.s32 $0x10400, s28;
	[dreg:$0x1f] =	wrdreg s13  }
0x27: {  	s6 =	simm.s32 $0x6600;
	s20 =	sadd.s32 $0x3C00, s28;
	[smem:$0x7F6] =	sst s15  }
0x28: {  	s22 =	sadd.s32 $0x8C00, s28;
	s0 =	sadd.s32 s18, s24;
	[smem:$0x7F7] =	sst s20  }
0x29: {  	s5 =	sadd.s32 $0x78, s2;
	s4 =	sadd.s32 $0x41200, s3;
	[smem:$0x7F8] =	sst s21  }
0x2a: {  	[smem:$0x7F9] =	sst s22;
	s23 =	sadd.s32 $0xB400, s28;
	s24 =	sadd.s32 $0xDC00, s28  }
0x2b: {  	[smem:$0x7FC] =	sst s25;
	s26 =	sadd.s32 $0x12C00, s28;
	s21 =	simm.s32 $0x5200  }
0x2c: {  	s22 =	simm.s32 $0xB;
	s2 =	simm.s32 $0x180;
	[dreg:$0x15] =	wrdreg s28  }
0x2d: {  	s7 =	simm.s32 $0x28;
	s8 =	simm.s32 $0x1600;
	[dreg:$0x16] =	wrdreg s29  }
0x2e: {  	s9 =	simm.s32 $0x3E00;
	s10 =	simm.s32 $0x5;
	[dreg:$0x18] =	wrdreg s19  }
0x2f: {  	s20 =	simm.s32 $0x3;
	s25 =	simm.s32 $0x6;
	[dreg:$0x13] =	wrdreg s0  }
.Ltmp0:
0x30: {  	s13 =	simm.s32 $0x0;
	[smem:$0x7FA] =	sst s23;
	(pc) =	sbr.rel .LBB2_1-.Ltmp0, $4  }
0x31: {  	s0 =	sshrl.u32 s5, $0x3;
	s5 =	sadd.s32 $0x523200, s3;
	[smem:$0x7FB] =	sst s24  }
0x32: {  	[smem:$0x7FD] =	sst s26;
	s23 =	simm.s32 $0x100;
	s11 =	sadd.s32 s0, s18  }
0x33: {  	s3 =	simm.s32 $0x2;
	s0 =	sadd.s32 s0, s17;
	[dreg:$0x1d] =	wrdreg s11  }
0x34: {  	v0 =	vimm.f32 $0.0e+00;
	s26 =	simm.s32 $0x4;
	[dreg:$0x1e] =	wrdreg s0;
	s0 =	simm.s32 $0x80  }
.LBB2_6:
0x35: {  	s11 =	simm.s32 $0x7  }
0x36: {  	_ =	swait.ge [sflag:s11], $0x1400  }
0x37: {  	[sflag:s11] =	ssyncset.done $0x0  }
0x38: {  	[sflag:s11] =	ssyncadd.s32 $0xFFFFEC00  }
0x39: {  	_ =	swait.ge [sflag:s11], $0x1400  }
0x3a: {  	[sflag:s11] =	ssyncset.done $0x0  }
0x3b: {  	s13 =	simm.s32 $0x8;
	[sflag:s11] =	ssyncadd.s32 $0xFFFFEC00  }
0x3c: {  	_ =	swait.ge [sflag:s13], $0x1400  }
0x3d: {  	[sflag:s13] =	ssyncset.done $0x0  }
0x3e: {  	[sflag:s13] =	ssyncadd.s32 $0xFFFFEC00  }
0x3f: {  	_ =	swait.ge [sflag:s13], $0x1400  }
0x40: {  	[sflag:s13] =	ssyncset.done $0x0  }
0x41: {  	[sflag:s13] =	ssyncadd.s32 $0xFFFFEC00  }
0x42: {  	_ =	swait.ge [sflag:s30], $0x1400  }
0x43: {  	[sflag:s30] =	ssyncset.done $0x0  }
0x44: {  	[sflag:s30] =	ssyncadd.s32 $0xFFFFEC00  }
0x45: {  	_ =	swait.ge [sflag:s31], $0x1400  }
0x46: {  	[sflag:s31] =	ssyncset.done $0x0  }
0x47: {  	[sflag:s31] =	ssyncadd.s32 $0xFFFFEC00  }
0x48: {  	s15 =	stileid.u32;
	[bflag:$0x0] =	sbarrier.arrive $0xFFFF  }
0x49: {  	s11 =	sshll.u32 s15, $0x6;
	s28 =	rddreg [dreg:$0x15]  }
0x4a: {  	s11 =	sor.u32 $0x1C0B, s11;
	s15 =	rddreg [dreg:$0x5];
	s13 =	sshrl.u32 s28, $0x3  }
0x4b: {  	[hbm:s15], [sflag:s11] =	dma.local [spmem:s13], $0x500  }
0x4c: {  	_ =	swait.ge [sflag:s22], $0x500  }
0x4d: {  	[sflag:s22] =	ssyncset.done $0x0;
	s29 =	rddreg [dreg:$0x16]  }
0x4e: {  	s24 =	rddreg [dreg:$0x6];
	[sflag:s22] =	ssyncadd.s32 $0xFFFFFB00;
	s19 =	sshrl.u32 s29, $0x3  }
0x4f: {  	[hbm:s24], [sflag:s11] =	dma.local [spmem:s19], $0x500  }
0x50: {  	_ =	swait.ge [sflag:s22], $0x500  }
0x51: {  	[sflag:s22] =	ssyncset.done $0x0;
	s19 =	rddreg [dreg:$0x17]  }
0x52: {  	s24 =	rddreg [dreg:$0x7];
	[sflag:s22] =	ssyncadd.s32 $0xFFFFFB00;
	s13 =	sshrl.u32 s19, $0x3  }
0x53: {  	[hbm:s24], [sflag:s11] =	dma.local [spmem:s13], $0x500  }
0x54: {  	_ =	swait.ge [sflag:s22], $0x500  }
0x55: {  	[sflag:s22] =	ssyncset.done $0x0;
	s19 =	rddreg [dreg:$0x18]  }
0x56: {  	s24 =	rddreg [dreg:$0x8];
	[sflag:s22] =	ssyncadd.s32 $0xFFFFFB00;
	s15 =	sshrl.u32 s19, $0x3  }
0x57: {  	[hbm:s24], [sflag:s11] =	dma.local [spmem:s15], $0x500  }
0x58: {  	_ =	swait.ge [sflag:s22], $0x500  }
0x59: {  	[sflag:s22] =	ssyncset.done $0x0;
	s15 =	rddreg [dreg:$0x19]  }
0x5a: {  	s24 =	rddreg [dreg:$0x9];
	[sflag:s22] =	ssyncadd.s32 $0xFFFFFB00;
	s13 =	sshrl.u32 s15, $0x3  }
0x5b: {  	[hbm:s24], [sflag:s11] =	dma.local [spmem:s13], $0x500  }
0x5c: {  	_ =	swait.ge [sflag:s22], $0x500  }
0x5d: {  	[sflag:s22] =	ssyncset.done $0x0;
	s15 =	rddreg [dreg:$0x1a]  }
0x5e: {  	s24 =	rddreg [dreg:$0xa];
	[sflag:s22] =	ssyncadd.s32 $0xFFFFFB00;
	s13 =	sshrl.u32 s15, $0x3  }
0x5f: {  	[hbm:s24], [sflag:s11] =	dma.local [spmem:s13], $0x500  }
0x60: {  	_ =	swait.ge [sflag:s22], $0x500  }
0x61: {  	[sflag:s22] =	ssyncset.done $0x0;
	s15 =	rddreg [dreg:$0x1b]  }
0x62: {  	s24 =	rddreg [dreg:$0xb];
	[sflag:s22] =	ssyncadd.s32 $0xFFFFFB00;
	s13 =	sshrl.u32 s15, $0x3  }
0x63: {  	[hbm:s24], [sflag:s11] =	dma.local [spmem:s13], $0x500  }
0x64: {  	_ =	swait.ge [sflag:s22], $0x500  }
0x65: {  	[sflag:s22] =	ssyncset.done $0x0;
	s15 =	rddreg [dreg:$0x1c]  }
0x66: {  	s24 =	rddreg [dreg:$0xc];
	[sflag:s22] =	ssyncadd.s32 $0xFFFFFB00;
	s13 =	sshrl.u32 s15, $0x3  }
0x67: {  	[hbm:s24], [sflag:s11] =	dma.local [spmem:s13], $0x500  }
0x68: {  	_ =	swait.ge [sflag:s22], $0x500  }
0x69: {  	s15 =	sld [smem:$0x7F5];
	_ =	sdelay $0x2  }
0x6a: {  	s24 =	rddreg [dreg:$0x14];
	s13 =	sadd.s32 $0x1, s15  }
0x6b: {  	p0 =	sne.s32 s13, s24  }
.Ltmp1:
0x6c: {  	_ = 	snop;
	(pc) =	sbr.rel @!p0 .LBB2_7-.Ltmp1, $3  }
0x6d: {  	_ =	sdelay $0x1  }
0x6e: {  	[sflag:s22] =	ssyncset.done $0x0  }
0x6f: {  	[sflag:s22] =	ssyncadd.s32 $0xFFFFFB00  }
.LBB2_1:
0x70: {  	[smem:$0x7F5] =	sst s13;
	s13 =	simm.s32 $0x0;
	s24 =	simm.s32 $0x200  }
.LBB2_2:
0x71: {  	p0 =	sne.s32 s24, $0x4E00;
	[tilespmem:s13+$0x5270] =	vst v0  }
0x72: {  	[tilespmem:s13+$0x5200] =	vst v0  }
0x73: {  	[tilespmem:s13+$0x5210] =	vst v0  }
.Ltmp2:
0x74: {  	[tilespmem:s13+$0x5220] =	vst v0;
	(pc) =	sbr.rel @p0 .LBB2_2-.Ltmp2, $4  }
0x75: {  	[tilespmem:s13+$0x5230] =	vst v0  }
0x76: {  	[tilespmem:s13+$0x5240] =	vst v0  }
0x77: {  	[tilespmem:s13+$0x5250] =	vst v0  }
0x78: {  	[tilespmem:s13+$0x5260] =	vst v0;
	s13 =	sshra.s32 s24, $0x2;
	s24 =	sadd.s32 $0x200, s24  }
0x79: {  	[tilespmem:s13+$0x5270] =	vst v0  }
0x7a: {  	[tilespmem:s13+$0x5200] =	vst v0  }
0x7b: {  	[tilespmem:s13+$0x5210] =	vst v0  }
0x7c: {  	[tilespmem:s13+$0x5220] =	vst v0  }
0x7d: {  	[tilespmem:s13+$0x5230] =	vst v0  }
0x7e: {  	[tilespmem:s13+$0x5240] =	vst v0  }
0x7f: {  	[tilespmem:s13+$0x5250] =	vst v0  }
0x80: {  	[tilespmem:s13+$0x5260] =	vst v0  }
0x81: {  	[spmem:s28] =	stream.linear.scatter [tilespmem:s21], [sflag:$0xB], $0x1400, $0x38;
	[tilespmem:$0x1BA00] =	vst v63  }
0x82: {  	_ =	swait.ge [sflag:s22], $0x1400  }
0x83: {  	s11 =	sld [smem:$0x7F6]  }
0x84: {  	[sflag:s22] =	ssyncset.done $0x0  }
0x85: {  	[sflag:s22] =	ssyncadd.s32 $0xFFFFEC00  }
0x86: {  	[spmem:s11] =	stream.linear.scatter [tilespmem:s21], [sflag:$0xB], $0x1400, $0x38;
	[tilespmem:$0x1BA00] =	vst v63  }
0x87: {  	_ =	swait.ge [sflag:s22], $0x1400  }
0x88: {  	[sflag:s22] =	ssyncset.done $0x0  }
0x89: {  	[sflag:s22] =	ssyncadd.s32 $0xFFFFEC00  }
0x8a: {  	[spmem:s29] =	stream.linear.scatter [tilespmem:s21], [sflag:$0xB], $0x1400, $0x38;
	[tilespmem:$0x1BA00] =	vst v63  }
0x8b: {  	_ =	swait.ge [sflag:s22], $0x1400  }
0x8c: {  	s24 =	sld [smem:$0x7F7]  }
0x8d: {  	[sflag:s22] =	ssyncset.done $0x0  }
0x8e: {  	[sflag:s22] =	ssyncadd.s32 $0xFFFFEC00  }
0x8f: {  	[spmem:s24] =	stream.linear.scatter [tilespmem:s21], [sflag:$0xB], $0x1400, $0x38;
	[tilespmem:$0x1BA00] =	vst v63  }
0x90: {  	_ =	swait.ge [sflag:s22], $0x1400  }
0x91: {  	[sflag:s22] =	ssyncset.done $0x0  }
0x92: {  	s13 =	rddreg [dreg:$0x17];
	[sflag:s22] =	ssyncadd.s32 $0xFFFFEC00  }
0x93: {  	[spmem:s13] =	stream.linear.scatter [tilespmem:s21], [sflag:$0xB], $0x1400, $0x38;
	[tilespmem:$0x1BA00] =	vst v63  }
0x94: {  	_ =	swait.ge [sflag:s22], $0x1400  }
0x95: {  	s15 =	sld [smem:$0x7F8]  }
0x96: {  	[sflag:s22] =	ssyncset.done $0x0  }
0x97: {  	[sflag:s22] =	ssyncadd.s32 $0xFFFFEC00  }
0x98: {  	[spmem:s15] =	stream.linear.scatter [tilespmem:s21], [sflag:$0xB], $0x1400, $0x38;
	[tilespmem:$0x1BA00] =	vst v63  }
0x99: {  	_ =	swait.ge [sflag:s22], $0x1400  }
0x9a: {  	[sflag:s22] =	ssyncset.done $0x0  }
0x9b: {  	[sflag:s22] =	ssyncadd.s32 $0xFFFFEC00  }
0x9c: {  	[spmem:s19] =	stream.linear.scatter [tilespmem:s21], [sflag:$0xB], $0x1400, $0x38;
	[tilespmem:$0x1BA00] =	vst v63  }
0x9d: {  	_ =	swait.ge [sflag:s22], $0x1400  }
0x9e: {  	s24 =	sld [smem:$0x7F9]  }
0x9f: {  	[sflag:s22] =	ssyncset.done $0x0  }
0xa0: {  	[sflag:s22] =	ssyncadd.s32 $0xFFFFEC00  }
0xa1: {  	[spmem:s24] =	stream.linear.scatter [tilespmem:s21], [sflag:$0xB], $0x1400, $0x38;
	[tilespmem:$0x1BA00] =	vst v63  }
0xa2: {  	_ =	swait.ge [sflag:s22], $0x1400  }
0xa3: {  	[sflag:s22] =	ssyncset.done $0x0  }
0xa4: {  	s13 =	rddreg [dreg:$0x19];
	[sflag:s22] =	ssyncadd.s32 $0xFFFFEC00  }
0xa5: {  	[spmem:s13] =	stream.linear.scatter [tilespmem:s21], [sflag:$0xB], $0x1400, $0x38;
	[tilespmem:$0x1BA00] =	vst v63  }
0xa6: {  	_ =	swait.ge [sflag:s22], $0x1400  }
0xa7: {  	s15 =	sld [smem:$0x7FA]  }
0xa8: {  	[sflag:s22] =	ssyncset.done $0x0  }
0xa9: {  	[sflag:s22] =	ssyncadd.s32 $0xFFFFEC00  }
0xaa: {  	[spmem:s15] =	stream.linear.scatter [tilespmem:s21], [sflag:$0xB], $0x1400, $0x38;
	[tilespmem:$0x1BA00] =	vst v63  }
0xab: {  	_ =	swait.ge [sflag:s22], $0x1400  }
0xac: {  	[sflag:s22] =	ssyncset.done $0x0  }
0xad: {  	s19 =	rddreg [dreg:$0x1a];
	[sflag:s22] =	ssyncadd.s32 $0xFFFFEC00  }
0xae: {  	[spmem:s19] =	stream.linear.scatter [tilespmem:s21], [sflag:$0xB], $0x1400, $0x38;
	[tilespmem:$0x1BA00] =	vst v63  }
0xaf: {  	_ =	swait.ge [sflag:s22], $0x1400  }
0xb0: {  	s24 =	sld [smem:$0x7FB]  }
0xb1: {  	[sflag:s22] =	ssyncset.done $0x0  }
0xb2: {  	[sflag:s22] =	ssyncadd.s32 $0xFFFFEC00  }
0xb3: {  	[spmem:s24] =	stream.linear.scatter [tilespmem:s21], [sflag:$0xB], $0x1400, $0x38;
	[tilespmem:$0x1BA00] =	vst v63  }
0xb4: {  	_ =	swait.ge [sflag:s22], $0x1400  }
0xb5: {  	[sflag:s22] =	ssyncset.done $0x0  }
0xb6: {  	s13 =	rddreg [dreg:$0x1b];
	[sflag:s22] =	ssyncadd.s32 $0xFFFFEC00  }
0xb7: {  	[spmem:s13] =	stream.linear.scatter [tilespmem:s21], [sflag:$0xB], $0x1400, $0x38;
	[tilespmem:$0x1BA00] =	vst v63  }
0xb8: {  	_ =	swait.ge [sflag:s22], $0x1400  }
0xb9: {  	s15 =	sld [smem:$0x7FC]  }
0xba: {  	[sflag:s22] =	ssyncset.done $0x0  }
0xbb: {  	[sflag:s22] =	ssyncadd.s32 $0xFFFFEC00  }
0xbc: {  	[spmem:s15] =	stream.linear.scatter [tilespmem:s21], [sflag:$0xB], $0x1400, $0x38;
	[tilespmem:$0x1BA00] =	vst v63  }
0xbd: {  	_ =	swait.ge [sflag:s22], $0x1400  }
0xbe: {  	[sflag:s22] =	ssyncset.done $0x0  }
0xbf: {  	s19 =	rddreg [dreg:$0x1c];
	[sflag:s22] =	ssyncadd.s32 $0xFFFFEC00  }
0xc0: {  	[spmem:s19] =	stream.linear.scatter [tilespmem:s21], [sflag:$0xB], $0x1400, $0x38;
	[tilespmem:$0x1BA00] =	vst v63  }
0xc1: {  	_ =	swait.ge [sflag:s22], $0x1400  }
0xc2: {  	s24 =	sld [smem:$0x7FD]  }
0xc3: {  	[sflag:s22] =	ssyncset.done $0x0  }
0xc4: {  	[sflag:s22] =	ssyncadd.s32 $0xFFFFEC00  }
0xc5: {  	[spmem:s24] =	stream.linear.scatter [tilespmem:s21], [sflag:$0xB], $0x1400, $0x38;
	[tilespmem:$0x1BA00] =	vst v63  }
0xc6: {  	_ =	swait.ge [sflag:s22], $0x1400  }
0xc7: {  	[sflag:s22] =	ssyncset.done $0x0  }
0xc8: {  	[sflag:s22] =	ssyncadd.s32 $0xFFFFEC00  }
0xc9: {  	[bflag:$0x0] =	sbarrier.arrive $0xFFFF  }
0xca: {  	s13 =	rddreg [dreg:$0x10]  }
0xcb: {  	s15 =	rddreg [dreg:$0x11]  }
0xcc: {  	s19 =	rddreg [dreg:$0xd]  }
0xcd: {  	s24 =	simm.s32 $0x0;
	s28 =	rddreg [dreg:$0x1f]  }
0xce: {  	[tilespmem:s24], [sflag:$0x1] =	stream.linear.gather [hbm4b:s13+s24], $0x28, $0x38;
	[tilespmem:$0x1BA00] =	vst v63  }
0xcf: {  	s29 =	rddreg [dreg:$0x1e]  }
0xd0: {  	[tilespmem:s23], [sflag:$0x1] =	stream.linear.gather [hbm4b:s15+s24], $0x28, $0x38;
	[tilespmem:$0x1BA00] =	vst v63  }
0xd1: {  	s13 =	rddreg [dreg:$0x12]  }
0xd2: {  	[tilespmem:s21], [sflag:$0x3] =	stream.linear.gather [hbm4b:s19+s24], $0x1400, $0x38;
	[tilespmem:$0x1BA00] =	vst v63  }
0xd3: {  	s15 =	rddreg [dreg:$0x13]  }
0xd4: {  	[tilespmem:s0], [sflag:$0x2] =	stream.linear.gather [hbm4b:s13+s24], $0x28, $0x38;
	[tilespmem:$0x1BA00] =	vst v63  }
0xd5: {  	s19 =	rddreg [dreg:$0xe]  }
0xd6: {  	[tilespmem:s2], [sflag:$0x2] =	stream.linear.gather [hbm4b:s15+s24], $0x28, $0x38;
	[tilespmem:$0x1BA00] =	vst v63  }
0xd7: {  	s13 =	rddreg [dreg:$0x1d]  }
0xd8: {  	[tilespmem:s6], [sflag:$0x4] =	stream.linear.gather [hbm4b:s19+s24], $0x1400, $0x38;
	[tilespmem:$0x1BA00] =	vst v63  }
.LBB2_4:
0xd9: {  	p0 =	seq.s32 s24, $0x0  }
0xda: {  	s11 =	simm.s32 @p0 $0x1  }
0xdb: {  	_ =	swait.ge @p0 [sflag:s11], $0x28  }
0xdc: {  	[sflag:s11] =	ssyncset.done @p0 $0x0  }
0xdd: {  	[sflag:s11] =	ssyncadd.s32 @p0 $0xFFFFFFD8  }
0xde: {  	_ =	swait.ge @p0 [sflag:s11], $0x28  }
0xdf: {  	s19 =	simm.s32 @p0 $0x0;
	[sflag:s11] =	ssyncset.done @p0 $0x0  }
0xe0: {  	s15 =	simm.s32 @p0 $0x200;
	[sflag:s11] =	ssyncadd.s32 @p0 $0xFFFFFFD8;
	s11 =	simm.s32 @p0 $0x28  }
0xe1: {  	[tilespmem:s15], [sflag:$0x5] =	stream.indirect.gather @p0 [hbm4b:s12+s11], $0x80, s19, s11, $0xb8;
	[tilespmem:$0x1BA00] =	vst v63  }
0xe2: {  	s15 =	simm.s32 @p0 $0x100;
	s19 =	simm.s32 @p0 $0x2A00  }
0xe3: {  	[tilespmem:s19], [sflag:$0x5] =	stream.indirect.gather @p0 [hbm4b:s16+s11], $0x80, s15, s11, $0xb8;
	[tilespmem:$0x1BA00] =	vst v63  }
0xe4: {  	s11 =	simm.s32 @!p0 $0x7  }
0xe5: {  	_ =	swait.ge @!p0 [sflag:s11], $0x1400  }
0xe6: {  	[sflag:s11] =	ssyncset.done @!p0 $0x0  }
0xe7: {  	[sflag:s11] =	ssyncadd.s32 @!p0 $0xFFFFEC00  }
0xe8: {  	_ =	swait.ge @!p0 [sflag:s11], $0x1400  }
0xe9: {  	[sflag:s11] =	ssyncset.done @!p0 $0x0  }
0xea: {  	[sflag:s11] =	ssyncadd.s32 @!p0 $0xFFFFEC00;
	s11 =	simm.s32 @!p0 $0x1  }
0xeb: {  	_ =	swait.ge @!p0 [sflag:s11], $0x28  }
0xec: {  	[sflag:s11] =	ssyncset.done @!p0 $0x0  }
0xed: {  	[sflag:s11] =	ssyncadd.s32 @!p0 $0xFFFFFFD8  }
0xee: {  	_ =	swait.ge @!p0 [sflag:s11], $0x28  }
0xef: {  	s15 =	simm.s32 @!p0 $0x0;
	[sflag:s11] =	ssyncset.done @!p0 $0x0  }
0xf0: {  	s19 =	simm.s32 @!p0 $0x200;
	[sflag:s11] =	ssyncadd.s32 @!p0 $0xFFFFFFD8;
	s11 =	simm.s32 @!p0 $0x28  }
0xf1: {  	[tilespmem:s19], [sflag:$0x5] =	stream.indirect.gather @!p0 [hbm4b:s12+s11], $0x80, s15, s11, $0xb8;
	[tilespmem:$0x1BA00] =	vst v63  }
0xf2: {  	s15 =	simm.s32 @!p0 $0x100;
	s19 =	simm.s32 @!p0 $0x2A00  }
0xf3: {  	[tilespmem:s19], [sflag:$0x5] =	stream.indirect.gather @!p0 [hbm4b:s16+s11], $0x80, s15, s11, $0xb8;
	[tilespmem:$0x1BA00] =	vst v63  }
0xf4: {  	s11 =	simm.s32 @!p0 $0x8  }
0xf5: {  	_ =	swait.ge @!p0 [sflag:s11], $0x1400  }
0xf6: {  	[sflag:s11] =	ssyncset.done @!p0 $0x0  }
0xf7: {  	[sflag:s11] =	ssyncadd.s32 @!p0 $0xFFFFEC00  }
0xf8: {  	_ =	swait.ge @!p0 [sflag:s11], $0x1400  }
0xf9: {  	[sflag:s11] =	ssyncset.done @!p0 $0x0  }
0xfa: {  	[sflag:s11] =	ssyncadd.s32 @!p0 $0xFFFFEC00  }
0xfb: {  	_ =	swait.ge [sflag:s3], $0x28  }
0xfc: {  	[sflag:s3] =	ssyncset.done $0x0  }
0xfd: {  	[sflag:s3] =	ssyncadd.s32 $0xFFFFFFD8  }
0xfe: {  	_ =	swait.ge [sflag:s3], $0x28  }
0xff: {  	[sflag:s3] =	ssyncset.done $0x0  }
0x100: {  	[sflag:s3] =	ssyncadd.s32 $0xFFFFFFD8  }
0x101: {  	[tilespmem:s8], [sflag:$0x6] =	stream.indirect.gather [hbm4b:s12+s7], $0x80, s0, s7, $0xb8;
	[tilespmem:$0x1BA00] =	vst v63  }
0x102: {  	_ = 	snop  }
0x103: {  	[tilespmem:s9], [sflag:$0x6] =	stream.indirect.gather [hbm4b:s16+s7], $0x80, s2, s7, $0xb8;
	[tilespmem:$0x1BA00] =	vst v63  }
0x104: {  	_ =	swait.ge [sflag:s10], $0x1400  }
0x105: {  	[sflag:s10] =	ssyncset.done $0x0  }
0x106: {  	[sflag:s10] =	ssyncadd.s32 $0xFFFFEC00  }
0x107: {  	_ =	swait.ge [sflag:s10], $0x1400  }
0x108: {  	[sflag:s10] =	ssyncset.done $0x0  }
0x109: {  	s19 =	simm.s32 $0x200;
	s11 =	sadd.s32 s24, s4;
	[sflag:s10] =	ssyncadd.s32 $0xFFFFEC00  }
0x10a: {  	[hbm4b:s11+s1] =	stream.linear.scatter [tilespmem:s19], [sflag:$0x7], $0x1400, $0x38;
	[tilespmem:$0x1BA00] =	vst v63  }
0x10b: {  	s15 =	sadd.s32 s24, s5;
	s19 =	simm.s32 $0x2A00  }
0x10c: {  	[hbm4b:s15+s1] =	stream.linear.scatter [tilespmem:s19], [sflag:$0x7], $0x1400, $0x38;
	[tilespmem:$0x1BA00] =	vst v63  }
0x10d: {  	_ =	swait.ge [sflag:s20], $0x1400  }
0x10e: {  	[sflag:s20] =	ssyncset.done $0x0  }
0x10f: {  	[sflag:s20] =	ssyncadd.s32 $0xFFFFEC00  }
0x110: {  	[spmem:s14] =	stream.indirect.scatter.add.f32 [tilespmem:s21], [sflag:$0x9], $0x80, s23, s7, $0xb8;
	[tilespmem:$0x1BA00] =	vst v63  }
0x111: {  	_ =	swait.ge [sflag:s25], $0x1400  }
0x112: {  	[sflag:s25] =	ssyncset.done $0x0  }
0x113: {  	[sflag:s25] =	ssyncadd.s32 $0xFFFFEC00  }
0x114: {  	_ =	swait.ge [sflag:s25], $0x1400  }
0x115: {  	[sflag:s25] =	ssyncset.done $0x0  }
0x116: {  	s11 =	sadd.s32 $0x280, s11;
	[sflag:s25] =	ssyncadd.s32 $0xFFFFEC00  }
0x117: {  	[hbm4b:s11+s1] =	stream.linear.scatter [tilespmem:s8], [sflag:$0x8], $0x1400, $0x38;
	[tilespmem:$0x1BA00] =	vst v63  }
0x118: {  	p0 =	seq.s32 s24, $0x26C00;
	s19 =	sadd.s32 $0x280, s15  }
0x119: {  	[hbm4b:s19+s1] =	stream.linear.scatter [tilespmem:s9], [sflag:$0x8], $0x1400, $0x38;
	[tilespmem:$0x1BA00] =	vst v63  }
.Ltmp3:
0x11a: {  	_ = 	snop;
	(pc) =	sbr.rel @p0 .LBB2_6-.Ltmp3, $4  }
0x11b: {  	_ =	swait.ge [sflag:s26], $0x1400  }
0x11c: {  	[sflag:s26] =	ssyncset.done $0x0  }
0x11d: {  	[sflag:s26] =	ssyncadd.s32 $0xFFFFEC00  }
0x11e: {  	[spmem:s14] =	stream.indirect.scatter.add.f32 [tilespmem:s6], [sflag:$0xA], $0x80, s2, s7, $0xb8;
	[tilespmem:$0x1BA00] =	vst v63  }
0x11f: {  	_ =	swait.ge [sflag:s30], $0x1400  }
0x120: {  	s11 =	sshrl.u32 s28, $0x3;
	[sflag:s30] =	ssyncset.done $0x0  }
0x121: {  	s15 =	sadd.s32 s17, s11;
	[sflag:s30] =	ssyncadd.s32 $0xFFFFEC00  }
0x122: {  	[tilespmem:s1], [sflag:$0x1] =	stream.linear.gather [hbm4b:s15+s1], $0x28, $0x38;
	[tilespmem:$0x1BA00] =	vst v63  }
0x123: {  	s11 =	sadd.s32 s18, s11;
	s15 =	rddreg [dreg:$0xf]  }
0x124: {  	[tilespmem:s23], [sflag:$0x1] =	stream.linear.gather [hbm4b:s11+s1], $0x28, $0x38;
	[tilespmem:$0x1BA00] =	vst v63  }
0x125: {  	s11 =	sadd.s32 s24, s15  }
0x126: {  	s19 =	sadd.s32 $0x500, s11  }
0x127: {  	[tilespmem:s21], [sflag:$0x3] =	stream.linear.gather [hbm4b:s19+s1], $0x1400, $0x38;
	[tilespmem:$0x1BA00] =	vst v63  }
0x128: {  	_ =	swait.ge [sflag:s31], $0x1400  }
0x129: {  	[sflag:s31] =	ssyncset.done $0x0  }
0x12a: {  	[sflag:s31] =	ssyncadd.s32 $0xFFFFEC00  }
0x12b: {  	[tilespmem:s0], [sflag:$0x2] =	stream.linear.gather [hbm4b:s29+s1], $0x28, $0x38;
	[tilespmem:$0x1BA00] =	vst v63  }
.Ltmp4:
0x12c: {  	_ = 	snop;
	(pc) =	sbr.rel .LBB2_4-.Ltmp4, $4  }
0x12d: {  	s28 =	sadd.s32 $0x50, s28;
	s24 =	sadd.s32 $0x500, s24  }
0x12e: {  	[tilespmem:s2], [sflag:$0x2] =	stream.linear.gather [hbm4b:s13+s1], $0x28, $0x38;
	[tilespmem:$0x1BA00] =	vst v63  }
0x12f: {  	s11 =	sadd.s32 $0x780, s11;
	s29 =	sadd.s32 $0xA, s29;
	s13 =	sadd.s32 $0xA, s13  }
0x130: {  	[tilespmem:s6], [sflag:$0x4] =	stream.linear.gather [hbm4b:s11+s1], $0x1400, $0x38;
	[tilespmem:$0x1BA00] =	vst v63  }
.LBB2_7:
0x131: {  	_ =	sfence.sel $0x180000  }
0x132: {  	[bflag:$0x0] =	sbarrier.arrive $0xFFFF  }
0x133: {  	_ =	strace $0x90000047  }
0x134: {  	s0 =	stileid.u32;
	[bflag:$0x2] =	sbarrier.arrive $0xFFFF  }
0x135: {  	p0 =	sne.s32 s0, $0x0;
	s0 =	rddreg [dreg:$0x4]  }
0x136: {  	s0 =	sadd.s32 @!p0 $0x100000, s0  }
0x137: {  	[sflag:s0] =	ssyncadd.tile.s32 @!p0 $0x1;
	_ =	shalt  }
.Lfunc_end2:
_tile_overlayer_lowered:
.L_overlay_start_2:
0x138: {  	(tag) =	ssettag $0x2  }
0x139: {  	s0 =	rddreg [dreg:$0x0];
	s2 =	stileid.u32  }
0x13a: {  	s1 =	rddreg [dreg:$0x1];
	p0 =	sne.s32 s2, $0x0  }
0x13b: {  	s3 =	rddreg [dreg:$0x2];
	[bflag:$0x3] =	sbarrier.arrive $0xFFFF;
	s2 =	simm.s32 @!p0 $0x1C0B  }
0x13c: {  	[timem:s3], [sflag:s2] =	dma.local @!p0 [hbm:s0], s1  }
0x13d: {  	s0 =	simm.s32 @!p0 $0xB  }
0x13e: {  	_ =	swait.ge @!p0 [sflag:s0], s1  }
0x13f: {  	s1 =	ssub.s32 @!p0 $0x0, s1;
	[sflag:s0] =	ssyncset.done @!p0 $0x0  }
0x140: {  	[sflag:s0] =	ssyncadd.s32 @!p0 s1  }
0x141: {  	[bflag:$0x3] =	sbarrier.arrive $0xFFFF  }
0x142: {  	_ =	shalt  }

</sc_bundles>
